<compile_context>
chip_gen: v7x
topology: tpu7x:2x2x1
jax: 0.10.2.dev20260603
libtpu: 0.0.44.dev20260713+nightly
codegen_flags: <defaults>
</compile_context>

<pallas_src>
import functools

import jax
import jax.numpy as jnp
from jax import lax
from jax.experimental import pallas as pl
from jax.experimental.pallas import tpu as pltpu
from jax.experimental.pallas import tpu_sc as plsc

NC = 2
NS = 16
HALF = 128


def _row_copy(sid, src, dst, n):
    rpw = (n // NS) // 8 * 8
    tail = n - NS * rpw
    r0 = sid * rpw
    pltpu.sync_copy(src.at[pl.ds(r0, rpw)], dst.at[pl.ds(r0, rpw)])
    if tail:
        @pl.when(sid == NS - 1)
        def _():
            pltpu.sync_copy(src.at[pl.ds(NS * rpw, tail)],
                            dst.at[pl.ds(NS * rpw, tail)])


def _build_agg_wide(n, e):
    assert e % NS == 0 and n % NS == 0
    epw = e // NS
    k = 128
    nchunks = epw // k
    tail = epw - nchunks * k
    assert tail % 8 == 0 and nchunks >= 8
    mesh = plsc.VectorSubcoreMesh(
        core_axis_name="c", subcore_axis_name="s", num_cores=NC, num_subcores=NS
    )

    NBD = 3
    NBC = 3
    NBS = 1
    scratch = ([pltpu.VMEM((k,), jnp.int32)] * NBC
               + [pltpu.VMEM((k,), jnp.int32)] * NBC
               + [pltpu.VMEM((k, HALF), jnp.float32)] * NBD
               + ([pltpu.VMEM((tail,), jnp.int32)] if tail else [])
               + [pltpu.VMEM_SHARED((n, HALF), jnp.float32)]
               + [pltpu.SemaphoreType.DMA] * (2 * NBC + NBD + NBS + (1 if tail else 0)))

    @functools.partial(
        pl.kernel,
        out_type=(
            jax.ShapeDtypeStruct((n, HALF), jnp.float32),
            jax.ShapeDtypeStruct((n, HALF), jnp.float32),
        ),
        mesh=mesh,
        scratch_types=scratch,
    )
    def kern(lo_hbm, hi_hbm, row_hbm, col_hbm, out_lo, out_hi, *scr):
        rows = scr[0:NBC]
        cols = scr[NBC:2 * NBC]
        bufs = scr[2 * NBC:2 * NBC + NBD]
        p = 2 * NBC + NBD
        if tail:
            tcol = scr[p]
            p += 1
        acc_sh = scr[p]
        sems = scr[p + 1:]
        semr = sems[0:NBC]
        semc = sems[NBC:2 * NBC]
        semg = sems[2 * NBC:2 * NBC + NBD]
        sems_ = sems[2 * NBC + NBD:2 * NBC + NBD + NBS]

        cid = lax.axis_index("c")
        sid = lax.axis_index("s")
        ebase = sid * epw

        def run(x_hbm, out_hbm):
            def issue_c(j, rc):
                off = ebase + j * k
                pltpu.async_copy(row_hbm.at[pl.ds(off, k)], rows[rc], semr[rc])
                pltpu.async_copy(col_hbm.at[pl.ds(off, k)], cols[rc], semc[rc])

            def wait_row(rc):
                pltpu.make_async_copy(row_hbm.at[pl.ds(0, k)],
                                      rows[rc], semr[rc]).wait()

            def wait_c(rc):
                pltpu.make_async_copy(col_hbm.at[pl.ds(0, k)],
                                      cols[rc], semc[rc]).wait()

            def issue_g(j, rd):
                pltpu.async_copy(x_hbm.at[rows[rd % NBC]], bufs[rd], semg[rd])

            def wait_g(rd):
                pltpu.make_async_copy(x_hbm.at[rows[rd % NBC]],
                                      bufs[rd], semg[rd]).wait()

            def issue_s(rd, rc, rs):
                pltpu.async_copy(bufs[rd], acc_sh.at[cols[rc]], sems_[rs],
                                 add=True)

            def wait_s(rd, rc, rs):
                pltpu.make_async_copy(bufs[rd], acc_sh.at[cols[rc]],
                                      sems_[rs]).wait()

            def body(j, q, first=False, has_c=True, has_g=True):
                rd, rc, rs = q % NBD, q % NBC, q % NBS
                if not first:
                    wait_s((q - 1) % NBD, (q - 1) % NBC, (q - 1) % NBS)
                if has_c:
                    issue_c(j + 2, (q + 2) % NBC)
                wait_g(rd)
                wait_c(rc)
                issue_s(rd, rc, rs)
                if has_g:
                    wait_row((q + 1) % NBC)
                    issue_g(j + 1, (q + 1) % NBD)

            issue_c(0, 0)
            issue_c(1, 1)
            _row_copy(sid, x_hbm, acc_sh, n)
            wait_row(0)
            issue_g(0, 0)
            plsc.subcore_barrier()
            body(0, 0, first=True)
            body(1, 1)

            steady = ((nchunks - 4) // 3) * 3
            if steady > 0:
                def loop_body(u, _):
                    j0 = 2 + u * 3
                    for q in range(3):
                        body(j0 + q, 2 + q)
                    return 0

                lax.fori_loop(0, steady // 3, loop_body, 0)

            for j in range(2 + steady, nchunks):
                body(j, j, has_c=(j + 2 < nchunks), has_g=(j + 1 < nchunks))
            j = nchunks - 1
            wait_s(j % NBD, j % NBC, j % NBS)

            if tail:
                off = ebase + nchunks * k
                pltpu.sync_copy(row_hbm.at[pl.ds(off, tail)],
                                rows[0].at[pl.ds(0, tail)])
                pltpu.sync_copy(col_hbm.at[pl.ds(off, tail)], tcol)
                tb = bufs[0].at[pl.ds(0, tail)]
                pltpu.async_copy(x_hbm.at[rows[0].at[pl.ds(0, tail)]], tb,
                                 sems[2 * NBC + NBD + NBS]).wait()
                pltpu.sync_copy(tb, acc_sh.at[tcol], add=True)

            plsc.subcore_barrier()
            _row_copy(sid, acc_sh, out_hbm, n)

        @pl.when(cid == 0)
        def _():
            run(lo_hbm, out_lo)

        @pl.when(cid == 1)
        def _():
            run(hi_hbm, out_hi)

    return kern


def _build_agg_scalar(n, e, gather=True):
    nw = NC * NS
    L = 16
    assert n % L == 0
    epw = -(-e // nw)
    epw_pad = -(-epw // L) * L
    assert (epw * (nw - 1)) % 8 == 0 and epw % 8 == 0
    nvec = epw // L
    rem = epw - nvec * L
    mesh = plsc.VectorSubcoreMesh(
        core_axis_name="c", subcore_axis_name="s", num_cores=NC, num_subcores=NS
    )

    scratch = (([pltpu.VMEM((n,), jnp.float32),
                 pltpu.VMEM((epw_pad,), jnp.int32)] if gather else [])
               + [pltpu.VMEM((n,), jnp.float32),
                  pltpu.VMEM((epw_pad,), jnp.int32)])

    @functools.partial(
        pl.kernel,
        out_type=jax.ShapeDtypeStruct((nw * n,), jnp.float32),
        mesh=mesh,
        compiler_params=pltpu.CompilerParams(needs_layout_passes=False),
        scratch_types=scratch,
    )
    def kern(*args):
        if gather:
            tab_hbm, row_hbm, col_hbm, out_hbm, tab_v, row_v, acc_v, col_v = args
        else:
            col_hbm, out_hbm, acc_v, col_v = args
        cid = lax.axis_index("c")
        sid = lax.axis_index("s")
        wid = cid * NS + sid
        ebase = wid * epw

        zeros = jnp.zeros((L,), jnp.float32)

        def zbody(i, _):
            acc_v[pl.ds(i * L, L)] = zeros
            return 0

        lax.fori_loop(0, n // L, zbody, 0)
        if epw_pad > epw:
            col_v[pl.ds(epw_pad - L, L)] = jnp.zeros((L,), jnp.int32)
        pltpu.sync_copy(col_hbm.at[pl.ds(ebase, epw)], col_v.at[pl.ds(0, epw)])
        if gather:
            pltpu.sync_copy(tab_hbm, tab_v)
            if epw_pad > epw:
                row_v[pl.ds(epw_pad - L, L)] = jnp.zeros((L,), jnp.int32)
            pltpu.sync_copy(row_hbm.at[pl.ds(ebase, epw)],
                            row_v.at[pl.ds(0, epw)])

        ones = jnp.ones((L,), jnp.float32)

        def vals_at(j, mask=None):
            if not gather:
                return ones
            return plsc.load_gather(tab_v, [row_v[pl.ds(j * L, L)]], mask=mask)

        def body(j, _):
            cols = col_v[pl.ds(j * L, L)]
            plsc.addupdate_scatter(acc_v, [cols], vals_at(j))
            return 0

        lax.fori_loop(0, nvec, body, 0)
        if rem:
            mask = lax.iota(jnp.int32, L) < rem
            cols = col_v[pl.ds(nvec * L, L)]
            plsc.addupdate_scatter(acc_v, [cols], vals_at(nvec, mask),
                                   mask=mask)
        pltpu.sync_copy(acc_v, out_hbm.at[pl.ds(wid * n, n)])

    return kern



BLK = 2048


def _mm_first(x_ref, w_ref, dp_ref, lo_ref, hi_ref, dinv_ref):
    deg = jnp.sum(dp_ref[...], axis=0) + 1.0
    dinv = lax.rsqrt(deg)
    dinv_ref[...] = dinv
    xl = lax.dot_general(x_ref[...], w_ref[...], (((1,), (1,)), ((), ())),
                         preferred_element_type=jnp.float32)
    xs = xl * dinv[:, None]
    lo_ref[...] = xs[:, :HALF]
    hi_ref[...] = xs[:, HALF:]


def _mm_mid(lo_ref, hi_ref, dinv_ref, b_ref, w_ref, olo_ref, ohi_ref):
    dinv = dinv_ref[...][:, None]
    b = b_ref[...]
    h_lo = jnp.tanh(dinv * lo_ref[...] + b[:, :HALF])
    h_hi = jnp.tanh(dinv * hi_ref[...] + b[:, HALF:])
    w = w_ref[...]
    xl = (lax.dot_general(h_lo, w[:, :HALF], (((1,), (1,)), ((), ())),
                          preferred_element_type=jnp.float32)
          + lax.dot_general(h_hi, w[:, HALF:], (((1,), (1,)), ((), ())),
                            preferred_element_type=jnp.float32))
    xs = xl * dinv
    olo_ref[...] = xs[:, :HALF]
    ohi_ref[...] = xs[:, HALF:]


def _mm_last(lo_ref, hi_ref, dinv_ref, b_ref, w2_ref, s_ref):
    dinv = dinv_ref[...][:, None]
    b = b_ref[...]
    h_lo = jnp.tanh(dinv * lo_ref[...] + b[:, :HALF])
    h_hi = jnp.tanh(dinv * hi_ref[...] + b[:, HALF:])
    w2 = w2_ref[...]
    s = (lax.dot_general(h_lo, w2[:, :HALF], (((1,), (1,)), ((), ())),
                         preferred_element_type=jnp.float32)
         + lax.dot_general(h_hi, w2[:, HALF:], (((1,), (1,)), ((), ())),
                           preferred_element_type=jnp.float32))
    s_ref[...] = (s * dinv)[:, 0]


def _mm_fin(sp_ref, s_ref, dinv_ref, b2_ref, o_ref):
    agg = jnp.sum(sp_ref[...], axis=0) + s_ref[...]
    z = dinv_ref[...] * agg + b2_ref[...]
    o_ref[...] = 1.0 / (1.0 + jnp.exp(-z))


def kernel(x, edge_index, W0, b0, W1, b1, W2, b2):
    n, f_in = x.shape
    d = W0.shape[0]
    e = edge_index.shape[1]
    nw = NC * NS
    row = edge_index[0]
    col = edge_index[1]

    agg_wide = _build_agg_wide(n, e)
    agg_scalar = _build_agg_scalar(n, e)
    agg_count = _build_agg_scalar(n, e, gather=False)
    f32 = jnp.float32
    grid = (pl.cdiv(n, BLK),)

    def rblk(w):
        return pl.BlockSpec((BLK, w), lambda i: (i, 0))

    def full(a, b):
        return pl.BlockSpec((a, b), lambda i: (0, 0))

    vec = pl.BlockSpec((BLK,), lambda i: (i,))

    dp = agg_count(col).reshape(nw, n)

    xs_lo, xs_hi, dinv = pl.pallas_call(
        _mm_first,
        grid=grid,
        in_specs=[rblk(f_in), full(d, f_in),
                  pl.BlockSpec((nw, BLK), lambda i: (0, i))],
        out_specs=(rblk(HALF), rblk(HALF), vec),
        out_shape=(jax.ShapeDtypeStruct((n, HALF), f32),
                   jax.ShapeDtypeStruct((n, HALF), f32),
                   jax.ShapeDtypeStruct((n,), f32)),
    )(x, W0, dp)
    a_lo, a_hi = agg_wide(xs_lo, xs_hi, row, col)

    xs_lo, xs_hi = pl.pallas_call(
        _mm_mid,
        grid=grid,
        in_specs=[rblk(HALF), rblk(HALF), vec, full(1, d), full(d, d)],
        out_specs=(rblk(HALF), rblk(HALF)),
        out_shape=(jax.ShapeDtypeStruct((n, HALF), f32),
                   jax.ShapeDtypeStruct((n, HALF), f32)),
    )(a_lo, a_hi, dinv, b0.reshape(1, d), W1)
    a_lo, a_hi = agg_wide(xs_lo, xs_hi, row, col)

    s = pl.pallas_call(
        _mm_last,
        grid=grid,
        in_specs=[rblk(HALF), rblk(HALF), vec, full(1, d), full(1, d)],
        out_specs=vec,
        out_shape=jax.ShapeDtypeStruct((n,), f32),
    )(a_lo, a_hi, dinv, b1.reshape(1, d), W2)
    sp = agg_scalar(s, row, col).reshape(nw, n)
    return pl.pallas_call(
        _mm_fin,
        grid=grid,
        in_specs=[pl.BlockSpec((nw, BLK), lambda i: (0, i)), vec, vec,
                  pl.BlockSpec((1,), lambda i: (0,))],
        out_specs=vec,
        out_shape=jax.ShapeDtypeStruct((n,), f32),
    )(sp, s, dinv, b2)

# --- scband reference (transcript-rebuilt; emitter-appended) ---
"""Pipeline reference for scband-gcn-61125974557479 (READ-ONLY COPY).

The authoritative reference and input builder live on the scoring server;
editing this copy changes nothing except your own understanding.
"""

import jax, jax.numpy as jnp
import numpy as np


def gcn_conv(x, W, b, edge_index, num_nodes):
    # PyG GCNConv with add_self_loops=True, normalize=True
    row = edge_index[0]
    col = edge_index[1]
    loop = jnp.arange(num_nodes, dtype=edge_index.dtype)
    row = jnp.concatenate([row, loop])
    col = jnp.concatenate([col, loop])
    ew = jnp.ones(row.shape[0], dtype=x.dtype)
    deg = jax.ops.segment_sum(ew, col, num_segments=num_nodes)
    deg_inv_sqrt = jnp.where(deg > 0, 1.0 / jnp.sqrt(deg), 0.0)
    norm = deg_inv_sqrt[row] * ew * deg_inv_sqrt[col]
    x_lin = x @ W.T
    msg = norm[:, None] * jnp.take(x_lin, row, axis=0)
    out = jax.ops.segment_sum(msg, col, num_segments=num_nodes)
    return out + b


def setup_inputs(seed: int = 0) -> dict:
    key = jax.random.key(seed)
    N = 10000
    E = 160000
    F_IN = 256
    D = 256
    k1, k2, k3, k4, k5 = jax.random.split(key, 5)
    x = jax.random.normal(k1, (N, F_IN), dtype=jnp.float32)
    edge_index = jax.random.randint(k2, (2, E), 0, N, dtype=jnp.int32)
    W0 = jax.random.normal(k3, (D, F_IN), dtype=jnp.float32) * (1.0 / np.sqrt(F_IN))
    b0 = jnp.zeros((D,), dtype=jnp.float32)
    W1 = jax.random.normal(k4, (D, D), dtype=jnp.float32) * (1.0 / np.sqrt(D))
    b1 = jnp.zeros((D,), dtype=jnp.float32)
    W2 = jax.random.normal(k5, (1, D), dtype=jnp.float32) * (1.0 / np.sqrt(D))
    b2 = jnp.zeros((1,), dtype=jnp.float32)
    return {"x": x, "edge_index": edge_index, "W0": W0, "b0": b0, "W1": W1, "b1": b1, "W2": W2, "b2": b2}


def reference(x, edge_index, W0, b0, W1, b1, W2, b2):
    N = x.shape[0]
    h = gcn_conv(x, W0, b0, edge_index, N)
    h = jnp.tanh(h)
    h = gcn_conv(h, W1, b1, edge_index, N)
    h = jnp.tanh(h)
    h = gcn_conv(h, W2, b2, edge_index, N)
    h = h.reshape(N)
    return jax.nn.sigmoid(h)

if __name__ == "__main__":
    import jax
    _d = setup_inputs()
    print(jax.jit(kernel)(*tuple(_d.values())))

</pallas_src>

<mosaic_0001>
#map = affine_map<(d0, d1) -> (0)>
module attributes {stable_mosaic.version = 14 : i64} {
  func.func @kern(%arg0: i32, %arg1: i32, %arg2: memref<160000xi32, #tpu.memory_space<hbm>>, %arg3: memref<320000xf32, #tpu.memory_space<hbm>>, %arg4: memref<10000xf32, #tpu.memory_space<vmem>>, %arg5: memref<5008xi32, #tpu.memory_space<vmem>>) attributes {dimension_semantics = [#tpu.dimension_semantics<core_parallel>, #tpu.dimension_semantics<subcore_parallel>], iteration_bounds = array<i64: 2, 16>, scalar_prefetch = 0 : i64, scratch_operands = 2 : i64, tpu.core_type = #tpu.core_type<sc_vector_subcore>, window_params = [{transform_indices = #map}, {transform_indices = #map}]} {
    %mul3A = arith.constant 16 : i32
    %mul3A_0 = arith.muli %arg0, %mul3A : i32
    %add3A = arith.addi %mul3A_0, %arg1 : i32
    %mul3A_1 = arith.constant 5000 : i32
    %mul3A_2 = arith.muli %add3A, %mul3A_1 : i32
    %broadcast_in_dim3A = arith.constant 0.000000e+00 : f32
    %broadcast_in_dim3A_3 = vector.broadcast %broadcast_in_dim3A : f32 to vector<16xf32>
    %scan3A = arith.constant 0 : i32
    %scan3A_4 = arith.constant 0 : i32
    %scan3A_5 = arith.constant 625 : i32
    %scan3A_6 = arith.addi %scan3A_4, %scan3A_5 : i32
    %scan3A_7 = arith.constant 1 : i32
    %scan3A_8 = scf.for %scan3A_27 = %scan3A_4 to %scan3A_6 step %scan3A_7 iter_args(%scan3A_28 = %scan3A) -> (i32)  : i32 {
      %mul3A_29 = arith.constant 16 : i32
      %mul3A_30 = arith.muli %scan3A_27, %mul3A_29 : i32
      %swap3A_31 = arith.index_cast %mul3A_30 : i32 to index
      %swap3A_32 = tpu.vector_load %arg4[%swap3A_31] {strides = array<i32>} : memref<10000xf32, #tpu.memory_space<vmem>>, vector<16xf32>,
      tpu.vector_store %arg4[%swap3A_31], %broadcast_in_dim3A_3 {strides = array<i32>} : memref<10000xf32, #tpu.memory_space<vmem>>, vector<16xf32>,
      %scan3A_33 = arith.constant 0 : i32
      scf.yield %scan3A_33 : i32
    }
    %scan3A_9 = arith.constant 625 : i32
    %broadcast_in_dim3A_10 = arith.constant 0 : i32
    %broadcast_in_dim3A_11 = vector.broadcast %broadcast_in_dim3A_10 : i32 to vector<16xi32>
    %swap3A = arith.constant 4992 : index
    %swap3A_12 = tpu.vector_load %arg5[%swap3A] {strides = array<i32>} : memref<5008xi32, #tpu.memory_space<vmem>>, vector<16xi32>,
    tpu.vector_store %arg5[%swap3A], %broadcast_in_dim3A_11 {strides = array<i32>} : memref<5008xi32, #tpu.memory_space<vmem>>, vector<16xi32>,
    "tpu.region"() ({
      %run_scoped3A = tpu.sem_alloc : memref<!tpu.dma_semaphore, #tpu.memory_space<semaphore_mem>>
      %dma_start3A = arith.constant 0 : i32
      %dma_start3A_27 = tpu.memref_slice %arg5[%dma_start3A] : memref<5008xi32, #tpu.memory_space<vmem>> -> memref<5000xi32, #tpu.memory_space<vmem>>
      %dma_start3A_28 = tpu.memref_slice %arg2[%mul3A_2] : memref<160000xi32, #tpu.memory_space<hbm>> -> memref<5000xi32, #tpu.memory_space<hbm>>
      %dma_start3A_29 = arith.constant 0 : i32
      %dma_start3A_30 = tpu.memref_slice %arg5[%dma_start3A_29] : memref<5008xi32, #tpu.memory_space<vmem>> -> memref<5000xi32, #tpu.memory_space<vmem>>
      %dma_start3A_31 = tpu.memref_slice %arg2[%mul3A_2] : memref<160000xi32, #tpu.memory_space<hbm>> -> memref<5000xi32, #tpu.memory_space<hbm>>
      tpu.enqueue_dma source(%dma_start3A_31 : memref<5000xi32, #tpu.memory_space<hbm>>) target(%dma_start3A_30 : memref<5000xi32, #tpu.memory_space<vmem>>) target_semaphore(%run_scoped3A : memref<!tpu.dma_semaphore, #tpu.memory_space<semaphore_mem>>)
      %dma_wait3A = arith.constant 0 : i32
      %dma_wait3A_32 = tpu.memref_slice %arg5[%dma_wait3A] : memref<5008xi32, #tpu.memory_space<vmem>> -> memref<5000xi32, #tpu.memory_space<vmem>>
      %dma_wait3A_33 = tpu.memref_slice %arg2[%mul3A_2] : memref<160000xi32, #tpu.memory_space<hbm>> -> memref<5000xi32, #tpu.memory_space<hbm>>
      %dma_wait3A_34 = arith.constant 0 : i32
      %dma_wait3A_35 = tpu.memref_slice %arg5[%dma_wait3A_34] : memref<5008xi32, #tpu.memory_space<vmem>> -> memref<5000xi32, #tpu.memory_space<vmem>>
      %dma_wait3A_36 = tpu.memref_slice %arg2[%mul3A_2] : memref<160000xi32, #tpu.memory_space<hbm>> -> memref<5000xi32, #tpu.memory_space<hbm>>
      tpu.wait_dma2 semaphore(%run_scoped3A : memref<!tpu.dma_semaphore, #tpu.memory_space<semaphore_mem>>) src(%dma_wait3A_36 : memref<5000xi32, #tpu.memory_space<hbm>>) dst(%dma_wait3A_35 : memref<5000xi32, #tpu.memory_space<vmem>>)
      tpu.yield
    }) : () -> ()
    %broadcast_in_dim3A_13 = arith.constant 1.000000e+00 : f32
    %broadcast_in_dim3A_14 = vector.broadcast %broadcast_in_dim3A_13 : f32 to vector<16xf32>
    %scan3A_15 = arith.constant 0 : i32
    %scan3A_16 = arith.constant 0 : i32
    %scan3A_17 = arith.constant 312 : i32
    %scan3A_18 = arith.addi %scan3A_16, %scan3A_17 : i32
    %scan3A_19 = arith.constant 1 : i32
    %scan3A_20 = scf.for %scan3A_27 = %scan3A_16 to %scan3A_18 step %scan3A_19 iter_args(%scan3A_28 = %scan3A_15) -> (i32)  : i32 {
      %mul3A_29 = arith.constant 16 : i32
      %mul3A_30 = arith.muli %scan3A_27, %mul3A_29 : i32
      %get3A_31 = arith.index_cast %mul3A_30 : i32 to index
      %get3A_32 = tpu.vector_load %arg5[%get3A_31] {strides = array<i32>} : memref<5008xi32, #tpu.memory_space<vmem>>, vector<16xi32>,
      tpu.vector_store_idx %arg4[%get3A_32], %broadcast_in_dim3A_14 {add = true} : memref<10000xf32, #tpu.memory_space<vmem>>[vector<16xi32>], vector<16xf32>,
      %scan3A_33 = arith.constant 0 : i32
      scf.yield %scan3A_33 : i32
    }
    %scan3A_21 = arith.constant 312 : i32
    %iota3A = tpu.iota {dimensions = array<i32: 0>} : vector<16xi32>
    %lt3A = arith.constant 8 : i32
    %lt3A_22 = vector.broadcast %lt3A : i32 to vector<16xi32>
    %lt3A_23 = arith.cmpi slt, %iota3A, %lt3A_22 : vector<16xi32>
    %get3A = arith.constant 4992 : index
    %get3A_24 = tpu.vector_load %arg5[%get3A] {strides = array<i32>} : memref<5008xi32, #tpu.memory_space<vmem>>, vector<16xi32>,
    tpu.vector_store_idx %arg4[%get3A_24], %broadcast_in_dim3A_14 masked %lt3A_23 {add = true} : memref<10000xf32, #tpu.memory_space<vmem>>[vector<16xi32>], vector<16xf32>, vector<16xi1>
    %mul3A_25 = arith.constant 10000 : i32
    %mul3A_26 = arith.muli %add3A, %mul3A_25 : i32
    "tpu.region"() ({
      %run_scoped3A = tpu.sem_alloc : memref<!tpu.dma_semaphore, #tpu.memory_space<semaphore_mem>>
      %dma_start3A = tpu.memref_slice %arg3[%mul3A_26] : memref<320000xf32, #tpu.memory_space<hbm>> -> memref<10000xf32, #tpu.memory_space<hbm>>
      %dma_start3A_27 = tpu.memref_slice %arg3[%mul3A_26] : memref<320000xf32, #tpu.memory_space<hbm>> -> memref<10000xf32, #tpu.memory_space<hbm>>
      tpu.enqueue_dma source(%arg4 : memref<10000xf32, #tpu.memory_space<vmem>>) target(%dma_start3A_27 : memref<10000xf32, #tpu.memory_space<hbm>>) target_semaphore(%run_scoped3A : memref<!tpu.dma_semaphore, #tpu.memory_space<semaphore_mem>>)
      %dma_wait3A = tpu.memref_slice %arg3[%mul3A_26] : memref<320000xf32, #tpu.memory_space<hbm>> -> memref<10000xf32, #tpu.memory_space<hbm>>
      %dma_wait3A_28 = tpu.memref_slice %arg3[%mul3A_26] : memref<320000xf32, #tpu.memory_space<hbm>> -> memref<10000xf32, #tpu.memory_space<hbm>>
      tpu.wait_dma2 semaphore(%run_scoped3A : memref<!tpu.dma_semaphore, #tpu.memory_space<semaphore_mem>>) src(%arg4 : memref<10000xf32, #tpu.memory_space<vmem>>) dst(%dma_wait3A_28 : memref<10000xf32, #tpu.memory_space<hbm>>)
      tpu.yield
    }) : () -> ()
    return
  }
}

#map = affine_map<(d0, d1) -> (0, 0)>
#map1 = affine_map<(d0, d1) -> (0)>
module attributes {stable_mosaic.version = 14 : i64} {
  func.func @kern(%arg0: i32, %arg1: i32, %arg2: memref<10000x128xf32, #tpu.memory_space<hbm>>, %arg3: memref<10000x128xf32, #tpu.memory_space<hbm>>, %arg4: memref<160000xi32, #tpu.memory_space<hbm>>, %arg5: memref<160000xi32, #tpu.memory_space<hbm>>, %arg6: memref<10000x128xf32, #tpu.memory_space<hbm>>, %arg7: memref<10000x128xf32, #tpu.memory_space<hbm>>, %arg8: memref<128xi32, #tpu.memory_space<vmem>>, %arg9: memref<128xi32, #tpu.memory_space<vmem>>, %arg10: memref<128xi32, #tpu.memory_space<vmem>>, %arg11: memref<128xi32, #tpu.memory_space<vmem>>, %arg12: memref<128xi32, #tpu.memory_space<vmem>>, %arg13: memref<128xi32, #tpu.memory_space<vmem>>, %arg14: memref<128x128xf32, #tpu.memory_space<vmem>>, %arg15: memref<128x128xf32, #tpu.memory_space<vmem>>, %arg16: memref<128x128xf32, #tpu.memory_space<vmem>>, %arg17: memref<16xi32, #tpu.memory_space<vmem>>, %arg18: memref<10000x128xf32, #tpu.memory_space<vmem_shared>>, %arg19: memref<!tpu.dma_semaphore, #tpu.memory_space<semaphore_mem>>, %arg20: memref<!tpu.dma_semaphore, #tpu.memory_space<semaphore_mem>>, %arg21: memref<!tpu.dma_semaphore, #tpu.memory_space<semaphore_mem>>, %arg22: memref<!tpu.dma_semaphore, #tpu.memory_space<semaphore_mem>>, %arg23: memref<!tpu.dma_semaphore, #tpu.memory_space<semaphore_mem>>, %arg24: memref<!tpu.dma_semaphore, #tpu.memory_space<semaphore_mem>>, %arg25: memref<!tpu.dma_semaphore, #tpu.memory_space<semaphore_mem>>, %arg26: memref<!tpu.dma_semaphore, #tpu.memory_space<semaphore_mem>>, %arg27: memref<!tpu.dma_semaphore, #tpu.memory_space<semaphore_mem>>, %arg28: memref<!tpu.dma_semaphore, #tpu.memory_space<semaphore_mem>>, %arg29: memref<!tpu.dma_semaphore, #tpu.memory_space<semaphore_mem>>) attributes {dimension_semantics = [#tpu.dimension_semantics<core_parallel>, #tpu.dimension_semantics<subcore_parallel>], iteration_bounds = array<i64: 2, 16>, scalar_prefetch = 0 : i64, scratch_operands = 22 : i64, tpu.core_type = #tpu.core_type<sc_vector_subcore>, window_params = [{transform_indices = #map}, {transform_indices = #map}, {transform_indices = #map1}, {transform_indices = #map1}, {transform_indices = #map}, {transform_indices = #map}]} {
    %mul3A = arith.constant 10000 : i32
    %mul3A_0 = arith.muli %arg1, %mul3A : i32
    %eq3A = arith.constant 0 : i32
    %eq3A_1 = arith.cmpi eq, %arg0, %eq3A : i32
    %convert_element_type3A = arith.extui %eq3A_1 : i1 to i32
    %cond3A = arith.constant 0 : i32
    %cond3A_2 = arith.cmpi ne, %convert_element_type3A, %cond3A : i32
    scf.if %cond3A_2 {
      %add3A = arith.constant 0 : i32
      %add3A_8 = arith.addi %mul3A_0, %add3A : i32
      %dma_start3A = tpu.memref_slice %arg4[%add3A_8] : memref<160000xi32, #tpu.memory_space<hbm>> -> memref<128xi32, #tpu.memory_space<hbm>>
      %dma_start3A_9 = tpu.memref_slice %arg4[%add3A_8] : memref<160000xi32, #tpu.memory_space<hbm>> -> memref<128xi32, #tpu.memory_space<hbm>>
      tpu.enqueue_dma source(%dma_start3A_9 : memref<128xi32, #tpu.memory_space<hbm>>) target(%arg8 : memref<128xi32, #tpu.memory_space<vmem>>) target_semaphore(%arg19 : memref<!tpu.dma_semaphore, #tpu.memory_space<semaphore_mem>>)
      %dma_start3A_10 = tpu.memref_slice %arg5[%add3A_8] : memref<160000xi32, #tpu.memory_space<hbm>> -> memref<128xi32, #tpu.memory_space<hbm>>
      %dma_start3A_11 = tpu.memref_slice %arg5[%add3A_8] : memref<160000xi32, #tpu.memory_space<hbm>> -> memref<128xi32, #tpu.memory_space<hbm>>
      tpu.enqueue_dma source(%dma_start3A_11 : memref<128xi32, #tpu.memory_space<hbm>>) target(%arg11 : memref<128xi32, #tpu.memory_space<vmem>>) target_semaphore(%arg22 : memref<!tpu.dma_semaphore, #tpu.memory_space<semaphore_mem>>)
      %add3A_12 = arith.constant 128 : i32
      %add3A_13 = arith.addi %mul3A_0, %add3A_12 : i32
      %dma_start3A_14 = tpu.memref_slice %arg4[%add3A_13] : memref<160000xi32, #tpu.memory_space<hbm>> -> memref<128xi32, #tpu.memory_space<hbm>>
      %dma_start3A_15 = tpu.memref_slice %arg4[%add3A_13] : memref<160000xi32, #tpu.memory_space<hbm>> -> memref<128xi32, #tpu.memory_space<hbm>>
      tpu.enqueue_dma source(%dma_start3A_15 : memref<128xi32, #tpu.memory_space<hbm>>) target(%arg9 : memref<128xi32, #tpu.memory_space<vmem>>) target_semaphore(%arg20 : memref<!tpu.dma_semaphore, #tpu.memory_space<semaphore_mem>>)
      %dma_start3A_16 = tpu.memref_slice %arg5[%add3A_13] : memref<160000xi32, #tpu.memory_space<hbm>> -> memref<128xi32, #tpu.memory_space<hbm>>
      %dma_start3A_17 = tpu.memref_slice %arg5[%add3A_13] : memref<160000xi32, #tpu.memory_space<hbm>> -> memref<128xi32, #tpu.memory_space<hbm>>
      tpu.enqueue_dma source(%dma_start3A_17 : memref<128xi32, #tpu.memory_space<hbm>>) target(%arg12 : memref<128xi32, #tpu.memory_space<vmem>>) target_semaphore(%arg23 : memref<!tpu.dma_semaphore, #tpu.memory_space<semaphore_mem>>)
      %mul3A_18 = arith.constant 624 : i32
      %mul3A_19 = arith.muli %arg1, %mul3A_18 : i32
      "tpu.region"() ({
        %run_scoped3A = tpu.sem_alloc : memref<!tpu.dma_semaphore, #tpu.memory_space<semaphore_mem>>
        %dma_start3A_200 = arith.constant 0 : i32
        %dma_start3A_201 = tpu.memref_slice %arg18[%mul3A_19, %dma_start3A_200] : memref<10000x128xf32, #tpu.memory_space<vmem_shared>> -> memref<624x128xf32, #tpu.memory_space<vmem_shared>>
        %dma_start3A_202 = arith.constant 0 : i32
        %dma_start3A_203 = tpu.memref_slice %arg2[%mul3A_19, %dma_start3A_202] : memref<10000x128xf32, #tpu.memory_space<hbm>> -> memref<624x128xf32, #tpu.memory_space<hbm>>
        tpu.enqueue_dma source(%dma_start3A_203 : memref<624x128xf32, #tpu.memory_space<hbm>>) target(%dma_start3A_201 : memref<624x128xf32, #tpu.memory_space<vmem_shared>>) target_semaphore(%run_scoped3A : memref<!tpu.dma_semaphore, #tpu.memory_space<semaphore_mem>>)
        %dma_wait3A_204 = arith.constant 0 : i32
        %dma_wait3A_205 = tpu.memref_slice %arg18[%mul3A_19, %dma_wait3A_204] : memref<10000x128xf32, #tpu.memory_space<vmem_shared>> -> memref<624x128xf32, #tpu.memory_space<vmem_shared>>
        %dma_wait3A_206 = arith.constant 0 : i32
        %dma_wait3A_207 = tpu.memref_slice %arg2[%mul3A_19, %dma_wait3A_206] : memref<10000x128xf32, #tpu.memory_space<hbm>> -> memref<624x128xf32, #tpu.memory_space<hbm>>
        tpu.wait_dma2 semaphore(%run_scoped3A : memref<!tpu.dma_semaphore, #tpu.memory_space<semaphore_mem>>) src(%dma_wait3A_207 : memref<624x128xf32, #tpu.memory_space<hbm>>) dst(%dma_wait3A_205 : memref<624x128xf32, #tpu.memory_space<vmem_shared>>)
        tpu.yield
      }) : () -> ()
      %eq3A_20 = arith.constant 15 : i32
      %eq3A_21 = arith.cmpi eq, %arg1, %eq3A_20 : i32
      %convert_element_type3A_22 = arith.extui %eq3A_21 : i1 to i32
      %cond3A_23 = arith.constant 0 : i32
      %cond3A_24 = arith.cmpi ne, %convert_element_type3A_22, %cond3A_23 : i32
      scf.if %cond3A_24 {
        "tpu.region"() ({
          %run_scoped3A = tpu.sem_alloc : memref<!tpu.dma_semaphore, #tpu.memory_space<semaphore_mem>>
          %dma_start3A_200 = arith.constant 9984 : i32
          %dma_start3A_201 = arith.constant 0 : i32
          %dma_start3A_202 = tpu.memref_slice %arg18[%dma_start3A_200, %dma_start3A_201] : memref<10000x128xf32, #tpu.memory_space<vmem_shared>> -> memref<16x128xf32, #tpu.memory_space<vmem_shared>>
          %dma_start3A_203 = arith.constant 9984 : i32
          %dma_start3A_204 = arith.constant 0 : i32
          %dma_start3A_205 = tpu.memref_slice %arg2[%dma_start3A_203, %dma_start3A_204] : memref<10000x128xf32, #tpu.memory_space<hbm>> -> memref<16x128xf32, #tpu.memory_space<hbm>>
          tpu.enqueue_dma source(%dma_start3A_205 : memref<16x128xf32, #tpu.memory_space<hbm>>) target(%dma_start3A_202 : memref<16x128xf32, #tpu.memory_space<vmem_shared>>) target_semaphore(%run_scoped3A : memref<!tpu.dma_semaphore, #tpu.memory_space<semaphore_mem>>)
          %dma_wait3A_206 = arith.constant 9984 : i32
          %dma_wait3A_207 = arith.constant 0 : i32
          %dma_wait3A_208 = tpu.memref_slice %arg18[%dma_wait3A_206, %dma_wait3A_207] : memref<10000x128xf32, #tpu.memory_space<vmem_shared>> -> memref<16x128xf32, #tpu.memory_space<vmem_shared>>
          %dma_wait3A_209 = arith.constant 9984 : i32
          %dma_wait3A_210 = arith.constant 0 : i32
          %dma_wait3A_211 = tpu.memref_slice %arg2[%dma_wait3A_209, %dma_wait3A_210] : memref<10000x128xf32, #tpu.memory_space<hbm>> -> memref<16x128xf32, #tpu.memory_space<hbm>>
          tpu.wait_dma2 semaphore(%run_scoped3A : memref<!tpu.dma_semaphore, #tpu.memory_space<semaphore_mem>>) src(%dma_wait3A_211 : memref<16x128xf32, #tpu.memory_space<hbm>>) dst(%dma_wait3A_208 : memref<16x128xf32, #tpu.memory_space<vmem_shared>>)
          tpu.yield
        }) : () -> ()
      } else {
      }
      %dma_wait3A = arith.constant 0 : i32
      %dma_wait3A_25 = tpu.memref_slice %arg4[%dma_wait3A] : memref<160000xi32, #tpu.memory_space<hbm>> -> memref<128xi32, #tpu.memory_space<hbm>>
      %dma_wait3A_26 = arith.constant 0 : i32
      %dma_wait3A_27 = tpu.memref_slice %arg4[%dma_wait3A_26] : memref<160000xi32, #tpu.memory_space<hbm>> -> memref<128xi32, #tpu.memory_space<hbm>>
      tpu.wait_dma2 semaphore(%arg19 : memref<!tpu.dma_semaphore, #tpu.memory_space<semaphore_mem>>) src(%dma_wait3A_27 : memref<128xi32, #tpu.memory_space<hbm>>) dst(%arg8 : memref<128xi32, #tpu.memory_space<vmem>>)
      %dma_start3A_28 = arith.constant 0 : i32
      %dma_start3A_29 = arith.constant 0 : i32
      %dma_start3A_30 = tpu.memref_slice %arg2[%dma_start3A_28, %dma_start3A_29] : memref<10000x128xf32, #tpu.memory_space<hbm>> -> memref<10000x128xf32, #tpu.memory_space<hbm>>
      tpu.enqueue_indirect_dma source(%dma_start3A_30 : memref<10000x128xf32, #tpu.memory_space<hbm>>) target(%arg14 : memref<128x128xf32, #tpu.memory_space<vmem>>) offsets(%arg8 : memref<128xi32, #tpu.memory_space<vmem>>) semaphore(%arg25 : memref<!tpu.dma_semaphore, #tpu.memory_space<semaphore_mem>>)
      %barrier3A = arith.constant 0 : index
      tpu.barrier barrier_id(%barrier3A)
      %add3A_31 = arith.constant 256 : i32
      %add3A_32 = arith.addi %mul3A_0, %add3A_31 : i32
      %dma_start3A_33 = tpu.memref_slice %arg4[%add3A_32] : memref<160000xi32, #tpu.memory_space<hbm>> -> memref<128xi32, #tpu.memory_space<hbm>>
      %dma_start3A_34 = tpu.memref_slice %arg4[%add3A_32] : memref<160000xi32, #tpu.memory_space<hbm>> -> memref<128xi32, #tpu.memory_space<hbm>>
      tpu.enqueue_dma source(%dma_start3A_34 : memref<128xi32, #tpu.memory_space<hbm>>) target(%arg10 : memref<128xi32, #tpu.memory_space<vmem>>) target_semaphore(%arg21 : memref<!tpu.dma_semaphore, #tpu.memory_space<semaphore_mem>>)
      %dma_start3A_35 = tpu.memref_slice %arg5[%add3A_32] : memref<160000xi32, #tpu.memory_space<hbm>> -> memref<128xi32, #tpu.memory_space<hbm>>
      %dma_start3A_36 = tpu.memref_slice %arg5[%add3A_32] : memref<160000xi32, #tpu.memory_space<hbm>> -> memref<128xi32, #tpu.memory_space<hbm>>
      tpu.enqueue_dma source(%dma_start3A_36 : memref<128xi32, #tpu.memory_space<hbm>>) target(%arg13 : memref<128xi32, #tpu.memory_space<vmem>>) target_semaphore(%arg24 : memref<!tpu.dma_semaphore, #tpu.memory_space<semaphore_mem>>)
      %dma_wait3A_37 = arith.constant 0 : i32
      %dma_wait3A_38 = arith.constant 0 : i32
      %dma_wait3A_39 = tpu.memref_slice %arg2[%dma_wait3A_37, %dma_wait3A_38] : memref<10000x128xf32, #tpu.memory_space<hbm>> -> memref<10000x128xf32, #tpu.memory_space<hbm>>
      tpu.wait_indirect_dma semaphore(%arg25 : memref<!tpu.dma_semaphore, #tpu.memory_space<semaphore_mem>>) src(%dma_wait3A_39 : memref<10000x128xf32, #tpu.memory_space<hbm>>) dst(%arg14 : memref<128x128xf32, #tpu.memory_space<vmem>>)
      %dma_wait3A_40 = arith.constant 0 : i32
      %dma_wait3A_41 = tpu.memref_slice %arg5[%dma_wait3A_40] : memref<160000xi32, #tpu.memory_space<hbm>> -> memref<128xi32, #tpu.memory_space<hbm>>
      %dma_wait3A_42 = arith.constant 0 : i32
      %dma_wait3A_43 = tpu.memref_slice %arg5[%dma_wait3A_42] : memref<160000xi32, #tpu.memory_space<hbm>> -> memref<128xi32, #tpu.memory_space<hbm>>
      tpu.wait_dma2 semaphore(%arg22 : memref<!tpu.dma_semaphore, #tpu.memory_space<semaphore_mem>>) src(%dma_wait3A_43 : memref<128xi32, #tpu.memory_space<hbm>>) dst(%arg11 : memref<128xi32, #tpu.memory_space<vmem>>)
      %dma_start3A_44 = arith.constant 0 : i32
      %dma_start3A_45 = arith.constant 0 : i32
      %dma_start3A_46 = tpu.memref_slice %arg18[%dma_start3A_44, %dma_start3A_45] : memref<10000x128xf32, #tpu.memory_space<vmem_shared>> -> memref<10000x128xf32, #tpu.memory_space<vmem_shared>>
      tpu.enqueue_indirect_dma source(%arg14 : memref<128x128xf32, #tpu.memory_space<vmem>>) target(%dma_start3A_46 : memref<10000x128xf32, #tpu.memory_space<vmem_shared>>) offsets(%arg11 : memref<128xi32, #tpu.memory_space<vmem>>) semaphore(%arg28 : memref<!tpu.dma_semaphore, #tpu.memory_space<semaphore_mem>>) {add = true}
      %dma_wait3A_47 = arith.constant 0 : i32
      %dma_wait3A_48 = tpu.memref_slice %arg4[%dma_wait3A_47] : memref<160000xi32, #tpu.memory_space<hbm>> -> memref<128xi32, #tpu.memory_space<hbm>>
      %dma_wait3A_49 = arith.constant 0 : i32
      %dma_wait3A_50 = tpu.memref_slice %arg4[%dma_wait3A_49] : memref<160000xi32, #tpu.memory_space<hbm>> -> memref<128xi32, #tpu.memory_space<hbm>>
      tpu.wait_dma2 semaphore(%arg20 : memref<!tpu.dma_semaphore, #tpu.memory_space<semaphore_mem>>) src(%dma_wait3A_50 : memref<128xi32, #tpu.memory_space<hbm>>) dst(%arg9 : memref<128xi32, #tpu.memory_space<vmem>>)
      %dma_start3A_51 = arith.constant 0 : i32
      %dma_start3A_52 = arith.constant 0 : i32
      %dma_start3A_53 = tpu.memref_slice %arg2[%dma_start3A_51, %dma_start3A_52] : memref<10000x128xf32, #tpu.memory_space<hbm>> -> memref<10000x128xf32, #tpu.memory_space<hbm>>
      tpu.enqueue_indirect_dma source(%dma_start3A_53 : memref<10000x128xf32, #tpu.memory_space<hbm>>) target(%arg15 : memref<128x128xf32, #tpu.memory_space<vmem>>) offsets(%arg9 : memref<128xi32, #tpu.memory_space<vmem>>) semaphore(%arg26 : memref<!tpu.dma_semaphore, #tpu.memory_space<semaphore_mem>>)
      %dma_wait3A_54 = arith.constant 0 : i32
      %dma_wait3A_55 = arith.constant 0 : i32
      %dma_wait3A_56 = tpu.memref_slice %arg18[%dma_wait3A_54, %dma_wait3A_55] : memref<10000x128xf32, #tpu.memory_space<vmem_shared>> -> memref<10000x128xf32, #tpu.memory_space<vmem_shared>>
      tpu.wait_indirect_dma semaphore(%arg28 : memref<!tpu.dma_semaphore, #tpu.memory_space<semaphore_mem>>) src(%arg14 : memref<128x128xf32, #tpu.memory_space<vmem>>) dst(%dma_wait3A_56 : memref<10000x128xf32, #tpu.memory_space<vmem_shared>>)
      %add3A_57 = arith.constant 384 : i32
      %add3A_58 = arith.addi %mul3A_0, %add3A_57 : i32
      %dma_start3A_59 = tpu.memref_slice %arg4[%add3A_58] : memref<160000xi32, #tpu.memory_space<hbm>> -> memref<128xi32, #tpu.memory_space<hbm>>
      %dma_start3A_60 = tpu.memref_slice %arg4[%add3A_58] : memref<160000xi32, #tpu.memory_space<hbm>> -> memref<128xi32, #tpu.memory_space<hbm>>
      tpu.enqueue_dma source(%dma_start3A_60 : memref<128xi32, #tpu.memory_space<hbm>>) target(%arg8 : memref<128xi32, #tpu.memory_space<vmem>>) target_semaphore(%arg19 : memref<!tpu.dma_semaphore, #tpu.memory_space<semaphore_mem>>)
      %dma_start3A_61 = tpu.memref_slice %arg5[%add3A_58] : memref<160000xi32, #tpu.memory_space<hbm>> -> memref<128xi32, #tpu.memory_space<hbm>>
      %dma_start3A_62 = tpu.memref_slice %arg5[%add3A_58] : memref<160000xi32, #tpu.memory_space<hbm>> -> memref<128xi32, #tpu.memory_space<hbm>>
      tpu.enqueue_dma source(%dma_start3A_62 : memref<128xi32, #tpu.memory_space<hbm>>) target(%arg11 : memref<128xi32, #tpu.memory_space<vmem>>) target_semaphore(%arg22 : memref<!tpu.dma_semaphore, #tpu.memory_space<semaphore_mem>>)
      %dma_wait3A_63 = arith.constant 0 : i32
      %dma_wait3A_64 = arith.constant 0 : i32
      %dma_wait3A_65 = tpu.memref_slice %arg2[%dma_wait3A_63, %dma_wait3A_64] : memref<10000x128xf32, #tpu.memory_space<hbm>> -> memref<10000x128xf32, #tpu.memory_space<hbm>>
      tpu.wait_indirect_dma semaphore(%arg26 : memref<!tpu.dma_semaphore, #tpu.memory_space<semaphore_mem>>) src(%dma_wait3A_65 : memref<10000x128xf32, #tpu.memory_space<hbm>>) dst(%arg15 : memref<128x128xf32, #tpu.memory_space<vmem>>)
      %dma_wait3A_66 = arith.constant 0 : i32
      %dma_wait3A_67 = tpu.memref_slice %arg5[%dma_wait3A_66] : memref<160000xi32, #tpu.memory_space<hbm>> -> memref<128xi32, #tpu.memory_space<hbm>>
      %dma_wait3A_68 = arith.constant 0 : i32
      %dma_wait3A_69 = tpu.memref_slice %arg5[%dma_wait3A_68] : memref<160000xi32, #tpu.memory_space<hbm>> -> memref<128xi32, #tpu.memory_space<hbm>>
      tpu.wait_dma2 semaphore(%arg23 : memref<!tpu.dma_semaphore, #tpu.memory_space<semaphore_mem>>) src(%dma_wait3A_69 : memref<128xi32, #tpu.memory_space<hbm>>) dst(%arg12 : memref<128xi32, #tpu.memory_space<vmem>>)
      %dma_start3A_70 = arith.constant 0 : i32
      %dma_start3A_71 = arith.constant 0 : i32
      %dma_start3A_72 = tpu.memref_slice %arg18[%dma_start3A_70, %dma_start3A_71] : memref<10000x128xf32, #tpu.memory_space<vmem_shared>> -> memref<10000x128xf32, #tpu.memory_space<vmem_shared>>
      tpu.enqueue_indirect_dma source(%arg15 : memref<128x128xf32, #tpu.memory_space<vmem>>) target(%dma_start3A_72 : memref<10000x128xf32, #tpu.memory_space<vmem_shared>>) offsets(%arg12 : memref<128xi32, #tpu.memory_space<vmem>>) semaphore(%arg28 : memref<!tpu.dma_semaphore, #tpu.memory_space<semaphore_mem>>) {add = true}
      %dma_wait3A_73 = arith.constant 0 : i32
      %dma_wait3A_74 = tpu.memref_slice %arg4[%dma_wait3A_73] : memref<160000xi32, #tpu.memory_space<hbm>> -> memref<128xi32, #tpu.memory_space<hbm>>
      %dma_wait3A_75 = arith.constant 0 : i32
      %dma_wait3A_76 = tpu.memref_slice %arg4[%dma_wait3A_75] : memref<160000xi32, #tpu.memory_space<hbm>> -> memref<128xi32, #tpu.memory_space<hbm>>
      tpu.wait_dma2 semaphore(%arg21 : memref<!tpu.dma_semaphore, #tpu.memory_space<semaphore_mem>>) src(%dma_wait3A_76 : memref<128xi32, #tpu.memory_space<hbm>>) dst(%arg10 : memref<128xi32, #tpu.memory_space<vmem>>)
      %dma_start3A_77 = arith.constant 0 : i32
      %dma_start3A_78 = arith.constant 0 : i32
      %dma_start3A_79 = tpu.memref_slice %arg2[%dma_start3A_77, %dma_start3A_78] : memref<10000x128xf32, #tpu.memory_space<hbm>> -> memref<10000x128xf32, #tpu.memory_space<hbm>>
      tpu.enqueue_indirect_dma source(%dma_start3A_79 : memref<10000x128xf32, #tpu.memory_space<hbm>>) target(%arg16 : memref<128x128xf32, #tpu.memory_space<vmem>>) offsets(%arg10 : memref<128xi32, #tpu.memory_space<vmem>>) semaphore(%arg27 : memref<!tpu.dma_semaphore, #tpu.memory_space<semaphore_mem>>)
      %scan3A = arith.constant 0 : i32
      %scan3A_80 = arith.constant 0 : i32
      %scan3A_81 = arith.constant 24 : i32
      %scan3A_82 = arith.addi %scan3A_80, %scan3A_81 : i32
      %scan3A_83 = arith.constant 1 : i32
      %scan3A_84 = scf.for %scan3A_200 = %scan3A_80 to %scan3A_82 step %scan3A_83 iter_args(%scan3A_201 = %scan3A) -> (i32)  : i32 {
        %mul3A_202 = arith.constant 3 : i32
        %mul3A_203 = arith.muli %scan3A_200, %mul3A_202 : i32
        %add3A_204 = arith.constant 2 : i32
        %add3A_205 = arith.addi %add3A_204, %mul3A_203 : i32
        %add3A_206 = arith.constant 0 : i32
        %add3A_207 = arith.addi %add3A_205, %add3A_206 : i32
        %dma_wait3A_208 = arith.constant 0 : i32
        %dma_wait3A_209 = arith.constant 0 : i32
        %dma_wait3A_210 = tpu.memref_slice %arg18[%dma_wait3A_208, %dma_wait3A_209] : memref<10000x128xf32, #tpu.memory_space<vmem_shared>> -> memref<10000x128xf32, #tpu.memory_space<vmem_shared>>
        tpu.wait_indirect_dma semaphore(%arg28 : memref<!tpu.dma_semaphore, #tpu.memory_space<semaphore_mem>>) src(%arg15 : memref<128x128xf32, #tpu.memory_space<vmem>>) dst(%dma_wait3A_210 : memref<10000x128xf32, #tpu.memory_space<vmem_shared>>)
        %add3A_211 = arith.constant 2 : i32
        %add3A_212 = arith.addi %add3A_207, %add3A_211 : i32
        %mul3A_213 = arith.constant 128 : i32
        %mul3A_214 = arith.muli %add3A_212, %mul3A_213 : i32
        %add3A_215 = arith.addi %mul3A_0, %mul3A_214 : i32
        %dma_start3A_216 = tpu.memref_slice %arg4[%add3A_215] : memref<160000xi32, #tpu.memory_space<hbm>> -> memref<128xi32, #tpu.memory_space<hbm>>
        %dma_start3A_217 = tpu.memref_slice %arg4[%add3A_215] : memref<160000xi32, #tpu.memory_space<hbm>> -> memref<128xi32, #tpu.memory_space<hbm>>
        tpu.enqueue_dma source(%dma_start3A_217 : memref<128xi32, #tpu.memory_space<hbm>>) target(%arg9 : memref<128xi32, #tpu.memory_space<vmem>>) target_semaphore(%arg20 : memref<!tpu.dma_semaphore, #tpu.memory_space<semaphore_mem>>)
        %dma_start3A_218 = tpu.memref_slice %arg5[%add3A_215] : memref<160000xi32, #tpu.memory_space<hbm>> -> memref<128xi32, #tpu.memory_space<hbm>>
        %dma_start3A_219 = tpu.memref_slice %arg5[%add3A_215] : memref<160000xi32, #tpu.memory_space<hbm>> -> memref<128xi32, #tpu.memory_space<hbm>>
        tpu.enqueue_dma source(%dma_start3A_219 : memref<128xi32, #tpu.memory_space<hbm>>) target(%arg12 : memref<128xi32, #tpu.memory_space<vmem>>) target_semaphore(%arg23 : memref<!tpu.dma_semaphore, #tpu.memory_space<semaphore_mem>>)
        %dma_wait3A_220 = arith.constant 0 : i32
        %dma_wait3A_221 = arith.constant 0 : i32
        %dma_wait3A_222 = tpu.memref_slice %arg2[%dma_wait3A_220, %dma_wait3A_221] : memref<10000x128xf32, #tpu.memory_space<hbm>> -> memref<10000x128xf32, #tpu.memory_space<hbm>>
        tpu.wait_indirect_dma semaphore(%arg27 : memref<!tpu.dma_semaphore, #tpu.memory_space<semaphore_mem>>) src(%dma_wait3A_222 : memref<10000x128xf32, #tpu.memory_space<hbm>>) dst(%arg16 : memref<128x128xf32, #tpu.memory_space<vmem>>)
        %dma_wait3A_223 = arith.constant 0 : i32
        %dma_wait3A_224 = tpu.memref_slice %arg5[%dma_wait3A_223] : memref<160000xi32, #tpu.memory_space<hbm>> -> memref<128xi32, #tpu.memory_space<hbm>>
        %dma_wait3A_225 = arith.constant 0 : i32
        %dma_wait3A_226 = tpu.memref_slice %arg5[%dma_wait3A_225] : memref<160000xi32, #tpu.memory_space<hbm>> -> memref<128xi32, #tpu.memory_space<hbm>>
        tpu.wait_dma2 semaphore(%arg24 : memref<!tpu.dma_semaphore, #tpu.memory_space<semaphore_mem>>) src(%dma_wait3A_226 : memref<128xi32, #tpu.memory_space<hbm>>) dst(%arg13 : memref<128xi32, #tpu.memory_space<vmem>>)
        %dma_start3A_227 = arith.constant 0 : i32
        %dma_start3A_228 = arith.constant 0 : i32
        %dma_start3A_229 = tpu.memref_slice %arg18[%dma_start3A_227, %dma_start3A_228] : memref<10000x128xf32, #tpu.memory_space<vmem_shared>> -> memref<10000x128xf32, #tpu.memory_space<vmem_shared>>
        tpu.enqueue_indirect_dma source(%arg16 : memref<128x128xf32, #tpu.memory_space<vmem>>) target(%dma_start3A_229 : memref<10000x128xf32, #tpu.memory_space<vmem_shared>>) offsets(%arg13 : memref<128xi32, #tpu.memory_space<vmem>>) semaphore(%arg28 : memref<!tpu.dma_semaphore, #tpu.memory_space<semaphore_mem>>) {add = true}
        %dma_wait3A_230 = arith.constant 0 : i32
        %dma_wait3A_231 = tpu.memref_slice %arg4[%dma_wait3A_230] : memref<160000xi32, #tpu.memory_space<hbm>> -> memref<128xi32, #tpu.memory_space<hbm>>
        %dma_wait3A_232 = arith.constant 0 : i32
        %dma_wait3A_233 = tpu.memref_slice %arg4[%dma_wait3A_232] : memref<160000xi32, #tpu.memory_space<hbm>> -> memref<128xi32, #tpu.memory_space<hbm>>
        tpu.wait_dma2 semaphore(%arg19 : memref<!tpu.dma_semaphore, #tpu.memory_space<semaphore_mem>>) src(%dma_wait3A_233 : memref<128xi32, #tpu.memory_space<hbm>>) dst(%arg8 : memref<128xi32, #tpu.memory_space<vmem>>)
        %add3A_234 = arith.constant 1 : i32
        %add3A_235 = arith.addi %add3A_207, %add3A_234 : i32
        %dma_start3A_236 = arith.constant 0 : i32
        %dma_start3A_237 = arith.constant 0 : i32
        %dma_start3A_238 = tpu.memref_slice %arg2[%dma_start3A_236, %dma_start3A_237] : memref<10000x128xf32, #tpu.memory_space<hbm>> -> memref<10000x128xf32, #tpu.memory_space<hbm>>
        tpu.enqueue_indirect_dma source(%dma_start3A_238 : memref<10000x128xf32, #tpu.memory_space<hbm>>) target(%arg14 : memref<128x128xf32, #tpu.memory_space<vmem>>) offsets(%arg8 : memref<128xi32, #tpu.memory_space<vmem>>) semaphore(%arg25 : memref<!tpu.dma_semaphore, #tpu.memory_space<semaphore_mem>>)
        %add3A_239 = arith.constant 1 : i32
        %add3A_240 = arith.addi %add3A_205, %add3A_239 : i32
        %dma_wait3A_241 = arith.constant 0 : i32
        %dma_wait3A_242 = arith.constant 0 : i32
        %dma_wait3A_243 = tpu.memref_slice %arg18[%dma_wait3A_241, %dma_wait3A_242] : memref<10000x128xf32, #tpu.memory_space<vmem_shared>> -> memref<10000x128xf32, #tpu.memory_space<vmem_shared>>
        tpu.wait_indirect_dma semaphore(%arg28 : memref<!tpu.dma_semaphore, #tpu.memory_space<semaphore_mem>>) src(%arg16 : memref<128x128xf32, #tpu.memory_space<vmem>>) dst(%dma_wait3A_243 : memref<10000x128xf32, #tpu.memory_space<vmem_shared>>)
        %add3A_244 = arith.constant 2 : i32
        %add3A_245 = arith.addi %add3A_240, %add3A_244 : i32
        %mul3A_246 = arith.constant 128 : i32
        %mul3A_247 = arith.muli %add3A_245, %mul3A_246 : i32
        %add3A_248 = arith.addi %mul3A_0, %mul3A_247 : i32
        %dma_start3A_249 = tpu.memref_slice %arg4[%add3A_248] : memref<160000xi32, #tpu.memory_space<hbm>> -> memref<128xi32, #tpu.memory_space<hbm>>
        %dma_start3A_250 = tpu.memref_slice %arg4[%add3A_248] : memref<160000xi32, #tpu.memory_space<hbm>> -> memref<128xi32, #tpu.memory_space<hbm>>
        tpu.enqueue_dma source(%dma_start3A_250 : memref<128xi32, #tpu.memory_space<hbm>>) target(%arg10 : memref<128xi32, #tpu.memory_space<vmem>>) target_semaphore(%arg21 : memref<!tpu.dma_semaphore, #tpu.memory_space<semaphore_mem>>)
        %dma_start3A_251 = tpu.memref_slice %arg5[%add3A_248] : memref<160000xi32, #tpu.memory_space<hbm>> -> memref<128xi32, #tpu.memory_space<hbm>>
        %dma_start3A_252 = tpu.memref_slice %arg5[%add3A_248] : memref<160000xi32, #tpu.memory_space<hbm>> -> memref<128xi32, #tpu.memory_space<hbm>>
        tpu.enqueue_dma source(%dma_start3A_252 : memref<128xi32, #tpu.memory_space<hbm>>) target(%arg13 : memref<128xi32, #tpu.memory_space<vmem>>) target_semaphore(%arg24 : memref<!tpu.dma_semaphore, #tpu.memory_space<semaphore_mem>>)
        %dma_wait3A_253 = arith.constant 0 : i32
        %dma_wait3A_254 = arith.constant 0 : i32
        %dma_wait3A_255 = tpu.memref_slice %arg2[%dma_wait3A_253, %dma_wait3A_254] : memref<10000x128xf32, #tpu.memory_space<hbm>> -> memref<10000x128xf32, #tpu.memory_space<hbm>>
        tpu.wait_indirect_dma semaphore(%arg25 : memref<!tpu.dma_semaphore, #tpu.memory_space<semaphore_mem>>) src(%dma_wait3A_255 : memref<10000x128xf32, #tpu.memory_space<hbm>>) dst(%arg14 : memref<128x128xf32, #tpu.memory_space<vmem>>)
        %dma_wait3A_256 = arith.constant 0 : i32
        %dma_wait3A_257 = tpu.memref_slice %arg5[%dma_wait3A_256] : memref<160000xi32, #tpu.memory_space<hbm>> -> memref<128xi32, #tpu.memory_space<hbm>>
        %dma_wait3A_258 = arith.constant 0 : i32
        %dma_wait3A_259 = tpu.memref_slice %arg5[%dma_wait3A_258] : memref<160000xi32, #tpu.memory_space<hbm>> -> memref<128xi32, #tpu.memory_space<hbm>>
        tpu.wait_dma2 semaphore(%arg22 : memref<!tpu.dma_semaphore, #tpu.memory_space<semaphore_mem>>) src(%dma_wait3A_259 : memref<128xi32, #tpu.memory_space<hbm>>) dst(%arg11 : memref<128xi32, #tpu.memory_space<vmem>>)
        %dma_start3A_260 = arith.constant 0 : i32
        %dma_start3A_261 = arith.constant 0 : i32
        %dma_start3A_262 = tpu.memref_slice %arg18[%dma_start3A_260, %dma_start3A_261] : memref<10000x128xf32, #tpu.memory_space<vmem_shared>> -> memref<10000x128xf32, #tpu.memory_space<vmem_shared>>
        tpu.enqueue_indirect_dma source(%arg14 : memref<128x128xf32, #tpu.memory_space<vmem>>) target(%dma_start3A_262 : memref<10000x128xf32, #tpu.memory_space<vmem_shared>>) offsets(%arg11 : memref<128xi32, #tpu.memory_space<vmem>>) semaphore(%arg28 : memref<!tpu.dma_semaphore, #tpu.memory_space<semaphore_mem>>) {add = true}
        %dma_wait3A_263 = arith.constant 0 : i32
        %dma_wait3A_264 = tpu.memref_slice %arg4[%dma_wait3A_263] : memref<160000xi32, #tpu.memory_space<hbm>> -> memref<128xi32, #tpu.memory_space<hbm>>
        %dma_wait3A_265 = arith.constant 0 : i32
        %dma_wait3A_266 = tpu.memref_slice %arg4[%dma_wait3A_265] : memref<160000xi32, #tpu.memory_space<hbm>> -> memref<128xi32, #tpu.memory_space<hbm>>
        tpu.wait_dma2 semaphore(%arg20 : memref<!tpu.dma_semaphore, #tpu.memory_space<semaphore_mem>>) src(%dma_wait3A_266 : memref<128xi32, #tpu.memory_space<hbm>>) dst(%arg9 : memref<128xi32, #tpu.memory_space<vmem>>)
        %add3A_267 = arith.constant 1 : i32
        %add3A_268 = arith.addi %add3A_240, %add3A_267 : i32
        %dma_start3A_269 = arith.constant 0 : i32
        %dma_start3A_270 = arith.constant 0 : i32
        %dma_start3A_271 = tpu.memref_slice %arg2[%dma_start3A_269, %dma_start3A_270] : memref<10000x128xf32, #tpu.memory_space<hbm>> -> memref<10000x128xf32, #tpu.memory_space<hbm>>
        tpu.enqueue_indirect_dma source(%dma_start3A_271 : memref<10000x128xf32, #tpu.memory_space<hbm>>) target(%arg15 : memref<128x128xf32, #tpu.memory_space<vmem>>) offsets(%arg9 : memref<128xi32, #tpu.memory_space<vmem>>) semaphore(%arg26 : memref<!tpu.dma_semaphore, #tpu.memory_space<semaphore_mem>>)
        %add3A_272 = arith.constant 2 : i32
        %add3A_273 = arith.addi %add3A_205, %add3A_272 : i32
        %dma_wait3A_274 = arith.constant 0 : i32
        %dma_wait3A_275 = arith.constant 0 : i32
        %dma_wait3A_276 = tpu.memref_slice %arg18[%dma_wait3A_274, %dma_wait3A_275] : memref<10000x128xf32, #tpu.memory_space<vmem_shared>> -> memref<10000x128xf32, #tpu.memory_space<vmem_shared>>
        tpu.wait_indirect_dma semaphore(%arg28 : memref<!tpu.dma_semaphore, #tpu.memory_space<semaphore_mem>>) src(%arg14 : memref<128x128xf32, #tpu.memory_space<vmem>>) dst(%dma_wait3A_276 : memref<10000x128xf32, #tpu.memory_space<vmem_shared>>)
        %add3A_277 = arith.constant 2 : i32
        %add3A_278 = arith.addi %add3A_273, %add3A_277 : i32
        %mul3A_279 = arith.constant 128 : i32
        %mul3A_280 = arith.muli %add3A_278, %mul3A_279 : i32
        %add3A_281 = arith.addi %mul3A_0, %mul3A_280 : i32
        %dma_start3A_282 = tpu.memref_slice %arg4[%add3A_281] : memref<160000xi32, #tpu.memory_space<hbm>> -> memref<128xi32, #tpu.memory_space<hbm>>
        %dma_start3A_283 = tpu.memref_slice %arg4[%add3A_281] : memref<160000xi32, #tpu.memory_space<hbm>> -> memref<128xi32, #tpu.memory_space<hbm>>
        tpu.enqueue_dma source(%dma_start3A_283 : memref<128xi32, #tpu.memory_space<hbm>>) target(%arg8 : memref<128xi32, #tpu.memory_space<vmem>>) target_semaphore(%arg19 : memref<!tpu.dma_semaphore, #tpu.memory_space<semaphore_mem>>)
        %dma_start3A_284 = tpu.memref_slice %arg5[%add3A_281] : memref<160000xi32, #tpu.memory_space<hbm>> -> memref<128xi32, #tpu.memory_space<hbm>>
        %dma_start3A_285 = tpu.memref_slice %arg5[%add3A_281] : memref<160000xi32, #tpu.memory_space<hbm>> -> memref<128xi32, #tpu.memory_space<hbm>>
        tpu.enqueue_dma source(%dma_start3A_285 : memref<128xi32, #tpu.memory_space<hbm>>) target(%arg11 : memref<128xi32, #tpu.memory_space<vmem>>) target_semaphore(%arg22 : memref<!tpu.dma_semaphore, #tpu.memory_space<semaphore_mem>>)
        %dma_wait3A_286 = arith.constant 0 : i32
        %dma_wait3A_287 = arith.constant 0 : i32
        %dma_wait3A_288 = tpu.memref_slice %arg2[%dma_wait3A_286, %dma_wait3A_287] : memref<10000x128xf32, #tpu.memory_space<hbm>> -> memref<10000x128xf32, #tpu.memory_space<hbm>>
        tpu.wait_indirect_dma semaphore(%arg26 : memref<!tpu.dma_semaphore, #tpu.memory_space<semaphore_mem>>) src(%dma_wait3A_288 : memref<10000x128xf32, #tpu.memory_space<hbm>>) dst(%arg15 : memref<128x128xf32, #tpu.memory_space<vmem>>)
        %dma_wait3A_289 = arith.constant 0 : i32
        %dma_wait3A_290 = tpu.memref_slice %arg5[%dma_wait3A_289] : memref<160000xi32, #tpu.memory_space<hbm>> -> memref<128xi32, #tpu.memory_space<hbm>>
        %dma_wait3A_291 = arith.constant 0 : i32
        %dma_wait3A_292 = tpu.memref_slice %arg5[%dma_wait3A_291] : memref<160000xi32, #tpu.memory_space<hbm>> -> memref<128xi32, #tpu.memory_space<hbm>>
        tpu.wait_dma2 semaphore(%arg23 : memref<!tpu.dma_semaphore, #tpu.memory_space<semaphore_mem>>) src(%dma_wait3A_292 : memref<128xi32, #tpu.memory_space<hbm>>) dst(%arg12 : memref<128xi32, #tpu.memory_space<vmem>>)
        %dma_start3A_293 = arith.constant 0 : i32
        %dma_start3A_294 = arith.constant 0 : i32
        %dma_start3A_295 = tpu.memref_slice %arg18[%dma_start3A_293, %dma_start3A_294] : memref<10000x128xf32, #tpu.memory_space<vmem_shared>> -> memref<10000x128xf32, #tpu.memory_space<vmem_shared>>
        tpu.enqueue_indirect_dma source(%arg15 : memref<128x128xf32, #tpu.memory_space<vmem>>) target(%dma_start3A_295 : memref<10000x128xf32, #tpu.memory_space<vmem_shared>>) offsets(%arg12 : memref<128xi32, #tpu.memory_space<vmem>>) semaphore(%arg28 : memref<!tpu.dma_semaphore, #tpu.memory_space<semaphore_mem>>) {add = true}
        %dma_wait3A_296 = arith.constant 0 : i32
        %dma_wait3A_297 = tpu.memref_slice %arg4[%dma_wait3A_296] : memref<160000xi32, #tpu.memory_space<hbm>> -> memref<128xi32, #tpu.memory_space<hbm>>
        %dma_wait3A_298 = arith.constant 0 : i32
        %dma_wait3A_299 = tpu.memref_slice %arg4[%dma_wait3A_298] : memref<160000xi32, #tpu.memory_space<hbm>> -> memref<128xi32, #tpu.memory_space<hbm>>
        tpu.wait_dma2 semaphore(%arg21 : memref<!tpu.dma_semaphore, #tpu.memory_space<semaphore_mem>>) src(%dma_wait3A_299 : memref<128xi32, #tpu.memory_space<hbm>>) dst(%arg10 : memref<128xi32, #tpu.memory_space<vmem>>)
        %add3A_300 = arith.constant 1 : i32
        %add3A_301 = arith.addi %add3A_273, %add3A_300 : i32
        %dma_start3A_302 = arith.constant 0 : i32
        %dma_start3A_303 = arith.constant 0 : i32
        %dma_start3A_304 = tpu.memref_slice %arg2[%dma_start3A_302, %dma_start3A_303] : memref<10000x128xf32, #tpu.memory_space<hbm>> -> memref<10000x128xf32, #tpu.memory_space<hbm>>
        tpu.enqueue_indirect_dma source(%dma_start3A_304 : memref<10000x128xf32, #tpu.memory_space<hbm>>) target(%arg16 : memref<128x128xf32, #tpu.memory_space<vmem>>) offsets(%arg10 : memref<128xi32, #tpu.memory_space<vmem>>) semaphore(%arg27 : memref<!tpu.dma_semaphore, #tpu.memory_space<semaphore_mem>>)
        %scan3A_305 = arith.constant 0 : i32
        scf.yield %scan3A_305 : i32
      }
      %scan3A_85 = arith.constant 24 : i32
      %dma_wait3A_86 = arith.constant 0 : i32
      %dma_wait3A_87 = arith.constant 0 : i32
      %dma_wait3A_88 = tpu.memref_slice %arg18[%dma_wait3A_86, %dma_wait3A_87] : memref<10000x128xf32, #tpu.memory_space<vmem_shared>> -> memref<10000x128xf32, #tpu.memory_space<vmem_shared>>
      tpu.wait_indirect_dma semaphore(%arg28 : memref<!tpu.dma_semaphore, #tpu.memory_space<semaphore_mem>>) src(%arg15 : memref<128x128xf32, #tpu.memory_space<vmem>>) dst(%dma_wait3A_88 : memref<10000x128xf32, #tpu.memory_space<vmem_shared>>)
      %add3A_89 = arith.constant 9728 : i32
      %add3A_90 = arith.addi %mul3A_0, %add3A_89 : i32
      %dma_start3A_91 = tpu.memref_slice %arg4[%add3A_90] : memref<160000xi32, #tpu.memory_space<hbm>> -> memref<128xi32, #tpu.memory_space<hbm>>
      %dma_start3A_92 = tpu.memref_slice %arg4[%add3A_90] : memref<160000xi32, #tpu.memory_space<hbm>> -> memref<128xi32, #tpu.memory_space<hbm>>
      tpu.enqueue_dma source(%dma_start3A_92 : memref<128xi32, #tpu.memory_space<hbm>>) target(%arg9 : memref<128xi32, #tpu.memory_space<vmem>>) target_semaphore(%arg20 : memref<!tpu.dma_semaphore, #tpu.memory_space<semaphore_mem>>)
      %dma_start3A_93 = tpu.memref_slice %arg5[%add3A_90] : memref<160000xi32, #tpu.memory_space<hbm>> -> memref<128xi32, #tpu.memory_space<hbm>>
      %dma_start3A_94 = tpu.memref_slice %arg5[%add3A_90] : memref<160000xi32, #tpu.memory_space<hbm>> -> memref<128xi32, #tpu.memory_space<hbm>>
      tpu.enqueue_dma source(%dma_start3A_94 : memref<128xi32, #tpu.memory_space<hbm>>) target(%arg12 : memref<128xi32, #tpu.memory_space<vmem>>) target_semaphore(%arg23 : memref<!tpu.dma_semaphore, #tpu.memory_space<semaphore_mem>>)
      %dma_wait3A_95 = arith.constant 0 : i32
      %dma_wait3A_96 = arith.constant 0 : i32
      %dma_wait3A_97 = tpu.memref_slice %arg2[%dma_wait3A_95, %dma_wait3A_96] : memref<10000x128xf32, #tpu.memory_space<hbm>> -> memref<10000x128xf32, #tpu.memory_space<hbm>>
      tpu.wait_indirect_dma semaphore(%arg27 : memref<!tpu.dma_semaphore, #tpu.memory_space<semaphore_mem>>) src(%dma_wait3A_97 : memref<10000x128xf32, #tpu.memory_space<hbm>>) dst(%arg16 : memref<128x128xf32, #tpu.memory_space<vmem>>)
      %dma_wait3A_98 = arith.constant 0 : i32
      %dma_wait3A_99 = tpu.memref_slice %arg5[%dma_wait3A_98] : memref<160000xi32, #tpu.memory_space<hbm>> -> memref<128xi32, #tpu.memory_space<hbm>>
      %dma_wait3A_100 = arith.constant 0 : i32
      %dma_wait3A_101 = tpu.memref_slice %arg5[%dma_wait3A_100] : memref<160000xi32, #tpu.memory_space<hbm>> -> memref<128xi32, #tpu.memory_space<hbm>>
      tpu.wait_dma2 semaphore(%arg24 : memref<!tpu.dma_semaphore, #tpu.memory_space<semaphore_mem>>) src(%dma_wait3A_101 : memref<128xi32, #tpu.memory_space<hbm>>) dst(%arg13 : memref<128xi32, #tpu.memory_space<vmem>>)
      %dma_start3A_102 = arith.constant 0 : i32
      %dma_start3A_103 = arith.constant 0 : i32
      %dma_start3A_104 = tpu.memref_slice %arg18[%dma_start3A_102, %dma_start3A_103] : memref<10000x128xf32, #tpu.memory_space<vmem_shared>> -> memref<10000x128xf32, #tpu.memory_space<vmem_shared>>
      tpu.enqueue_indirect_dma source(%arg16 : memref<128x128xf32, #tpu.memory_space<vmem>>) target(%dma_start3A_104 : memref<10000x128xf32, #tpu.memory_space<vmem_shared>>) offsets(%arg13 : memref<128xi32, #tpu.memory_space<vmem>>) semaphore(%arg28 : memref<!tpu.dma_semaphore, #tpu.memory_space<semaphore_mem>>) {add = true}
      %dma_wait3A_105 = arith.constant 0 : i32
      %dma_wait3A_106 = tpu.memref_slice %arg4[%dma_wait3A_105] : memref<160000xi32, #tpu.memory_space<hbm>> -> memref<128xi32, #tpu.memory_space<hbm>>
      %dma_wait3A_107 = arith.constant 0 : i32
      %dma_wait3A_108 = tpu.memref_slice %arg4[%dma_wait3A_107] : memref<160000xi32, #tpu.memory_space<hbm>> -> memref<128xi32, #tpu.memory_space<hbm>>
      tpu.wait_dma2 semaphore(%arg19 : memref<!tpu.dma_semaphore, #tpu.memory_space<semaphore_mem>>) src(%dma_wait3A_108 : memref<128xi32, #tpu.memory_space<hbm>>) dst(%arg8 : memref<128xi32, #tpu.memory_space<vmem>>)
      %dma_start3A_109 = arith.constant 0 : i32
      %dma_start3A_110 = arith.constant 0 : i32
      %dma_start3A_111 = tpu.memref_slice %arg2[%dma_start3A_109, %dma_start3A_110] : memref<10000x128xf32, #tpu.memory_space<hbm>> -> memref<10000x128xf32, #tpu.memory_space<hbm>>
      tpu.enqueue_indirect_dma source(%dma_start3A_111 : memref<10000x128xf32, #tpu.memory_space<hbm>>) target(%arg14 : memref<128x128xf32, #tpu.memory_space<vmem>>) offsets(%arg8 : memref<128xi32, #tpu.memory_space<vmem>>) semaphore(%arg25 : memref<!tpu.dma_semaphore, #tpu.memory_space<semaphore_mem>>)
      %dma_wait3A_112 = arith.constant 0 : i32
      %dma_wait3A_113 = arith.constant 0 : i32
      %dma_wait3A_114 = tpu.memref_slice %arg18[%dma_wait3A_112, %dma_wait3A_113] : memref<10000x128xf32, #tpu.memory_space<vmem_shared>> -> memref<10000x128xf32, #tpu.memory_space<vmem_shared>>
      tpu.wait_indirect_dma semaphore(%arg28 : memref<!tpu.dma_semaphore, #tpu.memory_space<semaphore_mem>>) src(%arg16 : memref<128x128xf32, #tpu.memory_space<vmem>>) dst(%dma_wait3A_114 : memref<10000x128xf32, #tpu.memory_space<vmem_shared>>)
      %add3A_115 = arith.constant 9856 : i32
      %add3A_116 = arith.addi %mul3A_0, %add3A_115 : i32
      %dma_start3A_117 = tpu.memref_slice %arg4[%add3A_116] : memref<160000xi32, #tpu.memory_space<hbm>> -> memref<128xi32, #tpu.memory_space<hbm>>
      %dma_start3A_118 = tpu.memref_slice %arg4[%add3A_116] : memref<160000xi32, #tpu.memory_space<hbm>> -> memref<128xi32, #tpu.memory_space<hbm>>
      tpu.enqueue_dma source(%dma_start3A_118 : memref<128xi32, #tpu.memory_space<hbm>>) target(%arg10 : memref<128xi32, #tpu.memory_space<vmem>>) target_semaphore(%arg21 : memref<!tpu.dma_semaphore, #tpu.memory_space<semaphore_mem>>)
      %dma_start3A_119 = tpu.memref_slice %arg5[%add3A_116] : memref<160000xi32, #tpu.memory_space<hbm>> -> memref<128xi32, #tpu.memory_space<hbm>>
      %dma_start3A_120 = tpu.memref_slice %arg5[%add3A_116] : memref<160000xi32, #tpu.memory_space<hbm>> -> memref<128xi32, #tpu.memory_space<hbm>>
      tpu.enqueue_dma source(%dma_start3A_120 : memref<128xi32, #tpu.memory_space<hbm>>) target(%arg13 : memref<128xi32, #tpu.memory_space<vmem>>) target_semaphore(%arg24 : memref<!tpu.dma_semaphore, #tpu.memory_space<semaphore_mem>>)
      %dma_wait3A_121 = arith.constant 0 : i32
      %dma_wait3A_122 = arith.constant 0 : i32
      %dma_wait3A_123 = tpu.memref_slice %arg2[%dma_wait3A_121, %dma_wait3A_122] : memref<10000x128xf32, #tpu.memory_space<hbm>> -> memref<10000x128xf32, #tpu.memory_space<hbm>>
      tpu.wait_indirect_dma semaphore(%arg25 : memref<!tpu.dma_semaphore, #tpu.memory_space<semaphore_mem>>) src(%dma_wait3A_123 : memref<10000x128xf32, #tpu.memory_space<hbm>>) dst(%arg14 : memref<128x128xf32, #tpu.memory_space<vmem>>)
      %dma_wait3A_124 = arith.constant 0 : i32
      %dma_wait3A_125 = tpu.memref_slice %arg5[%dma_wait3A_124] : memref<160000xi32, #tpu.memory_space<hbm>> -> memref<128xi32, #tpu.memory_space<hbm>>
      %dma_wait3A_126 = arith.constant 0 : i32
      %dma_wait3A_127 = tpu.memref_slice %arg5[%dma_wait3A_126] : memref<160000xi32, #tpu.memory_space<hbm>> -> memref<128xi32, #tpu.memory_space<hbm>>
      tpu.wait_dma2 semaphore(%arg22 : memref<!tpu.dma_semaphore, #tpu.memory_space<semaphore_mem>>) src(%dma_wait3A_127 : memref<128xi32, #tpu.memory_space<hbm>>) dst(%arg11 : memref<128xi32, #tpu.memory_space<vmem>>)
      %dma_start3A_128 = arith.constant 0 : i32
      %dma_start3A_129 = arith.constant 0 : i32
      %dma_start3A_130 = tpu.memref_slice %arg18[%dma_start3A_128, %dma_start3A_129] : memref<10000x128xf32, #tpu.memory_space<vmem_shared>> -> memref<10000x128xf32, #tpu.memory_space<vmem_shared>>
      tpu.enqueue_indirect_dma source(%arg14 : memref<128x128xf32, #tpu.memory_space<vmem>>) target(%dma_start3A_130 : memref<10000x128xf32, #tpu.memory_space<vmem_shared>>) offsets(%arg11 : memref<128xi32, #tpu.memory_space<vmem>>) semaphore(%arg28 : memref<!tpu.dma_semaphore, #tpu.memory_space<semaphore_mem>>) {add = true}
      %dma_wait3A_131 = arith.constant 0 : i32
      %dma_wait3A_132 = tpu.memref_slice %arg4[%dma_wait3A_131] : memref<160000xi32, #tpu.memory_space<hbm>> -> memref<128xi32, #tpu.memory_space<hbm>>
      %dma_wait3A_133 = arith.constant 0 : i32
      %dma_wait3A_134 = tpu.memref_slice %arg4[%dma_wait3A_133] : memref<160000xi32, #tpu.memory_space<hbm>> -> memref<128xi32, #tpu.memory_space<hbm>>
      tpu.wait_dma2 semaphore(%arg20 : memref<!tpu.dma_semaphore, #tpu.memory_space<semaphore_mem>>) src(%dma_wait3A_134 : memref<128xi32, #tpu.memory_space<hbm>>) dst(%arg9 : memref<128xi32, #tpu.memory_space<vmem>>)
      %dma_start3A_135 = arith.constant 0 : i32
      %dma_start3A_136 = arith.constant 0 : i32
      %dma_start3A_137 = tpu.memref_slice %arg2[%dma_start3A_135, %dma_start3A_136] : memref<10000x128xf32, #tpu.memory_space<hbm>> -> memref<10000x128xf32, #tpu.memory_space<hbm>>
      tpu.enqueue_indirect_dma source(%dma_start3A_137 : memref<10000x128xf32, #tpu.memory_space<hbm>>) target(%arg15 : memref<128x128xf32, #tpu.memory_space<vmem>>) offsets(%arg9 : memref<128xi32, #tpu.memory_space<vmem>>) semaphore(%arg26 : memref<!tpu.dma_semaphore, #tpu.memory_space<semaphore_mem>>)
      %dma_wait3A_138 = arith.constant 0 : i32
      %dma_wait3A_139 = arith.constant 0 : i32
      %dma_wait3A_140 = tpu.memref_slice %arg18[%dma_wait3A_138, %dma_wait3A_139] : memref<10000x128xf32, #tpu.memory_space<vmem_shared>> -> memref<10000x128xf32, #tpu.memory_space<vmem_shared>>
      tpu.wait_indirect_dma semaphore(%arg28 : memref<!tpu.dma_semaphore, #tpu.memory_space<semaphore_mem>>) src(%arg14 : memref<128x128xf32, #tpu.memory_space<vmem>>) dst(%dma_wait3A_140 : memref<10000x128xf32, #tpu.memory_space<vmem_shared>>)
      %dma_wait3A_141 = arith.constant 0 : i32
      %dma_wait3A_142 = arith.constant 0 : i32
      %dma_wait3A_143 = tpu.memref_slice %arg2[%dma_wait3A_141, %dma_wait3A_142] : memref<10000x128xf32, #tpu.memory_space<hbm>> -> memref<10000x128xf32, #tpu.memory_space<hbm>>
      tpu.wait_indirect_dma semaphore(%arg26 : memref<!tpu.dma_semaphore, #tpu.memory_space<semaphore_mem>>) src(%dma_wait3A_143 : memref<10000x128xf32, #tpu.memory_space<hbm>>) dst(%arg15 : memref<128x128xf32, #tpu.memory_space<vmem>>)
      %dma_wait3A_144 = arith.constant 0 : i32
      %dma_wait3A_145 = tpu.memref_slice %arg5[%dma_wait3A_144] : memref<160000xi32, #tpu.memory_space<hbm>> -> memref<128xi32, #tpu.memory_space<hbm>>
      %dma_wait3A_146 = arith.constant 0 : i32
      %dma_wait3A_147 = tpu.memref_slice %arg5[%dma_wait3A_146] : memref<160000xi32, #tpu.memory_space<hbm>> -> memref<128xi32, #tpu.memory_space<hbm>>
      tpu.wait_dma2 semaphore(%arg23 : memref<!tpu.dma_semaphore, #tpu.memory_space<semaphore_mem>>) src(%dma_wait3A_147 : memref<128xi32, #tpu.memory_space<hbm>>) dst(%arg12 : memref<128xi32, #tpu.memory_space<vmem>>)
      %dma_start3A_148 = arith.constant 0 : i32
      %dma_start3A_149 = arith.constant 0 : i32
      %dma_start3A_150 = tpu.memref_slice %arg18[%dma_start3A_148, %dma_start3A_149] : memref<10000x128xf32, #tpu.memory_space<vmem_shared>> -> memref<10000x128xf32, #tpu.memory_space<vmem_shared>>
      tpu.enqueue_indirect_dma source(%arg15 : memref<128x128xf32, #tpu.memory_space<vmem>>) target(%dma_start3A_150 : memref<10000x128xf32, #tpu.memory_space<vmem_shared>>) offsets(%arg12 : memref<128xi32, #tpu.memory_space<vmem>>) semaphore(%arg28 : memref<!tpu.dma_semaphore, #tpu.memory_space<semaphore_mem>>) {add = true}
      %dma_wait3A_151 = arith.constant 0 : i32
      %dma_wait3A_152 = tpu.memref_slice %arg4[%dma_wait3A_151] : memref<160000xi32, #tpu.memory_space<hbm>> -> memref<128xi32, #tpu.memory_space<hbm>>
      %dma_wait3A_153 = arith.constant 0 : i32
      %dma_wait3A_154 = tpu.memref_slice %arg4[%dma_wait3A_153] : memref<160000xi32, #tpu.memory_space<hbm>> -> memref<128xi32, #tpu.memory_space<hbm>>
      tpu.wait_dma2 semaphore(%arg21 : memref<!tpu.dma_semaphore, #tpu.memory_space<semaphore_mem>>) src(%dma_wait3A_154 : memref<128xi32, #tpu.memory_space<hbm>>) dst(%arg10 : memref<128xi32, #tpu.memory_space<vmem>>)
      %dma_start3A_155 = arith.constant 0 : i32
      %dma_start3A_156 = arith.constant 0 : i32
      %dma_start3A_157 = tpu.memref_slice %arg2[%dma_start3A_155, %dma_start3A_156] : memref<10000x128xf32, #tpu.memory_space<hbm>> -> memref<10000x128xf32, #tpu.memory_space<hbm>>
      tpu.enqueue_indirect_dma source(%dma_start3A_157 : memref<10000x128xf32, #tpu.memory_space<hbm>>) target(%arg16 : memref<128x128xf32, #tpu.memory_space<vmem>>) offsets(%arg10 : memref<128xi32, #tpu.memory_space<vmem>>) semaphore(%arg27 : memref<!tpu.dma_semaphore, #tpu.memory_space<semaphore_mem>>)
      %dma_wait3A_158 = arith.constant 0 : i32
      %dma_wait3A_159 = arith.constant 0 : i32
      %dma_wait3A_160 = tpu.memref_slice %arg18[%dma_wait3A_158, %dma_wait3A_159] : memref<10000x128xf32, #tpu.memory_space<vmem_shared>> -> memref<10000x128xf32, #tpu.memory_space<vmem_shared>>
      tpu.wait_indirect_dma semaphore(%arg28 : memref<!tpu.dma_semaphore, #tpu.memory_space<semaphore_mem>>) src(%arg15 : memref<128x128xf32, #tpu.memory_space<vmem>>) dst(%dma_wait3A_160 : memref<10000x128xf32, #tpu.memory_space<vmem_shared>>)
      %dma_wait3A_161 = arith.constant 0 : i32
      %dma_wait3A_162 = arith.constant 0 : i32
      %dma_wait3A_163 = tpu.memref_slice %arg2[%dma_wait3A_161, %dma_wait3A_162] : memref<10000x128xf32, #tpu.memory_space<hbm>> -> memref<10000x128xf32, #tpu.memory_space<hbm>>
      tpu.wait_indirect_dma semaphore(%arg27 : memref<!tpu.dma_semaphore, #tpu.memory_space<semaphore_mem>>) src(%dma_wait3A_163 : memref<10000x128xf32, #tpu.memory_space<hbm>>) dst(%arg16 : memref<128x128xf32, #tpu.memory_space<vmem>>)
      %dma_wait3A_164 = arith.constant 0 : i32
      %dma_wait3A_165 = tpu.memref_slice %arg5[%dma_wait3A_164] : memref<160000xi32, #tpu.memory_space<hbm>> -> memref<128xi32, #tpu.memory_space<hbm>>
      %dma_wait3A_166 = arith.constant 0 : i32
      %dma_wait3A_167 = tpu.memref_slice %arg5[%dma_wait3A_166] : memref<160000xi32, #tpu.memory_space<hbm>> -> memref<128xi32, #tpu.memory_space<hbm>>
      tpu.wait_dma2 semaphore(%arg24 : memref<!tpu.dma_semaphore, #tpu.memory_space<semaphore_mem>>) src(%dma_wait3A_167 : memref<128xi32, #tpu.memory_space<hbm>>) dst(%arg13 : memref<128xi32, #tpu.memory_space<vmem>>)
      %dma_start3A_168 = arith.constant 0 : i32
      %dma_start3A_169 = arith.constant 0 : i32
      %dma_start3A_170 = tpu.memref_slice %arg18[%dma_start3A_168, %dma_start3A_169] : memref<10000x128xf32, #tpu.memory_space<vmem_shared>> -> memref<10000x128xf32, #tpu.memory_space<vmem_shared>>
      tpu.enqueue_indirect_dma source(%arg16 : memref<128x128xf32, #tpu.memory_space<vmem>>) target(%dma_start3A_170 : memref<10000x128xf32, #tpu.memory_space<vmem_shared>>) offsets(%arg13 : memref<128xi32, #tpu.memory_space<vmem>>) semaphore(%arg28 : memref<!tpu.dma_semaphore, #tpu.memory_space<semaphore_mem>>) {add = true}
      %dma_wait3A_171 = arith.constant 0 : i32
      %dma_wait3A_172 = arith.constant 0 : i32
      %dma_wait3A_173 = tpu.memref_slice %arg18[%dma_wait3A_171, %dma_wait3A_172] : memref<10000x128xf32, #tpu.memory_space<vmem_shared>> -> memref<10000x128xf32, #tpu.memory_space<vmem_shared>>
      tpu.wait_indirect_dma semaphore(%arg28 : memref<!tpu.dma_semaphore, #tpu.memory_space<semaphore_mem>>) src(%arg16 : memref<128x128xf32, #tpu.memory_space<vmem>>) dst(%dma_wait3A_173 : memref<10000x128xf32, #tpu.memory_space<vmem_shared>>)
      %add3A_174 = arith.constant 9984 : i32
      %add3A_175 = arith.addi %mul3A_0, %add3A_174 : i32
      "tpu.region"() ({
        %run_scoped3A = tpu.sem_alloc : memref<!tpu.dma_semaphore, #tpu.memory_space<semaphore_mem>>
        %dma_start3A_200 = arith.constant 0 : i32
        %dma_start3A_201 = tpu.memref_slice %arg8[%dma_start3A_200] : memref<128xi32, #tpu.memory_space<vmem>> -> memref<16xi32, #tpu.memory_space<vmem>>
        %dma_start3A_202 = tpu.memref_slice %arg4[%add3A_175] : memref<160000xi32, #tpu.memory_space<hbm>> -> memref<16xi32, #tpu.memory_space<hbm>>
        %dma_start3A_203 = arith.constant 0 : i32
        %dma_start3A_204 = tpu.memref_slice %arg8[%dma_start3A_203] : memref<128xi32, #tpu.memory_space<vmem>> -> memref<16xi32, #tpu.memory_space<vmem>>
        %dma_start3A_205 = tpu.memref_slice %arg4[%add3A_175] : memref<160000xi32, #tpu.memory_space<hbm>> -> memref<16xi32, #tpu.memory_space<hbm>>
        tpu.enqueue_dma source(%dma_start3A_205 : memref<16xi32, #tpu.memory_space<hbm>>) target(%dma_start3A_204 : memref<16xi32, #tpu.memory_space<vmem>>) target_semaphore(%run_scoped3A : memref<!tpu.dma_semaphore, #tpu.memory_space<semaphore_mem>>)
        %dma_wait3A_206 = arith.constant 0 : i32
        %dma_wait3A_207 = tpu.memref_slice %arg8[%dma_wait3A_206] : memref<128xi32, #tpu.memory_space<vmem>> -> memref<16xi32, #tpu.memory_space<vmem>>
        %dma_wait3A_208 = tpu.memref_slice %arg4[%add3A_175] : memref<160000xi32, #tpu.memory_space<hbm>> -> memref<16xi32, #tpu.memory_space<hbm>>
        %dma_wait3A_209 = arith.constant 0 : i32
        %dma_wait3A_210 = tpu.memref_slice %arg8[%dma_wait3A_209] : memref<128xi32, #tpu.memory_space<vmem>> -> memref<16xi32, #tpu.memory_space<vmem>>
        %dma_wait3A_211 = tpu.memref_slice %arg4[%add3A_175] : memref<160000xi32, #tpu.memory_space<hbm>> -> memref<16xi32, #tpu.memory_space<hbm>>
        tpu.wait_dma2 semaphore(%run_scoped3A : memref<!tpu.dma_semaphore, #tpu.memory_space<semaphore_mem>>) src(%dma_wait3A_211 : memref<16xi32, #tpu.memory_space<hbm>>) dst(%dma_wait3A_210 : memref<16xi32, #tpu.memory_space<vmem>>)
        tpu.yield
      }) : () -> ()
      "tpu.region"() ({
        %run_scoped3A = tpu.sem_alloc : memref<!tpu.dma_semaphore, #tpu.memory_space<semaphore_mem>>
        %dma_start3A_200 = tpu.memref_slice %arg5[%add3A_175] : memref<160000xi32, #tpu.memory_space<hbm>> -> memref<16xi32, #tpu.memory_space<hbm>>
        %dma_start3A_201 = tpu.memref_slice %arg5[%add3A_175] : memref<160000xi32, #tpu.memory_space<hbm>> -> memref<16xi32, #tpu.memory_space<hbm>>
        tpu.enqueue_dma source(%dma_start3A_201 : memref<16xi32, #tpu.memory_space<hbm>>) target(%arg17 : memref<16xi32, #tpu.memory_space<vmem>>) target_semaphore(%run_scoped3A : memref<!tpu.dma_semaphore, #tpu.memory_space<semaphore_mem>>)
        %dma_wait3A_202 = tpu.memref_slice %arg5[%add3A_175] : memref<160000xi32, #tpu.memory_space<hbm>> -> memref<16xi32, #tpu.memory_space<hbm>>
        %dma_wait3A_203 = tpu.memref_slice %arg5[%add3A_175] : memref<160000xi32, #tpu.memory_space<hbm>> -> memref<16xi32, #tpu.memory_space<hbm>>
        tpu.wait_dma2 semaphore(%run_scoped3A : memref<!tpu.dma_semaphore, #tpu.memory_space<semaphore_mem>>) src(%dma_wait3A_203 : memref<16xi32, #tpu.memory_space<hbm>>) dst(%arg17 : memref<16xi32, #tpu.memory_space<vmem>>)
        tpu.yield
      }) : () -> ()
      %dma_start3A_176 = arith.constant 0 : i32
      %dma_start3A_177 = arith.constant 0 : i32
      %dma_start3A_178 = tpu.memref_slice %arg14[%dma_start3A_176, %dma_start3A_177] : memref<128x128xf32, #tpu.memory_space<vmem>> -> memref<16x128xf32, #tpu.memory_space<vmem>>
      %dma_start3A_179 = arith.constant 0 : i32
      %dma_start3A_180 = tpu.memref_slice %arg8[%dma_start3A_179] : memref<128xi32, #tpu.memory_space<vmem>> -> memref<16xi32, #tpu.memory_space<vmem>>
      %dma_start3A_181 = arith.constant 0 : i32
      %dma_start3A_182 = arith.constant 0 : i32
      %dma_start3A_183 = tpu.memref_slice %arg2[%dma_start3A_181, %dma_start3A_182] : memref<10000x128xf32, #tpu.memory_space<hbm>> -> memref<10000x128xf32, #tpu.memory_space<hbm>>
      tpu.enqueue_indirect_dma source(%dma_start3A_183 : memref<10000x128xf32, #tpu.memory_space<hbm>>) target(%dma_start3A_178 : memref<16x128xf32, #tpu.memory_space<vmem>>) offsets(%dma_start3A_180 : memref<16xi32, #tpu.memory_space<vmem>>) semaphore(%arg29 : memref<!tpu.dma_semaphore, #tpu.memory_space<semaphore_mem>>)
      %dma_wait3A_184 = arith.constant 0 : i32
      %dma_wait3A_185 = arith.constant 0 : i32
      %dma_wait3A_186 = tpu.memref_slice %arg14[%dma_wait3A_184, %dma_wait3A_185] : memref<128x128xf32, #tpu.memory_space<vmem>> -> memref<16x128xf32, #tpu.memory_space<vmem>>
      %dma_wait3A_187 = arith.constant 0 : i32
      %dma_wait3A_188 = tpu.memref_slice %arg8[%dma_wait3A_187] : memref<128xi32, #tpu.memory_space<vmem>> -> memref<16xi32, #tpu.memory_space<vmem>>
      %dma_wait3A_189 = arith.constant 0 : i32
      %dma_wait3A_190 = arith.constant 0 : i32
      %dma_wait3A_191 = tpu.memref_slice %arg2[%dma_wait3A_189, %dma_wait3A_190] : memref<10000x128xf32, #tpu.memory_space<hbm>> -> memref<10000x128xf32, #tpu.memory_space<hbm>>
      tpu.wait_indirect_dma semaphore(%arg29 : memref<!tpu.dma_semaphore, #tpu.memory_space<semaphore_mem>>) src(%dma_wait3A_191 : memref<10000x128xf32, #tpu.memory_space<hbm>>) dst(%dma_wait3A_186 : memref<16x128xf32, #tpu.memory_space<vmem>>)
      "tpu.region"() ({
        %run_scoped3A = tpu.sem_alloc : memref<!tpu.dma_semaphore, #tpu.memory_space<semaphore_mem>>
        %dma_start3A_200 = arith.constant 0 : i32
        %dma_start3A_201 = arith.constant 0 : i32
        %dma_start3A_202 = tpu.memref_slice %arg14[%dma_start3A_200, %dma_start3A_201] : memref<128x128xf32, #tpu.memory_space<vmem>> -> memref<16x128xf32, #tpu.memory_space<vmem>>
        %dma_start3A_203 = arith.constant 0 : i32
        %dma_start3A_204 = arith.constant 0 : i32
        %dma_start3A_205 = tpu.memref_slice %arg18[%dma_start3A_203, %dma_start3A_204] : memref<10000x128xf32, #tpu.memory_space<vmem_shared>> -> memref<10000x128xf32, #tpu.memory_space<vmem_shared>>
        tpu.enqueue_indirect_dma source(%dma_start3A_202 : memref<16x128xf32, #tpu.memory_space<vmem>>) target(%dma_start3A_205 : memref<10000x128xf32, #tpu.memory_space<vmem_shared>>) offsets(%arg17 : memref<16xi32, #tpu.memory_space<vmem>>) semaphore(%run_scoped3A : memref<!tpu.dma_semaphore, #tpu.memory_space<semaphore_mem>>) {add = true}
        %dma_wait3A_206 = arith.constant 0 : i32
        %dma_wait3A_207 = arith.constant 0 : i32
        %dma_wait3A_208 = tpu.memref_slice %arg14[%dma_wait3A_206, %dma_wait3A_207] : memref<128x128xf32, #tpu.memory_space<vmem>> -> memref<16x128xf32, #tpu.memory_space<vmem>>
        %dma_wait3A_209 = arith.constant 0 : i32
        %dma_wait3A_210 = arith.constant 0 : i32
        %dma_wait3A_211 = tpu.memref_slice %arg18[%dma_wait3A_209, %dma_wait3A_210] : memref<10000x128xf32, #tpu.memory_space<vmem_shared>> -> memref<10000x128xf32, #tpu.memory_space<vmem_shared>>
        tpu.wait_indirect_dma semaphore(%run_scoped3A : memref<!tpu.dma_semaphore, #tpu.memory_space<semaphore_mem>>) src(%dma_wait3A_208 : memref<16x128xf32, #tpu.memory_space<vmem>>) dst(%dma_wait3A_211 : memref<10000x128xf32, #tpu.memory_space<vmem_shared>>)
        tpu.yield
      }) : () -> ()
      %barrier3A_192 = arith.constant 0 : index
      tpu.barrier barrier_id(%barrier3A_192)
      %mul3A_193 = arith.constant 624 : i32
      %mul3A_194 = arith.muli %arg1, %mul3A_193 : i32
      "tpu.region"() ({
        %run_scoped3A = tpu.sem_alloc : memref<!tpu.dma_semaphore, #tpu.memory_space<semaphore_mem>>
        %dma_start3A_200 = arith.constant 0 : i32
        %dma_start3A_201 = tpu.memref_slice %arg6[%mul3A_194, %dma_start3A_200] : memref<10000x128xf32, #tpu.memory_space<hbm>> -> memref<624x128xf32, #tpu.memory_space<hbm>>
        %dma_start3A_202 = arith.constant 0 : i32
        %dma_start3A_203 = tpu.memref_slice %arg18[%mul3A_194, %dma_start3A_202] : memref<10000x128xf32, #tpu.memory_space<vmem_shared>> -> memref<624x128xf32, #tpu.memory_space<vmem_shared>>
        tpu.enqueue_dma source(%dma_start3A_203 : memref<624x128xf32, #tpu.memory_space<vmem_shared>>) target(%dma_start3A_201 : memref<624x128xf32, #tpu.memory_space<hbm>>) target_semaphore(%run_scoped3A : memref<!tpu.dma_semaphore, #tpu.memory_space<semaphore_mem>>)
        %dma_wait3A_204 = arith.constant 0 : i32
        %dma_wait3A_205 = tpu.memref_slice %arg6[%mul3A_194, %dma_wait3A_204] : memref<10000x128xf32, #tpu.memory_space<hbm>> -> memref<624x128xf32, #tpu.memory_space<hbm>>
        %dma_wait3A_206 = arith.constant 0 : i32
        %dma_wait3A_207 = tpu.memref_slice %arg18[%mul3A_194, %dma_wait3A_206] : memref<10000x128xf32, #tpu.memory_space<vmem_shared>> -> memref<624x128xf32, #tpu.memory_space<vmem_shared>>
        tpu.wait_dma2 semaphore(%run_scoped3A : memref<!tpu.dma_semaphore, #tpu.memory_space<semaphore_mem>>) src(%dma_wait3A_207 : memref<624x128xf32, #tpu.memory_space<vmem_shared>>) dst(%dma_wait3A_205 : memref<624x128xf32, #tpu.memory_space<hbm>>)
        tpu.yield
      }) : () -> ()
      %eq3A_195 = arith.constant 15 : i32
      %eq3A_196 = arith.cmpi eq, %arg1, %eq3A_195 : i32
      %convert_element_type3A_197 = arith.extui %eq3A_196 : i1 to i32
      %cond3A_198 = arith.constant 0 : i32
      %cond3A_199 = arith.cmpi ne, %convert_element_type3A_197, %cond3A_198 : i32
      scf.if %cond3A_199 {
        "tpu.region"() ({
          %run_scoped3A = tpu.sem_alloc : memref<!tpu.dma_semaphore, #tpu.memory_space<semaphore_mem>>
          %dma_start3A_200 = arith.constant 9984 : i32
          %dma_start3A_201 = arith.constant 0 : i32
          %dma_start3A_202 = tpu.memref_slice %arg6[%dma_start3A_200, %dma_start3A_201] : memref<10000x128xf32, #tpu.memory_space<hbm>> -> memref<16x128xf32, #tpu.memory_space<hbm>>
          %dma_start3A_203 = arith.constant 9984 : i32
          %dma_start3A_204 = arith.constant 0 : i32
          %dma_start3A_205 = tpu.memref_slice %arg18[%dma_start3A_203, %dma_start3A_204] : memref<10000x128xf32, #tpu.memory_space<vmem_shared>> -> memref<16x128xf32, #tpu.memory_space<vmem_shared>>
          tpu.enqueue_dma source(%dma_start3A_205 : memref<16x128xf32, #tpu.memory_space<vmem_shared>>) target(%dma_start3A_202 : memref<16x128xf32, #tpu.memory_space<hbm>>) target_semaphore(%run_scoped3A : memref<!tpu.dma_semaphore, #tpu.memory_space<semaphore_mem>>)
          %dma_wait3A_206 = arith.constant 9984 : i32
          %dma_wait3A_207 = arith.constant 0 : i32
          %dma_wait3A_208 = tpu.memref_slice %arg6[%dma_wait3A_206, %dma_wait3A_207] : memref<10000x128xf32, #tpu.memory_space<hbm>> -> memref<16x128xf32, #tpu.memory_space<hbm>>
          %dma_wait3A_209 = arith.constant 9984 : i32
          %dma_wait3A_210 = arith.constant 0 : i32
          %dma_wait3A_211 = tpu.memref_slice %arg18[%dma_wait3A_209, %dma_wait3A_210] : memref<10000x128xf32, #tpu.memory_space<vmem_shared>> -> memref<16x128xf32, #tpu.memory_space<vmem_shared>>
          tpu.wait_dma2 semaphore(%run_scoped3A : memref<!tpu.dma_semaphore, #tpu.memory_space<semaphore_mem>>) src(%dma_wait3A_211 : memref<16x128xf32, #tpu.memory_space<vmem_shared>>) dst(%dma_wait3A_208 : memref<16x128xf32, #tpu.memory_space<hbm>>)
          tpu.yield
        }) : () -> ()
      } else {
      }
    } else {
    }
    %eq3A_3 = arith.constant 1 : i32
    %eq3A_4 = arith.cmpi eq, %arg0, %eq3A_3 : i32
    %convert_element_type3A_5 = arith.extui %eq3A_4 : i1 to i32
    %cond3A_6 = arith.constant 0 : i32
    %cond3A_7 = arith.cmpi ne, %convert_element_type3A_5, %cond3A_6 : i32
    scf.if %cond3A_7 {
      %add3A = arith.constant 0 : i32
      %add3A_8 = arith.addi %mul3A_0, %add3A : i32
      %dma_start3A = tpu.memref_slice %arg4[%add3A_8] : memref<160000xi32, #tpu.memory_space<hbm>> -> memref<128xi32, #tpu.memory_space<hbm>>
      %dma_start3A_9 = tpu.memref_slice %arg4[%add3A_8] : memref<160000xi32, #tpu.memory_space<hbm>> -> memref<128xi32, #tpu.memory_space<hbm>>
      tpu.enqueue_dma source(%dma_start3A_9 : memref<128xi32, #tpu.memory_space<hbm>>) target(%arg8 : memref<128xi32, #tpu.memory_space<vmem>>) target_semaphore(%arg19 : memref<!tpu.dma_semaphore, #tpu.memory_space<semaphore_mem>>)
      %dma_start3A_10 = tpu.memref_slice %arg5[%add3A_8] : memref<160000xi32, #tpu.memory_space<hbm>> -> memref<128xi32, #tpu.memory_space<hbm>>
      %dma_start3A_11 = tpu.memref_slice %arg5[%add3A_8] : memref<160000xi32, #tpu.memory_space<hbm>> -> memref<128xi32, #tpu.memory_space<hbm>>
      tpu.enqueue_dma source(%dma_start3A_11 : memref<128xi32, #tpu.memory_space<hbm>>) target(%arg11 : memref<128xi32, #tpu.memory_space<vmem>>) target_semaphore(%arg22 : memref<!tpu.dma_semaphore, #tpu.memory_space<semaphore_mem>>)
      %add3A_12 = arith.constant 128 : i32
      %add3A_13 = arith.addi %mul3A_0, %add3A_12 : i32
      %dma_start3A_14 = tpu.memref_slice %arg4[%add3A_13] : memref<160000xi32, #tpu.memory_space<hbm>> -> memref<128xi32, #tpu.memory_space<hbm>>
      %dma_start3A_15 = tpu.memref_slice %arg4[%add3A_13] : memref<160000xi32, #tpu.memory_space<hbm>> -> memref<128xi32, #tpu.memory_space<hbm>>
      tpu.enqueue_dma source(%dma_start3A_15 : memref<128xi32, #tpu.memory_space<hbm>>) target(%arg9 : memref<128xi32, #tpu.memory_space<vmem>>) target_semaphore(%arg20 : memref<!tpu.dma_semaphore, #tpu.memory_space<semaphore_mem>>)
      %dma_start3A_16 = tpu.memref_slice %arg5[%add3A_13] : memref<160000xi32, #tpu.memory_space<hbm>> -> memref<128xi32, #tpu.memory_space<hbm>>
      %dma_start3A_17 = tpu.memref_slice %arg5[%add3A_13] : memref<160000xi32, #tpu.memory_space<hbm>> -> memref<128xi32, #tpu.memory_space<hbm>>
      tpu.enqueue_dma source(%dma_start3A_17 : memref<128xi32, #tpu.memory_space<hbm>>) target(%arg12 : memref<128xi32, #tpu.memory_space<vmem>>) target_semaphore(%arg23 : memref<!tpu.dma_semaphore, #tpu.memory_space<semaphore_mem>>)
      %mul3A_18 = arith.constant 624 : i32
      %mul3A_19 = arith.muli %arg1, %mul3A_18 : i32
      "tpu.region"() ({
        %run_scoped3A = tpu.sem_alloc : memref<!tpu.dma_semaphore, #tpu.memory_space<semaphore_mem>>
        %dma_start3A_200 = arith.constant 0 : i32
        %dma_start3A_201 = tpu.memref_slice %arg18[%mul3A_19, %dma_start3A_200] : memref<10000x128xf32, #tpu.memory_space<vmem_shared>> -> memref<624x128xf32, #tpu.memory_space<vmem_shared>>
        %dma_start3A_202 = arith.constant 0 : i32
        %dma_start3A_203 = tpu.memref_slice %arg3[%mul3A_19, %dma_start3A_202] : memref<10000x128xf32, #tpu.memory_space<hbm>> -> memref<624x128xf32, #tpu.memory_space<hbm>>
        tpu.enqueue_dma source(%dma_start3A_203 : memref<624x128xf32, #tpu.memory_space<hbm>>) target(%dma_start3A_201 : memref<624x128xf32, #tpu.memory_space<vmem_shared>>) target_semaphore(%run_scoped3A : memref<!tpu.dma_semaphore, #tpu.memory_space<semaphore_mem>>)
        %dma_wait3A_204 = arith.constant 0 : i32
        %dma_wait3A_205 = tpu.memref_slice %arg18[%mul3A_19, %dma_wait3A_204] : memref<10000x128xf32, #tpu.memory_space<vmem_shared>> -> memref<624x128xf32, #tpu.memory_space<vmem_shared>>
        %dma_wait3A_206 = arith.constant 0 : i32
        %dma_wait3A_207 = tpu.memref_slice %arg3[%mul3A_19, %dma_wait3A_206] : memref<10000x128xf32, #tpu.memory_space<hbm>> -> memref<624x128xf32, #tpu.memory_space<hbm>>
        tpu.wait_dma2 semaphore(%run_scoped3A : memref<!tpu.dma_semaphore, #tpu.memory_space<semaphore_mem>>) src(%dma_wait3A_207 : memref<624x128xf32, #tpu.memory_space<hbm>>) dst(%dma_wait3A_205 : memref<624x128xf32, #tpu.memory_space<vmem_shared>>)
        tpu.yield
      }) : () -> ()
      %eq3A_20 = arith.constant 15 : i32
      %eq3A_21 = arith.cmpi eq, %arg1, %eq3A_20 : i32
      %convert_element_type3A_22 = arith.extui %eq3A_21 : i1 to i32
      %cond3A_23 = arith.constant 0 : i32
      %cond3A_24 = arith.cmpi ne, %convert_element_type3A_22, %cond3A_23 : i32
      scf.if %cond3A_24 {
        "tpu.region"() ({
          %run_scoped3A = tpu.sem_alloc : memref<!tpu.dma_semaphore, #tpu.memory_space<semaphore_mem>>
          %dma_start3A_200 = arith.constant 9984 : i32
          %dma_start3A_201 = arith.constant 0 : i32
          %dma_start3A_202 = tpu.memref_slice %arg18[%dma_start3A_200, %dma_start3A_201] : memref<10000x128xf32, #tpu.memory_space<vmem_shared>> -> memref<16x128xf32, #tpu.memory_space<vmem_shared>>
          %dma_start3A_203 = arith.constant 9984 : i32
          %dma_start3A_204 = arith.constant 0 : i32
          %dma_start3A_205 = tpu.memref_slice %arg3[%dma_start3A_203, %dma_start3A_204] : memref<10000x128xf32, #tpu.memory_space<hbm>> -> memref<16x128xf32, #tpu.memory_space<hbm>>
          tpu.enqueue_dma source(%dma_start3A_205 : memref<16x128xf32, #tpu.memory_space<hbm>>) target(%dma_start3A_202 : memref<16x128xf32, #tpu.memory_space<vmem_shared>>) target_semaphore(%run_scoped3A : memref<!tpu.dma_semaphore, #tpu.memory_space<semaphore_mem>>)
          %dma_wait3A_206 = arith.constant 9984 : i32
          %dma_wait3A_207 = arith.constant 0 : i32
          %dma_wait3A_208 = tpu.memref_slice %arg18[%dma_wait3A_206, %dma_wait3A_207] : memref<10000x128xf32, #tpu.memory_space<vmem_shared>> -> memref<16x128xf32, #tpu.memory_space<vmem_shared>>
          %dma_wait3A_209 = arith.constant 9984 : i32
          %dma_wait3A_210 = arith.constant 0 : i32
          %dma_wait3A_211 = tpu.memref_slice %arg3[%dma_wait3A_209, %dma_wait3A_210] : memref<10000x128xf32, #tpu.memory_space<hbm>> -> memref<16x128xf32, #tpu.memory_space<hbm>>
          tpu.wait_dma2 semaphore(%run_scoped3A : memref<!tpu.dma_semaphore, #tpu.memory_space<semaphore_mem>>) src(%dma_wait3A_211 : memref<16x128xf32, #tpu.memory_space<hbm>>) dst(%dma_wait3A_208 : memref<16x128xf32, #tpu.memory_space<vmem_shared>>)
          tpu.yield
        }) : () -> ()
      } else {
      }
      %dma_wait3A = arith.constant 0 : i32
      %dma_wait3A_25 = tpu.memref_slice %arg4[%dma_wait3A] : memref<160000xi32, #tpu.memory_space<hbm>> -> memref<128xi32, #tpu.memory_space<hbm>>
      %dma_wait3A_26 = arith.constant 0 : i32
      %dma_wait3A_27 = tpu.memref_slice %arg4[%dma_wait3A_26] : memref<160000xi32, #tpu.memory_space<hbm>> -> memref<128xi32, #tpu.memory_space<hbm>>
      tpu.wait_dma2 semaphore(%arg19 : memref<!tpu.dma_semaphore, #tpu.memory_space<semaphore_mem>>) src(%dma_wait3A_27 : memref<128xi32, #tpu.memory_space<hbm>>) dst(%arg8 : memref<128xi32, #tpu.memory_space<vmem>>)
      %dma_start3A_28 = arith.constant 0 : i32
      %dma_start3A_29 = arith.constant 0 : i32
      %dma_start3A_30 = tpu.memref_slice %arg3[%dma_start3A_28, %dma_start3A_29] : memref<10000x128xf32, #tpu.memory_space<hbm>> -> memref<10000x128xf32, #tpu.memory_space<hbm>>
      tpu.enqueue_indirect_dma source(%dma_start3A_30 : memref<10000x128xf32, #tpu.memory_space<hbm>>) target(%arg14 : memref<128x128xf32, #tpu.memory_space<vmem>>) offsets(%arg8 : memref<128xi32, #tpu.memory_space<vmem>>) semaphore(%arg25 : memref<!tpu.dma_semaphore, #tpu.memory_space<semaphore_mem>>)
      %barrier3A = arith.constant 0 : index
      tpu.barrier barrier_id(%barrier3A)
      %add3A_31 = arith.constant 256 : i32
      %add3A_32 = arith.addi %mul3A_0, %add3A_31 : i32
      %dma_start3A_33 = tpu.memref_slice %arg4[%add3A_32] : memref<160000xi32, #tpu.memory_space<hbm>> -> memref<128xi32, #tpu.memory_space<hbm>>
      %dma_start3A_34 = tpu.memref_slice %arg4[%add3A_32] : memref<160000xi32, #tpu.memory_space<hbm>> -> memref<128xi32, #tpu.memory_space<hbm>>
      tpu.enqueue_dma source(%dma_start3A_34 : memref<128xi32, #tpu.memory_space<hbm>>) target(%arg10 : memref<128xi32, #tpu.memory_space<vmem>>) target_semaphore(%arg21 : memref<!tpu.dma_semaphore, #tpu.memory_space<semaphore_mem>>)
      %dma_start3A_35 = tpu.memref_slice %arg5[%add3A_32] : memref<160000xi32, #tpu.memory_space<hbm>> -> memref<128xi32, #tpu.memory_space<hbm>>
      %dma_start3A_36 = tpu.memref_slice %arg5[%add3A_32] : memref<160000xi32, #tpu.memory_space<hbm>> -> memref<128xi32, #tpu.memory_space<hbm>>
      tpu.enqueue_dma source(%dma_start3A_36 : memref<128xi32, #tpu.memory_space<hbm>>) target(%arg13 : memref<128xi32, #tpu.memory_space<vmem>>) target_semaphore(%arg24 : memref<!tpu.dma_semaphore, #tpu.memory_space<semaphore_mem>>)
      %dma_wait3A_37 = arith.constant 0 : i32
      %dma_wait3A_38 = arith.constant 0 : i32
      %dma_wait3A_39 = tpu.memref_slice %arg3[%dma_wait3A_37, %dma_wait3A_38] : memref<10000x128xf32, #tpu.memory_space<hbm>> -> memref<10000x128xf32, #tpu.memory_space<hbm>>
      tpu.wait_indirect_dma semaphore(%arg25 : memref<!tpu.dma_semaphore, #tpu.memory_space<semaphore_mem>>) src(%dma_wait3A_39 : memref<10000x128xf32, #tpu.memory_space<hbm>>) dst(%arg14 : memref<128x128xf32, #tpu.memory_space<vmem>>)
      %dma_wait3A_40 = arith.constant 0 : i32
      %dma_wait3A_41 = tpu.memref_slice %arg5[%dma_wait3A_40] : memref<160000xi32, #tpu.memory_space<hbm>> -> memref<128xi32, #tpu.memory_space<hbm>>
      %dma_wait3A_42 = arith.constant 0 : i32
      %dma_wait3A_43 = tpu.memref_slice %arg5[%dma_wait3A_42] : memref<160000xi32, #tpu.memory_space<hbm>> -> memref<128xi32, #tpu.memory_space<hbm>>
      tpu.wait_dma2 semaphore(%arg22 : memref<!tpu.dma_semaphore, #tpu.memory_space<semaphore_mem>>) src(%dma_wait3A_43 : memref<128xi32, #tpu.memory_space<hbm>>) dst(%arg11 : memref<128xi32, #tpu.memory_space<vmem>>)
      %dma_start3A_44 = arith.constant 0 : i32
      %dma_start3A_45 = arith.constant 0 : i32
      %dma_start3A_46 = tpu.memref_slice %arg18[%dma_start3A_44, %dma_start3A_45] : memref<10000x128xf32, #tpu.memory_space<vmem_shared>> -> memref<10000x128xf32, #tpu.memory_space<vmem_shared>>
      tpu.enqueue_indirect_dma source(%arg14 : memref<128x128xf32, #tpu.memory_space<vmem>>) target(%dma_start3A_46 : memref<10000x128xf32, #tpu.memory_space<vmem_shared>>) offsets(%arg11 : memref<128xi32, #tpu.memory_space<vmem>>) semaphore(%arg28 : memref<!tpu.dma_semaphore, #tpu.memory_space<semaphore_mem>>) {add = true}
      %dma_wait3A_47 = arith.constant 0 : i32
      %dma_wait3A_48 = tpu.memref_slice %arg4[%dma_wait3A_47] : memref<160000xi32, #tpu.memory_space<hbm>> -> memref<128xi32, #tpu.memory_space<hbm>>
      %dma_wait3A_49 = arith.constant 0 : i32
      %dma_wait3A_50 = tpu.memref_slice %arg4[%dma_wait3A_49] : memref<160000xi32, #tpu.memory_space<hbm>> -> memref<128xi32, #tpu.memory_space<hbm>>
      tpu.wait_dma2 semaphore(%arg20 : memref<!tpu.dma_semaphore, #tpu.memory_space<semaphore_mem>>) src(%dma_wait3A_50 : memref<128xi32, #tpu.memory_space<hbm>>) dst(%arg9 : memref<128xi32, #tpu.memory_space<vmem>>)
      %dma_start3A_51 = arith.constant 0 : i32
      %dma_start3A_52 = arith.constant 0 : i32
      %dma_start3A_53 = tpu.memref_slice %arg3[%dma_start3A_51, %dma_start3A_52] : memref<10000x128xf32, #tpu.memory_space<hbm>> -> memref<10000x128xf32, #tpu.memory_space<hbm>>
      tpu.enqueue_indirect_dma source(%dma_start3A_53 : memref<10000x128xf32, #tpu.memory_space<hbm>>) target(%arg15 : memref<128x128xf32, #tpu.memory_space<vmem>>) offsets(%arg9 : memref<128xi32, #tpu.memory_space<vmem>>) semaphore(%arg26 : memref<!tpu.dma_semaphore, #tpu.memory_space<semaphore_mem>>)
      %dma_wait3A_54 = arith.constant 0 : i32
      %dma_wait3A_55 = arith.constant 0 : i32
      %dma_wait3A_56 = tpu.memref_slice %arg18[%dma_wait3A_54, %dma_wait3A_55] : memref<10000x128xf32, #tpu.memory_space<vmem_shared>> -> memref<10000x128xf32, #tpu.memory_space<vmem_shared>>
      tpu.wait_indirect_dma semaphore(%arg28 : memref<!tpu.dma_semaphore, #tpu.memory_space<semaphore_mem>>) src(%arg14 : memref<128x128xf32, #tpu.memory_space<vmem>>) dst(%dma_wait3A_56 : memref<10000x128xf32, #tpu.memory_space<vmem_shared>>)
      %add3A_57 = arith.constant 384 : i32
      %add3A_58 = arith.addi %mul3A_0, %add3A_57 : i32
      %dma_start3A_59 = tpu.memref_slice %arg4[%add3A_58] : memref<160000xi32, #tpu.memory_space<hbm>> -> memref<128xi32, #tpu.memory_space<hbm>>
      %dma_start3A_60 = tpu.memref_slice %arg4[%add3A_58] : memref<160000xi32, #tpu.memory_space<hbm>> -> memref<128xi32, #tpu.memory_space<hbm>>
      tpu.enqueue_dma source(%dma_start3A_60 : memref<128xi32, #tpu.memory_space<hbm>>) target(%arg8 : memref<128xi32, #tpu.memory_space<vmem>>) target_semaphore(%arg19 : memref<!tpu.dma_semaphore, #tpu.memory_space<semaphore_mem>>)
      %dma_start3A_61 = tpu.memref_slice %arg5[%add3A_58] : memref<160000xi32, #tpu.memory_space<hbm>> -> memref<128xi32, #tpu.memory_space<hbm>>
      %dma_start3A_62 = tpu.memref_slice %arg5[%add3A_58] : memref<160000xi32, #tpu.memory_space<hbm>> -> memref<128xi32, #tpu.memory_space<hbm>>
      tpu.enqueue_dma source(%dma_start3A_62 : memref<128xi32, #tpu.memory_space<hbm>>) target(%arg11 : memref<128xi32, #tpu.memory_space<vmem>>) target_semaphore(%arg22 : memref<!tpu.dma_semaphore, #tpu.memory_space<semaphore_mem>>)
      %dma_wait3A_63 = arith.constant 0 : i32
      %dma_wait3A_64 = arith.constant 0 : i32
      %dma_wait3A_65 = tpu.memref_slice %arg3[%dma_wait3A_63, %dma_wait3A_64] : memref<10000x128xf32, #tpu.memory_space<hbm>> -> memref<10000x128xf32, #tpu.memory_space<hbm>>
      tpu.wait_indirect_dma semaphore(%arg26 : memref<!tpu.dma_semaphore, #tpu.memory_space<semaphore_mem>>) src(%dma_wait3A_65 : memref<10000x128xf32, #tpu.memory_space<hbm>>) dst(%arg15 : memref<128x128xf32, #tpu.memory_space<vmem>>)
      %dma_wait3A_66 = arith.constant 0 : i32
      %dma_wait3A_67 = tpu.memref_slice %arg5[%dma_wait3A_66] : memref<160000xi32, #tpu.memory_space<hbm>> -> memref<128xi32, #tpu.memory_space<hbm>>
      %dma_wait3A_68 = arith.constant 0 : i32
      %dma_wait3A_69 = tpu.memref_slice %arg5[%dma_wait3A_68] : memref<160000xi32, #tpu.memory_space<hbm>> -> memref<128xi32, #tpu.memory_space<hbm>>
      tpu.wait_dma2 semaphore(%arg23 : memref<!tpu.dma_semaphore, #tpu.memory_space<semaphore_mem>>) src(%dma_wait3A_69 : memref<128xi32, #tpu.memory_space<hbm>>) dst(%arg12 : memref<128xi32, #tpu.memory_space<vmem>>)
      %dma_start3A_70 = arith.constant 0 : i32
      %dma_start3A_71 = arith.constant 0 : i32
      %dma_start3A_72 = tpu.memref_slice %arg18[%dma_start3A_70, %dma_start3A_71] : memref<10000x128xf32, #tpu.memory_space<vmem_shared>> -> memref<10000x128xf32, #tpu.memory_space<vmem_shared>>
      tpu.enqueue_indirect_dma source(%arg15 : memref<128x128xf32, #tpu.memory_space<vmem>>) target(%dma_start3A_72 : memref<10000x128xf32, #tpu.memory_space<vmem_shared>>) offsets(%arg12 : memref<128xi32, #tpu.memory_space<vmem>>) semaphore(%arg28 : memref<!tpu.dma_semaphore, #tpu.memory_space<semaphore_mem>>) {add = true}
      %dma_wait3A_73 = arith.constant 0 : i32
      %dma_wait3A_74 = tpu.memref_slice %arg4[%dma_wait3A_73] : memref<160000xi32, #tpu.memory_space<hbm>> -> memref<128xi32, #tpu.memory_space<hbm>>
      %dma_wait3A_75 = arith.constant 0 : i32
      %dma_wait3A_76 = tpu.memref_slice %arg4[%dma_wait3A_75] : memref<160000xi32, #tpu.memory_space<hbm>> -> memref<128xi32, #tpu.memory_space<hbm>>
      tpu.wait_dma2 semaphore(%arg21 : memref<!tpu.dma_semaphore, #tpu.memory_space<semaphore_mem>>) src(%dma_wait3A_76 : memref<128xi32, #tpu.memory_space<hbm>>) dst(%arg10 : memref<128xi32, #tpu.memory_space<vmem>>)
      %dma_start3A_77 = arith.constant 0 : i32
      %dma_start3A_78 = arith.constant 0 : i32
      %dma_start3A_79 = tpu.memref_slice %arg3[%dma_start3A_77, %dma_start3A_78] : memref<10000x128xf32, #tpu.memory_space<hbm>> -> memref<10000x128xf32, #tpu.memory_space<hbm>>
      tpu.enqueue_indirect_dma source(%dma_start3A_79 : memref<10000x128xf32, #tpu.memory_space<hbm>>) target(%arg16 : memref<128x128xf32, #tpu.memory_space<vmem>>) offsets(%arg10 : memref<128xi32, #tpu.memory_space<vmem>>) semaphore(%arg27 : memref<!tpu.dma_semaphore, #tpu.memory_space<semaphore_mem>>)
      %scan3A = arith.constant 0 : i32
      %scan3A_80 = arith.constant 0 : i32
      %scan3A_81 = arith.constant 24 : i32
      %scan3A_82 = arith.addi %scan3A_80, %scan3A_81 : i32
      %scan3A_83 = arith.constant 1 : i32
      %scan3A_84 = scf.for %scan3A_200 = %scan3A_80 to %scan3A_82 step %scan3A_83 iter_args(%scan3A_201 = %scan3A) -> (i32)  : i32 {
        %mul3A_202 = arith.constant 3 : i32
        %mul3A_203 = arith.muli %scan3A_200, %mul3A_202 : i32
        %add3A_204 = arith.constant 2 : i32
        %add3A_205 = arith.addi %add3A_204, %mul3A_203 : i32
        %add3A_206 = arith.constant 0 : i32
        %add3A_207 = arith.addi %add3A_205, %add3A_206 : i32
        %dma_wait3A_208 = arith.constant 0 : i32
        %dma_wait3A_209 = arith.constant 0 : i32
        %dma_wait3A_210 = tpu.memref_slice %arg18[%dma_wait3A_208, %dma_wait3A_209] : memref<10000x128xf32, #tpu.memory_space<vmem_shared>> -> memref<10000x128xf32, #tpu.memory_space<vmem_shared>>
        tpu.wait_indirect_dma semaphore(%arg28 : memref<!tpu.dma_semaphore, #tpu.memory_space<semaphore_mem>>) src(%arg15 : memref<128x128xf32, #tpu.memory_space<vmem>>) dst(%dma_wait3A_210 : memref<10000x128xf32, #tpu.memory_space<vmem_shared>>)
        %add3A_211 = arith.constant 2 : i32
        %add3A_212 = arith.addi %add3A_207, %add3A_211 : i32
        %mul3A_213 = arith.constant 128 : i32
        %mul3A_214 = arith.muli %add3A_212, %mul3A_213 : i32
        %add3A_215 = arith.addi %mul3A_0, %mul3A_214 : i32
        %dma_start3A_216 = tpu.memref_slice %arg4[%add3A_215] : memref<160000xi32, #tpu.memory_space<hbm>> -> memref<128xi32, #tpu.memory_space<hbm>>
        %dma_start3A_217 = tpu.memref_slice %arg4[%add3A_215] : memref<160000xi32, #tpu.memory_space<hbm>> -> memref<128xi32, #tpu.memory_space<hbm>>
        tpu.enqueue_dma source(%dma_start3A_217 : memref<128xi32, #tpu.memory_space<hbm>>) target(%arg9 : memref<128xi32, #tpu.memory_space<vmem>>) target_semaphore(%arg20 : memref<!tpu.dma_semaphore, #tpu.memory_space<semaphore_mem>>)
        %dma_start3A_218 = tpu.memref_slice %arg5[%add3A_215] : memref<160000xi32, #tpu.memory_space<hbm>> -> memref<128xi32, #tpu.memory_space<hbm>>
        %dma_start3A_219 = tpu.memref_slice %arg5[%add3A_215] : memref<160000xi32, #tpu.memory_space<hbm>> -> memref<128xi32, #tpu.memory_space<hbm>>
        tpu.enqueue_dma source(%dma_start3A_219 : memref<128xi32, #tpu.memory_space<hbm>>) target(%arg12 : memref<128xi32, #tpu.memory_space<vmem>>) target_semaphore(%arg23 : memref<!tpu.dma_semaphore, #tpu.memory_space<semaphore_mem>>)
        %dma_wait3A_220 = arith.constant 0 : i32
        %dma_wait3A_221 = arith.constant 0 : i32
        %dma_wait3A_222 = tpu.memref_slice %arg3[%dma_wait3A_220, %dma_wait3A_221] : memref<10000x128xf32, #tpu.memory_space<hbm>> -> memref<10000x128xf32, #tpu.memory_space<hbm>>
        tpu.wait_indirect_dma semaphore(%arg27 : memref<!tpu.dma_semaphore, #tpu.memory_space<semaphore_mem>>) src(%dma_wait3A_222 : memref<10000x128xf32, #tpu.memory_space<hbm>>) dst(%arg16 : memref<128x128xf32, #tpu.memory_space<vmem>>)
        %dma_wait3A_223 = arith.constant 0 : i32
        %dma_wait3A_224 = tpu.memref_slice %arg5[%dma_wait3A_223] : memref<160000xi32, #tpu.memory_space<hbm>> -> memref<128xi32, #tpu.memory_space<hbm>>
        %dma_wait3A_225 = arith.constant 0 : i32
        %dma_wait3A_226 = tpu.memref_slice %arg5[%dma_wait3A_225] : memref<160000xi32, #tpu.memory_space<hbm>> -> memref<128xi32, #tpu.memory_space<hbm>>
        tpu.wait_dma2 semaphore(%arg24 : memref<!tpu.dma_semaphore, #tpu.memory_space<semaphore_mem>>) src(%dma_wait3A_226 : memref<128xi32, #tpu.memory_space<hbm>>) dst(%arg13 : memref<128xi32, #tpu.memory_space<vmem>>)
        %dma_start3A_227 = arith.constant 0 : i32
        %dma_start3A_228 = arith.constant 0 : i32
        %dma_start3A_229 = tpu.memref_slice %arg18[%dma_start3A_227, %dma_start3A_228] : memref<10000x128xf32, #tpu.memory_space<vmem_shared>> -> memref<10000x128xf32, #tpu.memory_space<vmem_shared>>
        tpu.enqueue_indirect_dma source(%arg16 : memref<128x128xf32, #tpu.memory_space<vmem>>) target(%dma_start3A_229 : memref<10000x128xf32, #tpu.memory_space<vmem_shared>>) offsets(%arg13 : memref<128xi32, #tpu.memory_space<vmem>>) semaphore(%arg28 : memref<!tpu.dma_semaphore, #tpu.memory_space<semaphore_mem>>) {add = true}
        %dma_wait3A_230 = arith.constant 0 : i32
        %dma_wait3A_231 = tpu.memref_slice %arg4[%dma_wait3A_230] : memref<160000xi32, #tpu.memory_space<hbm>> -> memref<128xi32, #tpu.memory_space<hbm>>
        %dma_wait3A_232 = arith.constant 0 : i32
        %dma_wait3A_233 = tpu.memref_slice %arg4[%dma_wait3A_232] : memref<160000xi32, #tpu.memory_space<hbm>> -> memref<128xi32, #tpu.memory_space<hbm>>
        tpu.wait_dma2 semaphore(%arg19 : memref<!tpu.dma_semaphore, #tpu.memory_space<semaphore_mem>>) src(%dma_wait3A_233 : memref<128xi32, #tpu.memory_space<hbm>>) dst(%arg8 : memref<128xi32, #tpu.memory_space<vmem>>)
        %add3A_234 = arith.constant 1 : i32
        %add3A_235 = arith.addi %add3A_207, %add3A_234 : i32
        %dma_start3A_236 = arith.constant 0 : i32
        %dma_start3A_237 = arith.constant 0 : i32
        %dma_start3A_238 = tpu.memref_slice %arg3[%dma_start3A_236, %dma_start3A_237] : memref<10000x128xf32, #tpu.memory_space<hbm>> -> memref<10000x128xf32, #tpu.memory_space<hbm>>
        tpu.enqueue_indirect_dma source(%dma_start3A_238 : memref<10000x128xf32, #tpu.memory_space<hbm>>) target(%arg14 : memref<128x128xf32, #tpu.memory_space<vmem>>) offsets(%arg8 : memref<128xi32, #tpu.memory_space<vmem>>) semaphore(%arg25 : memref<!tpu.dma_semaphore, #tpu.memory_space<semaphore_mem>>)
        %add3A_239 = arith.constant 1 : i32
        %add3A_240 = arith.addi %add3A_205, %add3A_239 : i32
        %dma_wait3A_241 = arith.constant 0 : i32
        %dma_wait3A_242 = arith.constant 0 : i32
        %dma_wait3A_243 = tpu.memref_slice %arg18[%dma_wait3A_241, %dma_wait3A_242] : memref<10000x128xf32, #tpu.memory_space<vmem_shared>> -> memref<10000x128xf32, #tpu.memory_space<vmem_shared>>
        tpu.wait_indirect_dma semaphore(%arg28 : memref<!tpu.dma_semaphore, #tpu.memory_space<semaphore_mem>>) src(%arg16 : memref<128x128xf32, #tpu.memory_space<vmem>>) dst(%dma_wait3A_243 : memref<10000x128xf32, #tpu.memory_space<vmem_shared>>)
        %add3A_244 = arith.constant 2 : i32
        %add3A_245 = arith.addi %add3A_240, %add3A_244 : i32
        %mul3A_246 = arith.constant 128 : i32
        %mul3A_247 = arith.muli %add3A_245, %mul3A_246 : i32
        %add3A_248 = arith.addi %mul3A_0, %mul3A_247 : i32
        %dma_start3A_249 = tpu.memref_slice %arg4[%add3A_248] : memref<160000xi32, #tpu.memory_space<hbm>> -> memref<128xi32, #tpu.memory_space<hbm>>
        %dma_start3A_250 = tpu.memref_slice %arg4[%add3A_248] : memref<160000xi32, #tpu.memory_space<hbm>> -> memref<128xi32, #tpu.memory_space<hbm>>
        tpu.enqueue_dma source(%dma_start3A_250 : memref<128xi32, #tpu.memory_space<hbm>>) target(%arg10 : memref<128xi32, #tpu.memory_space<vmem>>) target_semaphore(%arg21 : memref<!tpu.dma_semaphore, #tpu.memory_space<semaphore_mem>>)
        %dma_start3A_251 = tpu.memref_slice %arg5[%add3A_248] : memref<160000xi32, #tpu.memory_space<hbm>> -> memref<128xi32, #tpu.memory_space<hbm>>
        %dma_start3A_252 = tpu.memref_slice %arg5[%add3A_248] : memref<160000xi32, #tpu.memory_space<hbm>> -> memref<128xi32, #tpu.memory_space<hbm>>
        tpu.enqueue_dma source(%dma_start3A_252 : memref<128xi32, #tpu.memory_space<hbm>>) target(%arg13 : memref<128xi32, #tpu.memory_space<vmem>>) target_semaphore(%arg24 : memref<!tpu.dma_semaphore, #tpu.memory_space<semaphore_mem>>)
        %dma_wait3A_253 = arith.constant 0 : i32
        %dma_wait3A_254 = arith.constant 0 : i32
        %dma_wait3A_255 = tpu.memref_slice %arg3[%dma_wait3A_253, %dma_wait3A_254] : memref<10000x128xf32, #tpu.memory_space<hbm>> -> memref<10000x128xf32, #tpu.memory_space<hbm>>
        tpu.wait_indirect_dma semaphore(%arg25 : memref<!tpu.dma_semaphore, #tpu.memory_space<semaphore_mem>>) src(%dma_wait3A_255 : memref<10000x128xf32, #tpu.memory_space<hbm>>) dst(%arg14 : memref<128x128xf32, #tpu.memory_space<vmem>>)
        %dma_wait3A_256 = arith.constant 0 : i32
        %dma_wait3A_257 = tpu.memref_slice %arg5[%dma_wait3A_256] : memref<160000xi32, #tpu.memory_space<hbm>> -> memref<128xi32, #tpu.memory_space<hbm>>
        %dma_wait3A_258 = arith.constant 0 : i32
        %dma_wait3A_259 = tpu.memref_slice %arg5[%dma_wait3A_258] : memref<160000xi32, #tpu.memory_space<hbm>> -> memref<128xi32, #tpu.memory_space<hbm>>
        tpu.wait_dma2 semaphore(%arg22 : memref<!tpu.dma_semaphore, #tpu.memory_space<semaphore_mem>>) src(%dma_wait3A_259 : memref<128xi32, #tpu.memory_space<hbm>>) dst(%arg11 : memref<128xi32, #tpu.memory_space<vmem>>)
        %dma_start3A_260 = arith.constant 0 : i32
        %dma_start3A_261 = arith.constant 0 : i32
        %dma_start3A_262 = tpu.memref_slice %arg18[%dma_start3A_260, %dma_start3A_261] : memref<10000x128xf32, #tpu.memory_space<vmem_shared>> -> memref<10000x128xf32, #tpu.memory_space<vmem_shared>>
        tpu.enqueue_indirect_dma source(%arg14 : memref<128x128xf32, #tpu.memory_space<vmem>>) target(%dma_start3A_262 : memref<10000x128xf32, #tpu.memory_space<vmem_shared>>) offsets(%arg11 : memref<128xi32, #tpu.memory_space<vmem>>) semaphore(%arg28 : memref<!tpu.dma_semaphore, #tpu.memory_space<semaphore_mem>>) {add = true}
        %dma_wait3A_263 = arith.constant 0 : i32
        %dma_wait3A_264 = tpu.memref_slice %arg4[%dma_wait3A_263] : memref<160000xi32, #tpu.memory_space<hbm>> -> memref<128xi32, #tpu.memory_space<hbm>>
        %dma_wait3A_265 = arith.constant 0 : i32
        %dma_wait3A_266 = tpu.memref_slice %arg4[%dma_wait3A_265] : memref<160000xi32, #tpu.memory_space<hbm>> -> memref<128xi32, #tpu.memory_space<hbm>>
        tpu.wait_dma2 semaphore(%arg20 : memref<!tpu.dma_semaphore, #tpu.memory_space<semaphore_mem>>) src(%dma_wait3A_266 : memref<128xi32, #tpu.memory_space<hbm>>) dst(%arg9 : memref<128xi32, #tpu.memory_space<vmem>>)
        %add3A_267 = arith.constant 1 : i32
        %add3A_268 = arith.addi %add3A_240, %add3A_267 : i32
        %dma_start3A_269 = arith.constant 0 : i32
        %dma_start3A_270 = arith.constant 0 : i32
        %dma_start3A_271 = tpu.memref_slice %arg3[%dma_start3A_269, %dma_start3A_270] : memref<10000x128xf32, #tpu.memory_space<hbm>> -> memref<10000x128xf32, #tpu.memory_space<hbm>>
        tpu.enqueue_indirect_dma source(%dma_start3A_271 : memref<10000x128xf32, #tpu.memory_space<hbm>>) target(%arg15 : memref<128x128xf32, #tpu.memory_space<vmem>>) offsets(%arg9 : memref<128xi32, #tpu.memory_space<vmem>>) semaphore(%arg26 : memref<!tpu.dma_semaphore, #tpu.memory_space<semaphore_mem>>)
        %add3A_272 = arith.constant 2 : i32
        %add3A_273 = arith.addi %add3A_205, %add3A_272 : i32
        %dma_wait3A_274 = arith.constant 0 : i32
        %dma_wait3A_275 = arith.constant 0 : i32
        %dma_wait3A_276 = tpu.memref_slice %arg18[%dma_wait3A_274, %dma_wait3A_275] : memref<10000x128xf32, #tpu.memory_space<vmem_shared>> -> memref<10000x128xf32, #tpu.memory_space<vmem_shared>>
        tpu.wait_indirect_dma semaphore(%arg28 : memref<!tpu.dma_semaphore, #tpu.memory_space<semaphore_mem>>) src(%arg14 : memref<128x128xf32, #tpu.memory_space<vmem>>) dst(%dma_wait3A_276 : memref<10000x128xf32, #tpu.memory_space<vmem_shared>>)
        %add3A_277 = arith.constant 2 : i32
        %add3A_278 = arith.addi %add3A_273, %add3A_277 : i32
        %mul3A_279 = arith.constant 128 : i32
        %mul3A_280 = arith.muli %add3A_278, %mul3A_279 : i32
        %add3A_281 = arith.addi %mul3A_0, %mul3A_280 : i32
        %dma_start3A_282 = tpu.memref_slice %arg4[%add3A_281] : memref<160000xi32, #tpu.memory_space<hbm>> -> memref<128xi32, #tpu.memory_space<hbm>>
        %dma_start3A_283 = tpu.memref_slice %arg4[%add3A_281] : memref<160000xi32, #tpu.memory_space<hbm>> -> memref<128xi32, #tpu.memory_space<hbm>>
        tpu.enqueue_dma source(%dma_start3A_283 : memref<128xi32, #tpu.memory_space<hbm>>) target(%arg8 : memref<128xi32, #tpu.memory_space<vmem>>) target_semaphore(%arg19 : memref<!tpu.dma_semaphore, #tpu.memory_space<semaphore_mem>>)
        %dma_start3A_284 = tpu.memref_slice %arg5[%add3A_281] : memref<160000xi32, #tpu.memory_space<hbm>> -> memref<128xi32, #tpu.memory_space<hbm>>
        %dma_start3A_285 = tpu.memref_slice %arg5[%add3A_281] : memref<160000xi32, #tpu.memory_space<hbm>> -> memref<128xi32, #tpu.memory_space<hbm>>
        tpu.enqueue_dma source(%dma_start3A_285 : memref<128xi32, #tpu.memory_space<hbm>>) target(%arg11 : memref<128xi32, #tpu.memory_space<vmem>>) target_semaphore(%arg22 : memref<!tpu.dma_semaphore, #tpu.memory_space<semaphore_mem>>)
        %dma_wait3A_286 = arith.constant 0 : i32
        %dma_wait3A_287 = arith.constant 0 : i32
        %dma_wait3A_288 = tpu.memref_slice %arg3[%dma_wait3A_286, %dma_wait3A_287] : memref<10000x128xf32, #tpu.memory_space<hbm>> -> memref<10000x128xf32, #tpu.memory_space<hbm>>
        tpu.wait_indirect_dma semaphore(%arg26 : memref<!tpu.dma_semaphore, #tpu.memory_space<semaphore_mem>>) src(%dma_wait3A_288 : memref<10000x128xf32, #tpu.memory_space<hbm>>) dst(%arg15 : memref<128x128xf32, #tpu.memory_space<vmem>>)
        %dma_wait3A_289 = arith.constant 0 : i32
        %dma_wait3A_290 = tpu.memref_slice %arg5[%dma_wait3A_289] : memref<160000xi32, #tpu.memory_space<hbm>> -> memref<128xi32, #tpu.memory_space<hbm>>
        %dma_wait3A_291 = arith.constant 0 : i32
        %dma_wait3A_292 = tpu.memref_slice %arg5[%dma_wait3A_291] : memref<160000xi32, #tpu.memory_space<hbm>> -> memref<128xi32, #tpu.memory_space<hbm>>
        tpu.wait_dma2 semaphore(%arg23 : memref<!tpu.dma_semaphore, #tpu.memory_space<semaphore_mem>>) src(%dma_wait3A_292 : memref<128xi32, #tpu.memory_space<hbm>>) dst(%arg12 : memref<128xi32, #tpu.memory_space<vmem>>)
        %dma_start3A_293 = arith.constant 0 : i32
        %dma_start3A_294 = arith.constant 0 : i32
        %dma_start3A_295 = tpu.memref_slice %arg18[%dma_start3A_293, %dma_start3A_294] : memref<10000x128xf32, #tpu.memory_space<vmem_shared>> -> memref<10000x128xf32, #tpu.memory_space<vmem_shared>>
        tpu.enqueue_indirect_dma source(%arg15 : memref<128x128xf32, #tpu.memory_space<vmem>>) target(%dma_start3A_295 : memref<10000x128xf32, #tpu.memory_space<vmem_shared>>) offsets(%arg12 : memref<128xi32, #tpu.memory_space<vmem>>) semaphore(%arg28 : memref<!tpu.dma_semaphore, #tpu.memory_space<semaphore_mem>>) {add = true}
        %dma_wait3A_296 = arith.constant 0 : i32
        %dma_wait3A_297 = tpu.memref_slice %arg4[%dma_wait3A_296] : memref<160000xi32, #tpu.memory_space<hbm>> -> memref<128xi32, #tpu.memory_space<hbm>>
        %dma_wait3A_298 = arith.constant 0 : i32
        %dma_wait3A_299 = tpu.memref_slice %arg4[%dma_wait3A_298] : memref<160000xi32, #tpu.memory_space<hbm>> -> memref<128xi32, #tpu.memory_space<hbm>>
        tpu.wait_dma2 semaphore(%arg21 : memref<!tpu.dma_semaphore, #tpu.memory_space<semaphore_mem>>) src(%dma_wait3A_299 : memref<128xi32, #tpu.memory_space<hbm>>) dst(%arg10 : memref<128xi32, #tpu.memory_space<vmem>>)
        %add3A_300 = arith.constant 1 : i32
        %add3A_301 = arith.addi %add3A_273, %add3A_300 : i32
        %dma_start3A_302 = arith.constant 0 : i32
        %dma_start3A_303 = arith.constant 0 : i32
        %dma_start3A_304 = tpu.memref_slice %arg3[%dma_start3A_302, %dma_start3A_303] : memref<10000x128xf32, #tpu.memory_space<hbm>> -> memref<10000x128xf32, #tpu.memory_space<hbm>>
        tpu.enqueue_indirect_dma source(%dma_start3A_304 : memref<10000x128xf32, #tpu.memory_space<hbm>>) target(%arg16 : memref<128x128xf32, #tpu.memory_space<vmem>>) offsets(%arg10 : memref<128xi32, #tpu.memory_space<vmem>>) semaphore(%arg27 : memref<!tpu.dma_semaphore, #tpu.memory_space<semaphore_mem>>)
        %scan3A_305 = arith.constant 0 : i32
        scf.yield %scan3A_305 : i32
      }
      %scan3A_85 = arith.constant 24 : i32
      %dma_wait3A_86 = arith.constant 0 : i32
      %dma_wait3A_87 = arith.constant 0 : i32
      %dma_wait3A_88 = tpu.memref_slice %arg18[%dma_wait3A_86, %dma_wait3A_87] : memref<10000x128xf32, #tpu.memory_space<vmem_shared>> -> memref<10000x128xf32, #tpu.memory_space<vmem_shared>>
      tpu.wait_indirect_dma semaphore(%arg28 : memref<!tpu.dma_semaphore, #tpu.memory_space<semaphore_mem>>) src(%arg15 : memref<128x128xf32, #tpu.memory_space<vmem>>) dst(%dma_wait3A_88 : memref<10000x128xf32, #tpu.memory_space<vmem_shared>>)
      %add3A_89 = arith.constant 9728 : i32
      %add3A_90 = arith.addi %mul3A_0, %add3A_89 : i32
      %dma_start3A_91 = tpu.memref_slice %arg4[%add3A_90] : memref<160000xi32, #tpu.memory_space<hbm>> -> memref<128xi32, #tpu.memory_space<hbm>>
      %dma_start3A_92 = tpu.memref_slice %arg4[%add3A_90] : memref<160000xi32, #tpu.memory_space<hbm>> -> memref<128xi32, #tpu.memory_space<hbm>>
      tpu.enqueue_dma source(%dma_start3A_92 : memref<128xi32, #tpu.memory_space<hbm>>) target(%arg9 : memref<128xi32, #tpu.memory_space<vmem>>) target_semaphore(%arg20 : memref<!tpu.dma_semaphore, #tpu.memory_space<semaphore_mem>>)
      %dma_start3A_93 = tpu.memref_slice %arg5[%add3A_90] : memref<160000xi32, #tpu.memory_space<hbm>> -> memref<128xi32, #tpu.memory_space<hbm>>
      %dma_start3A_94 = tpu.memref_slice %arg5[%add3A_90] : memref<160000xi32, #tpu.memory_space<hbm>> -> memref<128xi32, #tpu.memory_space<hbm>>
      tpu.enqueue_dma source(%dma_start3A_94 : memref<128xi32, #tpu.memory_space<hbm>>) target(%arg12 : memref<128xi32, #tpu.memory_space<vmem>>) target_semaphore(%arg23 : memref<!tpu.dma_semaphore, #tpu.memory_space<semaphore_mem>>)
      %dma_wait3A_95 = arith.constant 0 : i32
      %dma_wait3A_96 = arith.constant 0 : i32
      %dma_wait3A_97 = tpu.memref_slice %arg3[%dma_wait3A_95, %dma_wait3A_96] : memref<10000x128xf32, #tpu.memory_space<hbm>> -> memref<10000x128xf32, #tpu.memory_space<hbm>>
      tpu.wait_indirect_dma semaphore(%arg27 : memref<!tpu.dma_semaphore, #tpu.memory_space<semaphore_mem>>) src(%dma_wait3A_97 : memref<10000x128xf32, #tpu.memory_space<hbm>>) dst(%arg16 : memref<128x128xf32, #tpu.memory_space<vmem>>)
      %dma_wait3A_98 = arith.constant 0 : i32
      %dma_wait3A_99 = tpu.memref_slice %arg5[%dma_wait3A_98] : memref<160000xi32, #tpu.memory_space<hbm>> -> memref<128xi32, #tpu.memory_space<hbm>>
      %dma_wait3A_100 = arith.constant 0 : i32
      %dma_wait3A_101 = tpu.memref_slice %arg5[%dma_wait3A_100] : memref<160000xi32, #tpu.memory_space<hbm>> -> memref<128xi32, #tpu.memory_space<hbm>>
      tpu.wait_dma2 semaphore(%arg24 : memref<!tpu.dma_semaphore, #tpu.memory_space<semaphore_mem>>) src(%dma_wait3A_101 : memref<128xi32, #tpu.memory_space<hbm>>) dst(%arg13 : memref<128xi32, #tpu.memory_space<vmem>>)
      %dma_start3A_102 = arith.constant 0 : i32
      %dma_start3A_103 = arith.constant 0 : i32
      %dma_start3A_104 = tpu.memref_slice %arg18[%dma_start3A_102, %dma_start3A_103] : memref<10000x128xf32, #tpu.memory_space<vmem_shared>> -> memref<10000x128xf32, #tpu.memory_space<vmem_shared>>
      tpu.enqueue_indirect_dma source(%arg16 : memref<128x128xf32, #tpu.memory_space<vmem>>) target(%dma_start3A_104 : memref<10000x128xf32, #tpu.memory_space<vmem_shared>>) offsets(%arg13 : memref<128xi32, #tpu.memory_space<vmem>>) semaphore(%arg28 : memref<!tpu.dma_semaphore, #tpu.memory_space<semaphore_mem>>) {add = true}
      %dma_wait3A_105 = arith.constant 0 : i32
      %dma_wait3A_106 = tpu.memref_slice %arg4[%dma_wait3A_105] : memref<160000xi32, #tpu.memory_space<hbm>> -> memref<128xi32, #tpu.memory_space<hbm>>
      %dma_wait3A_107 = arith.constant 0 : i32
      %dma_wait3A_108 = tpu.memref_slice %arg4[%dma_wait3A_107] : memref<160000xi32, #tpu.memory_space<hbm>> -> memref<128xi32, #tpu.memory_space<hbm>>
      tpu.wait_dma2 semaphore(%arg19 : memref<!tpu.dma_semaphore, #tpu.memory_space<semaphore_mem>>) src(%dma_wait3A_108 : memref<128xi32, #tpu.memory_space<hbm>>) dst(%arg8 : memref<128xi32, #tpu.memory_space<vmem>>)
      %dma_start3A_109 = arith.constant 0 : i32
      %dma_start3A_110 = arith.constant 0 : i32
      %dma_start3A_111 = tpu.memref_slice %arg3[%dma_start3A_109, %dma_start3A_110] : memref<10000x128xf32, #tpu.memory_space<hbm>> -> memref<10000x128xf32, #tpu.memory_space<hbm>>
      tpu.enqueue_indirect_dma source(%dma_start3A_111 : memref<10000x128xf32, #tpu.memory_space<hbm>>) target(%arg14 : memref<128x128xf32, #tpu.memory_space<vmem>>) offsets(%arg8 : memref<128xi32, #tpu.memory_space<vmem>>) semaphore(%arg25 : memref<!tpu.dma_semaphore, #tpu.memory_space<semaphore_mem>>)
      %dma_wait3A_112 = arith.constant 0 : i32
      %dma_wait3A_113 = arith.constant 0 : i32
      %dma_wait3A_114 = tpu.memref_slice %arg18[%dma_wait3A_112, %dma_wait3A_113] : memref<10000x128xf32, #tpu.memory_space<vmem_shared>> -> memref<10000x128xf32, #tpu.memory_space<vmem_shared>>
      tpu.wait_indirect_dma semaphore(%arg28 : memref<!tpu.dma_semaphore, #tpu.memory_space<semaphore_mem>>) src(%arg16 : memref<128x128xf32, #tpu.memory_space<vmem>>) dst(%dma_wait3A_114 : memref<10000x128xf32, #tpu.memory_space<vmem_shared>>)
      %add3A_115 = arith.constant 9856 : i32
      %add3A_116 = arith.addi %mul3A_0, %add3A_115 : i32
      %dma_start3A_117 = tpu.memref_slice %arg4[%add3A_116] : memref<160000xi32, #tpu.memory_space<hbm>> -> memref<128xi32, #tpu.memory_space<hbm>>
      %dma_start3A_118 = tpu.memref_slice %arg4[%add3A_116] : memref<160000xi32, #tpu.memory_space<hbm>> -> memref<128xi32, #tpu.memory_space<hbm>>
      tpu.enqueue_dma source(%dma_start3A_118 : memref<128xi32, #tpu.memory_space<hbm>>) target(%arg10 : memref<128xi32, #tpu.memory_space<vmem>>) target_semaphore(%arg21 : memref<!tpu.dma_semaphore, #tpu.memory_space<semaphore_mem>>)
      %dma_start3A_119 = tpu.memref_slice %arg5[%add3A_116] : memref<160000xi32, #tpu.memory_space<hbm>> -> memref<128xi32, #tpu.memory_space<hbm>>
      %dma_start3A_120 = tpu.memref_slice %arg5[%add3A_116] : memref<160000xi32, #tpu.memory_space<hbm>> -> memref<128xi32, #tpu.memory_space<hbm>>
      tpu.enqueue_dma source(%dma_start3A_120 : memref<128xi32, #tpu.memory_space<hbm>>) target(%arg13 : memref<128xi32, #tpu.memory_space<vmem>>) target_semaphore(%arg24 : memref<!tpu.dma_semaphore, #tpu.memory_space<semaphore_mem>>)
      %dma_wait3A_121 = arith.constant 0 : i32
      %dma_wait3A_122 = arith.constant 0 : i32
      %dma_wait3A_123 = tpu.memref_slice %arg3[%dma_wait3A_121, %dma_wait3A_122] : memref<10000x128xf32, #tpu.memory_space<hbm>> -> memref<10000x128xf32, #tpu.memory_space<hbm>>
      tpu.wait_indirect_dma semaphore(%arg25 : memref<!tpu.dma_semaphore, #tpu.memory_space<semaphore_mem>>) src(%dma_wait3A_123 : memref<10000x128xf32, #tpu.memory_space<hbm>>) dst(%arg14 : memref<128x128xf32, #tpu.memory_space<vmem>>)
      %dma_wait3A_124 = arith.constant 0 : i32
      %dma_wait3A_125 = tpu.memref_slice %arg5[%dma_wait3A_124] : memref<160000xi32, #tpu.memory_space<hbm>> -> memref<128xi32, #tpu.memory_space<hbm>>
      %dma_wait3A_126 = arith.constant 0 : i32
      %dma_wait3A_127 = tpu.memref_slice %arg5[%dma_wait3A_126] : memref<160000xi32, #tpu.memory_space<hbm>> -> memref<128xi32, #tpu.memory_space<hbm>>
      tpu.wait_dma2 semaphore(%arg22 : memref<!tpu.dma_semaphore, #tpu.memory_space<semaphore_mem>>) src(%dma_wait3A_127 : memref<128xi32, #tpu.memory_space<hbm>>) dst(%arg11 : memref<128xi32, #tpu.memory_space<vmem>>)
      %dma_start3A_128 = arith.constant 0 : i32
      %dma_start3A_129 = arith.constant 0 : i32
      %dma_start3A_130 = tpu.memref_slice %arg18[%dma_start3A_128, %dma_start3A_129] : memref<10000x128xf32, #tpu.memory_space<vmem_shared>> -> memref<10000x128xf32, #tpu.memory_space<vmem_shared>>
      tpu.enqueue_indirect_dma source(%arg14 : memref<128x128xf32, #tpu.memory_space<vmem>>) target(%dma_start3A_130 : memref<10000x128xf32, #tpu.memory_space<vmem_shared>>) offsets(%arg11 : memref<128xi32, #tpu.memory_space<vmem>>) semaphore(%arg28 : memref<!tpu.dma_semaphore, #tpu.memory_space<semaphore_mem>>) {add = true}
      %dma_wait3A_131 = arith.constant 0 : i32
      %dma_wait3A_132 = tpu.memref_slice %arg4[%dma_wait3A_131] : memref<160000xi32, #tpu.memory_space<hbm>> -> memref<128xi32, #tpu.memory_space<hbm>>
      %dma_wait3A_133 = arith.constant 0 : i32
      %dma_wait3A_134 = tpu.memref_slice %arg4[%dma_wait3A_133] : memref<160000xi32, #tpu.memory_space<hbm>> -> memref<128xi32, #tpu.memory_space<hbm>>
      tpu.wait_dma2 semaphore(%arg20 : memref<!tpu.dma_semaphore, #tpu.memory_space<semaphore_mem>>) src(%dma_wait3A_134 : memref<128xi32, #tpu.memory_space<hbm>>) dst(%arg9 : memref<128xi32, #tpu.memory_space<vmem>>)
      %dma_start3A_135 = arith.constant 0 : i32
      %dma_start3A_136 = arith.constant 0 : i32
      %dma_start3A_137 = tpu.memref_slice %arg3[%dma_start3A_135, %dma_start3A_136] : memref<10000x128xf32, #tpu.memory_space<hbm>> -> memref<10000x128xf32, #tpu.memory_space<hbm>>
      tpu.enqueue_indirect_dma source(%dma_start3A_137 : memref<10000x128xf32, #tpu.memory_space<hbm>>) target(%arg15 : memref<128x128xf32, #tpu.memory_space<vmem>>) offsets(%arg9 : memref<128xi32, #tpu.memory_space<vmem>>) semaphore(%arg26 : memref<!tpu.dma_semaphore, #tpu.memory_space<semaphore_mem>>)
      %dma_wait3A_138 = arith.constant 0 : i32
      %dma_wait3A_139 = arith.constant 0 : i32
      %dma_wait3A_140 = tpu.memref_slice %arg18[%dma_wait3A_138, %dma_wait3A_139] : memref<10000x128xf32, #tpu.memory_space<vmem_shared>> -> memref<10000x128xf32, #tpu.memory_space<vmem_shared>>
      tpu.wait_indirect_dma semaphore(%arg28 : memref<!tpu.dma_semaphore, #tpu.memory_space<semaphore_mem>>) src(%arg14 : memref<128x128xf32, #tpu.memory_space<vmem>>) dst(%dma_wait3A_140 : memref<10000x128xf32, #tpu.memory_space<vmem_shared>>)
      %dma_wait3A_141 = arith.constant 0 : i32
      %dma_wait3A_142 = arith.constant 0 : i32
      %dma_wait3A_143 = tpu.memref_slice %arg3[%dma_wait3A_141, %dma_wait3A_142] : memref<10000x128xf32, #tpu.memory_space<hbm>> -> memref<10000x128xf32, #tpu.memory_space<hbm>>
      tpu.wait_indirect_dma semaphore(%arg26 : memref<!tpu.dma_semaphore, #tpu.memory_space<semaphore_mem>>) src(%dma_wait3A_143 : memref<10000x128xf32, #tpu.memory_space<hbm>>) dst(%arg15 : memref<128x128xf32, #tpu.memory_space<vmem>>)
      %dma_wait3A_144 = arith.constant 0 : i32
      %dma_wait3A_145 = tpu.memref_slice %arg5[%dma_wait3A_144] : memref<160000xi32, #tpu.memory_space<hbm>> -> memref<128xi32, #tpu.memory_space<hbm>>
      %dma_wait3A_146 = arith.constant 0 : i32
      %dma_wait3A_147 = tpu.memref_slice %arg5[%dma_wait3A_146] : memref<160000xi32, #tpu.memory_space<hbm>> -> memref<128xi32, #tpu.memory_space<hbm>>
      tpu.wait_dma2 semaphore(%arg23 : memref<!tpu.dma_semaphore, #tpu.memory_space<semaphore_mem>>) src(%dma_wait3A_147 : memref<128xi32, #tpu.memory_space<hbm>>) dst(%arg12 : memref<128xi32, #tpu.memory_space<vmem>>)
      %dma_start3A_148 = arith.constant 0 : i32
      %dma_start3A_149 = arith.constant 0 : i32
      %dma_start3A_150 = tpu.memref_slice %arg18[%dma_start3A_148, %dma_start3A_149] : memref<10000x128xf32, #tpu.memory_space<vmem_shared>> -> memref<10000x128xf32, #tpu.memory_space<vmem_shared>>
      tpu.enqueue_indirect_dma source(%arg15 : memref<128x128xf32, #tpu.memory_space<vmem>>) target(%dma_start3A_150 : memref<10000x128xf32, #tpu.memory_space<vmem_shared>>) offsets(%arg12 : memref<128xi32, #tpu.memory_space<vmem>>) semaphore(%arg28 : memref<!tpu.dma_semaphore, #tpu.memory_space<semaphore_mem>>) {add = true}
      %dma_wait3A_151 = arith.constant 0 : i32
      %dma_wait3A_152 = tpu.memref_slice %arg4[%dma_wait3A_151] : memref<160000xi32, #tpu.memory_space<hbm>> -> memref<128xi32, #tpu.memory_space<hbm>>
      %dma_wait3A_153 = arith.constant 0 : i32
      %dma_wait3A_154 = tpu.memref_slice %arg4[%dma_wait3A_153] : memref<160000xi32, #tpu.memory_space<hbm>> -> memref<128xi32, #tpu.memory_space<hbm>>
      tpu.wait_dma2 semaphore(%arg21 : memref<!tpu.dma_semaphore, #tpu.memory_space<semaphore_mem>>) src(%dma_wait3A_154 : memref<128xi32, #tpu.memory_space<hbm>>) dst(%arg10 : memref<128xi32, #tpu.memory_space<vmem>>)
      %dma_start3A_155 = arith.constant 0 : i32
      %dma_start3A_156 = arith.constant 0 : i32
      %dma_start3A_157 = tpu.memref_slice %arg3[%dma_start3A_155, %dma_start3A_156] : memref<10000x128xf32, #tpu.memory_space<hbm>> -> memref<10000x128xf32, #tpu.memory_space<hbm>>
      tpu.enqueue_indirect_dma source(%dma_start3A_157 : memref<10000x128xf32, #tpu.memory_space<hbm>>) target(%arg16 : memref<128x128xf32, #tpu.memory_space<vmem>>) offsets(%arg10 : memref<128xi32, #tpu.memory_space<vmem>>) semaphore(%arg27 : memref<!tpu.dma_semaphore, #tpu.memory_space<semaphore_mem>>)
      %dma_wait3A_158 = arith.constant 0 : i32
      %dma_wait3A_159 = arith.constant 0 : i32
      %dma_wait3A_160 = tpu.memref_slice %arg18[%dma_wait3A_158, %dma_wait3A_159] : memref<10000x128xf32, #tpu.memory_space<vmem_shared>> -> memref<10000x128xf32, #tpu.memory_space<vmem_shared>>
      tpu.wait_indirect_dma semaphore(%arg28 : memref<!tpu.dma_semaphore, #tpu.memory_space<semaphore_mem>>) src(%arg15 : memref<128x128xf32, #tpu.memory_space<vmem>>) dst(%dma_wait3A_160 : memref<10000x128xf32, #tpu.memory_space<vmem_shared>>)
      %dma_wait3A_161 = arith.constant 0 : i32
      %dma_wait3A_162 = arith.constant 0 : i32
      %dma_wait3A_163 = tpu.memref_slice %arg3[%dma_wait3A_161, %dma_wait3A_162] : memref<10000x128xf32, #tpu.memory_space<hbm>> -> memref<10000x128xf32, #tpu.memory_space<hbm>>
      tpu.wait_indirect_dma semaphore(%arg27 : memref<!tpu.dma_semaphore, #tpu.memory_space<semaphore_mem>>) src(%dma_wait3A_163 : memref<10000x128xf32, #tpu.memory_space<hbm>>) dst(%arg16 : memref<128x128xf32, #tpu.memory_space<vmem>>)
      %dma_wait3A_164 = arith.constant 0 : i32
      %dma_wait3A_165 = tpu.memref_slice %arg5[%dma_wait3A_164] : memref<160000xi32, #tpu.memory_space<hbm>> -> memref<128xi32, #tpu.memory_space<hbm>>
      %dma_wait3A_166 = arith.constant 0 : i32
      %dma_wait3A_167 = tpu.memref_slice %arg5[%dma_wait3A_166] : memref<160000xi32, #tpu.memory_space<hbm>> -> memref<128xi32, #tpu.memory_space<hbm>>
      tpu.wait_dma2 semaphore(%arg24 : memref<!tpu.dma_semaphore, #tpu.memory_space<semaphore_mem>>) src(%dma_wait3A_167 : memref<128xi32, #tpu.memory_space<hbm>>) dst(%arg13 : memref<128xi32, #tpu.memory_space<vmem>>)
      %dma_start3A_168 = arith.constant 0 : i32
      %dma_start3A_169 = arith.constant 0 : i32
      %dma_start3A_170 = tpu.memref_slice %arg18[%dma_start3A_168, %dma_start3A_169] : memref<10000x128xf32, #tpu.memory_space<vmem_shared>> -> memref<10000x128xf32, #tpu.memory_space<vmem_shared>>
      tpu.enqueue_indirect_dma source(%arg16 : memref<128x128xf32, #tpu.memory_space<vmem>>) target(%dma_start3A_170 : memref<10000x128xf32, #tpu.memory_space<vmem_shared>>) offsets(%arg13 : memref<128xi32, #tpu.memory_space<vmem>>) semaphore(%arg28 : memref<!tpu.dma_semaphore, #tpu.memory_space<semaphore_mem>>) {add = true}
      %dma_wait3A_171 = arith.constant 0 : i32
      %dma_wait3A_172 = arith.constant 0 : i32
      %dma_wait3A_173 = tpu.memref_slice %arg18[%dma_wait3A_171, %dma_wait3A_172] : memref<10000x128xf32, #tpu.memory_space<vmem_shared>> -> memref<10000x128xf32, #tpu.memory_space<vmem_shared>>
      tpu.wait_indirect_dma semaphore(%arg28 : memref<!tpu.dma_semaphore, #tpu.memory_space<semaphore_mem>>) src(%arg16 : memref<128x128xf32, #tpu.memory_space<vmem>>) dst(%dma_wait3A_173 : memref<10000x128xf32, #tpu.memory_space<vmem_shared>>)
      %add3A_174 = arith.constant 9984 : i32
      %add3A_175 = arith.addi %mul3A_0, %add3A_174 : i32
      "tpu.region"() ({
        %run_scoped3A = tpu.sem_alloc : memref<!tpu.dma_semaphore, #tpu.memory_space<semaphore_mem>>
        %dma_start3A_200 = arith.constant 0 : i32
        %dma_start3A_201 = tpu.memref_slice %arg8[%dma_start3A_200] : memref<128xi32, #tpu.memory_space<vmem>> -> memref<16xi32, #tpu.memory_space<vmem>>
        %dma_start3A_202 = tpu.memref_slice %arg4[%add3A_175] : memref<160000xi32, #tpu.memory_space<hbm>> -> memref<16xi32, #tpu.memory_space<hbm>>
        %dma_start3A_203 = arith.constant 0 : i32
        %dma_start3A_204 = tpu.memref_slice %arg8[%dma_start3A_203] : memref<128xi32, #tpu.memory_space<vmem>> -> memref<16xi32, #tpu.memory_space<vmem>>
        %dma_start3A_205 = tpu.memref_slice %arg4[%add3A_175] : memref<160000xi32, #tpu.memory_space<hbm>> -> memref<16xi32, #tpu.memory_space<hbm>>
        tpu.enqueue_dma source(%dma_start3A_205 : memref<16xi32, #tpu.memory_space<hbm>>) target(%dma_start3A_204 : memref<16xi32, #tpu.memory_space<vmem>>) target_semaphore(%run_scoped3A : memref<!tpu.dma_semaphore, #tpu.memory_space<semaphore_mem>>)
        %dma_wait3A_206 = arith.constant 0 : i32
        %dma_wait3A_207 = tpu.memref_slice %arg8[%dma_wait3A_206] : memref<128xi32, #tpu.memory_space<vmem>> -> memref<16xi32, #tpu.memory_space<vmem>>
        %dma_wait3A_208 = tpu.memref_slice %arg4[%add3A_175] : memref<160000xi32, #tpu.memory_space<hbm>> -> memref<16xi32, #tpu.memory_space<hbm>>
        %dma_wait3A_209 = arith.constant 0 : i32
        %dma_wait3A_210 = tpu.memref_slice %arg8[%dma_wait3A_209] : memref<128xi32, #tpu.memory_space<vmem>> -> memref<16xi32, #tpu.memory_space<vmem>>
        %dma_wait3A_211 = tpu.memref_slice %arg4[%add3A_175] : memref<160000xi32, #tpu.memory_space<hbm>> -> memref<16xi32, #tpu.memory_space<hbm>>
        tpu.wait_dma2 semaphore(%run_scoped3A : memref<!tpu.dma_semaphore, #tpu.memory_space<semaphore_mem>>) src(%dma_wait3A_211 : memref<16xi32, #tpu.memory_space<hbm>>) dst(%dma_wait3A_210 : memref<16xi32, #tpu.memory_space<vmem>>)
        tpu.yield
      }) : () -> ()
      "tpu.region"() ({
        %run_scoped3A = tpu.sem_alloc : memref<!tpu.dma_semaphore, #tpu.memory_space<semaphore_mem>>
        %dma_start3A_200 = tpu.memref_slice %arg5[%add3A_175] : memref<160000xi32, #tpu.memory_space<hbm>> -> memref<16xi32, #tpu.memory_space<hbm>>
        %dma_start3A_201 = tpu.memref_slice %arg5[%add3A_175] : memref<160000xi32, #tpu.memory_space<hbm>> -> memref<16xi32, #tpu.memory_space<hbm>>
        tpu.enqueue_dma source(%dma_start3A_201 : memref<16xi32, #tpu.memory_space<hbm>>) target(%arg17 : memref<16xi32, #tpu.memory_space<vmem>>) target_semaphore(%run_scoped3A : memref<!tpu.dma_semaphore, #tpu.memory_space<semaphore_mem>>)
        %dma_wait3A_202 = tpu.memref_slice %arg5[%add3A_175] : memref<160000xi32, #tpu.memory_space<hbm>> -> memref<16xi32, #tpu.memory_space<hbm>>
        %dma_wait3A_203 = tpu.memref_slice %arg5[%add3A_175] : memref<160000xi32, #tpu.memory_space<hbm>> -> memref<16xi32, #tpu.memory_space<hbm>>
        tpu.wait_dma2 semaphore(%run_scoped3A : memref<!tpu.dma_semaphore, #tpu.memory_space<semaphore_mem>>) src(%dma_wait3A_203 : memref<16xi32, #tpu.memory_space<hbm>>) dst(%arg17 : memref<16xi32, #tpu.memory_space<vmem>>)
        tpu.yield
      }) : () -> ()
      %dma_start3A_176 = arith.constant 0 : i32
      %dma_start3A_177 = arith.constant 0 : i32
      %dma_start3A_178 = tpu.memref_slice %arg14[%dma_start3A_176, %dma_start3A_177] : memref<128x128xf32, #tpu.memory_space<vmem>> -> memref<16x128xf32, #tpu.memory_space<vmem>>
      %dma_start3A_179 = arith.constant 0 : i32
      %dma_start3A_180 = tpu.memref_slice %arg8[%dma_start3A_179] : memref<128xi32, #tpu.memory_space<vmem>> -> memref<16xi32, #tpu.memory_space<vmem>>
      %dma_start3A_181 = arith.constant 0 : i32
      %dma_start3A_182 = arith.constant 0 : i32
      %dma_start3A_183 = tpu.memref_slice %arg3[%dma_start3A_181, %dma_start3A_182] : memref<10000x128xf32, #tpu.memory_space<hbm>> -> memref<10000x128xf32, #tpu.memory_space<hbm>>
      tpu.enqueue_indirect_dma source(%dma_start3A_183 : memref<10000x128xf32, #tpu.memory_space<hbm>>) target(%dma_start3A_178 : memref<16x128xf32, #tpu.memory_space<vmem>>) offsets(%dma_start3A_180 : memref<16xi32, #tpu.memory_space<vmem>>) semaphore(%arg29 : memref<!tpu.dma_semaphore, #tpu.memory_space<semaphore_mem>>)
      %dma_wait3A_184 = arith.constant 0 : i32
      %dma_wait3A_185 = arith.constant 0 : i32
      %dma_wait3A_186 = tpu.memref_slice %arg14[%dma_wait3A_184, %dma_wait3A_185] : memref<128x128xf32, #tpu.memory_space<vmem>> -> memref<16x128xf32, #tpu.memory_space<vmem>>
      %dma_wait3A_187 = arith.constant 0 : i32
      %dma_wait3A_188 = tpu.memref_slice %arg8[%dma_wait3A_187] : memref<128xi32, #tpu.memory_space<vmem>> -> memref<16xi32, #tpu.memory_space<vmem>>
      %dma_wait3A_189 = arith.constant 0 : i32
      %dma_wait3A_190 = arith.constant 0 : i32
      %dma_wait3A_191 = tpu.memref_slice %arg3[%dma_wait3A_189, %dma_wait3A_190] : memref<10000x128xf32, #tpu.memory_space<hbm>> -> memref<10000x128xf32, #tpu.memory_space<hbm>>
      tpu.wait_indirect_dma semaphore(%arg29 : memref<!tpu.dma_semaphore, #tpu.memory_space<semaphore_mem>>) src(%dma_wait3A_191 : memref<10000x128xf32, #tpu.memory_space<hbm>>) dst(%dma_wait3A_186 : memref<16x128xf32, #tpu.memory_space<vmem>>)
      "tpu.region"() ({
        %run_scoped3A = tpu.sem_alloc : memref<!tpu.dma_semaphore, #tpu.memory_space<semaphore_mem>>
        %dma_start3A_200 = arith.constant 0 : i32
        %dma_start3A_201 = arith.constant 0 : i32
        %dma_start3A_202 = tpu.memref_slice %arg14[%dma_start3A_200, %dma_start3A_201] : memref<128x128xf32, #tpu.memory_space<vmem>> -> memref<16x128xf32, #tpu.memory_space<vmem>>
        %dma_start3A_203 = arith.constant 0 : i32
        %dma_start3A_204 = arith.constant 0 : i32
        %dma_start3A_205 = tpu.memref_slice %arg18[%dma_start3A_203, %dma_start3A_204] : memref<10000x128xf32, #tpu.memory_space<vmem_shared>> -> memref<10000x128xf32, #tpu.memory_space<vmem_shared>>
        tpu.enqueue_indirect_dma source(%dma_start3A_202 : memref<16x128xf32, #tpu.memory_space<vmem>>) target(%dma_start3A_205 : memref<10000x128xf32, #tpu.memory_space<vmem_shared>>) offsets(%arg17 : memref<16xi32, #tpu.memory_space<vmem>>) semaphore(%run_scoped3A : memref<!tpu.dma_semaphore, #tpu.memory_space<semaphore_mem>>) {add = true}
        %dma_wait3A_206 = arith.constant 0 : i32
        %dma_wait3A_207 = arith.constant 0 : i32
        %dma_wait3A_208 = tpu.memref_slice %arg14[%dma_wait3A_206, %dma_wait3A_207] : memref<128x128xf32, #tpu.memory_space<vmem>> -> memref<16x128xf32, #tpu.memory_space<vmem>>
        %dma_wait3A_209 = arith.constant 0 : i32
        %dma_wait3A_210 = arith.constant 0 : i32
        %dma_wait3A_211 = tpu.memref_slice %arg18[%dma_wait3A_209, %dma_wait3A_210] : memref<10000x128xf32, #tpu.memory_space<vmem_shared>> -> memref<10000x128xf32, #tpu.memory_space<vmem_shared>>
        tpu.wait_indirect_dma semaphore(%run_scoped3A : memref<!tpu.dma_semaphore, #tpu.memory_space<semaphore_mem>>) src(%dma_wait3A_208 : memref<16x128xf32, #tpu.memory_space<vmem>>) dst(%dma_wait3A_211 : memref<10000x128xf32, #tpu.memory_space<vmem_shared>>)
        tpu.yield
      }) : () -> ()
      %barrier3A_192 = arith.constant 0 : index
      tpu.barrier barrier_id(%barrier3A_192)
      %mul3A_193 = arith.constant 624 : i32
      %mul3A_194 = arith.muli %arg1, %mul3A_193 : i32
      "tpu.region"() ({
        %run_scoped3A = tpu.sem_alloc : memref<!tpu.dma_semaphore, #tpu.memory_space<semaphore_mem>>
        %dma_start3A_200 = arith.constant 0 : i32
        %dma_start3A_201 = tpu.memref_slice %arg7[%mul3A_194, %dma_start3A_200] : memref<10000x128xf32, #tpu.memory_space<hbm>> -> memref<624x128xf32, #tpu.memory_space<hbm>>
        %dma_start3A_202 = arith.constant 0 : i32
        %dma_start3A_203 = tpu.memref_slice %arg18[%mul3A_194, %dma_start3A_202] : memref<10000x128xf32, #tpu.memory_space<vmem_shared>> -> memref<624x128xf32, #tpu.memory_space<vmem_shared>>
        tpu.enqueue_dma source(%dma_start3A_203 : memref<624x128xf32, #tpu.memory_space<vmem_shared>>) target(%dma_start3A_201 : memref<624x128xf32, #tpu.memory_space<hbm>>) target_semaphore(%run_scoped3A : memref<!tpu.dma_semaphore, #tpu.memory_space<semaphore_mem>>)
        %dma_wait3A_204 = arith.constant 0 : i32
        %dma_wait3A_205 = tpu.memref_slice %arg7[%mul3A_194, %dma_wait3A_204] : memref<10000x128xf32, #tpu.memory_space<hbm>> -> memref<624x128xf32, #tpu.memory_space<hbm>>
        %dma_wait3A_206 = arith.constant 0 : i32
        %dma_wait3A_207 = tpu.memref_slice %arg18[%mul3A_194, %dma_wait3A_206] : memref<10000x128xf32, #tpu.memory_space<vmem_shared>> -> memref<624x128xf32, #tpu.memory_space<vmem_shared>>
        tpu.wait_dma2 semaphore(%run_scoped3A : memref<!tpu.dma_semaphore, #tpu.memory_space<semaphore_mem>>) src(%dma_wait3A_207 : memref<624x128xf32, #tpu.memory_space<vmem_shared>>) dst(%dma_wait3A_205 : memref<624x128xf32, #tpu.memory_space<hbm>>)
        tpu.yield
      }) : () -> ()
      %eq3A_195 = arith.constant 15 : i32
      %eq3A_196 = arith.cmpi eq, %arg1, %eq3A_195 : i32
      %convert_element_type3A_197 = arith.extui %eq3A_196 : i1 to i32
      %cond3A_198 = arith.constant 0 : i32
      %cond3A_199 = arith.cmpi ne, %convert_element_type3A_197, %cond3A_198 : i32
      scf.if %cond3A_199 {
        "tpu.region"() ({
          %run_scoped3A = tpu.sem_alloc : memref<!tpu.dma_semaphore, #tpu.memory_space<semaphore_mem>>
          %dma_start3A_200 = arith.constant 9984 : i32
          %dma_start3A_201 = arith.constant 0 : i32
          %dma_start3A_202 = tpu.memref_slice %arg7[%dma_start3A_200, %dma_start3A_201] : memref<10000x128xf32, #tpu.memory_space<hbm>> -> memref<16x128xf32, #tpu.memory_space<hbm>>
          %dma_start3A_203 = arith.constant 9984 : i32
          %dma_start3A_204 = arith.constant 0 : i32
          %dma_start3A_205 = tpu.memref_slice %arg18[%dma_start3A_203, %dma_start3A_204] : memref<10000x128xf32, #tpu.memory_space<vmem_shared>> -> memref<16x128xf32, #tpu.memory_space<vmem_shared>>
          tpu.enqueue_dma source(%dma_start3A_205 : memref<16x128xf32, #tpu.memory_space<vmem_shared>>) target(%dma_start3A_202 : memref<16x128xf32, #tpu.memory_space<hbm>>) target_semaphore(%run_scoped3A : memref<!tpu.dma_semaphore, #tpu.memory_space<semaphore_mem>>)
          %dma_wait3A_206 = arith.constant 9984 : i32
          %dma_wait3A_207 = arith.constant 0 : i32
          %dma_wait3A_208 = tpu.memref_slice %arg7[%dma_wait3A_206, %dma_wait3A_207] : memref<10000x128xf32, #tpu.memory_space<hbm>> -> memref<16x128xf32, #tpu.memory_space<hbm>>
          %dma_wait3A_209 = arith.constant 9984 : i32
          %dma_wait3A_210 = arith.constant 0 : i32
          %dma_wait3A_211 = tpu.memref_slice %arg18[%dma_wait3A_209, %dma_wait3A_210] : memref<10000x128xf32, #tpu.memory_space<vmem_shared>> -> memref<16x128xf32, #tpu.memory_space<vmem_shared>>
          tpu.wait_dma2 semaphore(%run_scoped3A : memref<!tpu.dma_semaphore, #tpu.memory_space<semaphore_mem>>) src(%dma_wait3A_211 : memref<16x128xf32, #tpu.memory_space<vmem_shared>>) dst(%dma_wait3A_208 : memref<16x128xf32, #tpu.memory_space<hbm>>)
          tpu.yield
        }) : () -> ()
      } else {
      }
    } else {
    }
    return
  }
}

#map = affine_map<(d0, d1) -> (0, 0)>
#map1 = affine_map<(d0, d1) -> (0)>
module attributes {stable_mosaic.version = 14 : i64} {
  func.func @kern(%arg0: i32, %arg1: i32, %arg2: memref<10000x128xf32, #tpu.memory_space<hbm>>, %arg3: memref<10000x128xf32, #tpu.memory_space<hbm>>, %arg4: memref<160000xi32, #tpu.memory_space<hbm>>, %arg5: memref<160000xi32, #tpu.memory_space<hbm>>, %arg6: memref<10000x128xf32, #tpu.memory_space<hbm>>, %arg7: memref<10000x128xf32, #tpu.memory_space<hbm>>, %arg8: memref<128xi32, #tpu.memory_space<vmem>>, %arg9: memref<128xi32, #tpu.memory_space<vmem>>, %arg10: memref<128xi32, #tpu.memory_space<vmem>>, %arg11: memref<128xi32, #tpu.memory_space<vmem>>, %arg12: memref<128xi32, #tpu.memory_space<vmem>>, %arg13: memref<128xi32, #tpu.memory_space<vmem>>, %arg14: memref<128x128xf32, #tpu.memory_space<vmem>>, %arg15: memref<128x128xf32, #tpu.memory_space<vmem>>, %arg16: memref<128x128xf32, #tpu.memory_space<vmem>>, %arg17: memref<16xi32, #tpu.memory_space<vmem>>, %arg18: memref<10000x128xf32, #tpu.memory_space<vmem_shared>>, %arg19: memref<!tpu.dma_semaphore, #tpu.memory_space<semaphore_mem>>, %arg20: memref<!tpu.dma_semaphore, #tpu.memory_space<semaphore_mem>>, %arg21: memref<!tpu.dma_semaphore, #tpu.memory_space<semaphore_mem>>, %arg22: memref<!tpu.dma_semaphore, #tpu.memory_space<semaphore_mem>>, %arg23: memref<!tpu.dma_semaphore, #tpu.memory_space<semaphore_mem>>, %arg24: memref<!tpu.dma_semaphore, #tpu.memory_space<semaphore_mem>>, %arg25: memref<!tpu.dma_semaphore, #tpu.memory_space<semaphore_mem>>, %arg26: memref<!tpu.dma_semaphore, #tpu.memory_space<semaphore_mem>>, %arg27: memref<!tpu.dma_semaphore, #tpu.memory_space<semaphore_mem>>, %arg28: memref<!tpu.dma_semaphore, #tpu.memory_space<semaphore_mem>>, %arg29: memref<!tpu.dma_semaphore, #tpu.memory_space<semaphore_mem>>) attributes {dimension_semantics = [#tpu.dimension_semantics<core_parallel>, #tpu.dimension_semantics<subcore_parallel>], iteration_bounds = array<i64: 2, 16>, scalar_prefetch = 0 : i64, scratch_operands = 22 : i64, tpu.core_type = #tpu.core_type<sc_vector_subcore>, window_params = [{transform_indices = #map}, {transform_indices = #map}, {transform_indices = #map1}, {transform_indices = #map1}, {transform_indices = #map}, {transform_indices = #map}]} {
    %mul3A = arith.constant 10000 : i32
    %mul3A_0 = arith.muli %arg1, %mul3A : i32
    %eq3A = arith.constant 0 : i32
    %eq3A_1 = arith.cmpi eq, %arg0, %eq3A : i32
    %convert_element_type3A = arith.extui %eq3A_1 : i1 to i32
    %cond3A = arith.constant 0 : i32
    %cond3A_2 = arith.cmpi ne, %convert_element_type3A, %cond3A : i32
    scf.if %cond3A_2 {
      %add3A = arith.constant 0 : i32
      %add3A_8 = arith.addi %mul3A_0, %add3A : i32
      %dma_start3A = tpu.memref_slice %arg4[%add3A_8] : memref<160000xi32, #tpu.memory_space<hbm>> -> memref<128xi32, #tpu.memory_space<hbm>>
      %dma_start3A_9 = tpu.memref_slice %arg4[%add3A_8] : memref<160000xi32, #tpu.memory_space<hbm>> -> memref<128xi32, #tpu.memory_space<hbm>>
      tpu.enqueue_dma source(%dma_start3A_9 : memref<128xi32, #tpu.memory_space<hbm>>) target(%arg8 : memref<128xi32, #tpu.memory_space<vmem>>) target_semaphore(%arg19 : memref<!tpu.dma_semaphore, #tpu.memory_space<semaphore_mem>>)
      %dma_start3A_10 = tpu.memref_slice %arg5[%add3A_8] : memref<160000xi32, #tpu.memory_space<hbm>> -> memref<128xi32, #tpu.memory_space<hbm>>
      %dma_start3A_11 = tpu.memref_slice %arg5[%add3A_8] : memref<160000xi32, #tpu.memory_space<hbm>> -> memref<128xi32, #tpu.memory_space<hbm>>
      tpu.enqueue_dma source(%dma_start3A_11 : memref<128xi32, #tpu.memory_space<hbm>>) target(%arg11 : memref<128xi32, #tpu.memory_space<vmem>>) target_semaphore(%arg22 : memref<!tpu.dma_semaphore, #tpu.memory_space<semaphore_mem>>)
      %add3A_12 = arith.constant 128 : i32
      %add3A_13 = arith.addi %mul3A_0, %add3A_12 : i32
      %dma_start3A_14 = tpu.memref_slice %arg4[%add3A_13] : memref<160000xi32, #tpu.memory_space<hbm>> -> memref<128xi32, #tpu.memory_space<hbm>>
      %dma_start3A_15 = tpu.memref_slice %arg4[%add3A_13] : memref<160000xi32, #tpu.memory_space<hbm>> -> memref<128xi32, #tpu.memory_space<hbm>>
      tpu.enqueue_dma source(%dma_start3A_15 : memref<128xi32, #tpu.memory_space<hbm>>) target(%arg9 : memref<128xi32, #tpu.memory_space<vmem>>) target_semaphore(%arg20 : memref<!tpu.dma_semaphore, #tpu.memory_space<semaphore_mem>>)
      %dma_start3A_16 = tpu.memref_slice %arg5[%add3A_13] : memref<160000xi32, #tpu.memory_space<hbm>> -> memref<128xi32, #tpu.memory_space<hbm>>
      %dma_start3A_17 = tpu.memref_slice %arg5[%add3A_13] : memref<160000xi32, #tpu.memory_space<hbm>> -> memref<128xi32, #tpu.memory_space<hbm>>
      tpu.enqueue_dma source(%dma_start3A_17 : memref<128xi32, #tpu.memory_space<hbm>>) target(%arg12 : memref<128xi32, #tpu.memory_space<vmem>>) target_semaphore(%arg23 : memref<!tpu.dma_semaphore, #tpu.memory_space<semaphore_mem>>)
      %mul3A_18 = arith.constant 624 : i32
      %mul3A_19 = arith.muli %arg1, %mul3A_18 : i32
      "tpu.region"() ({
        %run_scoped3A = tpu.sem_alloc : memref<!tpu.dma_semaphore, #tpu.memory_space<semaphore_mem>>
        %dma_start3A_200 = arith.constant 0 : i32
        %dma_start3A_201 = tpu.memref_slice %arg18[%mul3A_19, %dma_start3A_200] : memref<10000x128xf32, #tpu.memory_space<vmem_shared>> -> memref<624x128xf32, #tpu.memory_space<vmem_shared>>
        %dma_start3A_202 = arith.constant 0 : i32
        %dma_start3A_203 = tpu.memref_slice %arg2[%mul3A_19, %dma_start3A_202] : memref<10000x128xf32, #tpu.memory_space<hbm>> -> memref<624x128xf32, #tpu.memory_space<hbm>>
        tpu.enqueue_dma source(%dma_start3A_203 : memref<624x128xf32, #tpu.memory_space<hbm>>) target(%dma_start3A_201 : memref<624x128xf32, #tpu.memory_space<vmem_shared>>) target_semaphore(%run_scoped3A : memref<!tpu.dma_semaphore, #tpu.memory_space<semaphore_mem>>)
        %dma_wait3A_204 = arith.constant 0 : i32
        %dma_wait3A_205 = tpu.memref_slice %arg18[%mul3A_19, %dma_wait3A_204] : memref<10000x128xf32, #tpu.memory_space<vmem_shared>> -> memref<624x128xf32, #tpu.memory_space<vmem_shared>>
        %dma_wait3A_206 = arith.constant 0 : i32
        %dma_wait3A_207 = tpu.memref_slice %arg2[%mul3A_19, %dma_wait3A_206] : memref<10000x128xf32, #tpu.memory_space<hbm>> -> memref<624x128xf32, #tpu.memory_space<hbm>>
        tpu.wait_dma2 semaphore(%run_scoped3A : memref<!tpu.dma_semaphore, #tpu.memory_space<semaphore_mem>>) src(%dma_wait3A_207 : memref<624x128xf32, #tpu.memory_space<hbm>>) dst(%dma_wait3A_205 : memref<624x128xf32, #tpu.memory_space<vmem_shared>>)
        tpu.yield
      }) : () -> ()
      %eq3A_20 = arith.constant 15 : i32
      %eq3A_21 = arith.cmpi eq, %arg1, %eq3A_20 : i32
      %convert_element_type3A_22 = arith.extui %eq3A_21 : i1 to i32
      %cond3A_23 = arith.constant 0 : i32
      %cond3A_24 = arith.cmpi ne, %convert_element_type3A_22, %cond3A_23 : i32
      scf.if %cond3A_24 {
        "tpu.region"() ({
          %run_scoped3A = tpu.sem_alloc : memref<!tpu.dma_semaphore, #tpu.memory_space<semaphore_mem>>
          %dma_start3A_200 = arith.constant 9984 : i32
          %dma_start3A_201 = arith.constant 0 : i32
          %dma_start3A_202 = tpu.memref_slice %arg18[%dma_start3A_200, %dma_start3A_201] : memref<10000x128xf32, #tpu.memory_space<vmem_shared>> -> memref<16x128xf32, #tpu.memory_space<vmem_shared>>
          %dma_start3A_203 = arith.constant 9984 : i32
          %dma_start3A_204 = arith.constant 0 : i32
          %dma_start3A_205 = tpu.memref_slice %arg2[%dma_start3A_203, %dma_start3A_204] : memref<10000x128xf32, #tpu.memory_space<hbm>> -> memref<16x128xf32, #tpu.memory_space<hbm>>
          tpu.enqueue_dma source(%dma_start3A_205 : memref<16x128xf32, #tpu.memory_space<hbm>>) target(%dma_start3A_202 : memref<16x128xf32, #tpu.memory_space<vmem_shared>>) target_semaphore(%run_scoped3A : memref<!tpu.dma_semaphore, #tpu.memory_space<semaphore_mem>>)
          %dma_wait3A_206 = arith.constant 9984 : i32
          %dma_wait3A_207 = arith.constant 0 : i32
          %dma_wait3A_208 = tpu.memref_slice %arg18[%dma_wait3A_206, %dma_wait3A_207] : memref<10000x128xf32, #tpu.memory_space<vmem_shared>> -> memref<16x128xf32, #tpu.memory_space<vmem_shared>>
          %dma_wait3A_209 = arith.constant 9984 : i32
          %dma_wait3A_210 = arith.constant 0 : i32
          %dma_wait3A_211 = tpu.memref_slice %arg2[%dma_wait3A_209, %dma_wait3A_210] : memref<10000x128xf32, #tpu.memory_space<hbm>> -> memref<16x128xf32, #tpu.memory_space<hbm>>
          tpu.wait_dma2 semaphore(%run_scoped3A : memref<!tpu.dma_semaphore, #tpu.memory_space<semaphore_mem>>) src(%dma_wait3A_211 : memref<16x128xf32, #tpu.memory_space<hbm>>) dst(%dma_wait3A_208 : memref<16x128xf32, #tpu.memory_space<vmem_shared>>)
          tpu.yield
        }) : () -> ()
      } else {
      }
      %dma_wait3A = arith.constant 0 : i32
      %dma_wait3A_25 = tpu.memref_slice %arg4[%dma_wait3A] : memref<160000xi32, #tpu.memory_space<hbm>> -> memref<128xi32, #tpu.memory_space<hbm>>
      %dma_wait3A_26 = arith.constant 0 : i32
      %dma_wait3A_27 = tpu.memref_slice %arg4[%dma_wait3A_26] : memref<160000xi32, #tpu.memory_space<hbm>> -> memref<128xi32, #tpu.memory_space<hbm>>
      tpu.wait_dma2 semaphore(%arg19 : memref<!tpu.dma_semaphore, #tpu.memory_space<semaphore_mem>>) src(%dma_wait3A_27 : memref<128xi32, #tpu.memory_space<hbm>>) dst(%arg8 : memref<128xi32, #tpu.memory_space<vmem>>)
      %dma_start3A_28 = arith.constant 0 : i32
      %dma_start3A_29 = arith.constant 0 : i32
      %dma_start3A_30 = tpu.memref_slice %arg2[%dma_start3A_28, %dma_start3A_29] : memref<10000x128xf32, #tpu.memory_space<hbm>> -> memref<10000x128xf32, #tpu.memory_space<hbm>>
      tpu.enqueue_indirect_dma source(%dma_start3A_30 : memref<10000x128xf32, #tpu.memory_space<hbm>>) target(%arg14 : memref<128x128xf32, #tpu.memory_space<vmem>>) offsets(%arg8 : memref<128xi32, #tpu.memory_space<vmem>>) semaphore(%arg25 : memref<!tpu.dma_semaphore, #tpu.memory_space<semaphore_mem>>)
      %barrier3A = arith.constant 0 : index
      tpu.barrier barrier_id(%barrier3A)
      %add3A_31 = arith.constant 256 : i32
      %add3A_32 = arith.addi %mul3A_0, %add3A_31 : i32
      %dma_start3A_33 = tpu.memref_slice %arg4[%add3A_32] : memref<160000xi32, #tpu.memory_space<hbm>> -> memref<128xi32, #tpu.memory_space<hbm>>
      %dma_start3A_34 = tpu.memref_slice %arg4[%add3A_32] : memref<160000xi32, #tpu.memory_space<hbm>> -> memref<128xi32, #tpu.memory_space<hbm>>
      tpu.enqueue_dma source(%dma_start3A_34 : memref<128xi32, #tpu.memory_space<hbm>>) target(%arg10 : memref<128xi32, #tpu.memory_space<vmem>>) target_semaphore(%arg21 : memref<!tpu.dma_semaphore, #tpu.memory_space<semaphore_mem>>)
      %dma_start3A_35 = tpu.memref_slice %arg5[%add3A_32] : memref<160000xi32, #tpu.memory_space<hbm>> -> memref<128xi32, #tpu.memory_space<hbm>>
      %dma_start3A_36 = tpu.memref_slice %arg5[%add3A_32] : memref<160000xi32, #tpu.memory_space<hbm>> -> memref<128xi32, #tpu.memory_space<hbm>>
      tpu.enqueue_dma source(%dma_start3A_36 : memref<128xi32, #tpu.memory_space<hbm>>) target(%arg13 : memref<128xi32, #tpu.memory_space<vmem>>) target_semaphore(%arg24 : memref<!tpu.dma_semaphore, #tpu.memory_space<semaphore_mem>>)
      %dma_wait3A_37 = arith.constant 0 : i32
      %dma_wait3A_38 = arith.constant 0 : i32
      %dma_wait3A_39 = tpu.memref_slice %arg2[%dma_wait3A_37, %dma_wait3A_38] : memref<10000x128xf32, #tpu.memory_space<hbm>> -> memref<10000x128xf32, #tpu.memory_space<hbm>>
      tpu.wait_indirect_dma semaphore(%arg25 : memref<!tpu.dma_semaphore, #tpu.memory_space<semaphore_mem>>) src(%dma_wait3A_39 : memref<10000x128xf32, #tpu.memory_space<hbm>>) dst(%arg14 : memref<128x128xf32, #tpu.memory_space<vmem>>)
      %dma_wait3A_40 = arith.constant 0 : i32
      %dma_wait3A_41 = tpu.memref_slice %arg5[%dma_wait3A_40] : memref<160000xi32, #tpu.memory_space<hbm>> -> memref<128xi32, #tpu.memory_space<hbm>>
      %dma_wait3A_42 = arith.constant 0 : i32
      %dma_wait3A_43 = tpu.memref_slice %arg5[%dma_wait3A_42] : memref<160000xi32, #tpu.memory_space<hbm>> -> memref<128xi32, #tpu.memory_space<hbm>>
      tpu.wait_dma2 semaphore(%arg22 : memref<!tpu.dma_semaphore, #tpu.memory_space<semaphore_mem>>) src(%dma_wait3A_43 : memref<128xi32, #tpu.memory_space<hbm>>) dst(%arg11 : memref<128xi32, #tpu.memory_space<vmem>>)
      %dma_start3A_44 = arith.constant 0 : i32
      %dma_start3A_45 = arith.constant 0 : i32
      %dma_start3A_46 = tpu.memref_slice %arg18[%dma_start3A_44, %dma_start3A_45] : memref<10000x128xf32, #tpu.memory_space<vmem_shared>> -> memref<10000x128xf32, #tpu.memory_space<vmem_shared>>
      tpu.enqueue_indirect_dma source(%arg14 : memref<128x128xf32, #tpu.memory_space<vmem>>) target(%dma_start3A_46 : memref<10000x128xf32, #tpu.memory_space<vmem_shared>>) offsets(%arg11 : memref<128xi32, #tpu.memory_space<vmem>>) semaphore(%arg28 : memref<!tpu.dma_semaphore, #tpu.memory_space<semaphore_mem>>) {add = true}
      %dma_wait3A_47 = arith.constant 0 : i32
      %dma_wait3A_48 = tpu.memref_slice %arg4[%dma_wait3A_47] : memref<160000xi32, #tpu.memory_space<hbm>> -> memref<128xi32, #tpu.memory_space<hbm>>
      %dma_wait3A_49 = arith.constant 0 : i32
      %dma_wait3A_50 = tpu.memref_slice %arg4[%dma_wait3A_49] : memref<160000xi32, #tpu.memory_space<hbm>> -> memref<128xi32, #tpu.memory_space<hbm>>
      tpu.wait_dma2 semaphore(%arg20 : memref<!tpu.dma_semaphore, #tpu.memory_space<semaphore_mem>>) src(%dma_wait3A_50 : memref<128xi32, #tpu.memory_space<hbm>>) dst(%arg9 : memref<128xi32, #tpu.memory_space<vmem>>)
      %dma_start3A_51 = arith.constant 0 : i32
      %dma_start3A_52 = arith.constant 0 : i32
      %dma_start3A_53 = tpu.memref_slice %arg2[%dma_start3A_51, %dma_start3A_52] : memref<10000x128xf32, #tpu.memory_space<hbm>> -> memref<10000x128xf32, #tpu.memory_space<hbm>>
      tpu.enqueue_indirect_dma source(%dma_start3A_53 : memref<10000x128xf32, #tpu.memory_space<hbm>>) target(%arg15 : memref<128x128xf32, #tpu.memory_space<vmem>>) offsets(%arg9 : memref<128xi32, #tpu.memory_space<vmem>>) semaphore(%arg26 : memref<!tpu.dma_semaphore, #tpu.memory_space<semaphore_mem>>)
      %dma_wait3A_54 = arith.constant 0 : i32
      %dma_wait3A_55 = arith.constant 0 : i32
      %dma_wait3A_56 = tpu.memref_slice %arg18[%dma_wait3A_54, %dma_wait3A_55] : memref<10000x128xf32, #tpu.memory_space<vmem_shared>> -> memref<10000x128xf32, #tpu.memory_space<vmem_shared>>
      tpu.wait_indirect_dma semaphore(%arg28 : memref<!tpu.dma_semaphore, #tpu.memory_space<semaphore_mem>>) src(%arg14 : memref<128x128xf32, #tpu.memory_space<vmem>>) dst(%dma_wait3A_56 : memref<10000x128xf32, #tpu.memory_space<vmem_shared>>)
      %add3A_57 = arith.constant 384 : i32
      %add3A_58 = arith.addi %mul3A_0, %add3A_57 : i32
      %dma_start3A_59 = tpu.memref_slice %arg4[%add3A_58] : memref<160000xi32, #tpu.memory_space<hbm>> -> memref<128xi32, #tpu.memory_space<hbm>>
      %dma_start3A_60 = tpu.memref_slice %arg4[%add3A_58] : memref<160000xi32, #tpu.memory_space<hbm>> -> memref<128xi32, #tpu.memory_space<hbm>>
      tpu.enqueue_dma source(%dma_start3A_60 : memref<128xi32, #tpu.memory_space<hbm>>) target(%arg8 : memref<128xi32, #tpu.memory_space<vmem>>) target_semaphore(%arg19 : memref<!tpu.dma_semaphore, #tpu.memory_space<semaphore_mem>>)
      %dma_start3A_61 = tpu.memref_slice %arg5[%add3A_58] : memref<160000xi32, #tpu.memory_space<hbm>> -> memref<128xi32, #tpu.memory_space<hbm>>
      %dma_start3A_62 = tpu.memref_slice %arg5[%add3A_58] : memref<160000xi32, #tpu.memory_space<hbm>> -> memref<128xi32, #tpu.memory_space<hbm>>
      tpu.enqueue_dma source(%dma_start3A_62 : memref<128xi32, #tpu.memory_space<hbm>>) target(%arg11 : memref<128xi32, #tpu.memory_space<vmem>>) target_semaphore(%arg22 : memref<!tpu.dma_semaphore, #tpu.memory_space<semaphore_mem>>)
      %dma_wait3A_63 = arith.constant 0 : i32
      %dma_wait3A_64 = arith.constant 0 : i32
      %dma_wait3A_65 = tpu.memref_slice %arg2[%dma_wait3A_63, %dma_wait3A_64] : memref<10000x128xf32, #tpu.memory_space<hbm>> -> memref<10000x128xf32, #tpu.memory_space<hbm>>
      tpu.wait_indirect_dma semaphore(%arg26 : memref<!tpu.dma_semaphore, #tpu.memory_space<semaphore_mem>>) src(%dma_wait3A_65 : memref<10000x128xf32, #tpu.memory_space<hbm>>) dst(%arg15 : memref<128x128xf32, #tpu.memory_space<vmem>>)
      %dma_wait3A_66 = arith.constant 0 : i32
      %dma_wait3A_67 = tpu.memref_slice %arg5[%dma_wait3A_66] : memref<160000xi32, #tpu.memory_space<hbm>> -> memref<128xi32, #tpu.memory_space<hbm>>
      %dma_wait3A_68 = arith.constant 0 : i32
      %dma_wait3A_69 = tpu.memref_slice %arg5[%dma_wait3A_68] : memref<160000xi32, #tpu.memory_space<hbm>> -> memref<128xi32, #tpu.memory_space<hbm>>
      tpu.wait_dma2 semaphore(%arg23 : memref<!tpu.dma_semaphore, #tpu.memory_space<semaphore_mem>>) src(%dma_wait3A_69 : memref<128xi32, #tpu.memory_space<hbm>>) dst(%arg12 : memref<128xi32, #tpu.memory_space<vmem>>)
      %dma_start3A_70 = arith.constant 0 : i32
      %dma_start3A_71 = arith.constant 0 : i32
      %dma_start3A_72 = tpu.memref_slice %arg18[%dma_start3A_70, %dma_start3A_71] : memref<10000x128xf32, #tpu.memory_space<vmem_shared>> -> memref<10000x128xf32, #tpu.memory_space<vmem_shared>>
      tpu.enqueue_indirect_dma source(%arg15 : memref<128x128xf32, #tpu.memory_space<vmem>>) target(%dma_start3A_72 : memref<10000x128xf32, #tpu.memory_space<vmem_shared>>) offsets(%arg12 : memref<128xi32, #tpu.memory_space<vmem>>) semaphore(%arg28 : memref<!tpu.dma_semaphore, #tpu.memory_space<semaphore_mem>>) {add = true}
      %dma_wait3A_73 = arith.constant 0 : i32
      %dma_wait3A_74 = tpu.memref_slice %arg4[%dma_wait3A_73] : memref<160000xi32, #tpu.memory_space<hbm>> -> memref<128xi32, #tpu.memory_space<hbm>>
      %dma_wait3A_75 = arith.constant 0 : i32
      %dma_wait3A_76 = tpu.memref_slice %arg4[%dma_wait3A_75] : memref<160000xi32, #tpu.memory_space<hbm>> -> memref<128xi32, #tpu.memory_space<hbm>>
      tpu.wait_dma2 semaphore(%arg21 : memref<!tpu.dma_semaphore, #tpu.memory_space<semaphore_mem>>) src(%dma_wait3A_76 : memref<128xi32, #tpu.memory_space<hbm>>) dst(%arg10 : memref<128xi32, #tpu.memory_space<vmem>>)
      %dma_start3A_77 = arith.constant 0 : i32
      %dma_start3A_78 = arith.constant 0 : i32
      %dma_start3A_79 = tpu.memref_slice %arg2[%dma_start3A_77, %dma_start3A_78] : memref<10000x128xf32, #tpu.memory_space<hbm>> -> memref<10000x128xf32, #tpu.memory_space<hbm>>
      tpu.enqueue_indirect_dma source(%dma_start3A_79 : memref<10000x128xf32, #tpu.memory_space<hbm>>) target(%arg16 : memref<128x128xf32, #tpu.memory_space<vmem>>) offsets(%arg10 : memref<128xi32, #tpu.memory_space<vmem>>) semaphore(%arg27 : memref<!tpu.dma_semaphore, #tpu.memory_space<semaphore_mem>>)
      %scan3A = arith.constant 0 : i32
      %scan3A_80 = arith.constant 0 : i32
      %scan3A_81 = arith.constant 24 : i32
      %scan3A_82 = arith.addi %scan3A_80, %scan3A_81 : i32
      %scan3A_83 = arith.constant 1 : i32
      %scan3A_84 = scf.for %scan3A_200 = %scan3A_80 to %scan3A_82 step %scan3A_83 iter_args(%scan3A_201 = %scan3A) -> (i32)  : i32 {
        %mul3A_202 = arith.constant 3 : i32
        %mul3A_203 = arith.muli %scan3A_200, %mul3A_202 : i32
        %add3A_204 = arith.constant 2 : i32
        %add3A_205 = arith.addi %add3A_204, %mul3A_203 : i32
        %add3A_206 = arith.constant 0 : i32
        %add3A_207 = arith.addi %add3A_205, %add3A_206 : i32
        %dma_wait3A_208 = arith.constant 0 : i32
        %dma_wait3A_209 = arith.constant 0 : i32
        %dma_wait3A_210 = tpu.memref_slice %arg18[%dma_wait3A_208, %dma_wait3A_209] : memref<10000x128xf32, #tpu.memory_space<vmem_shared>> -> memref<10000x128xf32, #tpu.memory_space<vmem_shared>>
        tpu.wait_indirect_dma semaphore(%arg28 : memref<!tpu.dma_semaphore, #tpu.memory_space<semaphore_mem>>) src(%arg15 : memref<128x128xf32, #tpu.memory_space<vmem>>) dst(%dma_wait3A_210 : memref<10000x128xf32, #tpu.memory_space<vmem_shared>>)
        %add3A_211 = arith.constant 2 : i32
        %add3A_212 = arith.addi %add3A_207, %add3A_211 : i32
        %mul3A_213 = arith.constant 128 : i32
        %mul3A_214 = arith.muli %add3A_212, %mul3A_213 : i32
        %add3A_215 = arith.addi %mul3A_0, %mul3A_214 : i32
        %dma_start3A_216 = tpu.memref_slice %arg4[%add3A_215] : memref<160000xi32, #tpu.memory_space<hbm>> -> memref<128xi32, #tpu.memory_space<hbm>>
        %dma_start3A_217 = tpu.memref_slice %arg4[%add3A_215] : memref<160000xi32, #tpu.memory_space<hbm>> -> memref<128xi32, #tpu.memory_space<hbm>>
        tpu.enqueue_dma source(%dma_start3A_217 : memref<128xi32, #tpu.memory_space<hbm>>) target(%arg9 : memref<128xi32, #tpu.memory_space<vmem>>) target_semaphore(%arg20 : memref<!tpu.dma_semaphore, #tpu.memory_space<semaphore_mem>>)
        %dma_start3A_218 = tpu.memref_slice %arg5[%add3A_215] : memref<160000xi32, #tpu.memory_space<hbm>> -> memref<128xi32, #tpu.memory_space<hbm>>
        %dma_start3A_219 = tpu.memref_slice %arg5[%add3A_215] : memref<160000xi32, #tpu.memory_space<hbm>> -> memref<128xi32, #tpu.memory_space<hbm>>
        tpu.enqueue_dma source(%dma_start3A_219 : memref<128xi32, #tpu.memory_space<hbm>>) target(%arg12 : memref<128xi32, #tpu.memory_space<vmem>>) target_semaphore(%arg23 : memref<!tpu.dma_semaphore, #tpu.memory_space<semaphore_mem>>)
        %dma_wait3A_220 = arith.constant 0 : i32
        %dma_wait3A_221 = arith.constant 0 : i32
        %dma_wait3A_222 = tpu.memref_slice %arg2[%dma_wait3A_220, %dma_wait3A_221] : memref<10000x128xf32, #tpu.memory_space<hbm>> -> memref<10000x128xf32, #tpu.memory_space<hbm>>
        tpu.wait_indirect_dma semaphore(%arg27 : memref<!tpu.dma_semaphore, #tpu.memory_space<semaphore_mem>>) src(%dma_wait3A_222 : memref<10000x128xf32, #tpu.memory_space<hbm>>) dst(%arg16 : memref<128x128xf32, #tpu.memory_space<vmem>>)
        %dma_wait3A_223 = arith.constant 0 : i32
        %dma_wait3A_224 = tpu.memref_slice %arg5[%dma_wait3A_223] : memref<160000xi32, #tpu.memory_space<hbm>> -> memref<128xi32, #tpu.memory_space<hbm>>
        %dma_wait3A_225 = arith.constant 0 : i32
        %dma_wait3A_226 = tpu.memref_slice %arg5[%dma_wait3A_225] : memref<160000xi32, #tpu.memory_space<hbm>> -> memref<128xi32, #tpu.memory_space<hbm>>
        tpu.wait_dma2 semaphore(%arg24 : memref<!tpu.dma_semaphore, #tpu.memory_space<semaphore_mem>>) src(%dma_wait3A_226 : memref<128xi32, #tpu.memory_space<hbm>>) dst(%arg13 : memref<128xi32, #tpu.memory_space<vmem>>)
        %dma_start3A_227 = arith.constant 0 : i32
        %dma_start3A_228 = arith.constant 0 : i32
        %dma_start3A_229 = tpu.memref_slice %arg18[%dma_start3A_227, %dma_start3A_228] : memref<10000x128xf32, #tpu.memory_space<vmem_shared>> -> memref<10000x128xf32, #tpu.memory_space<vmem_shared>>
        tpu.enqueue_indirect_dma source(%arg16 : memref<128x128xf32, #tpu.memory_space<vmem>>) target(%dma_start3A_229 : memref<10000x128xf32, #tpu.memory_space<vmem_shared>>) offsets(%arg13 : memref<128xi32, #tpu.memory_space<vmem>>) semaphore(%arg28 : memref<!tpu.dma_semaphore, #tpu.memory_space<semaphore_mem>>) {add = true}
        %dma_wait3A_230 = arith.constant 0 : i32
        %dma_wait3A_231 = tpu.memref_slice %arg4[%dma_wait3A_230] : memref<160000xi32, #tpu.memory_space<hbm>> -> memref<128xi32, #tpu.memory_space<hbm>>
        %dma_wait3A_232 = arith.constant 0 : i32
        %dma_wait3A_233 = tpu.memref_slice %arg4[%dma_wait3A_232] : memref<160000xi32, #tpu.memory_space<hbm>> -> memref<128xi32, #tpu.memory_space<hbm>>
        tpu.wait_dma2 semaphore(%arg19 : memref<!tpu.dma_semaphore, #tpu.memory_space<semaphore_mem>>) src(%dma_wait3A_233 : memref<128xi32, #tpu.memory_space<hbm>>) dst(%arg8 : memref<128xi32, #tpu.memory_space<vmem>>)
        %add3A_234 = arith.constant 1 : i32
        %add3A_235 = arith.addi %add3A_207, %add3A_234 : i32
        %dma_start3A_236 = arith.constant 0 : i32
        %dma_start3A_237 = arith.constant 0 : i32
        %dma_start3A_238 = tpu.memref_slice %arg2[%dma_start3A_236, %dma_start3A_237] : memref<10000x128xf32, #tpu.memory_space<hbm>> -> memref<10000x128xf32, #tpu.memory_space<hbm>>
        tpu.enqueue_indirect_dma source(%dma_start3A_238 : memref<10000x128xf32, #tpu.memory_space<hbm>>) target(%arg14 : memref<128x128xf32, #tpu.memory_space<vmem>>) offsets(%arg8 : memref<128xi32, #tpu.memory_space<vmem>>) semaphore(%arg25 : memref<!tpu.dma_semaphore, #tpu.memory_space<semaphore_mem>>)
        %add3A_239 = arith.constant 1 : i32
        %add3A_240 = arith.addi %add3A_205, %add3A_239 : i32
        %dma_wait3A_241 = arith.constant 0 : i32
        %dma_wait3A_242 = arith.constant 0 : i32
        %dma_wait3A_243 = tpu.memref_slice %arg18[%dma_wait3A_241, %dma_wait3A_242] : memref<10000x128xf32, #tpu.memory_space<vmem_shared>> -> memref<10000x128xf32, #tpu.memory_space<vmem_shared>>
        tpu.wait_indirect_dma semaphore(%arg28 : memref<!tpu.dma_semaphore, #tpu.memory_space<semaphore_mem>>) src(%arg16 : memref<128x128xf32, #tpu.memory_space<vmem>>) dst(%dma_wait3A_243 : memref<10000x128xf32, #tpu.memory_space<vmem_shared>>)
        %add3A_244 = arith.constant 2 : i32
        %add3A_245 = arith.addi %add3A_240, %add3A_244 : i32
        %mul3A_246 = arith.constant 128 : i32
        %mul3A_247 = arith.muli %add3A_245, %mul3A_246 : i32
        %add3A_248 = arith.addi %mul3A_0, %mul3A_247 : i32
        %dma_start3A_249 = tpu.memref_slice %arg4[%add3A_248] : memref<160000xi32, #tpu.memory_space<hbm>> -> memref<128xi32, #tpu.memory_space<hbm>>
        %dma_start3A_250 = tpu.memref_slice %arg4[%add3A_248] : memref<160000xi32, #tpu.memory_space<hbm>> -> memref<128xi32, #tpu.memory_space<hbm>>
        tpu.enqueue_dma source(%dma_start3A_250 : memref<128xi32, #tpu.memory_space<hbm>>) target(%arg10 : memref<128xi32, #tpu.memory_space<vmem>>) target_semaphore(%arg21 : memref<!tpu.dma_semaphore, #tpu.memory_space<semaphore_mem>>)
        %dma_start3A_251 = tpu.memref_slice %arg5[%add3A_248] : memref<160000xi32, #tpu.memory_space<hbm>> -> memref<128xi32, #tpu.memory_space<hbm>>
        %dma_start3A_252 = tpu.memref_slice %arg5[%add3A_248] : memref<160000xi32, #tpu.memory_space<hbm>> -> memref<128xi32, #tpu.memory_space<hbm>>
        tpu.enqueue_dma source(%dma_start3A_252 : memref<128xi32, #tpu.memory_space<hbm>>) target(%arg13 : memref<128xi32, #tpu.memory_space<vmem>>) target_semaphore(%arg24 : memref<!tpu.dma_semaphore, #tpu.memory_space<semaphore_mem>>)
        %dma_wait3A_253 = arith.constant 0 : i32
        %dma_wait3A_254 = arith.constant 0 : i32
        %dma_wait3A_255 = tpu.memref_slice %arg2[%dma_wait3A_253, %dma_wait3A_254] : memref<10000x128xf32, #tpu.memory_space<hbm>> -> memref<10000x128xf32, #tpu.memory_space<hbm>>
        tpu.wait_indirect_dma semaphore(%arg25 : memref<!tpu.dma_semaphore, #tpu.memory_space<semaphore_mem>>) src(%dma_wait3A_255 : memref<10000x128xf32, #tpu.memory_space<hbm>>) dst(%arg14 : memref<128x128xf32, #tpu.memory_space<vmem>>)
        %dma_wait3A_256 = arith.constant 0 : i32
        %dma_wait3A_257 = tpu.memref_slice %arg5[%dma_wait3A_256] : memref<160000xi32, #tpu.memory_space<hbm>> -> memref<128xi32, #tpu.memory_space<hbm>>
        %dma_wait3A_258 = arith.constant 0 : i32
        %dma_wait3A_259 = tpu.memref_slice %arg5[%dma_wait3A_258] : memref<160000xi32, #tpu.memory_space<hbm>> -> memref<128xi32, #tpu.memory_space<hbm>>
        tpu.wait_dma2 semaphore(%arg22 : memref<!tpu.dma_semaphore, #tpu.memory_space<semaphore_mem>>) src(%dma_wait3A_259 : memref<128xi32, #tpu.memory_space<hbm>>) dst(%arg11 : memref<128xi32, #tpu.memory_space<vmem>>)
        %dma_start3A_260 = arith.constant 0 : i32
        %dma_start3A_261 = arith.constant 0 : i32
        %dma_start3A_262 = tpu.memref_slice %arg18[%dma_start3A_260, %dma_start3A_261] : memref<10000x128xf32, #tpu.memory_space<vmem_shared>> -> memref<10000x128xf32, #tpu.memory_space<vmem_shared>>
        tpu.enqueue_indirect_dma source(%arg14 : memref<128x128xf32, #tpu.memory_space<vmem>>) target(%dma_start3A_262 : memref<10000x128xf32, #tpu.memory_space<vmem_shared>>) offsets(%arg11 : memref<128xi32, #tpu.memory_space<vmem>>) semaphore(%arg28 : memref<!tpu.dma_semaphore, #tpu.memory_space<semaphore_mem>>) {add = true}
        %dma_wait3A_263 = arith.constant 0 : i32
        %dma_wait3A_264 = tpu.memref_slice %arg4[%dma_wait3A_263] : memref<160000xi32, #tpu.memory_space<hbm>> -> memref<128xi32, #tpu.memory_space<hbm>>
        %dma_wait3A_265 = arith.constant 0 : i32
        %dma_wait3A_266 = tpu.memref_slice %arg4[%dma_wait3A_265] : memref<160000xi32, #tpu.memory_space<hbm>> -> memref<128xi32, #tpu.memory_space<hbm>>
        tpu.wait_dma2 semaphore(%arg20 : memref<!tpu.dma_semaphore, #tpu.memory_space<semaphore_mem>>) src(%dma_wait3A_266 : memref<128xi32, #tpu.memory_space<hbm>>) dst(%arg9 : memref<128xi32, #tpu.memory_space<vmem>>)
        %add3A_267 = arith.constant 1 : i32
        %add3A_268 = arith.addi %add3A_240, %add3A_267 : i32
        %dma_start3A_269 = arith.constant 0 : i32
        %dma_start3A_270 = arith.constant 0 : i32
        %dma_start3A_271 = tpu.memref_slice %arg2[%dma_start3A_269, %dma_start3A_270] : memref<10000x128xf32, #tpu.memory_space<hbm>> -> memref<10000x128xf32, #tpu.memory_space<hbm>>
        tpu.enqueue_indirect_dma source(%dma_start3A_271 : memref<10000x128xf32, #tpu.memory_space<hbm>>) target(%arg15 : memref<128x128xf32, #tpu.memory_space<vmem>>) offsets(%arg9 : memref<128xi32, #tpu.memory_space<vmem>>) semaphore(%arg26 : memref<!tpu.dma_semaphore, #tpu.memory_space<semaphore_mem>>)
        %add3A_272 = arith.constant 2 : i32
        %add3A_273 = arith.addi %add3A_205, %add3A_272 : i32
        %dma_wait3A_274 = arith.constant 0 : i32
        %dma_wait3A_275 = arith.constant 0 : i32
        %dma_wait3A_276 = tpu.memref_slice %arg18[%dma_wait3A_274, %dma_wait3A_275] : memref<10000x128xf32, #tpu.memory_space<vmem_shared>> -> memref<10000x128xf32, #tpu.memory_space<vmem_shared>>
        tpu.wait_indirect_dma semaphore(%arg28 : memref<!tpu.dma_semaphore, #tpu.memory_space<semaphore_mem>>) src(%arg14 : memref<128x128xf32, #tpu.memory_space<vmem>>) dst(%dma_wait3A_276 : memref<10000x128xf32, #tpu.memory_space<vmem_shared>>)
        %add3A_277 = arith.constant 2 : i32
        %add3A_278 = arith.addi %add3A_273, %add3A_277 : i32
        %mul3A_279 = arith.constant 128 : i32
        %mul3A_280 = arith.muli %add3A_278, %mul3A_279 : i32
        %add3A_281 = arith.addi %mul3A_0, %mul3A_280 : i32
        %dma_start3A_282 = tpu.memref_slice %arg4[%add3A_281] : memref<160000xi32, #tpu.memory_space<hbm>> -> memref<128xi32, #tpu.memory_space<hbm>>
        %dma_start3A_283 = tpu.memref_slice %arg4[%add3A_281] : memref<160000xi32, #tpu.memory_space<hbm>> -> memref<128xi32, #tpu.memory_space<hbm>>
        tpu.enqueue_dma source(%dma_start3A_283 : memref<128xi32, #tpu.memory_space<hbm>>) target(%arg8 : memref<128xi32, #tpu.memory_space<vmem>>) target_semaphore(%arg19 : memref<!tpu.dma_semaphore, #tpu.memory_space<semaphore_mem>>)
        %dma_start3A_284 = tpu.memref_slice %arg5[%add3A_281] : memref<160000xi32, #tpu.memory_space<hbm>> -> memref<128xi32, #tpu.memory_space<hbm>>
        %dma_start3A_285 = tpu.memref_slice %arg5[%add3A_281] : memref<160000xi32, #tpu.memory_space<hbm>> -> memref<128xi32, #tpu.memory_space<hbm>>
        tpu.enqueue_dma source(%dma_start3A_285 : memref<128xi32, #tpu.memory_space<hbm>>) target(%arg11 : memref<128xi32, #tpu.memory_space<vmem>>) target_semaphore(%arg22 : memref<!tpu.dma_semaphore, #tpu.memory_space<semaphore_mem>>)
        %dma_wait3A_286 = arith.constant 0 : i32
        %dma_wait3A_287 = arith.constant 0 : i32
        %dma_wait3A_288 = tpu.memref_slice %arg2[%dma_wait3A_286, %dma_wait3A_287] : memref<10000x128xf32, #tpu.memory_space<hbm>> -> memref<10000x128xf32, #tpu.memory_space<hbm>>
        tpu.wait_indirect_dma semaphore(%arg26 : memref<!tpu.dma_semaphore, #tpu.memory_space<semaphore_mem>>) src(%dma_wait3A_288 : memref<10000x128xf32, #tpu.memory_space<hbm>>) dst(%arg15 : memref<128x128xf32, #tpu.memory_space<vmem>>)
        %dma_wait3A_289 = arith.constant 0 : i32
        %dma_wait3A_290 = tpu.memref_slice %arg5[%dma_wait3A_289] : memref<160000xi32, #tpu.memory_space<hbm>> -> memref<128xi32, #tpu.memory_space<hbm>>
        %dma_wait3A_291 = arith.constant 0 : i32
        %dma_wait3A_292 = tpu.memref_slice %arg5[%dma_wait3A_291] : memref<160000xi32, #tpu.memory_space<hbm>> -> memref<128xi32, #tpu.memory_space<hbm>>
        tpu.wait_dma2 semaphore(%arg23 : memref<!tpu.dma_semaphore, #tpu.memory_space<semaphore_mem>>) src(%dma_wait3A_292 : memref<128xi32, #tpu.memory_space<hbm>>) dst(%arg12 : memref<128xi32, #tpu.memory_space<vmem>>)
        %dma_start3A_293 = arith.constant 0 : i32
        %dma_start3A_294 = arith.constant 0 : i32
        %dma_start3A_295 = tpu.memref_slice %arg18[%dma_start3A_293, %dma_start3A_294] : memref<10000x128xf32, #tpu.memory_space<vmem_shared>> -> memref<10000x128xf32, #tpu.memory_space<vmem_shared>>
        tpu.enqueue_indirect_dma source(%arg15 : memref<128x128xf32, #tpu.memory_space<vmem>>) target(%dma_start3A_295 : memref<10000x128xf32, #tpu.memory_space<vmem_shared>>) offsets(%arg12 : memref<128xi32, #tpu.memory_space<vmem>>) semaphore(%arg28 : memref<!tpu.dma_semaphore, #tpu.memory_space<semaphore_mem>>) {add = true}
        %dma_wait3A_296 = arith.constant 0 : i32
        %dma_wait3A_297 = tpu.memref_slice %arg4[%dma_wait3A_296] : memref<160000xi32, #tpu.memory_space<hbm>> -> memref<128xi32, #tpu.memory_space<hbm>>
        %dma_wait3A_298 = arith.constant 0 : i32
        %dma_wait3A_299 = tpu.memref_slice %arg4[%dma_wait3A_298] : memref<160000xi32, #tpu.memory_space<hbm>> -> memref<128xi32, #tpu.memory_space<hbm>>
        tpu.wait_dma2 semaphore(%arg21 : memref<!tpu.dma_semaphore, #tpu.memory_space<semaphore_mem>>) src(%dma_wait3A_299 : memref<128xi32, #tpu.memory_space<hbm>>) dst(%arg10 : memref<128xi32, #tpu.memory_space<vmem>>)
        %add3A_300 = arith.constant 1 : i32
        %add3A_301 = arith.addi %add3A_273, %add3A_300 : i32
        %dma_start3A_302 = arith.constant 0 : i32
        %dma_start3A_303 = arith.constant 0 : i32
        %dma_start3A_304 = tpu.memref_slice %arg2[%dma_start3A_302, %dma_start3A_303] : memref<10000x128xf32, #tpu.memory_space<hbm>> -> memref<10000x128xf32, #tpu.memory_space<hbm>>
        tpu.enqueue_indirect_dma source(%dma_start3A_304 : memref<10000x128xf32, #tpu.memory_space<hbm>>) target(%arg16 : memref<128x128xf32, #tpu.memory_space<vmem>>) offsets(%arg10 : memref<128xi32, #tpu.memory_space<vmem>>) semaphore(%arg27 : memref<!tpu.dma_semaphore, #tpu.memory_space<semaphore_mem>>)
        %scan3A_305 = arith.constant 0 : i32
        scf.yield %scan3A_305 : i32
      }
      %scan3A_85 = arith.constant 24 : i32
      %dma_wait3A_86 = arith.constant 0 : i32
      %dma_wait3A_87 = arith.constant 0 : i32
      %dma_wait3A_88 = tpu.memref_slice %arg18[%dma_wait3A_86, %dma_wait3A_87] : memref<10000x128xf32, #tpu.memory_space<vmem_shared>> -> memref<10000x128xf32, #tpu.memory_space<vmem_shared>>
      tpu.wait_indirect_dma semaphore(%arg28 : memref<!tpu.dma_semaphore, #tpu.memory_space<semaphore_mem>>) src(%arg15 : memref<128x128xf32, #tpu.memory_space<vmem>>) dst(%dma_wait3A_88 : memref<10000x128xf32, #tpu.memory_space<vmem_shared>>)
      %add3A_89 = arith.constant 9728 : i32
      %add3A_90 = arith.addi %mul3A_0, %add3A_89 : i32
      %dma_start3A_91 = tpu.memref_slice %arg4[%add3A_90] : memref<160000xi32, #tpu.memory_space<hbm>> -> memref<128xi32, #tpu.memory_space<hbm>>
      %dma_start3A_92 = tpu.memref_slice %arg4[%add3A_90] : memref<160000xi32, #tpu.memory_space<hbm>> -> memref<128xi32, #tpu.memory_space<hbm>>
      tpu.enqueue_dma source(%dma_start3A_92 : memref<128xi32, #tpu.memory_space<hbm>>) target(%arg9 : memref<128xi32, #tpu.memory_space<vmem>>) target_semaphore(%arg20 : memref<!tpu.dma_semaphore, #tpu.memory_space<semaphore_mem>>)
      %dma_start3A_93 = tpu.memref_slice %arg5[%add3A_90] : memref<160000xi32, #tpu.memory_space<hbm>> -> memref<128xi32, #tpu.memory_space<hbm>>
      %dma_start3A_94 = tpu.memref_slice %arg5[%add3A_90] : memref<160000xi32, #tpu.memory_space<hbm>> -> memref<128xi32, #tpu.memory_space<hbm>>
      tpu.enqueue_dma source(%dma_start3A_94 : memref<128xi32, #tpu.memory_space<hbm>>) target(%arg12 : memref<128xi32, #tpu.memory_space<vmem>>) target_semaphore(%arg23 : memref<!tpu.dma_semaphore, #tpu.memory_space<semaphore_mem>>)
      %dma_wait3A_95 = arith.constant 0 : i32
      %dma_wait3A_96 = arith.constant 0 : i32
      %dma_wait3A_97 = tpu.memref_slice %arg2[%dma_wait3A_95, %dma_wait3A_96] : memref<10000x128xf32, #tpu.memory_space<hbm>> -> memref<10000x128xf32, #tpu.memory_space<hbm>>
      tpu.wait_indirect_dma semaphore(%arg27 : memref<!tpu.dma_semaphore, #tpu.memory_space<semaphore_mem>>) src(%dma_wait3A_97 : memref<10000x128xf32, #tpu.memory_space<hbm>>) dst(%arg16 : memref<128x128xf32, #tpu.memory_space<vmem>>)
      %dma_wait3A_98 = arith.constant 0 : i32
      %dma_wait3A_99 = tpu.memref_slice %arg5[%dma_wait3A_98] : memref<160000xi32, #tpu.memory_space<hbm>> -> memref<128xi32, #tpu.memory_space<hbm>>
      %dma_wait3A_100 = arith.constant 0 : i32
      %dma_wait3A_101 = tpu.memref_slice %arg5[%dma_wait3A_100] : memref<160000xi32, #tpu.memory_space<hbm>> -> memref<128xi32, #tpu.memory_space<hbm>>
      tpu.wait_dma2 semaphore(%arg24 : memref<!tpu.dma_semaphore, #tpu.memory_space<semaphore_mem>>) src(%dma_wait3A_101 : memref<128xi32, #tpu.memory_space<hbm>>) dst(%arg13 : memref<128xi32, #tpu.memory_space<vmem>>)
      %dma_start3A_102 = arith.constant 0 : i32
      %dma_start3A_103 = arith.constant 0 : i32
      %dma_start3A_104 = tpu.memref_slice %arg18[%dma_start3A_102, %dma_start3A_103] : memref<10000x128xf32, #tpu.memory_space<vmem_shared>> -> memref<10000x128xf32, #tpu.memory_space<vmem_shared>>
      tpu.enqueue_indirect_dma source(%arg16 : memref<128x128xf32, #tpu.memory_space<vmem>>) target(%dma_start3A_104 : memref<10000x128xf32, #tpu.memory_space<vmem_shared>>) offsets(%arg13 : memref<128xi32, #tpu.memory_space<vmem>>) semaphore(%arg28 : memref<!tpu.dma_semaphore, #tpu.memory_space<semaphore_mem>>) {add = true}
      %dma_wait3A_105 = arith.constant 0 : i32
      %dma_wait3A_106 = tpu.memref_slice %arg4[%dma_wait3A_105] : memref<160000xi32, #tpu.memory_space<hbm>> -> memref<128xi32, #tpu.memory_space<hbm>>
      %dma_wait3A_107 = arith.constant 0 : i32
      %dma_wait3A_108 = tpu.memref_slice %arg4[%dma_wait3A_107] : memref<160000xi32, #tpu.memory_space<hbm>> -> memref<128xi32, #tpu.memory_space<hbm>>
      tpu.wait_dma2 semaphore(%arg19 : memref<!tpu.dma_semaphore, #tpu.memory_space<semaphore_mem>>) src(%dma_wait3A_108 : memref<128xi32, #tpu.memory_space<hbm>>) dst(%arg8 : memref<128xi32, #tpu.memory_space<vmem>>)
      %dma_start3A_109 = arith.constant 0 : i32
      %dma_start3A_110 = arith.constant 0 : i32
      %dma_start3A_111 = tpu.memref_slice %arg2[%dma_start3A_109, %dma_start3A_110] : memref<10000x128xf32, #tpu.memory_space<hbm>> -> memref<10000x128xf32, #tpu.memory_space<hbm>>
      tpu.enqueue_indirect_dma source(%dma_start3A_111 : memref<10000x128xf32, #tpu.memory_space<hbm>>) target(%arg14 : memref<128x128xf32, #tpu.memory_space<vmem>>) offsets(%arg8 : memref<128xi32, #tpu.memory_space<vmem>>) semaphore(%arg25 : memref<!tpu.dma_semaphore, #tpu.memory_space<semaphore_mem>>)
      %dma_wait3A_112 = arith.constant 0 : i32
      %dma_wait3A_113 = arith.constant 0 : i32
      %dma_wait3A_114 = tpu.memref_slice %arg18[%dma_wait3A_112, %dma_wait3A_113] : memref<10000x128xf32, #tpu.memory_space<vmem_shared>> -> memref<10000x128xf32, #tpu.memory_space<vmem_shared>>
      tpu.wait_indirect_dma semaphore(%arg28 : memref<!tpu.dma_semaphore, #tpu.memory_space<semaphore_mem>>) src(%arg16 : memref<128x128xf32, #tpu.memory_space<vmem>>) dst(%dma_wait3A_114 : memref<10000x128xf32, #tpu.memory_space<vmem_shared>>)
      %add3A_115 = arith.constant 9856 : i32
      %add3A_116 = arith.addi %mul3A_0, %add3A_115 : i32
      %dma_start3A_117 = tpu.memref_slice %arg4[%add3A_116] : memref<160000xi32, #tpu.memory_space<hbm>> -> memref<128xi32, #tpu.memory_space<hbm>>
      %dma_start3A_118 = tpu.memref_slice %arg4[%add3A_116] : memref<160000xi32, #tpu.memory_space<hbm>> -> memref<128xi32, #tpu.memory_space<hbm>>
      tpu.enqueue_dma source(%dma_start3A_118 : memref<128xi32, #tpu.memory_space<hbm>>) target(%arg10 : memref<128xi32, #tpu.memory_space<vmem>>) target_semaphore(%arg21 : memref<!tpu.dma_semaphore, #tpu.memory_space<semaphore_mem>>)
      %dma_start3A_119 = tpu.memref_slice %arg5[%add3A_116] : memref<160000xi32, #tpu.memory_space<hbm>> -> memref<128xi32, #tpu.memory_space<hbm>>
      %dma_start3A_120 = tpu.memref_slice %arg5[%add3A_116] : memref<160000xi32, #tpu.memory_space<hbm>> -> memref<128xi32, #tpu.memory_space<hbm>>
      tpu.enqueue_dma source(%dma_start3A_120 : memref<128xi32, #tpu.memory_space<hbm>>) target(%arg13 : memref<128xi32, #tpu.memory_space<vmem>>) target_semaphore(%arg24 : memref<!tpu.dma_semaphore, #tpu.memory_space<semaphore_mem>>)
      %dma_wait3A_121 = arith.constant 0 : i32
      %dma_wait3A_122 = arith.constant 0 : i32
      %dma_wait3A_123 = tpu.memref_slice %arg2[%dma_wait3A_121, %dma_wait3A_122] : memref<10000x128xf32, #tpu.memory_space<hbm>> -> memref<10000x128xf32, #tpu.memory_space<hbm>>
      tpu.wait_indirect_dma semaphore(%arg25 : memref<!tpu.dma_semaphore, #tpu.memory_space<semaphore_mem>>) src(%dma_wait3A_123 : memref<10000x128xf32, #tpu.memory_space<hbm>>) dst(%arg14 : memref<128x128xf32, #tpu.memory_space<vmem>>)
      %dma_wait3A_124 = arith.constant 0 : i32
      %dma_wait3A_125 = tpu.memref_slice %arg5[%dma_wait3A_124] : memref<160000xi32, #tpu.memory_space<hbm>> -> memref<128xi32, #tpu.memory_space<hbm>>
      %dma_wait3A_126 = arith.constant 0 : i32
      %dma_wait3A_127 = tpu.memref_slice %arg5[%dma_wait3A_126] : memref<160000xi32, #tpu.memory_space<hbm>> -> memref<128xi32, #tpu.memory_space<hbm>>
      tpu.wait_dma2 semaphore(%arg22 : memref<!tpu.dma_semaphore, #tpu.memory_space<semaphore_mem>>) src(%dma_wait3A_127 : memref<128xi32, #tpu.memory_space<hbm>>) dst(%arg11 : memref<128xi32, #tpu.memory_space<vmem>>)
      %dma_start3A_128 = arith.constant 0 : i32
      %dma_start3A_129 = arith.constant 0 : i32
      %dma_start3A_130 = tpu.memref_slice %arg18[%dma_start3A_128, %dma_start3A_129] : memref<10000x128xf32, #tpu.memory_space<vmem_shared>> -> memref<10000x128xf32, #tpu.memory_space<vmem_shared>>
      tpu.enqueue_indirect_dma source(%arg14 : memref<128x128xf32, #tpu.memory_space<vmem>>) target(%dma_start3A_130 : memref<10000x128xf32, #tpu.memory_space<vmem_shared>>) offsets(%arg11 : memref<128xi32, #tpu.memory_space<vmem>>) semaphore(%arg28 : memref<!tpu.dma_semaphore, #tpu.memory_space<semaphore_mem>>) {add = true}
      %dma_wait3A_131 = arith.constant 0 : i32
      %dma_wait3A_132 = tpu.memref_slice %arg4[%dma_wait3A_131] : memref<160000xi32, #tpu.memory_space<hbm>> -> memref<128xi32, #tpu.memory_space<hbm>>
      %dma_wait3A_133 = arith.constant 0 : i32
      %dma_wait3A_134 = tpu.memref_slice %arg4[%dma_wait3A_133] : memref<160000xi32, #tpu.memory_space<hbm>> -> memref<128xi32, #tpu.memory_space<hbm>>
      tpu.wait_dma2 semaphore(%arg20 : memref<!tpu.dma_semaphore, #tpu.memory_space<semaphore_mem>>) src(%dma_wait3A_134 : memref<128xi32, #tpu.memory_space<hbm>>) dst(%arg9 : memref<128xi32, #tpu.memory_space<vmem>>)
      %dma_start3A_135 = arith.constant 0 : i32
      %dma_start3A_136 = arith.constant 0 : i32
      %dma_start3A_137 = tpu.memref_slice %arg2[%dma_start3A_135, %dma_start3A_136] : memref<10000x128xf32, #tpu.memory_space<hbm>> -> memref<10000x128xf32, #tpu.memory_space<hbm>>
      tpu.enqueue_indirect_dma source(%dma_start3A_137 : memref<10000x128xf32, #tpu.memory_space<hbm>>) target(%arg15 : memref<128x128xf32, #tpu.memory_space<vmem>>) offsets(%arg9 : memref<128xi32, #tpu.memory_space<vmem>>) semaphore(%arg26 : memref<!tpu.dma_semaphore, #tpu.memory_space<semaphore_mem>>)
      %dma_wait3A_138 = arith.constant 0 : i32
      %dma_wait3A_139 = arith.constant 0 : i32
      %dma_wait3A_140 = tpu.memref_slice %arg18[%dma_wait3A_138, %dma_wait3A_139] : memref<10000x128xf32, #tpu.memory_space<vmem_shared>> -> memref<10000x128xf32, #tpu.memory_space<vmem_shared>>
      tpu.wait_indirect_dma semaphore(%arg28 : memref<!tpu.dma_semaphore, #tpu.memory_space<semaphore_mem>>) src(%arg14 : memref<128x128xf32, #tpu.memory_space<vmem>>) dst(%dma_wait3A_140 : memref<10000x128xf32, #tpu.memory_space<vmem_shared>>)
      %dma_wait3A_141 = arith.constant 0 : i32
      %dma_wait3A_142 = arith.constant 0 : i32
      %dma_wait3A_143 = tpu.memref_slice %arg2[%dma_wait3A_141, %dma_wait3A_142] : memref<10000x128xf32, #tpu.memory_space<hbm>> -> memref<10000x128xf32, #tpu.memory_space<hbm>>
      tpu.wait_indirect_dma semaphore(%arg26 : memref<!tpu.dma_semaphore, #tpu.memory_space<semaphore_mem>>) src(%dma_wait3A_143 : memref<10000x128xf32, #tpu.memory_space<hbm>>) dst(%arg15 : memref<128x128xf32, #tpu.memory_space<vmem>>)
      %dma_wait3A_144 = arith.constant 0 : i32
      %dma_wait3A_145 = tpu.memref_slice %arg5[%dma_wait3A_144] : memref<160000xi32, #tpu.memory_space<hbm>> -> memref<128xi32, #tpu.memory_space<hbm>>
      %dma_wait3A_146 = arith.constant 0 : i32
      %dma_wait3A_147 = tpu.memref_slice %arg5[%dma_wait3A_146] : memref<160000xi32, #tpu.memory_space<hbm>> -> memref<128xi32, #tpu.memory_space<hbm>>
      tpu.wait_dma2 semaphore(%arg23 : memref<!tpu.dma_semaphore, #tpu.memory_space<semaphore_mem>>) src(%dma_wait3A_147 : memref<128xi32, #tpu.memory_space<hbm>>) dst(%arg12 : memref<128xi32, #tpu.memory_space<vmem>>)
      %dma_start3A_148 = arith.constant 0 : i32
      %dma_start3A_149 = arith.constant 0 : i32
      %dma_start3A_150 = tpu.memref_slice %arg18[%dma_start3A_148, %dma_start3A_149] : memref<10000x128xf32, #tpu.memory_space<vmem_shared>> -> memref<10000x128xf32, #tpu.memory_space<vmem_shared>>
      tpu.enqueue_indirect_dma source(%arg15 : memref<128x128xf32, #tpu.memory_space<vmem>>) target(%dma_start3A_150 : memref<10000x128xf32, #tpu.memory_space<vmem_shared>>) offsets(%arg12 : memref<128xi32, #tpu.memory_space<vmem>>) semaphore(%arg28 : memref<!tpu.dma_semaphore, #tpu.memory_space<semaphore_mem>>) {add = true}
      %dma_wait3A_151 = arith.constant 0 : i32
      %dma_wait3A_152 = tpu.memref_slice %arg4[%dma_wait3A_151] : memref<160000xi32, #tpu.memory_space<hbm>> -> memref<128xi32, #tpu.memory_space<hbm>>
      %dma_wait3A_153 = arith.constant 0 : i32
      %dma_wait3A_154 = tpu.memref_slice %arg4[%dma_wait3A_153] : memref<160000xi32, #tpu.memory_space<hbm>> -> memref<128xi32, #tpu.memory_space<hbm>>
      tpu.wait_dma2 semaphore(%arg21 : memref<!tpu.dma_semaphore, #tpu.memory_space<semaphore_mem>>) src(%dma_wait3A_154 : memref<128xi32, #tpu.memory_space<hbm>>) dst(%arg10 : memref<128xi32, #tpu.memory_space<vmem>>)
      %dma_start3A_155 = arith.constant 0 : i32
      %dma_start3A_156 = arith.constant 0 : i32
      %dma_start3A_157 = tpu.memref_slice %arg2[%dma_start3A_155, %dma_start3A_156] : memref<10000x128xf32, #tpu.memory_space<hbm>> -> memref<10000x128xf32, #tpu.memory_space<hbm>>
      tpu.enqueue_indirect_dma source(%dma_start3A_157 : memref<10000x128xf32, #tpu.memory_space<hbm>>) target(%arg16 : memref<128x128xf32, #tpu.memory_space<vmem>>) offsets(%arg10 : memref<128xi32, #tpu.memory_space<vmem>>) semaphore(%arg27 : memref<!tpu.dma_semaphore, #tpu.memory_space<semaphore_mem>>)
      %dma_wait3A_158 = arith.constant 0 : i32
      %dma_wait3A_159 = arith.constant 0 : i32
      %dma_wait3A_160 = tpu.memref_slice %arg18[%dma_wait3A_158, %dma_wait3A_159] : memref<10000x128xf32, #tpu.memory_space<vmem_shared>> -> memref<10000x128xf32, #tpu.memory_space<vmem_shared>>
      tpu.wait_indirect_dma semaphore(%arg28 : memref<!tpu.dma_semaphore, #tpu.memory_space<semaphore_mem>>) src(%arg15 : memref<128x128xf32, #tpu.memory_space<vmem>>) dst(%dma_wait3A_160 : memref<10000x128xf32, #tpu.memory_space<vmem_shared>>)
      %dma_wait3A_161 = arith.constant 0 : i32
      %dma_wait3A_162 = arith.constant 0 : i32
      %dma_wait3A_163 = tpu.memref_slice %arg2[%dma_wait3A_161, %dma_wait3A_162] : memref<10000x128xf32, #tpu.memory_space<hbm>> -> memref<10000x128xf32, #tpu.memory_space<hbm>>
      tpu.wait_indirect_dma semaphore(%arg27 : memref<!tpu.dma_semaphore, #tpu.memory_space<semaphore_mem>>) src(%dma_wait3A_163 : memref<10000x128xf32, #tpu.memory_space<hbm>>) dst(%arg16 : memref<128x128xf32, #tpu.memory_space<vmem>>)
      %dma_wait3A_164 = arith.constant 0 : i32
      %dma_wait3A_165 = tpu.memref_slice %arg5[%dma_wait3A_164] : memref<160000xi32, #tpu.memory_space<hbm>> -> memref<128xi32, #tpu.memory_space<hbm>>
      %dma_wait3A_166 = arith.constant 0 : i32
      %dma_wait3A_167 = tpu.memref_slice %arg5[%dma_wait3A_166] : memref<160000xi32, #tpu.memory_space<hbm>> -> memref<128xi32, #tpu.memory_space<hbm>>
      tpu.wait_dma2 semaphore(%arg24 : memref<!tpu.dma_semaphore, #tpu.memory_space<semaphore_mem>>) src(%dma_wait3A_167 : memref<128xi32, #tpu.memory_space<hbm>>) dst(%arg13 : memref<128xi32, #tpu.memory_space<vmem>>)
      %dma_start3A_168 = arith.constant 0 : i32
      %dma_start3A_169 = arith.constant 0 : i32
      %dma_start3A_170 = tpu.memref_slice %arg18[%dma_start3A_168, %dma_start3A_169] : memref<10000x128xf32, #tpu.memory_space<vmem_shared>> -> memref<10000x128xf32, #tpu.memory_space<vmem_shared>>
      tpu.enqueue_indirect_dma source(%arg16 : memref<128x128xf32, #tpu.memory_space<vmem>>) target(%dma_start3A_170 : memref<10000x128xf32, #tpu.memory_space<vmem_shared>>) offsets(%arg13 : memref<128xi32, #tpu.memory_space<vmem>>) semaphore(%arg28 : memref<!tpu.dma_semaphore, #tpu.memory_space<semaphore_mem>>) {add = true}
      %dma_wait3A_171 = arith.constant 0 : i32
      %dma_wait3A_172 = arith.constant 0 : i32
      %dma_wait3A_173 = tpu.memref_slice %arg18[%dma_wait3A_171, %dma_wait3A_172] : memref<10000x128xf32, #tpu.memory_space<vmem_shared>> -> memref<10000x128xf32, #tpu.memory_space<vmem_shared>>
      tpu.wait_indirect_dma semaphore(%arg28 : memref<!tpu.dma_semaphore, #tpu.memory_space<semaphore_mem>>) src(%arg16 : memref<128x128xf32, #tpu.memory_space<vmem>>) dst(%dma_wait3A_173 : memref<10000x128xf32, #tpu.memory_space<vmem_shared>>)
      %add3A_174 = arith.constant 9984 : i32
      %add3A_175 = arith.addi %mul3A_0, %add3A_174 : i32
      "tpu.region"() ({
        %run_scoped3A = tpu.sem_alloc : memref<!tpu.dma_semaphore, #tpu.memory_space<semaphore_mem>>
        %dma_start3A_200 = arith.constant 0 : i32
        %dma_start3A_201 = tpu.memref_slice %arg8[%dma_start3A_200] : memref<128xi32, #tpu.memory_space<vmem>> -> memref<16xi32, #tpu.memory_space<vmem>>
        %dma_start3A_202 = tpu.memref_slice %arg4[%add3A_175] : memref<160000xi32, #tpu.memory_space<hbm>> -> memref<16xi32, #tpu.memory_space<hbm>>
        %dma_start3A_203 = arith.constant 0 : i32
        %dma_start3A_204 = tpu.memref_slice %arg8[%dma_start3A_203] : memref<128xi32, #tpu.memory_space<vmem>> -> memref<16xi32, #tpu.memory_space<vmem>>
        %dma_start3A_205 = tpu.memref_slice %arg4[%add3A_175] : memref<160000xi32, #tpu.memory_space<hbm>> -> memref<16xi32, #tpu.memory_space<hbm>>
        tpu.enqueue_dma source(%dma_start3A_205 : memref<16xi32, #tpu.memory_space<hbm>>) target(%dma_start3A_204 : memref<16xi32, #tpu.memory_space<vmem>>) target_semaphore(%run_scoped3A : memref<!tpu.dma_semaphore, #tpu.memory_space<semaphore_mem>>)
        %dma_wait3A_206 = arith.constant 0 : i32
        %dma_wait3A_207 = tpu.memref_slice %arg8[%dma_wait3A_206] : memref<128xi32, #tpu.memory_space<vmem>> -> memref<16xi32, #tpu.memory_space<vmem>>
        %dma_wait3A_208 = tpu.memref_slice %arg4[%add3A_175] : memref<160000xi32, #tpu.memory_space<hbm>> -> memref<16xi32, #tpu.memory_space<hbm>>
        %dma_wait3A_209 = arith.constant 0 : i32
        %dma_wait3A_210 = tpu.memref_slice %arg8[%dma_wait3A_209] : memref<128xi32, #tpu.memory_space<vmem>> -> memref<16xi32, #tpu.memory_space<vmem>>
        %dma_wait3A_211 = tpu.memref_slice %arg4[%add3A_175] : memref<160000xi32, #tpu.memory_space<hbm>> -> memref<16xi32, #tpu.memory_space<hbm>>
        tpu.wait_dma2 semaphore(%run_scoped3A : memref<!tpu.dma_semaphore, #tpu.memory_space<semaphore_mem>>) src(%dma_wait3A_211 : memref<16xi32, #tpu.memory_space<hbm>>) dst(%dma_wait3A_210 : memref<16xi32, #tpu.memory_space<vmem>>)
        tpu.yield
      }) : () -> ()
      "tpu.region"() ({
        %run_scoped3A = tpu.sem_alloc : memref<!tpu.dma_semaphore, #tpu.memory_space<semaphore_mem>>
        %dma_start3A_200 = tpu.memref_slice %arg5[%add3A_175] : memref<160000xi32, #tpu.memory_space<hbm>> -> memref<16xi32, #tpu.memory_space<hbm>>
        %dma_start3A_201 = tpu.memref_slice %arg5[%add3A_175] : memref<160000xi32, #tpu.memory_space<hbm>> -> memref<16xi32, #tpu.memory_space<hbm>>
        tpu.enqueue_dma source(%dma_start3A_201 : memref<16xi32, #tpu.memory_space<hbm>>) target(%arg17 : memref<16xi32, #tpu.memory_space<vmem>>) target_semaphore(%run_scoped3A : memref<!tpu.dma_semaphore, #tpu.memory_space<semaphore_mem>>)
        %dma_wait3A_202 = tpu.memref_slice %arg5[%add3A_175] : memref<160000xi32, #tpu.memory_space<hbm>> -> memref<16xi32, #tpu.memory_space<hbm>>
        %dma_wait3A_203 = tpu.memref_slice %arg5[%add3A_175] : memref<160000xi32, #tpu.memory_space<hbm>> -> memref<16xi32, #tpu.memory_space<hbm>>
        tpu.wait_dma2 semaphore(%run_scoped3A : memref<!tpu.dma_semaphore, #tpu.memory_space<semaphore_mem>>) src(%dma_wait3A_203 : memref<16xi32, #tpu.memory_space<hbm>>) dst(%arg17 : memref<16xi32, #tpu.memory_space<vmem>>)
        tpu.yield
      }) : () -> ()
      %dma_start3A_176 = arith.constant 0 : i32
      %dma_start3A_177 = arith.constant 0 : i32
      %dma_start3A_178 = tpu.memref_slice %arg14[%dma_start3A_176, %dma_start3A_177] : memref<128x128xf32, #tpu.memory_space<vmem>> -> memref<16x128xf32, #tpu.memory_space<vmem>>
      %dma_start3A_179 = arith.constant 0 : i32
      %dma_start3A_180 = tpu.memref_slice %arg8[%dma_start3A_179] : memref<128xi32, #tpu.memory_space<vmem>> -> memref<16xi32, #tpu.memory_space<vmem>>
      %dma_start3A_181 = arith.constant 0 : i32
      %dma_start3A_182 = arith.constant 0 : i32
      %dma_start3A_183 = tpu.memref_slice %arg2[%dma_start3A_181, %dma_start3A_182] : memref<10000x128xf32, #tpu.memory_space<hbm>> -> memref<10000x128xf32, #tpu.memory_space<hbm>>
      tpu.enqueue_indirect_dma source(%dma_start3A_183 : memref<10000x128xf32, #tpu.memory_space<hbm>>) target(%dma_start3A_178 : memref<16x128xf32, #tpu.memory_space<vmem>>) offsets(%dma_start3A_180 : memref<16xi32, #tpu.memory_space<vmem>>) semaphore(%arg29 : memref<!tpu.dma_semaphore, #tpu.memory_space<semaphore_mem>>)
      %dma_wait3A_184 = arith.constant 0 : i32
      %dma_wait3A_185 = arith.constant 0 : i32
      %dma_wait3A_186 = tpu.memref_slice %arg14[%dma_wait3A_184, %dma_wait3A_185] : memref<128x128xf32, #tpu.memory_space<vmem>> -> memref<16x128xf32, #tpu.memory_space<vmem>>
      %dma_wait3A_187 = arith.constant 0 : i32
      %dma_wait3A_188 = tpu.memref_slice %arg8[%dma_wait3A_187] : memref<128xi32, #tpu.memory_space<vmem>> -> memref<16xi32, #tpu.memory_space<vmem>>
      %dma_wait3A_189 = arith.constant 0 : i32
      %dma_wait3A_190 = arith.constant 0 : i32
      %dma_wait3A_191 = tpu.memref_slice %arg2[%dma_wait3A_189, %dma_wait3A_190] : memref<10000x128xf32, #tpu.memory_space<hbm>> -> memref<10000x128xf32, #tpu.memory_space<hbm>>
      tpu.wait_indirect_dma semaphore(%arg29 : memref<!tpu.dma_semaphore, #tpu.memory_space<semaphore_mem>>) src(%dma_wait3A_191 : memref<10000x128xf32, #tpu.memory_space<hbm>>) dst(%dma_wait3A_186 : memref<16x128xf32, #tpu.memory_space<vmem>>)
      "tpu.region"() ({
        %run_scoped3A = tpu.sem_alloc : memref<!tpu.dma_semaphore, #tpu.memory_space<semaphore_mem>>
        %dma_start3A_200 = arith.constant 0 : i32
        %dma_start3A_201 = arith.constant 0 : i32
        %dma_start3A_202 = tpu.memref_slice %arg14[%dma_start3A_200, %dma_start3A_201] : memref<128x128xf32, #tpu.memory_space<vmem>> -> memref<16x128xf32, #tpu.memory_space<vmem>>
        %dma_start3A_203 = arith.constant 0 : i32
        %dma_start3A_204 = arith.constant 0 : i32
        %dma_start3A_205 = tpu.memref_slice %arg18[%dma_start3A_203, %dma_start3A_204] : memref<10000x128xf32, #tpu.memory_space<vmem_shared>> -> memref<10000x128xf32, #tpu.memory_space<vmem_shared>>
        tpu.enqueue_indirect_dma source(%dma_start3A_202 : memref<16x128xf32, #tpu.memory_space<vmem>>) target(%dma_start3A_205 : memref<10000x128xf32, #tpu.memory_space<vmem_shared>>) offsets(%arg17 : memref<16xi32, #tpu.memory_space<vmem>>) semaphore(%run_scoped3A : memref<!tpu.dma_semaphore, #tpu.memory_space<semaphore_mem>>) {add = true}
        %dma_wait3A_206 = arith.constant 0 : i32
        %dma_wait3A_207 = arith.constant 0 : i32
        %dma_wait3A_208 = tpu.memref_slice %arg14[%dma_wait3A_206, %dma_wait3A_207] : memref<128x128xf32, #tpu.memory_space<vmem>> -> memref<16x128xf32, #tpu.memory_space<vmem>>
        %dma_wait3A_209 = arith.constant 0 : i32
        %dma_wait3A_210 = arith.constant 0 : i32
        %dma_wait3A_211 = tpu.memref_slice %arg18[%dma_wait3A_209, %dma_wait3A_210] : memref<10000x128xf32, #tpu.memory_space<vmem_shared>> -> memref<10000x128xf32, #tpu.memory_space<vmem_shared>>
        tpu.wait_indirect_dma semaphore(%run_scoped3A : memref<!tpu.dma_semaphore, #tpu.memory_space<semaphore_mem>>) src(%dma_wait3A_208 : memref<16x128xf32, #tpu.memory_space<vmem>>) dst(%dma_wait3A_211 : memref<10000x128xf32, #tpu.memory_space<vmem_shared>>)
        tpu.yield
      }) : () -> ()
      %barrier3A_192 = arith.constant 0 : index
      tpu.barrier barrier_id(%barrier3A_192)
      %mul3A_193 = arith.constant 624 : i32
      %mul3A_194 = arith.muli %arg1, %mul3A_193 : i32
      "tpu.region"() ({
        %run_scoped3A = tpu.sem_alloc : memref<!tpu.dma_semaphore, #tpu.memory_space<semaphore_mem>>
        %dma_start3A_200 = arith.constant 0 : i32
        %dma_start3A_201 = tpu.memref_slice %arg6[%mul3A_194, %dma_start3A_200] : memref<10000x128xf32, #tpu.memory_space<hbm>> -> memref<624x128xf32, #tpu.memory_space<hbm>>
        %dma_start3A_202 = arith.constant 0 : i32
        %dma_start3A_203 = tpu.memref_slice %arg18[%mul3A_194, %dma_start3A_202] : memref<10000x128xf32, #tpu.memory_space<vmem_shared>> -> memref<624x128xf32, #tpu.memory_space<vmem_shared>>
        tpu.enqueue_dma source(%dma_start3A_203 : memref<624x128xf32, #tpu.memory_space<vmem_shared>>) target(%dma_start3A_201 : memref<624x128xf32, #tpu.memory_space<hbm>>) target_semaphore(%run_scoped3A : memref<!tpu.dma_semaphore, #tpu.memory_space<semaphore_mem>>)
        %dma_wait3A_204 = arith.constant 0 : i32
        %dma_wait3A_205 = tpu.memref_slice %arg6[%mul3A_194, %dma_wait3A_204] : memref<10000x128xf32, #tpu.memory_space<hbm>> -> memref<624x128xf32, #tpu.memory_space<hbm>>
        %dma_wait3A_206 = arith.constant 0 : i32
        %dma_wait3A_207 = tpu.memref_slice %arg18[%mul3A_194, %dma_wait3A_206] : memref<10000x128xf32, #tpu.memory_space<vmem_shared>> -> memref<624x128xf32, #tpu.memory_space<vmem_shared>>
        tpu.wait_dma2 semaphore(%run_scoped3A : memref<!tpu.dma_semaphore, #tpu.memory_space<semaphore_mem>>) src(%dma_wait3A_207 : memref<624x128xf32, #tpu.memory_space<vmem_shared>>) dst(%dma_wait3A_205 : memref<624x128xf32, #tpu.memory_space<hbm>>)
        tpu.yield
      }) : () -> ()
      %eq3A_195 = arith.constant 15 : i32
      %eq3A_196 = arith.cmpi eq, %arg1, %eq3A_195 : i32
      %convert_element_type3A_197 = arith.extui %eq3A_196 : i1 to i32
      %cond3A_198 = arith.constant 0 : i32
      %cond3A_199 = arith.cmpi ne, %convert_element_type3A_197, %cond3A_198 : i32
      scf.if %cond3A_199 {
        "tpu.region"() ({
          %run_scoped3A = tpu.sem_alloc : memref<!tpu.dma_semaphore, #tpu.memory_space<semaphore_mem>>
          %dma_start3A_200 = arith.constant 9984 : i32
          %dma_start3A_201 = arith.constant 0 : i32
          %dma_start3A_202 = tpu.memref_slice %arg6[%dma_start3A_200, %dma_start3A_201] : memref<10000x128xf32, #tpu.memory_space<hbm>> -> memref<16x128xf32, #tpu.memory_space<hbm>>
          %dma_start3A_203 = arith.constant 9984 : i32
          %dma_start3A_204 = arith.constant 0 : i32
          %dma_start3A_205 = tpu.memref_slice %arg18[%dma_start3A_203, %dma_start3A_204] : memref<10000x128xf32, #tpu.memory_space<vmem_shared>> -> memref<16x128xf32, #tpu.memory_space<vmem_shared>>
          tpu.enqueue_dma source(%dma_start3A_205 : memref<16x128xf32, #tpu.memory_space<vmem_shared>>) target(%dma_start3A_202 : memref<16x128xf32, #tpu.memory_space<hbm>>) target_semaphore(%run_scoped3A : memref<!tpu.dma_semaphore, #tpu.memory_space<semaphore_mem>>)
          %dma_wait3A_206 = arith.constant 9984 : i32
          %dma_wait3A_207 = arith.constant 0 : i32
          %dma_wait3A_208 = tpu.memref_slice %arg6[%dma_wait3A_206, %dma_wait3A_207] : memref<10000x128xf32, #tpu.memory_space<hbm>> -> memref<16x128xf32, #tpu.memory_space<hbm>>
          %dma_wait3A_209 = arith.constant 9984 : i32
          %dma_wait3A_210 = arith.constant 0 : i32
          %dma_wait3A_211 = tpu.memref_slice %arg18[%dma_wait3A_209, %dma_wait3A_210] : memref<10000x128xf32, #tpu.memory_space<vmem_shared>> -> memref<16x128xf32, #tpu.memory_space<vmem_shared>>
          tpu.wait_dma2 semaphore(%run_scoped3A : memref<!tpu.dma_semaphore, #tpu.memory_space<semaphore_mem>>) src(%dma_wait3A_211 : memref<16x128xf32, #tpu.memory_space<vmem_shared>>) dst(%dma_wait3A_208 : memref<16x128xf32, #tpu.memory_space<hbm>>)
          tpu.yield
        }) : () -> ()
      } else {
      }
    } else {
    }
    %eq3A_3 = arith.constant 1 : i32
    %eq3A_4 = arith.cmpi eq, %arg0, %eq3A_3 : i32
    %convert_element_type3A_5 = arith.extui %eq3A_4 : i1 to i32
    %cond3A_6 = arith.constant 0 : i32
    %cond3A_7 = arith.cmpi ne, %convert_element_type3A_5, %cond3A_6 : i32
    scf.if %cond3A_7 {
      %add3A = arith.constant 0 : i32
      %add3A_8 = arith.addi %mul3A_0, %add3A : i32
      %dma_start3A = tpu.memref_slice %arg4[%add3A_8] : memref<160000xi32, #tpu.memory_space<hbm>> -> memref<128xi32, #tpu.memory_space<hbm>>
      %dma_start3A_9 = tpu.memref_slice %arg4[%add3A_8] : memref<160000xi32, #tpu.memory_space<hbm>> -> memref<128xi32, #tpu.memory_space<hbm>>
      tpu.enqueue_dma source(%dma_start3A_9 : memref<128xi32, #tpu.memory_space<hbm>>) target(%arg8 : memref<128xi32, #tpu.memory_space<vmem>>) target_semaphore(%arg19 : memref<!tpu.dma_semaphore, #tpu.memory_space<semaphore_mem>>)
      %dma_start3A_10 = tpu.memref_slice %arg5[%add3A_8] : memref<160000xi32, #tpu.memory_space<hbm>> -> memref<128xi32, #tpu.memory_space<hbm>>
      %dma_start3A_11 = tpu.memref_slice %arg5[%add3A_8] : memref<160000xi32, #tpu.memory_space<hbm>> -> memref<128xi32, #tpu.memory_space<hbm>>
      tpu.enqueue_dma source(%dma_start3A_11 : memref<128xi32, #tpu.memory_space<hbm>>) target(%arg11 : memref<128xi32, #tpu.memory_space<vmem>>) target_semaphore(%arg22 : memref<!tpu.dma_semaphore, #tpu.memory_space<semaphore_mem>>)
      %add3A_12 = arith.constant 128 : i32
      %add3A_13 = arith.addi %mul3A_0, %add3A_12 : i32
      %dma_start3A_14 = tpu.memref_slice %arg4[%add3A_13] : memref<160000xi32, #tpu.memory_space<hbm>> -> memref<128xi32, #tpu.memory_space<hbm>>
      %dma_start3A_15 = tpu.memref_slice %arg4[%add3A_13] : memref<160000xi32, #tpu.memory_space<hbm>> -> memref<128xi32, #tpu.memory_space<hbm>>
      tpu.enqueue_dma source(%dma_start3A_15 : memref<128xi32, #tpu.memory_space<hbm>>) target(%arg9 : memref<128xi32, #tpu.memory_space<vmem>>) target_semaphore(%arg20 : memref<!tpu.dma_semaphore, #tpu.memory_space<semaphore_mem>>)
      %dma_start3A_16 = tpu.memref_slice %arg5[%add3A_13] : memref<160000xi32, #tpu.memory_space<hbm>> -> memref<128xi32, #tpu.memory_space<hbm>>
      %dma_start3A_17 = tpu.memref_slice %arg5[%add3A_13] : memref<160000xi32, #tpu.memory_space<hbm>> -> memref<128xi32, #tpu.memory_space<hbm>>
      tpu.enqueue_dma source(%dma_start3A_17 : memref<128xi32, #tpu.memory_space<hbm>>) target(%arg12 : memref<128xi32, #tpu.memory_space<vmem>>) target_semaphore(%arg23 : memref<!tpu.dma_semaphore, #tpu.memory_space<semaphore_mem>>)
      %mul3A_18 = arith.constant 624 : i32
      %mul3A_19 = arith.muli %arg1, %mul3A_18 : i32
      "tpu.region"() ({
        %run_scoped3A = tpu.sem_alloc : memref<!tpu.dma_semaphore, #tpu.memory_space<semaphore_mem>>
        %dma_start3A_200 = arith.constant 0 : i32
        %dma_start3A_201 = tpu.memref_slice %arg18[%mul3A_19, %dma_start3A_200] : memref<10000x128xf32, #tpu.memory_space<vmem_shared>> -> memref<624x128xf32, #tpu.memory_space<vmem_shared>>
        %dma_start3A_202 = arith.constant 0 : i32
        %dma_start3A_203 = tpu.memref_slice %arg3[%mul3A_19, %dma_start3A_202] : memref<10000x128xf32, #tpu.memory_space<hbm>> -> memref<624x128xf32, #tpu.memory_space<hbm>>
        tpu.enqueue_dma source(%dma_start3A_203 : memref<624x128xf32, #tpu.memory_space<hbm>>) target(%dma_start3A_201 : memref<624x128xf32, #tpu.memory_space<vmem_shared>>) target_semaphore(%run_scoped3A : memref<!tpu.dma_semaphore, #tpu.memory_space<semaphore_mem>>)
        %dma_wait3A_204 = arith.constant 0 : i32
        %dma_wait3A_205 = tpu.memref_slice %arg18[%mul3A_19, %dma_wait3A_204] : memref<10000x128xf32, #tpu.memory_space<vmem_shared>> -> memref<624x128xf32, #tpu.memory_space<vmem_shared>>
        %dma_wait3A_206 = arith.constant 0 : i32
        %dma_wait3A_207 = tpu.memref_slice %arg3[%mul3A_19, %dma_wait3A_206] : memref<10000x128xf32, #tpu.memory_space<hbm>> -> memref<624x128xf32, #tpu.memory_space<hbm>>
        tpu.wait_dma2 semaphore(%run_scoped3A : memref<!tpu.dma_semaphore, #tpu.memory_space<semaphore_mem>>) src(%dma_wait3A_207 : memref<624x128xf32, #tpu.memory_space<hbm>>) dst(%dma_wait3A_205 : memref<624x128xf32, #tpu.memory_space<vmem_shared>>)
        tpu.yield
      }) : () -> ()
      %eq3A_20 = arith.constant 15 : i32
      %eq3A_21 = arith.cmpi eq, %arg1, %eq3A_20 : i32
      %convert_element_type3A_22 = arith.extui %eq3A_21 : i1 to i32
      %cond3A_23 = arith.constant 0 : i32
      %cond3A_24 = arith.cmpi ne, %convert_element_type3A_22, %cond3A_23 : i32
      scf.if %cond3A_24 {
        "tpu.region"() ({
          %run_scoped3A = tpu.sem_alloc : memref<!tpu.dma_semaphore, #tpu.memory_space<semaphore_mem>>
          %dma_start3A_200 = arith.constant 9984 : i32
          %dma_start3A_201 = arith.constant 0 : i32
          %dma_start3A_202 = tpu.memref_slice %arg18[%dma_start3A_200, %dma_start3A_201] : memref<10000x128xf32, #tpu.memory_space<vmem_shared>> -> memref<16x128xf32, #tpu.memory_space<vmem_shared>>
          %dma_start3A_203 = arith.constant 9984 : i32
          %dma_start3A_204 = arith.constant 0 : i32
          %dma_start3A_205 = tpu.memref_slice %arg3[%dma_start3A_203, %dma_start3A_204] : memref<10000x128xf32, #tpu.memory_space<hbm>> -> memref<16x128xf32, #tpu.memory_space<hbm>>
          tpu.enqueue_dma source(%dma_start3A_205 : memref<16x128xf32, #tpu.memory_space<hbm>>) target(%dma_start3A_202 : memref<16x128xf32, #tpu.memory_space<vmem_shared>>) target_semaphore(%run_scoped3A : memref<!tpu.dma_semaphore, #tpu.memory_space<semaphore_mem>>)
          %dma_wait3A_206 = arith.constant 9984 : i32
          %dma_wait3A_207 = arith.constant 0 : i32
          %dma_wait3A_208 = tpu.memref_slice %arg18[%dma_wait3A_206, %dma_wait3A_207] : memref<10000x128xf32, #tpu.memory_space<vmem_shared>> -> memref<16x128xf32, #tpu.memory_space<vmem_shared>>
          %dma_wait3A_209 = arith.constant 9984 : i32
          %dma_wait3A_210 = arith.constant 0 : i32
          %dma_wait3A_211 = tpu.memref_slice %arg3[%dma_wait3A_209, %dma_wait3A_210] : memref<10000x128xf32, #tpu.memory_space<hbm>> -> memref<16x128xf32, #tpu.memory_space<hbm>>
          tpu.wait_dma2 semaphore(%run_scoped3A : memref<!tpu.dma_semaphore, #tpu.memory_space<semaphore_mem>>) src(%dma_wait3A_211 : memref<16x128xf32, #tpu.memory_space<hbm>>) dst(%dma_wait3A_208 : memref<16x128xf32, #tpu.memory_space<vmem_shared>>)
          tpu.yield
        }) : () -> ()
      } else {
      }
      %dma_wait3A = arith.constant 0 : i32
      %dma_wait3A_25 = tpu.memref_slice %arg4[%dma_wait3A] : memref<160000xi32, #tpu.memory_space<hbm>> -> memref<128xi32, #tpu.memory_space<hbm>>
      %dma_wait3A_26 = arith.constant 0 : i32
      %dma_wait3A_27 = tpu.memref_slice %arg4[%dma_wait3A_26] : memref<160000xi32, #tpu.memory_space<hbm>> -> memref<128xi32, #tpu.memory_space<hbm>>
      tpu.wait_dma2 semaphore(%arg19 : memref<!tpu.dma_semaphore, #tpu.memory_space<semaphore_mem>>) src(%dma_wait3A_27 : memref<128xi32, #tpu.memory_space<hbm>>) dst(%arg8 : memref<128xi32, #tpu.memory_space<vmem>>)
      %dma_start3A_28 = arith.constant 0 : i32
      %dma_start3A_29 = arith.constant 0 : i32
      %dma_start3A_30 = tpu.memref_slice %arg3[%dma_start3A_28, %dma_start3A_29] : memref<10000x128xf32, #tpu.memory_space<hbm>> -> memref<10000x128xf32, #tpu.memory_space<hbm>>
      tpu.enqueue_indirect_dma source(%dma_start3A_30 : memref<10000x128xf32, #tpu.memory_space<hbm>>) target(%arg14 : memref<128x128xf32, #tpu.memory_space<vmem>>) offsets(%arg8 : memref<128xi32, #tpu.memory_space<vmem>>) semaphore(%arg25 : memref<!tpu.dma_semaphore, #tpu.memory_space<semaphore_mem>>)
      %barrier3A = arith.constant 0 : index
      tpu.barrier barrier_id(%barrier3A)
      %add3A_31 = arith.constant 256 : i32
      %add3A_32 = arith.addi %mul3A_0, %add3A_31 : i32
      %dma_start3A_33 = tpu.memref_slice %arg4[%add3A_32] : memref<160000xi32, #tpu.memory_space<hbm>> -> memref<128xi32, #tpu.memory_space<hbm>>
      %dma_start3A_34 = tpu.memref_slice %arg4[%add3A_32] : memref<160000xi32, #tpu.memory_space<hbm>> -> memref<128xi32, #tpu.memory_space<hbm>>
      tpu.enqueue_dma source(%dma_start3A_34 : memref<128xi32, #tpu.memory_space<hbm>>) target(%arg10 : memref<128xi32, #tpu.memory_space<vmem>>) target_semaphore(%arg21 : memref<!tpu.dma_semaphore, #tpu.memory_space<semaphore_mem>>)
      %dma_start3A_35 = tpu.memref_slice %arg5[%add3A_32] : memref<160000xi32, #tpu.memory_space<hbm>> -> memref<128xi32, #tpu.memory_space<hbm>>
      %dma_start3A_36 = tpu.memref_slice %arg5[%add3A_32] : memref<160000xi32, #tpu.memory_space<hbm>> -> memref<128xi32, #tpu.memory_space<hbm>>
      tpu.enqueue_dma source(%dma_start3A_36 : memref<128xi32, #tpu.memory_space<hbm>>) target(%arg13 : memref<128xi32, #tpu.memory_space<vmem>>) target_semaphore(%arg24 : memref<!tpu.dma_semaphore, #tpu.memory_space<semaphore_mem>>)
      %dma_wait3A_37 = arith.constant 0 : i32
      %dma_wait3A_38 = arith.constant 0 : i32
      %dma_wait3A_39 = tpu.memref_slice %arg3[%dma_wait3A_37, %dma_wait3A_38] : memref<10000x128xf32, #tpu.memory_space<hbm>> -> memref<10000x128xf32, #tpu.memory_space<hbm>>
      tpu.wait_indirect_dma semaphore(%arg25 : memref<!tpu.dma_semaphore, #tpu.memory_space<semaphore_mem>>) src(%dma_wait3A_39 : memref<10000x128xf32, #tpu.memory_space<hbm>>) dst(%arg14 : memref<128x128xf32, #tpu.memory_space<vmem>>)
      %dma_wait3A_40 = arith.constant 0 : i32
      %dma_wait3A_41 = tpu.memref_slice %arg5[%dma_wait3A_40] : memref<160000xi32, #tpu.memory_space<hbm>> -> memref<128xi32, #tpu.memory_space<hbm>>
      %dma_wait3A_42 = arith.constant 0 : i32
      %dma_wait3A_43 = tpu.memref_slice %arg5[%dma_wait3A_42] : memref<160000xi32, #tpu.memory_space<hbm>> -> memref<128xi32, #tpu.memory_space<hbm>>
      tpu.wait_dma2 semaphore(%arg22 : memref<!tpu.dma_semaphore, #tpu.memory_space<semaphore_mem>>) src(%dma_wait3A_43 : memref<128xi32, #tpu.memory_space<hbm>>) dst(%arg11 : memref<128xi32, #tpu.memory_space<vmem>>)
      %dma_start3A_44 = arith.constant 0 : i32
      %dma_start3A_45 = arith.constant 0 : i32
      %dma_start3A_46 = tpu.memref_slice %arg18[%dma_start3A_44, %dma_start3A_45] : memref<10000x128xf32, #tpu.memory_space<vmem_shared>> -> memref<10000x128xf32, #tpu.memory_space<vmem_shared>>
      tpu.enqueue_indirect_dma source(%arg14 : memref<128x128xf32, #tpu.memory_space<vmem>>) target(%dma_start3A_46 : memref<10000x128xf32, #tpu.memory_space<vmem_shared>>) offsets(%arg11 : memref<128xi32, #tpu.memory_space<vmem>>) semaphore(%arg28 : memref<!tpu.dma_semaphore, #tpu.memory_space<semaphore_mem>>) {add = true}
      %dma_wait3A_47 = arith.constant 0 : i32
      %dma_wait3A_48 = tpu.memref_slice %arg4[%dma_wait3A_47] : memref<160000xi32, #tpu.memory_space<hbm>> -> memref<128xi32, #tpu.memory_space<hbm>>
      %dma_wait3A_49 = arith.constant 0 : i32
      %dma_wait3A_50 = tpu.memref_slice %arg4[%dma_wait3A_49] : memref<160000xi32, #tpu.memory_space<hbm>> -> memref<128xi32, #tpu.memory_space<hbm>>
      tpu.wait_dma2 semaphore(%arg20 : memref<!tpu.dma_semaphore, #tpu.memory_space<semaphore_mem>>) src(%dma_wait3A_50 : memref<128xi32, #tpu.memory_space<hbm>>) dst(%arg9 : memref<128xi32, #tpu.memory_space<vmem>>)
      %dma_start3A_51 = arith.constant 0 : i32
      %dma_start3A_52 = arith.constant 0 : i32
      %dma_start3A_53 = tpu.memref_slice %arg3[%dma_start3A_51, %dma_start3A_52] : memref<10000x128xf32, #tpu.memory_space<hbm>> -> memref<10000x128xf32, #tpu.memory_space<hbm>>
      tpu.enqueue_indirect_dma source(%dma_start3A_53 : memref<10000x128xf32, #tpu.memory_space<hbm>>) target(%arg15 : memref<128x128xf32, #tpu.memory_space<vmem>>) offsets(%arg9 : memref<128xi32, #tpu.memory_space<vmem>>) semaphore(%arg26 : memref<!tpu.dma_semaphore, #tpu.memory_space<semaphore_mem>>)
      %dma_wait3A_54 = arith.constant 0 : i32
      %dma_wait3A_55 = arith.constant 0 : i32
      %dma_wait3A_56 = tpu.memref_slice %arg18[%dma_wait3A_54, %dma_wait3A_55] : memref<10000x128xf32, #tpu.memory_space<vmem_shared>> -> memref<10000x128xf32, #tpu.memory_space<vmem_shared>>
      tpu.wait_indirect_dma semaphore(%arg28 : memref<!tpu.dma_semaphore, #tpu.memory_space<semaphore_mem>>) src(%arg14 : memref<128x128xf32, #tpu.memory_space<vmem>>) dst(%dma_wait3A_56 : memref<10000x128xf32, #tpu.memory_space<vmem_shared>>)
      %add3A_57 = arith.constant 384 : i32
      %add3A_58 = arith.addi %mul3A_0, %add3A_57 : i32
      %dma_start3A_59 = tpu.memref_slice %arg4[%add3A_58] : memref<160000xi32, #tpu.memory_space<hbm>> -> memref<128xi32, #tpu.memory_space<hbm>>
      %dma_start3A_60 = tpu.memref_slice %arg4[%add3A_58] : memref<160000xi32, #tpu.memory_space<hbm>> -> memref<128xi32, #tpu.memory_space<hbm>>
      tpu.enqueue_dma source(%dma_start3A_60 : memref<128xi32, #tpu.memory_space<hbm>>) target(%arg8 : memref<128xi32, #tpu.memory_space<vmem>>) target_semaphore(%arg19 : memref<!tpu.dma_semaphore, #tpu.memory_space<semaphore_mem>>)
      %dma_start3A_61 = tpu.memref_slice %arg5[%add3A_58] : memref<160000xi32, #tpu.memory_space<hbm>> -> memref<128xi32, #tpu.memory_space<hbm>>
      %dma_start3A_62 = tpu.memref_slice %arg5[%add3A_58] : memref<160000xi32, #tpu.memory_space<hbm>> -> memref<128xi32, #tpu.memory_space<hbm>>
      tpu.enqueue_dma source(%dma_start3A_62 : memref<128xi32, #tpu.memory_space<hbm>>) target(%arg11 : memref<128xi32, #tpu.memory_space<vmem>>) target_semaphore(%arg22 : memref<!tpu.dma_semaphore, #tpu.memory_space<semaphore_mem>>)
      %dma_wait3A_63 = arith.constant 0 : i32
      %dma_wait3A_64 = arith.constant 0 : i32
      %dma_wait3A_65 = tpu.memref_slice %arg3[%dma_wait3A_63, %dma_wait3A_64] : memref<10000x128xf32, #tpu.memory_space<hbm>> -> memref<10000x128xf32, #tpu.memory_space<hbm>>
      tpu.wait_indirect_dma semaphore(%arg26 : memref<!tpu.dma_semaphore, #tpu.memory_space<semaphore_mem>>) src(%dma_wait3A_65 : memref<10000x128xf32, #tpu.memory_space<hbm>>) dst(%arg15 : memref<128x128xf32, #tpu.memory_space<vmem>>)
      %dma_wait3A_66 = arith.constant 0 : i32
      %dma_wait3A_67 = tpu.memref_slice %arg5[%dma_wait3A_66] : memref<160000xi32, #tpu.memory_space<hbm>> -> memref<128xi32, #tpu.memory_space<hbm>>
      %dma_wait3A_68 = arith.constant 0 : i32
      %dma_wait3A_69 = tpu.memref_slice %arg5[%dma_wait3A_68] : memref<160000xi32, #tpu.memory_space<hbm>> -> memref<128xi32, #tpu.memory_space<hbm>>
      tpu.wait_dma2 semaphore(%arg23 : memref<!tpu.dma_semaphore, #tpu.memory_space<semaphore_mem>>) src(%dma_wait3A_69 : memref<128xi32, #tpu.memory_space<hbm>>) dst(%arg12 : memref<128xi32, #tpu.memory_space<vmem>>)
      %dma_start3A_70 = arith.constant 0 : i32
      %dma_start3A_71 = arith.constant 0 : i32
      %dma_start3A_72 = tpu.memref_slice %arg18[%dma_start3A_70, %dma_start3A_71] : memref<10000x128xf32, #tpu.memory_space<vmem_shared>> -> memref<10000x128xf32, #tpu.memory_space<vmem_shared>>
      tpu.enqueue_indirect_dma source(%arg15 : memref<128x128xf32, #tpu.memory_space<vmem>>) target(%dma_start3A_72 : memref<10000x128xf32, #tpu.memory_space<vmem_shared>>) offsets(%arg12 : memref<128xi32, #tpu.memory_space<vmem>>) semaphore(%arg28 : memref<!tpu.dma_semaphore, #tpu.memory_space<semaphore_mem>>) {add = true}
      %dma_wait3A_73 = arith.constant 0 : i32
      %dma_wait3A_74 = tpu.memref_slice %arg4[%dma_wait3A_73] : memref<160000xi32, #tpu.memory_space<hbm>> -> memref<128xi32, #tpu.memory_space<hbm>>
      %dma_wait3A_75 = arith.constant 0 : i32
      %dma_wait3A_76 = tpu.memref_slice %arg4[%dma_wait3A_75] : memref<160000xi32, #tpu.memory_space<hbm>> -> memref<128xi32, #tpu.memory_space<hbm>>
      tpu.wait_dma2 semaphore(%arg21 : memref<!tpu.dma_semaphore, #tpu.memory_space<semaphore_mem>>) src(%dma_wait3A_76 : memref<128xi32, #tpu.memory_space<hbm>>) dst(%arg10 : memref<128xi32, #tpu.memory_space<vmem>>)
      %dma_start3A_77 = arith.constant 0 : i32
      %dma_start3A_78 = arith.constant 0 : i32
      %dma_start3A_79 = tpu.memref_slice %arg3[%dma_start3A_77, %dma_start3A_78] : memref<10000x128xf32, #tpu.memory_space<hbm>> -> memref<10000x128xf32, #tpu.memory_space<hbm>>
      tpu.enqueue_indirect_dma source(%dma_start3A_79 : memref<10000x128xf32, #tpu.memory_space<hbm>>) target(%arg16 : memref<128x128xf32, #tpu.memory_space<vmem>>) offsets(%arg10 : memref<128xi32, #tpu.memory_space<vmem>>) semaphore(%arg27 : memref<!tpu.dma_semaphore, #tpu.memory_space<semaphore_mem>>)
      %scan3A = arith.constant 0 : i32
      %scan3A_80 = arith.constant 0 : i32
      %scan3A_81 = arith.constant 24 : i32
      %scan3A_82 = arith.addi %scan3A_80, %scan3A_81 : i32
      %scan3A_83 = arith.constant 1 : i32
      %scan3A_84 = scf.for %scan3A_200 = %scan3A_80 to %scan3A_82 step %scan3A_83 iter_args(%scan3A_201 = %scan3A) -> (i32)  : i32 {
        %mul3A_202 = arith.constant 3 : i32
        %mul3A_203 = arith.muli %scan3A_200, %mul3A_202 : i32
        %add3A_204 = arith.constant 2 : i32
        %add3A_205 = arith.addi %add3A_204, %mul3A_203 : i32
        %add3A_206 = arith.constant 0 : i32
        %add3A_207 = arith.addi %add3A_205, %add3A_206 : i32
        %dma_wait3A_208 = arith.constant 0 : i32
        %dma_wait3A_209 = arith.constant 0 : i32
        %dma_wait3A_210 = tpu.memref_slice %arg18[%dma_wait3A_208, %dma_wait3A_209] : memref<10000x128xf32, #tpu.memory_space<vmem_shared>> -> memref<10000x128xf32, #tpu.memory_space<vmem_shared>>
        tpu.wait_indirect_dma semaphore(%arg28 : memref<!tpu.dma_semaphore, #tpu.memory_space<semaphore_mem>>) src(%arg15 : memref<128x128xf32, #tpu.memory_space<vmem>>) dst(%dma_wait3A_210 : memref<10000x128xf32, #tpu.memory_space<vmem_shared>>)
        %add3A_211 = arith.constant 2 : i32
        %add3A_212 = arith.addi %add3A_207, %add3A_211 : i32
        %mul3A_213 = arith.constant 128 : i32
        %mul3A_214 = arith.muli %add3A_212, %mul3A_213 : i32
        %add3A_215 = arith.addi %mul3A_0, %mul3A_214 : i32
        %dma_start3A_216 = tpu.memref_slice %arg4[%add3A_215] : memref<160000xi32, #tpu.memory_space<hbm>> -> memref<128xi32, #tpu.memory_space<hbm>>
        %dma_start3A_217 = tpu.memref_slice %arg4[%add3A_215] : memref<160000xi32, #tpu.memory_space<hbm>> -> memref<128xi32, #tpu.memory_space<hbm>>
        tpu.enqueue_dma source(%dma_start3A_217 : memref<128xi32, #tpu.memory_space<hbm>>) target(%arg9 : memref<128xi32, #tpu.memory_space<vmem>>) target_semaphore(%arg20 : memref<!tpu.dma_semaphore, #tpu.memory_space<semaphore_mem>>)
        %dma_start3A_218 = tpu.memref_slice %arg5[%add3A_215] : memref<160000xi32, #tpu.memory_space<hbm>> -> memref<128xi32, #tpu.memory_space<hbm>>
        %dma_start3A_219 = tpu.memref_slice %arg5[%add3A_215] : memref<160000xi32, #tpu.memory_space<hbm>> -> memref<128xi32, #tpu.memory_space<hbm>>
        tpu.enqueue_dma source(%dma_start3A_219 : memref<128xi32, #tpu.memory_space<hbm>>) target(%arg12 : memref<128xi32, #tpu.memory_space<vmem>>) target_semaphore(%arg23 : memref<!tpu.dma_semaphore, #tpu.memory_space<semaphore_mem>>)
        %dma_wait3A_220 = arith.constant 0 : i32
        %dma_wait3A_221 = arith.constant 0 : i32
        %dma_wait3A_222 = tpu.memref_slice %arg3[%dma_wait3A_220, %dma_wait3A_221] : memref<10000x128xf32, #tpu.memory_space<hbm>> -> memref<10000x128xf32, #tpu.memory_space<hbm>>
        tpu.wait_indirect_dma semaphore(%arg27 : memref<!tpu.dma_semaphore, #tpu.memory_space<semaphore_mem>>) src(%dma_wait3A_222 : memref<10000x128xf32, #tpu.memory_space<hbm>>) dst(%arg16 : memref<128x128xf32, #tpu.memory_space<vmem>>)
        %dma_wait3A_223 = arith.constant 0 : i32
        %dma_wait3A_224 = tpu.memref_slice %arg5[%dma_wait3A_223] : memref<160000xi32, #tpu.memory_space<hbm>> -> memref<128xi32, #tpu.memory_space<hbm>>
        %dma_wait3A_225 = arith.constant 0 : i32
        %dma_wait3A_226 = tpu.memref_slice %arg5[%dma_wait3A_225] : memref<160000xi32, #tpu.memory_space<hbm>> -> memref<128xi32, #tpu.memory_space<hbm>>
        tpu.wait_dma2 semaphore(%arg24 : memref<!tpu.dma_semaphore, #tpu.memory_space<semaphore_mem>>) src(%dma_wait3A_226 : memref<128xi32, #tpu.memory_space<hbm>>) dst(%arg13 : memref<128xi32, #tpu.memory_space<vmem>>)
        %dma_start3A_227 = arith.constant 0 : i32
        %dma_start3A_228 = arith.constant 0 : i32
        %dma_start3A_229 = tpu.memref_slice %arg18[%dma_start3A_227, %dma_start3A_228] : memref<10000x128xf32, #tpu.memory_space<vmem_shared>> -> memref<10000x128xf32, #tpu.memory_space<vmem_shared>>
        tpu.enqueue_indirect_dma source(%arg16 : memref<128x128xf32, #tpu.memory_space<vmem>>) target(%dma_start3A_229 : memref<10000x128xf32, #tpu.memory_space<vmem_shared>>) offsets(%arg13 : memref<128xi32, #tpu.memory_space<vmem>>) semaphore(%arg28 : memref<!tpu.dma_semaphore, #tpu.memory_space<semaphore_mem>>) {add = true}
        %dma_wait3A_230 = arith.constant 0 : i32
        %dma_wait3A_231 = tpu.memref_slice %arg4[%dma_wait3A_230] : memref<160000xi32, #tpu.memory_space<hbm>> -> memref<128xi32, #tpu.memory_space<hbm>>
        %dma_wait3A_232 = arith.constant 0 : i32
        %dma_wait3A_233 = tpu.memref_slice %arg4[%dma_wait3A_232] : memref<160000xi32, #tpu.memory_space<hbm>> -> memref<128xi32, #tpu.memory_space<hbm>>
        tpu.wait_dma2 semaphore(%arg19 : memref<!tpu.dma_semaphore, #tpu.memory_space<semaphore_mem>>) src(%dma_wait3A_233 : memref<128xi32, #tpu.memory_space<hbm>>) dst(%arg8 : memref<128xi32, #tpu.memory_space<vmem>>)
        %add3A_234 = arith.constant 1 : i32
        %add3A_235 = arith.addi %add3A_207, %add3A_234 : i32
        %dma_start3A_236 = arith.constant 0 : i32
        %dma_start3A_237 = arith.constant 0 : i32
        %dma_start3A_238 = tpu.memref_slice %arg3[%dma_start3A_236, %dma_start3A_237] : memref<10000x128xf32, #tpu.memory_space<hbm>> -> memref<10000x128xf32, #tpu.memory_space<hbm>>
        tpu.enqueue_indirect_dma source(%dma_start3A_238 : memref<10000x128xf32, #tpu.memory_space<hbm>>) target(%arg14 : memref<128x128xf32, #tpu.memory_space<vmem>>) offsets(%arg8 : memref<128xi32, #tpu.memory_space<vmem>>) semaphore(%arg25 : memref<!tpu.dma_semaphore, #tpu.memory_space<semaphore_mem>>)
        %add3A_239 = arith.constant 1 : i32
        %add3A_240 = arith.addi %add3A_205, %add3A_239 : i32
        %dma_wait3A_241 = arith.constant 0 : i32
        %dma_wait3A_242 = arith.constant 0 : i32
        %dma_wait3A_243 = tpu.memref_slice %arg18[%dma_wait3A_241, %dma_wait3A_242] : memref<10000x128xf32, #tpu.memory_space<vmem_shared>> -> memref<10000x128xf32, #tpu.memory_space<vmem_shared>>
        tpu.wait_indirect_dma semaphore(%arg28 : memref<!tpu.dma_semaphore, #tpu.memory_space<semaphore_mem>>) src(%arg16 : memref<128x128xf32, #tpu.memory_space<vmem>>) dst(%dma_wait3A_243 : memref<10000x128xf32, #tpu.memory_space<vmem_shared>>)
        %add3A_244 = arith.constant 2 : i32
        %add3A_245 = arith.addi %add3A_240, %add3A_244 : i32
        %mul3A_246 = arith.constant 128 : i32
        %mul3A_247 = arith.muli %add3A_245, %mul3A_246 : i32
        %add3A_248 = arith.addi %mul3A_0, %mul3A_247 : i32
        %dma_start3A_249 = tpu.memref_slice %arg4[%add3A_248] : memref<160000xi32, #tpu.memory_space<hbm>> -> memref<128xi32, #tpu.memory_space<hbm>>
        %dma_start3A_250 = tpu.memref_slice %arg4[%add3A_248] : memref<160000xi32, #tpu.memory_space<hbm>> -> memref<128xi32, #tpu.memory_space<hbm>>
        tpu.enqueue_dma source(%dma_start3A_250 : memref<128xi32, #tpu.memory_space<hbm>>) target(%arg10 : memref<128xi32, #tpu.memory_space<vmem>>) target_semaphore(%arg21 : memref<!tpu.dma_semaphore, #tpu.memory_space<semaphore_mem>>)
        %dma_start3A_251 = tpu.memref_slice %arg5[%add3A_248] : memref<160000xi32, #tpu.memory_space<hbm>> -> memref<128xi32, #tpu.memory_space<hbm>>
        %dma_start3A_252 = tpu.memref_slice %arg5[%add3A_248] : memref<160000xi32, #tpu.memory_space<hbm>> -> memref<128xi32, #tpu.memory_space<hbm>>
        tpu.enqueue_dma source(%dma_start3A_252 : memref<128xi32, #tpu.memory_space<hbm>>) target(%arg13 : memref<128xi32, #tpu.memory_space<vmem>>) target_semaphore(%arg24 : memref<!tpu.dma_semaphore, #tpu.memory_space<semaphore_mem>>)
        %dma_wait3A_253 = arith.constant 0 : i32
        %dma_wait3A_254 = arith.constant 0 : i32
        %dma_wait3A_255 = tpu.memref_slice %arg3[%dma_wait3A_253, %dma_wait3A_254] : memref<10000x128xf32, #tpu.memory_space<hbm>> -> memref<10000x128xf32, #tpu.memory_space<hbm>>
        tpu.wait_indirect_dma semaphore(%arg25 : memref<!tpu.dma_semaphore, #tpu.memory_space<semaphore_mem>>) src(%dma_wait3A_255 : memref<10000x128xf32, #tpu.memory_space<hbm>>) dst(%arg14 : memref<128x128xf32, #tpu.memory_space<vmem>>)
        %dma_wait3A_256 = arith.constant 0 : i32
        %dma_wait3A_257 = tpu.memref_slice %arg5[%dma_wait3A_256] : memref<160000xi32, #tpu.memory_space<hbm>> -> memref<128xi32, #tpu.memory_space<hbm>>
        %dma_wait3A_258 = arith.constant 0 : i32
        %dma_wait3A_259 = tpu.memref_slice %arg5[%dma_wait3A_258] : memref<160000xi32, #tpu.memory_space<hbm>> -> memref<128xi32, #tpu.memory_space<hbm>>
        tpu.wait_dma2 semaphore(%arg22 : memref<!tpu.dma_semaphore, #tpu.memory_space<semaphore_mem>>) src(%dma_wait3A_259 : memref<128xi32, #tpu.memory_space<hbm>>) dst(%arg11 : memref<128xi32, #tpu.memory_space<vmem>>)
        %dma_start3A_260 = arith.constant 0 : i32
        %dma_start3A_261 = arith.constant 0 : i32
        %dma_start3A_262 = tpu.memref_slice %arg18[%dma_start3A_260, %dma_start3A_261] : memref<10000x128xf32, #tpu.memory_space<vmem_shared>> -> memref<10000x128xf32, #tpu.memory_space<vmem_shared>>
        tpu.enqueue_indirect_dma source(%arg14 : memref<128x128xf32, #tpu.memory_space<vmem>>) target(%dma_start3A_262 : memref<10000x128xf32, #tpu.memory_space<vmem_shared>>) offsets(%arg11 : memref<128xi32, #tpu.memory_space<vmem>>) semaphore(%arg28 : memref<!tpu.dma_semaphore, #tpu.memory_space<semaphore_mem>>) {add = true}
        %dma_wait3A_263 = arith.constant 0 : i32
        %dma_wait3A_264 = tpu.memref_slice %arg4[%dma_wait3A_263] : memref<160000xi32, #tpu.memory_space<hbm>> -> memref<128xi32, #tpu.memory_space<hbm>>
        %dma_wait3A_265 = arith.constant 0 : i32
        %dma_wait3A_266 = tpu.memref_slice %arg4[%dma_wait3A_265] : memref<160000xi32, #tpu.memory_space<hbm>> -> memref<128xi32, #tpu.memory_space<hbm>>
        tpu.wait_dma2 semaphore(%arg20 : memref<!tpu.dma_semaphore, #tpu.memory_space<semaphore_mem>>) src(%dma_wait3A_266 : memref<128xi32, #tpu.memory_space<hbm>>) dst(%arg9 : memref<128xi32, #tpu.memory_space<vmem>>)
        %add3A_267 = arith.constant 1 : i32
        %add3A_268 = arith.addi %add3A_240, %add3A_267 : i32
        %dma_start3A_269 = arith.constant 0 : i32
        %dma_start3A_270 = arith.constant 0 : i32
        %dma_start3A_271 = tpu.memref_slice %arg3[%dma_start3A_269, %dma_start3A_270] : memref<10000x128xf32, #tpu.memory_space<hbm>> -> memref<10000x128xf32, #tpu.memory_space<hbm>>
        tpu.enqueue_indirect_dma source(%dma_start3A_271 : memref<10000x128xf32, #tpu.memory_space<hbm>>) target(%arg15 : memref<128x128xf32, #tpu.memory_space<vmem>>) offsets(%arg9 : memref<128xi32, #tpu.memory_space<vmem>>) semaphore(%arg26 : memref<!tpu.dma_semaphore, #tpu.memory_space<semaphore_mem>>)
        %add3A_272 = arith.constant 2 : i32
        %add3A_273 = arith.addi %add3A_205, %add3A_272 : i32
        %dma_wait3A_274 = arith.constant 0 : i32
        %dma_wait3A_275 = arith.constant 0 : i32
        %dma_wait3A_276 = tpu.memref_slice %arg18[%dma_wait3A_274, %dma_wait3A_275] : memref<10000x128xf32, #tpu.memory_space<vmem_shared>> -> memref<10000x128xf32, #tpu.memory_space<vmem_shared>>
        tpu.wait_indirect_dma semaphore(%arg28 : memref<!tpu.dma_semaphore, #tpu.memory_space<semaphore_mem>>) src(%arg14 : memref<128x128xf32, #tpu.memory_space<vmem>>) dst(%dma_wait3A_276 : memref<10000x128xf32, #tpu.memory_space<vmem_shared>>)
        %add3A_277 = arith.constant 2 : i32
        %add3A_278 = arith.addi %add3A_273, %add3A_277 : i32
        %mul3A_279 = arith.constant 128 : i32
        %mul3A_280 = arith.muli %add3A_278, %mul3A_279 : i32
        %add3A_281 = arith.addi %mul3A_0, %mul3A_280 : i32
        %dma_start3A_282 = tpu.memref_slice %arg4[%add3A_281] : memref<160000xi32, #tpu.memory_space<hbm>> -> memref<128xi32, #tpu.memory_space<hbm>>
        %dma_start3A_283 = tpu.memref_slice %arg4[%add3A_281] : memref<160000xi32, #tpu.memory_space<hbm>> -> memref<128xi32, #tpu.memory_space<hbm>>
        tpu.enqueue_dma source(%dma_start3A_283 : memref<128xi32, #tpu.memory_space<hbm>>) target(%arg8 : memref<128xi32, #tpu.memory_space<vmem>>) target_semaphore(%arg19 : memref<!tpu.dma_semaphore, #tpu.memory_space<semaphore_mem>>)
        %dma_start3A_284 = tpu.memref_slice %arg5[%add3A_281] : memref<160000xi32, #tpu.memory_space<hbm>> -> memref<128xi32, #tpu.memory_space<hbm>>
        %dma_start3A_285 = tpu.memref_slice %arg5[%add3A_281] : memref<160000xi32, #tpu.memory_space<hbm>> -> memref<128xi32, #tpu.memory_space<hbm>>
        tpu.enqueue_dma source(%dma_start3A_285 : memref<128xi32, #tpu.memory_space<hbm>>) target(%arg11 : memref<128xi32, #tpu.memory_space<vmem>>) target_semaphore(%arg22 : memref<!tpu.dma_semaphore, #tpu.memory_space<semaphore_mem>>)
        %dma_wait3A_286 = arith.constant 0 : i32
        %dma_wait3A_287 = arith.constant 0 : i32
        %dma_wait3A_288 = tpu.memref_slice %arg3[%dma_wait3A_286, %dma_wait3A_287] : memref<10000x128xf32, #tpu.memory_space<hbm>> -> memref<10000x128xf32, #tpu.memory_space<hbm>>
        tpu.wait_indirect_dma semaphore(%arg26 : memref<!tpu.dma_semaphore, #tpu.memory_space<semaphore_mem>>) src(%dma_wait3A_288 : memref<10000x128xf32, #tpu.memory_space<hbm>>) dst(%arg15 : memref<128x128xf32, #tpu.memory_space<vmem>>)
        %dma_wait3A_289 = arith.constant 0 : i32
        %dma_wait3A_290 = tpu.memref_slice %arg5[%dma_wait3A_289] : memref<160000xi32, #tpu.memory_space<hbm>> -> memref<128xi32, #tpu.memory_space<hbm>>
        %dma_wait3A_291 = arith.constant 0 : i32
        %dma_wait3A_292 = tpu.memref_slice %arg5[%dma_wait3A_291] : memref<160000xi32, #tpu.memory_space<hbm>> -> memref<128xi32, #tpu.memory_space<hbm>>
        tpu.wait_dma2 semaphore(%arg23 : memref<!tpu.dma_semaphore, #tpu.memory_space<semaphore_mem>>) src(%dma_wait3A_292 : memref<128xi32, #tpu.memory_space<hbm>>) dst(%arg12 : memref<128xi32, #tpu.memory_space<vmem>>)
        %dma_start3A_293 = arith.constant 0 : i32
        %dma_start3A_294 = arith.constant 0 : i32
        %dma_start3A_295 = tpu.memref_slice %arg18[%dma_start3A_293, %dma_start3A_294] : memref<10000x128xf32, #tpu.memory_space<vmem_shared>> -> memref<10000x128xf32, #tpu.memory_space<vmem_shared>>
        tpu.enqueue_indirect_dma source(%arg15 : memref<128x128xf32, #tpu.memory_space<vmem>>) target(%dma_start3A_295 : memref<10000x128xf32, #tpu.memory_space<vmem_shared>>) offsets(%arg12 : memref<128xi32, #tpu.memory_space<vmem>>) semaphore(%arg28 : memref<!tpu.dma_semaphore, #tpu.memory_space<semaphore_mem>>) {add = true}
        %dma_wait3A_296 = arith.constant 0 : i32
        %dma_wait3A_297 = tpu.memref_slice %arg4[%dma_wait3A_296] : memref<160000xi32, #tpu.memory_space<hbm>> -> memref<128xi32, #tpu.memory_space<hbm>>
        %dma_wait3A_298 = arith.constant 0 : i32
        %dma_wait3A_299 = tpu.memref_slice %arg4[%dma_wait3A_298] : memref<160000xi32, #tpu.memory_space<hbm>> -> memref<128xi32, #tpu.memory_space<hbm>>
        tpu.wait_dma2 semaphore(%arg21 : memref<!tpu.dma_semaphore, #tpu.memory_space<semaphore_mem>>) src(%dma_wait3A_299 : memref<128xi32, #tpu.memory_space<hbm>>) dst(%arg10 : memref<128xi32, #tpu.memory_space<vmem>>)
        %add3A_300 = arith.constant 1 : i32
        %add3A_301 = arith.addi %add3A_273, %add3A_300 : i32
        %dma_start3A_302 = arith.constant 0 : i32
        %dma_start3A_303 = arith.constant 0 : i32
        %dma_start3A_304 = tpu.memref_slice %arg3[%dma_start3A_302, %dma_start3A_303] : memref<10000x128xf32, #tpu.memory_space<hbm>> -> memref<10000x128xf32, #tpu.memory_space<hbm>>
        tpu.enqueue_indirect_dma source(%dma_start3A_304 : memref<10000x128xf32, #tpu.memory_space<hbm>>) target(%arg16 : memref<128x128xf32, #tpu.memory_space<vmem>>) offsets(%arg10 : memref<128xi32, #tpu.memory_space<vmem>>) semaphore(%arg27 : memref<!tpu.dma_semaphore, #tpu.memory_space<semaphore_mem>>)
        %scan3A_305 = arith.constant 0 : i32
        scf.yield %scan3A_305 : i32
      }
      %scan3A_85 = arith.constant 24 : i32
      %dma_wait3A_86 = arith.constant 0 : i32
      %dma_wait3A_87 = arith.constant 0 : i32
      %dma_wait3A_88 = tpu.memref_slice %arg18[%dma_wait3A_86, %dma_wait3A_87] : memref<10000x128xf32, #tpu.memory_space<vmem_shared>> -> memref<10000x128xf32, #tpu.memory_space<vmem_shared>>
      tpu.wait_indirect_dma semaphore(%arg28 : memref<!tpu.dma_semaphore, #tpu.memory_space<semaphore_mem>>) src(%arg15 : memref<128x128xf32, #tpu.memory_space<vmem>>) dst(%dma_wait3A_88 : memref<10000x128xf32, #tpu.memory_space<vmem_shared>>)
      %add3A_89 = arith.constant 9728 : i32
      %add3A_90 = arith.addi %mul3A_0, %add3A_89 : i32
      %dma_start3A_91 = tpu.memref_slice %arg4[%add3A_90] : memref<160000xi32, #tpu.memory_space<hbm>> -> memref<128xi32, #tpu.memory_space<hbm>>
      %dma_start3A_92 = tpu.memref_slice %arg4[%add3A_90] : memref<160000xi32, #tpu.memory_space<hbm>> -> memref<128xi32, #tpu.memory_space<hbm>>
      tpu.enqueue_dma source(%dma_start3A_92 : memref<128xi32, #tpu.memory_space<hbm>>) target(%arg9 : memref<128xi32, #tpu.memory_space<vmem>>) target_semaphore(%arg20 : memref<!tpu.dma_semaphore, #tpu.memory_space<semaphore_mem>>)
      %dma_start3A_93 = tpu.memref_slice %arg5[%add3A_90] : memref<160000xi32, #tpu.memory_space<hbm>> -> memref<128xi32, #tpu.memory_space<hbm>>
      %dma_start3A_94 = tpu.memref_slice %arg5[%add3A_90] : memref<160000xi32, #tpu.memory_space<hbm>> -> memref<128xi32, #tpu.memory_space<hbm>>
      tpu.enqueue_dma source(%dma_start3A_94 : memref<128xi32, #tpu.memory_space<hbm>>) target(%arg12 : memref<128xi32, #tpu.memory_space<vmem>>) target_semaphore(%arg23 : memref<!tpu.dma_semaphore, #tpu.memory_space<semaphore_mem>>)
      %dma_wait3A_95 = arith.constant 0 : i32
      %dma_wait3A_96 = arith.constant 0 : i32
      %dma_wait3A_97 = tpu.memref_slice %arg3[%dma_wait3A_95, %dma_wait3A_96] : memref<10000x128xf32, #tpu.memory_space<hbm>> -> memref<10000x128xf32, #tpu.memory_space<hbm>>
      tpu.wait_indirect_dma semaphore(%arg27 : memref<!tpu.dma_semaphore, #tpu.memory_space<semaphore_mem>>) src(%dma_wait3A_97 : memref<10000x128xf32, #tpu.memory_space<hbm>>) dst(%arg16 : memref<128x128xf32, #tpu.memory_space<vmem>>)
      %dma_wait3A_98 = arith.constant 0 : i32
      %dma_wait3A_99 = tpu.memref_slice %arg5[%dma_wait3A_98] : memref<160000xi32, #tpu.memory_space<hbm>> -> memref<128xi32, #tpu.memory_space<hbm>>
      %dma_wait3A_100 = arith.constant 0 : i32
      %dma_wait3A_101 = tpu.memref_slice %arg5[%dma_wait3A_100] : memref<160000xi32, #tpu.memory_space<hbm>> -> memref<128xi32, #tpu.memory_space<hbm>>
      tpu.wait_dma2 semaphore(%arg24 : memref<!tpu.dma_semaphore, #tpu.memory_space<semaphore_mem>>) src(%dma_wait3A_101 : memref<128xi32, #tpu.memory_space<hbm>>) dst(%arg13 : memref<128xi32, #tpu.memory_space<vmem>>)
      %dma_start3A_102 = arith.constant 0 : i32
      %dma_start3A_103 = arith.constant 0 : i32
      %dma_start3A_104 = tpu.memref_slice %arg18[%dma_start3A_102, %dma_start3A_103] : memref<10000x128xf32, #tpu.memory_space<vmem_shared>> -> memref<10000x128xf32, #tpu.memory_space<vmem_shared>>
      tpu.enqueue_indirect_dma source(%arg16 : memref<128x128xf32, #tpu.memory_space<vmem>>) target(%dma_start3A_104 : memref<10000x128xf32, #tpu.memory_space<vmem_shared>>) offsets(%arg13 : memref<128xi32, #tpu.memory_space<vmem>>) semaphore(%arg28 : memref<!tpu.dma_semaphore, #tpu.memory_space<semaphore_mem>>) {add = true}
      %dma_wait3A_105 = arith.constant 0 : i32
      %dma_wait3A_106 = tpu.memref_slice %arg4[%dma_wait3A_105] : memref<160000xi32, #tpu.memory_space<hbm>> -> memref<128xi32, #tpu.memory_space<hbm>>
      %dma_wait3A_107 = arith.constant 0 : i32
      %dma_wait3A_108 = tpu.memref_slice %arg4[%dma_wait3A_107] : memref<160000xi32, #tpu.memory_space<hbm>> -> memref<128xi32, #tpu.memory_space<hbm>>
      tpu.wait_dma2 semaphore(%arg19 : memref<!tpu.dma_semaphore, #tpu.memory_space<semaphore_mem>>) src(%dma_wait3A_108 : memref<128xi32, #tpu.memory_space<hbm>>) dst(%arg8 : memref<128xi32, #tpu.memory_space<vmem>>)
      %dma_start3A_109 = arith.constant 0 : i32
      %dma_start3A_110 = arith.constant 0 : i32
      %dma_start3A_111 = tpu.memref_slice %arg3[%dma_start3A_109, %dma_start3A_110] : memref<10000x128xf32, #tpu.memory_space<hbm>> -> memref<10000x128xf32, #tpu.memory_space<hbm>>
      tpu.enqueue_indirect_dma source(%dma_start3A_111 : memref<10000x128xf32, #tpu.memory_space<hbm>>) target(%arg14 : memref<128x128xf32, #tpu.memory_space<vmem>>) offsets(%arg8 : memref<128xi32, #tpu.memory_space<vmem>>) semaphore(%arg25 : memref<!tpu.dma_semaphore, #tpu.memory_space<semaphore_mem>>)
      %dma_wait3A_112 = arith.constant 0 : i32
      %dma_wait3A_113 = arith.constant 0 : i32
      %dma_wait3A_114 = tpu.memref_slice %arg18[%dma_wait3A_112, %dma_wait3A_113] : memref<10000x128xf32, #tpu.memory_space<vmem_shared>> -> memref<10000x128xf32, #tpu.memory_space<vmem_shared>>
      tpu.wait_indirect_dma semaphore(%arg28 : memref<!tpu.dma_semaphore, #tpu.memory_space<semaphore_mem>>) src(%arg16 : memref<128x128xf32, #tpu.memory_space<vmem>>) dst(%dma_wait3A_114 : memref<10000x128xf32, #tpu.memory_space<vmem_shared>>)
      %add3A_115 = arith.constant 9856 : i32
      %add3A_116 = arith.addi %mul3A_0, %add3A_115 : i32
      %dma_start3A_117 = tpu.memref_slice %arg4[%add3A_116] : memref<160000xi32, #tpu.memory_space<hbm>> -> memref<128xi32, #tpu.memory_space<hbm>>
      %dma_start3A_118 = tpu.memref_slice %arg4[%add3A_116] : memref<160000xi32, #tpu.memory_space<hbm>> -> memref<128xi32, #tpu.memory_space<hbm>>
      tpu.enqueue_dma source(%dma_start3A_118 : memref<128xi32, #tpu.memory_space<hbm>>) target(%arg10 : memref<128xi32, #tpu.memory_space<vmem>>) target_semaphore(%arg21 : memref<!tpu.dma_semaphore, #tpu.memory_space<semaphore_mem>>)
      %dma_start3A_119 = tpu.memref_slice %arg5[%add3A_116] : memref<160000xi32, #tpu.memory_space<hbm>> -> memref<128xi32, #tpu.memory_space<hbm>>
      %dma_start3A_120 = tpu.memref_slice %arg5[%add3A_116] : memref<160000xi32, #tpu.memory_space<hbm>> -> memref<128xi32, #tpu.memory_space<hbm>>
      tpu.enqueue_dma source(%dma_start3A_120 : memref<128xi32, #tpu.memory_space<hbm>>) target(%arg13 : memref<128xi32, #tpu.memory_space<vmem>>) target_semaphore(%arg24 : memref<!tpu.dma_semaphore, #tpu.memory_space<semaphore_mem>>)
      %dma_wait3A_121 = arith.constant 0 : i32
      %dma_wait3A_122 = arith.constant 0 : i32
      %dma_wait3A_123 = tpu.memref_slice %arg3[%dma_wait3A_121, %dma_wait3A_122] : memref<10000x128xf32, #tpu.memory_space<hbm>> -> memref<10000x128xf32, #tpu.memory_space<hbm>>
      tpu.wait_indirect_dma semaphore(%arg25 : memref<!tpu.dma_semaphore, #tpu.memory_space<semaphore_mem>>) src(%dma_wait3A_123 : memref<10000x128xf32, #tpu.memory_space<hbm>>) dst(%arg14 : memref<128x128xf32, #tpu.memory_space<vmem>>)
      %dma_wait3A_124 = arith.constant 0 : i32
      %dma_wait3A_125 = tpu.memref_slice %arg5[%dma_wait3A_124] : memref<160000xi32, #tpu.memory_space<hbm>> -> memref<128xi32, #tpu.memory_space<hbm>>
      %dma_wait3A_126 = arith.constant 0 : i32
      %dma_wait3A_127 = tpu.memref_slice %arg5[%dma_wait3A_126] : memref<160000xi32, #tpu.memory_space<hbm>> -> memref<128xi32, #tpu.memory_space<hbm>>
      tpu.wait_dma2 semaphore(%arg22 : memref<!tpu.dma_semaphore, #tpu.memory_space<semaphore_mem>>) src(%dma_wait3A_127 : memref<128xi32, #tpu.memory_space<hbm>>) dst(%arg11 : memref<128xi32, #tpu.memory_space<vmem>>)
      %dma_start3A_128 = arith.constant 0 : i32
      %dma_start3A_129 = arith.constant 0 : i32
      %dma_start3A_130 = tpu.memref_slice %arg18[%dma_start3A_128, %dma_start3A_129] : memref<10000x128xf32, #tpu.memory_space<vmem_shared>> -> memref<10000x128xf32, #tpu.memory_space<vmem_shared>>
      tpu.enqueue_indirect_dma source(%arg14 : memref<128x128xf32, #tpu.memory_space<vmem>>) target(%dma_start3A_130 : memref<10000x128xf32, #tpu.memory_space<vmem_shared>>) offsets(%arg11 : memref<128xi32, #tpu.memory_space<vmem>>) semaphore(%arg28 : memref<!tpu.dma_semaphore, #tpu.memory_space<semaphore_mem>>) {add = true}
      %dma_wait3A_131 = arith.constant 0 : i32
      %dma_wait3A_132 = tpu.memref_slice %arg4[%dma_wait3A_131] : memref<160000xi32, #tpu.memory_space<hbm>> -> memref<128xi32, #tpu.memory_space<hbm>>
      %dma_wait3A_133 = arith.constant 0 : i32
      %dma_wait3A_134 = tpu.memref_slice %arg4[%dma_wait3A_133] : memref<160000xi32, #tpu.memory_space<hbm>> -> memref<128xi32, #tpu.memory_space<hbm>>
      tpu.wait_dma2 semaphore(%arg20 : memref<!tpu.dma_semaphore, #tpu.memory_space<semaphore_mem>>) src(%dma_wait3A_134 : memref<128xi32, #tpu.memory_space<hbm>>) dst(%arg9 : memref<128xi32, #tpu.memory_space<vmem>>)
      %dma_start3A_135 = arith.constant 0 : i32
      %dma_start3A_136 = arith.constant 0 : i32
      %dma_start3A_137 = tpu.memref_slice %arg3[%dma_start3A_135, %dma_start3A_136] : memref<10000x128xf32, #tpu.memory_space<hbm>> -> memref<10000x128xf32, #tpu.memory_space<hbm>>
      tpu.enqueue_indirect_dma source(%dma_start3A_137 : memref<10000x128xf32, #tpu.memory_space<hbm>>) target(%arg15 : memref<128x128xf32, #tpu.memory_space<vmem>>) offsets(%arg9 : memref<128xi32, #tpu.memory_space<vmem>>) semaphore(%arg26 : memref<!tpu.dma_semaphore, #tpu.memory_space<semaphore_mem>>)
      %dma_wait3A_138 = arith.constant 0 : i32
      %dma_wait3A_139 = arith.constant 0 : i32
      %dma_wait3A_140 = tpu.memref_slice %arg18[%dma_wait3A_138, %dma_wait3A_139] : memref<10000x128xf32, #tpu.memory_space<vmem_shared>> -> memref<10000x128xf32, #tpu.memory_space<vmem_shared>>
      tpu.wait_indirect_dma semaphore(%arg28 : memref<!tpu.dma_semaphore, #tpu.memory_space<semaphore_mem>>) src(%arg14 : memref<128x128xf32, #tpu.memory_space<vmem>>) dst(%dma_wait3A_140 : memref<10000x128xf32, #tpu.memory_space<vmem_shared>>)
      %dma_wait3A_141 = arith.constant 0 : i32
      %dma_wait3A_142 = arith.constant 0 : i32
      %dma_wait3A_143 = tpu.memref_slice %arg3[%dma_wait3A_141, %dma_wait3A_142] : memref<10000x128xf32, #tpu.memory_space<hbm>> -> memref<10000x128xf32, #tpu.memory_space<hbm>>
      tpu.wait_indirect_dma semaphore(%arg26 : memref<!tpu.dma_semaphore, #tpu.memory_space<semaphore_mem>>) src(%dma_wait3A_143 : memref<10000x128xf32, #tpu.memory_space<hbm>>) dst(%arg15 : memref<128x128xf32, #tpu.memory_space<vmem>>)
      %dma_wait3A_144 = arith.constant 0 : i32
      %dma_wait3A_145 = tpu.memref_slice %arg5[%dma_wait3A_144] : memref<160000xi32, #tpu.memory_space<hbm>> -> memref<128xi32, #tpu.memory_space<hbm>>
      %dma_wait3A_146 = arith.constant 0 : i32
      %dma_wait3A_147 = tpu.memref_slice %arg5[%dma_wait3A_146] : memref<160000xi32, #tpu.memory_space<hbm>> -> memref<128xi32, #tpu.memory_space<hbm>>
      tpu.wait_dma2 semaphore(%arg23 : memref<!tpu.dma_semaphore, #tpu.memory_space<semaphore_mem>>) src(%dma_wait3A_147 : memref<128xi32, #tpu.memory_space<hbm>>) dst(%arg12 : memref<128xi32, #tpu.memory_space<vmem>>)
      %dma_start3A_148 = arith.constant 0 : i32
      %dma_start3A_149 = arith.constant 0 : i32
      %dma_start3A_150 = tpu.memref_slice %arg18[%dma_start3A_148, %dma_start3A_149] : memref<10000x128xf32, #tpu.memory_space<vmem_shared>> -> memref<10000x128xf32, #tpu.memory_space<vmem_shared>>
      tpu.enqueue_indirect_dma source(%arg15 : memref<128x128xf32, #tpu.memory_space<vmem>>) target(%dma_start3A_150 : memref<10000x128xf32, #tpu.memory_space<vmem_shared>>) offsets(%arg12 : memref<128xi32, #tpu.memory_space<vmem>>) semaphore(%arg28 : memref<!tpu.dma_semaphore, #tpu.memory_space<semaphore_mem>>) {add = true}
      %dma_wait3A_151 = arith.constant 0 : i32
      %dma_wait3A_152 = tpu.memref_slice %arg4[%dma_wait3A_151] : memref<160000xi32, #tpu.memory_space<hbm>> -> memref<128xi32, #tpu.memory_space<hbm>>
      %dma_wait3A_153 = arith.constant 0 : i32
      %dma_wait3A_154 = tpu.memref_slice %arg4[%dma_wait3A_153] : memref<160000xi32, #tpu.memory_space<hbm>> -> memref<128xi32, #tpu.memory_space<hbm>>
      tpu.wait_dma2 semaphore(%arg21 : memref<!tpu.dma_semaphore, #tpu.memory_space<semaphore_mem>>) src(%dma_wait3A_154 : memref<128xi32, #tpu.memory_space<hbm>>) dst(%arg10 : memref<128xi32, #tpu.memory_space<vmem>>)
      %dma_start3A_155 = arith.constant 0 : i32
      %dma_start3A_156 = arith.constant 0 : i32
      %dma_start3A_157 = tpu.memref_slice %arg3[%dma_start3A_155, %dma_start3A_156] : memref<10000x128xf32, #tpu.memory_space<hbm>> -> memref<10000x128xf32, #tpu.memory_space<hbm>>
      tpu.enqueue_indirect_dma source(%dma_start3A_157 : memref<10000x128xf32, #tpu.memory_space<hbm>>) target(%arg16 : memref<128x128xf32, #tpu.memory_space<vmem>>) offsets(%arg10 : memref<128xi32, #tpu.memory_space<vmem>>) semaphore(%arg27 : memref<!tpu.dma_semaphore, #tpu.memory_space<semaphore_mem>>)
      %dma_wait3A_158 = arith.constant 0 : i32
      %dma_wait3A_159 = arith.constant 0 : i32
      %dma_wait3A_160 = tpu.memref_slice %arg18[%dma_wait3A_158, %dma_wait3A_159] : memref<10000x128xf32, #tpu.memory_space<vmem_shared>> -> memref<10000x128xf32, #tpu.memory_space<vmem_shared>>
      tpu.wait_indirect_dma semaphore(%arg28 : memref<!tpu.dma_semaphore, #tpu.memory_space<semaphore_mem>>) src(%arg15 : memref<128x128xf32, #tpu.memory_space<vmem>>) dst(%dma_wait3A_160 : memref<10000x128xf32, #tpu.memory_space<vmem_shared>>)
      %dma_wait3A_161 = arith.constant 0 : i32
      %dma_wait3A_162 = arith.constant 0 : i32
      %dma_wait3A_163 = tpu.memref_slice %arg3[%dma_wait3A_161, %dma_wait3A_162] : memref<10000x128xf32, #tpu.memory_space<hbm>> -> memref<10000x128xf32, #tpu.memory_space<hbm>>
      tpu.wait_indirect_dma semaphore(%arg27 : memref<!tpu.dma_semaphore, #tpu.memory_space<semaphore_mem>>) src(%dma_wait3A_163 : memref<10000x128xf32, #tpu.memory_space<hbm>>) dst(%arg16 : memref<128x128xf32, #tpu.memory_space<vmem>>)
      %dma_wait3A_164 = arith.constant 0 : i32
      %dma_wait3A_165 = tpu.memref_slice %arg5[%dma_wait3A_164] : memref<160000xi32, #tpu.memory_space<hbm>> -> memref<128xi32, #tpu.memory_space<hbm>>
      %dma_wait3A_166 = arith.constant 0 : i32
      %dma_wait3A_167 = tpu.memref_slice %arg5[%dma_wait3A_166] : memref<160000xi32, #tpu.memory_space<hbm>> -> memref<128xi32, #tpu.memory_space<hbm>>
      tpu.wait_dma2 semaphore(%arg24 : memref<!tpu.dma_semaphore, #tpu.memory_space<semaphore_mem>>) src(%dma_wait3A_167 : memref<128xi32, #tpu.memory_space<hbm>>) dst(%arg13 : memref<128xi32, #tpu.memory_space<vmem>>)
      %dma_start3A_168 = arith.constant 0 : i32
      %dma_start3A_169 = arith.constant 0 : i32
      %dma_start3A_170 = tpu.memref_slice %arg18[%dma_start3A_168, %dma_start3A_169] : memref<10000x128xf32, #tpu.memory_space<vmem_shared>> -> memref<10000x128xf32, #tpu.memory_space<vmem_shared>>
      tpu.enqueue_indirect_dma source(%arg16 : memref<128x128xf32, #tpu.memory_space<vmem>>) target(%dma_start3A_170 : memref<10000x128xf32, #tpu.memory_space<vmem_shared>>) offsets(%arg13 : memref<128xi32, #tpu.memory_space<vmem>>) semaphore(%arg28 : memref<!tpu.dma_semaphore, #tpu.memory_space<semaphore_mem>>) {add = true}
      %dma_wait3A_171 = arith.constant 0 : i32
      %dma_wait3A_172 = arith.constant 0 : i32
      %dma_wait3A_173 = tpu.memref_slice %arg18[%dma_wait3A_171, %dma_wait3A_172] : memref<10000x128xf32, #tpu.memory_space<vmem_shared>> -> memref<10000x128xf32, #tpu.memory_space<vmem_shared>>
      tpu.wait_indirect_dma semaphore(%arg28 : memref<!tpu.dma_semaphore, #tpu.memory_space<semaphore_mem>>) src(%arg16 : memref<128x128xf32, #tpu.memory_space<vmem>>) dst(%dma_wait3A_173 : memref<10000x128xf32, #tpu.memory_space<vmem_shared>>)
      %add3A_174 = arith.constant 9984 : i32
      %add3A_175 = arith.addi %mul3A_0, %add3A_174 : i32
      "tpu.region"() ({
        %run_scoped3A = tpu.sem_alloc : memref<!tpu.dma_semaphore, #tpu.memory_space<semaphore_mem>>
        %dma_start3A_200 = arith.constant 0 : i32
        %dma_start3A_201 = tpu.memref_slice %arg8[%dma_start3A_200] : memref<128xi32, #tpu.memory_space<vmem>> -> memref<16xi32, #tpu.memory_space<vmem>>
        %dma_start3A_202 = tpu.memref_slice %arg4[%add3A_175] : memref<160000xi32, #tpu.memory_space<hbm>> -> memref<16xi32, #tpu.memory_space<hbm>>
        %dma_start3A_203 = arith.constant 0 : i32
        %dma_start3A_204 = tpu.memref_slice %arg8[%dma_start3A_203] : memref<128xi32, #tpu.memory_space<vmem>> -> memref<16xi32, #tpu.memory_space<vmem>>
        %dma_start3A_205 = tpu.memref_slice %arg4[%add3A_175] : memref<160000xi32, #tpu.memory_space<hbm>> -> memref<16xi32, #tpu.memory_space<hbm>>
        tpu.enqueue_dma source(%dma_start3A_205 : memref<16xi32, #tpu.memory_space<hbm>>) target(%dma_start3A_204 : memref<16xi32, #tpu.memory_space<vmem>>) target_semaphore(%run_scoped3A : memref<!tpu.dma_semaphore, #tpu.memory_space<semaphore_mem>>)
        %dma_wait3A_206 = arith.constant 0 : i32
        %dma_wait3A_207 = tpu.memref_slice %arg8[%dma_wait3A_206] : memref<128xi32, #tpu.memory_space<vmem>> -> memref<16xi32, #tpu.memory_space<vmem>>
        %dma_wait3A_208 = tpu.memref_slice %arg4[%add3A_175] : memref<160000xi32, #tpu.memory_space<hbm>> -> memref<16xi32, #tpu.memory_space<hbm>>
        %dma_wait3A_209 = arith.constant 0 : i32
        %dma_wait3A_210 = tpu.memref_slice %arg8[%dma_wait3A_209] : memref<128xi32, #tpu.memory_space<vmem>> -> memref<16xi32, #tpu.memory_space<vmem>>
        %dma_wait3A_211 = tpu.memref_slice %arg4[%add3A_175] : memref<160000xi32, #tpu.memory_space<hbm>> -> memref<16xi32, #tpu.memory_space<hbm>>
        tpu.wait_dma2 semaphore(%run_scoped3A : memref<!tpu.dma_semaphore, #tpu.memory_space<semaphore_mem>>) src(%dma_wait3A_211 : memref<16xi32, #tpu.memory_space<hbm>>) dst(%dma_wait3A_210 : memref<16xi32, #tpu.memory_space<vmem>>)
        tpu.yield
      }) : () -> ()
      "tpu.region"() ({
        %run_scoped3A = tpu.sem_alloc : memref<!tpu.dma_semaphore, #tpu.memory_space<semaphore_mem>>
        %dma_start3A_200 = tpu.memref_slice %arg5[%add3A_175] : memref<160000xi32, #tpu.memory_space<hbm>> -> memref<16xi32, #tpu.memory_space<hbm>>
        %dma_start3A_201 = tpu.memref_slice %arg5[%add3A_175] : memref<160000xi32, #tpu.memory_space<hbm>> -> memref<16xi32, #tpu.memory_space<hbm>>
        tpu.enqueue_dma source(%dma_start3A_201 : memref<16xi32, #tpu.memory_space<hbm>>) target(%arg17 : memref<16xi32, #tpu.memory_space<vmem>>) target_semaphore(%run_scoped3A : memref<!tpu.dma_semaphore, #tpu.memory_space<semaphore_mem>>)
        %dma_wait3A_202 = tpu.memref_slice %arg5[%add3A_175] : memref<160000xi32, #tpu.memory_space<hbm>> -> memref<16xi32, #tpu.memory_space<hbm>>
        %dma_wait3A_203 = tpu.memref_slice %arg5[%add3A_175] : memref<160000xi32, #tpu.memory_space<hbm>> -> memref<16xi32, #tpu.memory_space<hbm>>
        tpu.wait_dma2 semaphore(%run_scoped3A : memref<!tpu.dma_semaphore, #tpu.memory_space<semaphore_mem>>) src(%dma_wait3A_203 : memref<16xi32, #tpu.memory_space<hbm>>) dst(%arg17 : memref<16xi32, #tpu.memory_space<vmem>>)
        tpu.yield
      }) : () -> ()
      %dma_start3A_176 = arith.constant 0 : i32
      %dma_start3A_177 = arith.constant 0 : i32
      %dma_start3A_178 = tpu.memref_slice %arg14[%dma_start3A_176, %dma_start3A_177] : memref<128x128xf32, #tpu.memory_space<vmem>> -> memref<16x128xf32, #tpu.memory_space<vmem>>
      %dma_start3A_179 = arith.constant 0 : i32
      %dma_start3A_180 = tpu.memref_slice %arg8[%dma_start3A_179] : memref<128xi32, #tpu.memory_space<vmem>> -> memref<16xi32, #tpu.memory_space<vmem>>
      %dma_start3A_181 = arith.constant 0 : i32
      %dma_start3A_182 = arith.constant 0 : i32
      %dma_start3A_183 = tpu.memref_slice %arg3[%dma_start3A_181, %dma_start3A_182] : memref<10000x128xf32, #tpu.memory_space<hbm>> -> memref<10000x128xf32, #tpu.memory_space<hbm>>
      tpu.enqueue_indirect_dma source(%dma_start3A_183 : memref<10000x128xf32, #tpu.memory_space<hbm>>) target(%dma_start3A_178 : memref<16x128xf32, #tpu.memory_space<vmem>>) offsets(%dma_start3A_180 : memref<16xi32, #tpu.memory_space<vmem>>) semaphore(%arg29 : memref<!tpu.dma_semaphore, #tpu.memory_space<semaphore_mem>>)
      %dma_wait3A_184 = arith.constant 0 : i32
      %dma_wait3A_185 = arith.constant 0 : i32
      %dma_wait3A_186 = tpu.memref_slice %arg14[%dma_wait3A_184, %dma_wait3A_185] : memref<128x128xf32, #tpu.memory_space<vmem>> -> memref<16x128xf32, #tpu.memory_space<vmem>>
      %dma_wait3A_187 = arith.constant 0 : i32
      %dma_wait3A_188 = tpu.memref_slice %arg8[%dma_wait3A_187] : memref<128xi32, #tpu.memory_space<vmem>> -> memref<16xi32, #tpu.memory_space<vmem>>
      %dma_wait3A_189 = arith.constant 0 : i32
      %dma_wait3A_190 = arith.constant 0 : i32
      %dma_wait3A_191 = tpu.memref_slice %arg3[%dma_wait3A_189, %dma_wait3A_190] : memref<10000x128xf32, #tpu.memory_space<hbm>> -> memref<10000x128xf32, #tpu.memory_space<hbm>>
      tpu.wait_indirect_dma semaphore(%arg29 : memref<!tpu.dma_semaphore, #tpu.memory_space<semaphore_mem>>) src(%dma_wait3A_191 : memref<10000x128xf32, #tpu.memory_space<hbm>>) dst(%dma_wait3A_186 : memref<16x128xf32, #tpu.memory_space<vmem>>)
      "tpu.region"() ({
        %run_scoped3A = tpu.sem_alloc : memref<!tpu.dma_semaphore, #tpu.memory_space<semaphore_mem>>
        %dma_start3A_200 = arith.constant 0 : i32
        %dma_start3A_201 = arith.constant 0 : i32
        %dma_start3A_202 = tpu.memref_slice %arg14[%dma_start3A_200, %dma_start3A_201] : memref<128x128xf32, #tpu.memory_space<vmem>> -> memref<16x128xf32, #tpu.memory_space<vmem>>
        %dma_start3A_203 = arith.constant 0 : i32
        %dma_start3A_204 = arith.constant 0 : i32
        %dma_start3A_205 = tpu.memref_slice %arg18[%dma_start3A_203, %dma_start3A_204] : memref<10000x128xf32, #tpu.memory_space<vmem_shared>> -> memref<10000x128xf32, #tpu.memory_space<vmem_shared>>
        tpu.enqueue_indirect_dma source(%dma_start3A_202 : memref<16x128xf32, #tpu.memory_space<vmem>>) target(%dma_start3A_205 : memref<10000x128xf32, #tpu.memory_space<vmem_shared>>) offsets(%arg17 : memref<16xi32, #tpu.memory_space<vmem>>) semaphore(%run_scoped3A : memref<!tpu.dma_semaphore, #tpu.memory_space<semaphore_mem>>) {add = true}
        %dma_wait3A_206 = arith.constant 0 : i32
        %dma_wait3A_207 = arith.constant 0 : i32
        %dma_wait3A_208 = tpu.memref_slice %arg14[%dma_wait3A_206, %dma_wait3A_207] : memref<128x128xf32, #tpu.memory_space<vmem>> -> memref<16x128xf32, #tpu.memory_space<vmem>>
        %dma_wait3A_209 = arith.constant 0 : i32
        %dma_wait3A_210 = arith.constant 0 : i32
        %dma_wait3A_211 = tpu.memref_slice %arg18[%dma_wait3A_209, %dma_wait3A_210] : memref<10000x128xf32, #tpu.memory_space<vmem_shared>> -> memref<10000x128xf32, #tpu.memory_space<vmem_shared>>
        tpu.wait_indirect_dma semaphore(%run_scoped3A : memref<!tpu.dma_semaphore, #tpu.memory_space<semaphore_mem>>) src(%dma_wait3A_208 : memref<16x128xf32, #tpu.memory_space<vmem>>) dst(%dma_wait3A_211 : memref<10000x128xf32, #tpu.memory_space<vmem_shared>>)
        tpu.yield
      }) : () -> ()
      %barrier3A_192 = arith.constant 0 : index
      tpu.barrier barrier_id(%barrier3A_192)
      %mul3A_193 = arith.constant 624 : i32
      %mul3A_194 = arith.muli %arg1, %mul3A_193 : i32
      "tpu.region"() ({
        %run_scoped3A = tpu.sem_alloc : memref<!tpu.dma_semaphore, #tpu.memory_space<semaphore_mem>>
        %dma_start3A_200 = arith.constant 0 : i32
        %dma_start3A_201 = tpu.memref_slice %arg7[%mul3A_194, %dma_start3A_200] : memref<10000x128xf32, #tpu.memory_space<hbm>> -> memref<624x128xf32, #tpu.memory_space<hbm>>
        %dma_start3A_202 = arith.constant 0 : i32
        %dma_start3A_203 = tpu.memref_slice %arg18[%mul3A_194, %dma_start3A_202] : memref<10000x128xf32, #tpu.memory_space<vmem_shared>> -> memref<624x128xf32, #tpu.memory_space<vmem_shared>>
        tpu.enqueue_dma source(%dma_start3A_203 : memref<624x128xf32, #tpu.memory_space<vmem_shared>>) target(%dma_start3A_201 : memref<624x128xf32, #tpu.memory_space<hbm>>) target_semaphore(%run_scoped3A : memref<!tpu.dma_semaphore, #tpu.memory_space<semaphore_mem>>)
        %dma_wait3A_204 = arith.constant 0 : i32
        %dma_wait3A_205 = tpu.memref_slice %arg7[%mul3A_194, %dma_wait3A_204] : memref<10000x128xf32, #tpu.memory_space<hbm>> -> memref<624x128xf32, #tpu.memory_space<hbm>>
        %dma_wait3A_206 = arith.constant 0 : i32
        %dma_wait3A_207 = tpu.memref_slice %arg18[%mul3A_194, %dma_wait3A_206] : memref<10000x128xf32, #tpu.memory_space<vmem_shared>> -> memref<624x128xf32, #tpu.memory_space<vmem_shared>>
        tpu.wait_dma2 semaphore(%run_scoped3A : memref<!tpu.dma_semaphore, #tpu.memory_space<semaphore_mem>>) src(%dma_wait3A_207 : memref<624x128xf32, #tpu.memory_space<vmem_shared>>) dst(%dma_wait3A_205 : memref<624x128xf32, #tpu.memory_space<hbm>>)
        tpu.yield
      }) : () -> ()
      %eq3A_195 = arith.constant 15 : i32
      %eq3A_196 = arith.cmpi eq, %arg1, %eq3A_195 : i32
      %convert_element_type3A_197 = arith.extui %eq3A_196 : i1 to i32
      %cond3A_198 = arith.constant 0 : i32
      %cond3A_199 = arith.cmpi ne, %convert_element_type3A_197, %cond3A_198 : i32
      scf.if %cond3A_199 {
        "tpu.region"() ({
          %run_scoped3A = tpu.sem_alloc : memref<!tpu.dma_semaphore, #tpu.memory_space<semaphore_mem>>
          %dma_start3A_200 = arith.constant 9984 : i32
          %dma_start3A_201 = arith.constant 0 : i32
          %dma_start3A_202 = tpu.memref_slice %arg7[%dma_start3A_200, %dma_start3A_201] : memref<10000x128xf32, #tpu.memory_space<hbm>> -> memref<16x128xf32, #tpu.memory_space<hbm>>
          %dma_start3A_203 = arith.constant 9984 : i32
          %dma_start3A_204 = arith.constant 0 : i32
          %dma_start3A_205 = tpu.memref_slice %arg18[%dma_start3A_203, %dma_start3A_204] : memref<10000x128xf32, #tpu.memory_space<vmem_shared>> -> memref<16x128xf32, #tpu.memory_space<vmem_shared>>
          tpu.enqueue_dma source(%dma_start3A_205 : memref<16x128xf32, #tpu.memory_space<vmem_shared>>) target(%dma_start3A_202 : memref<16x128xf32, #tpu.memory_space<hbm>>) target_semaphore(%run_scoped3A : memref<!tpu.dma_semaphore, #tpu.memory_space<semaphore_mem>>)
          %dma_wait3A_206 = arith.constant 9984 : i32
          %dma_wait3A_207 = arith.constant 0 : i32
          %dma_wait3A_208 = tpu.memref_slice %arg7[%dma_wait3A_206, %dma_wait3A_207] : memref<10000x128xf32, #tpu.memory_space<hbm>> -> memref<16x128xf32, #tpu.memory_space<hbm>>
          %dma_wait3A_209 = arith.constant 9984 : i32
          %dma_wait3A_210 = arith.constant 0 : i32
          %dma_wait3A_211 = tpu.memref_slice %arg18[%dma_wait3A_209, %dma_wait3A_210] : memref<10000x128xf32, #tpu.memory_space<vmem_shared>> -> memref<16x128xf32, #tpu.memory_space<vmem_shared>>
          tpu.wait_dma2 semaphore(%run_scoped3A : memref<!tpu.dma_semaphore, #tpu.memory_space<semaphore_mem>>) src(%dma_wait3A_211 : memref<16x128xf32, #tpu.memory_space<vmem_shared>>) dst(%dma_wait3A_208 : memref<16x128xf32, #tpu.memory_space<hbm>>)
          tpu.yield
        }) : () -> ()
      } else {
      }
    } else {
    }
    return
  }
}

#map = affine_map<(d0, d1) -> (0)>
module attributes {stable_mosaic.version = 14 : i64} {
  func.func @kern(%arg0: i32, %arg1: i32, %arg2: memref<10000xf32, #tpu.memory_space<hbm>>, %arg3: memref<160000xi32, #tpu.memory_space<hbm>>, %arg4: memref<160000xi32, #tpu.memory_space<hbm>>, %arg5: memref<320000xf32, #tpu.memory_space<hbm>>, %arg6: memref<10000xf32, #tpu.memory_space<vmem>>, %arg7: memref<5008xi32, #tpu.memory_space<vmem>>, %arg8: memref<10000xf32, #tpu.memory_space<vmem>>, %arg9: memref<5008xi32, #tpu.memory_space<vmem>>) attributes {dimension_semantics = [#tpu.dimension_semantics<core_parallel>, #tpu.dimension_semantics<subcore_parallel>], iteration_bounds = array<i64: 2, 16>, scalar_prefetch = 0 : i64, scratch_operands = 4 : i64, tpu.core_type = #tpu.core_type<sc_vector_subcore>, window_params = [{transform_indices = #map}, {transform_indices = #map}, {transform_indices = #map}, {transform_indices = #map}]} {
    %mul3A = arith.constant 16 : i32
    %mul3A_0 = arith.muli %arg0, %mul3A : i32
    %add3A = arith.addi %mul3A_0, %arg1 : i32
    %mul3A_1 = arith.constant 5000 : i32
    %mul3A_2 = arith.muli %add3A, %mul3A_1 : i32
    %broadcast_in_dim3A = arith.constant 0.000000e+00 : f32
    %broadcast_in_dim3A_3 = vector.broadcast %broadcast_in_dim3A : f32 to vector<16xf32>
    %scan3A = arith.constant 0 : i32
    %scan3A_4 = arith.constant 0 : i32
    %scan3A_5 = arith.constant 625 : i32
    %scan3A_6 = arith.addi %scan3A_4, %scan3A_5 : i32
    %scan3A_7 = arith.constant 1 : i32
    %scan3A_8 = scf.for %scan3A_33 = %scan3A_4 to %scan3A_6 step %scan3A_7 iter_args(%scan3A_34 = %scan3A) -> (i32)  : i32 {
      %mul3A_35 = arith.constant 16 : i32
      %mul3A_36 = arith.muli %scan3A_33, %mul3A_35 : i32
      %swap3A_37 = arith.index_cast %mul3A_36 : i32 to index
      %swap3A_38 = tpu.vector_load %arg8[%swap3A_37] {strides = array<i32>} : memref<10000xf32, #tpu.memory_space<vmem>>, vector<16xf32>,
      tpu.vector_store %arg8[%swap3A_37], %broadcast_in_dim3A_3 {strides = array<i32>} : memref<10000xf32, #tpu.memory_space<vmem>>, vector<16xf32>,
      %scan3A_39 = arith.constant 0 : i32
      scf.yield %scan3A_39 : i32
    }
    %scan3A_9 = arith.constant 625 : i32
    %broadcast_in_dim3A_10 = arith.constant 0 : i32
    %broadcast_in_dim3A_11 = vector.broadcast %broadcast_in_dim3A_10 : i32 to vector<16xi32>
    %swap3A = arith.constant 4992 : index
    %swap3A_12 = tpu.vector_load %arg9[%swap3A] {strides = array<i32>} : memref<5008xi32, #tpu.memory_space<vmem>>, vector<16xi32>,
    tpu.vector_store %arg9[%swap3A], %broadcast_in_dim3A_11 {strides = array<i32>} : memref<5008xi32, #tpu.memory_space<vmem>>, vector<16xi32>,
    "tpu.region"() ({
      %run_scoped3A = tpu.sem_alloc : memref<!tpu.dma_semaphore, #tpu.memory_space<semaphore_mem>>
      %dma_start3A = arith.constant 0 : i32
      %dma_start3A_33 = tpu.memref_slice %arg9[%dma_start3A] : memref<5008xi32, #tpu.memory_space<vmem>> -> memref<5000xi32, #tpu.memory_space<vmem>>
      %dma_start3A_34 = tpu.memref_slice %arg4[%mul3A_2] : memref<160000xi32, #tpu.memory_space<hbm>> -> memref<5000xi32, #tpu.memory_space<hbm>>
      %dma_start3A_35 = arith.constant 0 : i32
      %dma_start3A_36 = tpu.memref_slice %arg9[%dma_start3A_35] : memref<5008xi32, #tpu.memory_space<vmem>> -> memref<5000xi32, #tpu.memory_space<vmem>>
      %dma_start3A_37 = tpu.memref_slice %arg4[%mul3A_2] : memref<160000xi32, #tpu.memory_space<hbm>> -> memref<5000xi32, #tpu.memory_space<hbm>>
      tpu.enqueue_dma source(%dma_start3A_37 : memref<5000xi32, #tpu.memory_space<hbm>>) target(%dma_start3A_36 : memref<5000xi32, #tpu.memory_space<vmem>>) target_semaphore(%run_scoped3A : memref<!tpu.dma_semaphore, #tpu.memory_space<semaphore_mem>>)
      %dma_wait3A = arith.constant 0 : i32
      %dma_wait3A_38 = tpu.memref_slice %arg9[%dma_wait3A] : memref<5008xi32, #tpu.memory_space<vmem>> -> memref<5000xi32, #tpu.memory_space<vmem>>
      %dma_wait3A_39 = tpu.memref_slice %arg4[%mul3A_2] : memref<160000xi32, #tpu.memory_space<hbm>> -> memref<5000xi32, #tpu.memory_space<hbm>>
      %dma_wait3A_40 = arith.constant 0 : i32
      %dma_wait3A_41 = tpu.memref_slice %arg9[%dma_wait3A_40] : memref<5008xi32, #tpu.memory_space<vmem>> -> memref<5000xi32, #tpu.memory_space<vmem>>
      %dma_wait3A_42 = tpu.memref_slice %arg4[%mul3A_2] : memref<160000xi32, #tpu.memory_space<hbm>> -> memref<5000xi32, #tpu.memory_space<hbm>>
      tpu.wait_dma2 semaphore(%run_scoped3A : memref<!tpu.dma_semaphore, #tpu.memory_space<semaphore_mem>>) src(%dma_wait3A_42 : memref<5000xi32, #tpu.memory_space<hbm>>) dst(%dma_wait3A_41 : memref<5000xi32, #tpu.memory_space<vmem>>)
      tpu.yield
    }) : () -> ()
    "tpu.region"() ({
      %run_scoped3A = tpu.sem_alloc : memref<!tpu.dma_semaphore, #tpu.memory_space<semaphore_mem>>
      tpu.enqueue_dma source(%arg2 : memref<10000xf32, #tpu.memory_space<hbm>>) target(%arg6 : memref<10000xf32, #tpu.memory_space<vmem>>) target_semaphore(%run_scoped3A : memref<!tpu.dma_semaphore, #tpu.memory_space<semaphore_mem>>)
      tpu.wait_dma2 semaphore(%run_scoped3A : memref<!tpu.dma_semaphore, #tpu.memory_space<semaphore_mem>>) src(%arg2 : memref<10000xf32, #tpu.memory_space<hbm>>) dst(%arg6 : memref<10000xf32, #tpu.memory_space<vmem>>)
      tpu.yield
    }) : () -> ()
    %broadcast_in_dim3A_13 = arith.constant 0 : i32
    %broadcast_in_dim3A_14 = vector.broadcast %broadcast_in_dim3A_13 : i32 to vector<16xi32>
    %swap3A_15 = arith.constant 4992 : index
    %swap3A_16 = tpu.vector_load %arg7[%swap3A_15] {strides = array<i32>} : memref<5008xi32, #tpu.memory_space<vmem>>, vector<16xi32>,
    tpu.vector_store %arg7[%swap3A_15], %broadcast_in_dim3A_14 {strides = array<i32>} : memref<5008xi32, #tpu.memory_space<vmem>>, vector<16xi32>,
    "tpu.region"() ({
      %run_scoped3A = tpu.sem_alloc : memref<!tpu.dma_semaphore, #tpu.memory_space<semaphore_mem>>
      %dma_start3A = arith.constant 0 : i32
      %dma_start3A_33 = tpu.memref_slice %arg7[%dma_start3A] : memref<5008xi32, #tpu.memory_space<vmem>> -> memref<5000xi32, #tpu.memory_space<vmem>>
      %dma_start3A_34 = tpu.memref_slice %arg3[%mul3A_2] : memref<160000xi32, #tpu.memory_space<hbm>> -> memref<5000xi32, #tpu.memory_space<hbm>>
      %dma_start3A_35 = arith.constant 0 : i32
      %dma_start3A_36 = tpu.memref_slice %arg7[%dma_start3A_35] : memref<5008xi32, #tpu.memory_space<vmem>> -> memref<5000xi32, #tpu.memory_space<vmem>>
      %dma_start3A_37 = tpu.memref_slice %arg3[%mul3A_2] : memref<160000xi32, #tpu.memory_space<hbm>> -> memref<5000xi32, #tpu.memory_space<hbm>>
      tpu.enqueue_dma source(%dma_start3A_37 : memref<5000xi32, #tpu.memory_space<hbm>>) target(%dma_start3A_36 : memref<5000xi32, #tpu.memory_space<vmem>>) target_semaphore(%run_scoped3A : memref<!tpu.dma_semaphore, #tpu.memory_space<semaphore_mem>>)
      %dma_wait3A = arith.constant 0 : i32
      %dma_wait3A_38 = tpu.memref_slice %arg7[%dma_wait3A] : memref<5008xi32, #tpu.memory_space<vmem>> -> memref<5000xi32, #tpu.memory_space<vmem>>
      %dma_wait3A_39 = tpu.memref_slice %arg3[%mul3A_2] : memref<160000xi32, #tpu.memory_space<hbm>> -> memref<5000xi32, #tpu.memory_space<hbm>>
      %dma_wait3A_40 = arith.constant 0 : i32
      %dma_wait3A_41 = tpu.memref_slice %arg7[%dma_wait3A_40] : memref<5008xi32, #tpu.memory_space<vmem>> -> memref<5000xi32, #tpu.memory_space<vmem>>
      %dma_wait3A_42 = tpu.memref_slice %arg3[%mul3A_2] : memref<160000xi32, #tpu.memory_space<hbm>> -> memref<5000xi32, #tpu.memory_space<hbm>>
      tpu.wait_dma2 semaphore(%run_scoped3A : memref<!tpu.dma_semaphore, #tpu.memory_space<semaphore_mem>>) src(%dma_wait3A_42 : memref<5000xi32, #tpu.memory_space<hbm>>) dst(%dma_wait3A_41 : memref<5000xi32, #tpu.memory_space<vmem>>)
      tpu.yield
    }) : () -> ()
    %broadcast_in_dim3A_17 = arith.constant 1.000000e+00 : f32
    %broadcast_in_dim3A_18 = vector.broadcast %broadcast_in_dim3A_17 : f32 to vector<16xf32>
    %scan3A_19 = arith.constant 0 : i32
    %scan3A_20 = arith.constant 0 : i32
    %scan3A_21 = arith.constant 312 : i32
    %scan3A_22 = arith.addi %scan3A_20, %scan3A_21 : i32
    %scan3A_23 = arith.constant 1 : i32
    %scan3A_24 = scf.for %scan3A_33 = %scan3A_20 to %scan3A_22 step %scan3A_23 iter_args(%scan3A_34 = %scan3A_19) -> (i32)  : i32 {
      %mul3A_35 = arith.constant 16 : i32
      %mul3A_36 = arith.muli %scan3A_33, %mul3A_35 : i32
      %get3A_37 = arith.index_cast %mul3A_36 : i32 to index
      %get3A_38 = tpu.vector_load %arg9[%get3A_37] {strides = array<i32>} : memref<5008xi32, #tpu.memory_space<vmem>>, vector<16xi32>,
      %mul3A_39 = arith.constant 16 : i32
      %mul3A_40 = arith.muli %scan3A_33, %mul3A_39 : i32
      %get3A_41 = arith.index_cast %mul3A_40 : i32 to index
      %get3A_42 = tpu.vector_load %arg7[%get3A_41] {strides = array<i32>} : memref<5008xi32, #tpu.memory_space<vmem>>, vector<16xi32>,
      %gather3A_43 = tpu.vector_load_idx %arg6[%get3A_42] : memref<10000xf32, #tpu.memory_space<vmem>>[vector<16xi32>], vector<16xf32>,
      tpu.vector_store_idx %arg8[%get3A_38], %gather3A_43 {add = true} : memref<10000xf32, #tpu.memory_space<vmem>>[vector<16xi32>], vector<16xf32>,
      %scan3A_44 = arith.constant 0 : i32
      scf.yield %scan3A_44 : i32
    }
    %scan3A_25 = arith.constant 312 : i32
    %iota3A = tpu.iota {dimensions = array<i32: 0>} : vector<16xi32>
    %lt3A = arith.constant 8 : i32
    %lt3A_26 = vector.broadcast %lt3A : i32 to vector<16xi32>
    %lt3A_27 = arith.cmpi slt, %iota3A, %lt3A_26 : vector<16xi32>
    %get3A = arith.constant 4992 : index
    %get3A_28 = tpu.vector_load %arg9[%get3A] {strides = array<i32>} : memref<5008xi32, #tpu.memory_space<vmem>>, vector<16xi32>,
    %get3A_29 = arith.constant 4992 : index
    %get3A_30 = tpu.vector_load %arg7[%get3A_29] {strides = array<i32>} : memref<5008xi32, #tpu.memory_space<vmem>>, vector<16xi32>,
    %gather3A = tpu.vector_load_idx %arg6[%get3A_30] masked %lt3A_27 : memref<10000xf32, #tpu.memory_space<vmem>>[vector<16xi32>], vector<16xf32>, vector<16xi1>
    tpu.vector_store_idx %arg8[%get3A_28], %gather3A masked %lt3A_27 {add = true} : memref<10000xf32, #tpu.memory_space<vmem>>[vector<16xi32>], vector<16xf32>, vector<16xi1>
    %mul3A_31 = arith.constant 10000 : i32
    %mul3A_32 = arith.muli %add3A, %mul3A_31 : i32
    "tpu.region"() ({
      %run_scoped3A = tpu.sem_alloc : memref<!tpu.dma_semaphore, #tpu.memory_space<semaphore_mem>>
      %dma_start3A = tpu.memref_slice %arg5[%mul3A_32] : memref<320000xf32, #tpu.memory_space<hbm>> -> memref<10000xf32, #tpu.memory_space<hbm>>
      %dma_start3A_33 = tpu.memref_slice %arg5[%mul3A_32] : memref<320000xf32, #tpu.memory_space<hbm>> -> memref<10000xf32, #tpu.memory_space<hbm>>
      tpu.enqueue_dma source(%arg8 : memref<10000xf32, #tpu.memory_space<vmem>>) target(%dma_start3A_33 : memref<10000xf32, #tpu.memory_space<hbm>>) target_semaphore(%run_scoped3A : memref<!tpu.dma_semaphore, #tpu.memory_space<semaphore_mem>>)
      %dma_wait3A = tpu.memref_slice %arg5[%mul3A_32] : memref<320000xf32, #tpu.memory_space<hbm>> -> memref<10000xf32, #tpu.memory_space<hbm>>
      %dma_wait3A_34 = tpu.memref_slice %arg5[%mul3A_32] : memref<320000xf32, #tpu.memory_space<hbm>> -> memref<10000xf32, #tpu.memory_space<hbm>>
      tpu.wait_dma2 semaphore(%run_scoped3A : memref<!tpu.dma_semaphore, #tpu.memory_space<semaphore_mem>>) src(%arg8 : memref<10000xf32, #tpu.memory_space<vmem>>) dst(%dma_wait3A_34 : memref<10000xf32, #tpu.memory_space<hbm>>)
      tpu.yield
    }) : () -> ()
    return
  }
}

module attributes {stable_mosaic.version = 14 : i64} {
  func.func @_mm_first(%arg0: i32, %arg1: memref<2048x256xf32, #tpu.memory_space<vmem>>, %arg2: memref<256x256xf32, #tpu.memory_space<vmem>>, %arg3: memref<32x2048xf32, #tpu.memory_space<vmem>>, %arg4: memref<2048x128xf32, #tpu.memory_space<vmem>>, %arg5: memref<2048x128xf32, #tpu.memory_space<vmem>>, %arg6: memref<2048xf32, #tpu.memory_space<vmem>>) attributes {dimension_semantics = [#tpu.dimension_semantics<arbitrary>], iteration_bounds = array<i64: 5>, scalar_prefetch = 0 : i64, scratch_operands = 0 : i64, tpu.core_type = #tpu.core_type<tc>, window_params = [{transform_indices = @transform_0, window_bounds = array<i64: 2048, 256>}, {pipeline_mode = #tpu.pipeline_mode<synchronous>, transform_indices = @transform_1, window_bounds = array<i64: 256, 256>}, {transform_indices = @transform_2, window_bounds = array<i64: 32, 2048>}, {transform_indices = @transform_3, window_bounds = array<i64: 2048, 128>}, {transform_indices = @transform_4, window_bounds = array<i64: 2048, 128>}, {transform_indices = @transform_5, window_bounds = array<i64: 2048>}]} {
    %get3A = arith.constant 0 : index
    %get3A_0 = arith.constant 0 : index
    %get3A_1 = vector.load %arg3[%get3A, %get3A_0] : memref<32x2048xf32, #tpu.memory_space<vmem>>, vector<32x2048xf32>
    %reduce_sum3A = arith.constant dense<0.000000e+00> : vector<2048xf32>
    %reduce_sum3A_2 = vector.multi_reduction <add>, %get3A_1, %reduce_sum3A [0] : vector<32x2048xf32> to vector<2048xf32>
    %add3A = arith.constant 1.000000e+00 : f32
    %add3A_3 = vector.broadcast %add3A : f32 to vector<2048xf32>
    %add3A_4 = arith.addf %reduce_sum3A_2, %add3A_3 : vector<2048xf32>
    %rsqrt3A = math.rsqrt %add3A_4 : vector<2048xf32>
    %swap3A = arith.constant 0 : index
    %swap3A_5 = vector.load %arg6[%swap3A] : memref<2048xf32, #tpu.memory_space<vmem>>, vector<2048xf32>
    tpu.vector_store %arg6[%swap3A], %rsqrt3A {strides = array<i32>} : memref<2048xf32, #tpu.memory_space<vmem>>, vector<2048xf32>,
    %get3A_6 = arith.constant 0 : index
    %get3A_7 = arith.constant 0 : index
    %get3A_8 = vector.load %arg1[%get3A_6, %get3A_7] : memref<2048x256xf32, #tpu.memory_space<vmem>>, vector<2048x256xf32>
    %get3A_9 = arith.constant 0 : index
    %get3A_10 = arith.constant 0 : index
    %get3A_11 = vector.load %arg2[%get3A_9, %get3A_10] : memref<256x256xf32, #tpu.memory_space<vmem>>, vector<256x256xf32>
    %dot_general3A = arith.constant dense<0.000000e+00> : vector<2048x256xf32>
    %dot_general3A_12 = tpu.matmul %get3A_8, %get3A_11, %dot_general3A {dimension_numbers = #tpu.dot_dimension_numbers<[1], [1], [0], [0], [0, 0, 1, 0], [], []>, transpose_lhs_hint = false} : vector<2048x256xf32>, vector<256x256xf32>, vector<2048x256xf32> -> vector<2048x256xf32>
    %broadcast_in_dim3A = vector.shape_cast %rsqrt3A : vector<2048xf32> to vector<2048x1xf32>
    %mul3A = vector.broadcast %broadcast_in_dim3A : vector<2048x1xf32> to vector<2048x256xf32>
    %mul3A_13 = arith.mulf %dot_general3A_12, %mul3A : vector<2048x256xf32>
    %slice3A = vector.extract_strided_slice %mul3A_13 {offsets = [0, 0], sizes = [2048, 128], strides = [1, 1]} : vector<2048x256xf32> to vector<2048x128xf32>
    %swap3A_14 = arith.constant 0 : index
    %swap3A_15 = arith.constant 0 : index
    %swap3A_16 = vector.load %arg4[%swap3A_14, %swap3A_15] : memref<2048x128xf32, #tpu.memory_space<vmem>>, vector<2048x128xf32>
    tpu.vector_store %arg4[%swap3A_14, %swap3A_15], %slice3A {strides = array<i32>} : memref<2048x128xf32, #tpu.memory_space<vmem>>, vector<2048x128xf32>,
    %slice3A_17 = vector.extract_strided_slice %mul3A_13 {offsets = [0, 128], sizes = [2048, 128], strides = [1, 1]} : vector<2048x256xf32> to vector<2048x128xf32>
    %swap3A_18 = arith.constant 0 : index
    %swap3A_19 = arith.constant 0 : index
    %swap3A_20 = vector.load %arg5[%swap3A_18, %swap3A_19] : memref<2048x128xf32, #tpu.memory_space<vmem>>, vector<2048x128xf32>
    tpu.vector_store %arg5[%swap3A_18, %swap3A_19], %slice3A_17 {strides = array<i32>} : memref<2048x128xf32, #tpu.memory_space<vmem>>, vector<2048x128xf32>,
    return
  }
  func.func @transform_0(%arg0: i32) -> (i32, i32) {
    %c0_i32 = arith.constant 0 : i32
    %c0_i32_0 = arith.constant 0 : i32
    return %arg0, %c0_i32 : i32, i32
  }
  func.func @transform_1(%arg0: i32) -> (i32, i32) {
    %c0_i32 = arith.constant 0 : i32
    %c0_i32_0 = arith.constant 0 : i32
    %c0_i32_1 = arith.constant 0 : i32
    return %c0_i32, %c0_i32_0 : i32, i32
  }
  func.func @transform_2(%arg0: i32) -> (i32, i32) {
    %c0_i32 = arith.constant 0 : i32
    %c0_i32_0 = arith.constant 0 : i32
    return %c0_i32, %arg0 : i32, i32
  }
  func.func @transform_3(%arg0: i32) -> (i32, i32) {
    %c0_i32 = arith.constant 0 : i32
    %c0_i32_0 = arith.constant 0 : i32
    return %arg0, %c0_i32 : i32, i32
  }
  func.func @transform_4(%arg0: i32) -> (i32, i32) {
    %c0_i32 = arith.constant 0 : i32
    %c0_i32_0 = arith.constant 0 : i32
    return %arg0, %c0_i32 : i32, i32
  }
  func.func @transform_5(%arg0: i32) -> i32 {
    %c0_i32 = arith.constant 0 : i32
    return %arg0 : i32
  }
}

module attributes {stable_mosaic.version = 14 : i64} {
  func.func @_mm_mid(%arg0: i32, %arg1: memref<2048x128xf32, #tpu.memory_space<vmem>>, %arg2: memref<2048x128xf32, #tpu.memory_space<vmem>>, %arg3: memref<2048xf32, #tpu.memory_space<vmem>>, %arg4: memref<1x256xf32, #tpu.memory_space<vmem>>, %arg5: memref<256x256xf32, #tpu.memory_space<vmem>>, %arg6: memref<2048x128xf32, #tpu.memory_space<vmem>>, %arg7: memref<2048x128xf32, #tpu.memory_space<vmem>>) attributes {dimension_semantics = [#tpu.dimension_semantics<arbitrary>], iteration_bounds = array<i64: 5>, scalar_prefetch = 0 : i64, scratch_operands = 0 : i64, tpu.core_type = #tpu.core_type<tc>, window_params = [{transform_indices = @transform_0, window_bounds = array<i64: 2048, 128>}, {transform_indices = @transform_1, window_bounds = array<i64: 2048, 128>}, {transform_indices = @transform_2, window_bounds = array<i64: 2048>}, {pipeline_mode = #tpu.pipeline_mode<synchronous>, transform_indices = @transform_3, window_bounds = array<i64: 1, 256>}, {pipeline_mode = #tpu.pipeline_mode<synchronous>, transform_indices = @transform_4, window_bounds = array<i64: 256, 256>}, {transform_indices = @transform_5, window_bounds = array<i64: 2048, 128>}, {transform_indices = @transform_6, window_bounds = array<i64: 2048, 128>}]} {
    %get3A = arith.constant 0 : index
    %get3A_0 = vector.load %arg3[%get3A] : memref<2048xf32, #tpu.memory_space<vmem>>, vector<2048xf32>
    %broadcast_in_dim3A = vector.shape_cast %get3A_0 : vector<2048xf32> to vector<2048x1xf32>
    %get3A_1 = arith.constant 0 : index
    %get3A_2 = arith.constant 0 : index
    %get3A_3 = vector.load %arg4[%get3A_1, %get3A_2] : memref<1x256xf32, #tpu.memory_space<vmem>>, vector<1x256xf32>
    %get3A_4 = arith.constant 0 : index
    %get3A_5 = arith.constant 0 : index
    %get3A_6 = vector.load %arg1[%get3A_4, %get3A_5] : memref<2048x128xf32, #tpu.memory_space<vmem>>, vector<2048x128xf32>
    %mul3A = vector.broadcast %broadcast_in_dim3A : vector<2048x1xf32> to vector<2048x128xf32>
    %mul3A_7 = arith.mulf %mul3A, %get3A_6 : vector<2048x128xf32>
    %slice3A = vector.extract_strided_slice %get3A_3 {offsets = [0, 0], sizes = [1, 128], strides = [1, 1]} : vector<1x256xf32> to vector<1x128xf32>
    %add3A = vector.broadcast %slice3A : vector<1x128xf32> to vector<2048x128xf32>
    %add3A_8 = arith.addf %mul3A_7, %add3A : vector<2048x128xf32>
    %tanh3A = math.tanh %add3A_8 : vector<2048x128xf32>
    %get3A_9 = arith.constant 0 : index
    %get3A_10 = arith.constant 0 : index
    %get3A_11 = vector.load %arg2[%get3A_9, %get3A_10] : memref<2048x128xf32, #tpu.memory_space<vmem>>, vector<2048x128xf32>
    %mul3A_12 = vector.broadcast %broadcast_in_dim3A : vector<2048x1xf32> to vector<2048x128xf32>
    %mul3A_13 = arith.mulf %mul3A_12, %get3A_11 : vector<2048x128xf32>
    %slice3A_14 = vector.extract_strided_slice %get3A_3 {offsets = [0, 128], sizes = [1, 128], strides = [1, 1]} : vector<1x256xf32> to vector<1x128xf32>
    %add3A_15 = vector.broadcast %slice3A_14 : vector<1x128xf32> to vector<2048x128xf32>
    %add3A_16 = arith.addf %mul3A_13, %add3A_15 : vector<2048x128xf32>
    %tanh3A_17 = math.tanh %add3A_16 : vector<2048x128xf32>
    %get3A_18 = arith.constant 0 : index
    %get3A_19 = arith.constant 0 : index
    %get3A_20 = vector.load %arg5[%get3A_18, %get3A_19] : memref<256x256xf32, #tpu.memory_space<vmem>>, vector<256x256xf32>
    %slice3A_21 = vector.extract_strided_slice %get3A_20 {offsets = [0, 0], sizes = [256, 128], strides = [1, 1]} : vector<256x256xf32> to vector<256x128xf32>
    %dot_general3A = arith.constant dense<0.000000e+00> : vector<2048x256xf32>
    %dot_general3A_22 = tpu.matmul %tanh3A, %slice3A_21, %dot_general3A {dimension_numbers = #tpu.dot_dimension_numbers<[1], [1], [0], [0], [0, 0, 1, 0], [], []>, transpose_lhs_hint = false} : vector<2048x128xf32>, vector<256x128xf32>, vector<2048x256xf32> -> vector<2048x256xf32>
    %slice3A_23 = vector.extract_strided_slice %get3A_20 {offsets = [0, 128], sizes = [256, 128], strides = [1, 1]} : vector<256x256xf32> to vector<256x128xf32>
    %dot_general3A_24 = arith.constant dense<0.000000e+00> : vector<2048x256xf32>
    %dot_general3A_25 = tpu.matmul %tanh3A_17, %slice3A_23, %dot_general3A_24 {dimension_numbers = #tpu.dot_dimension_numbers<[1], [1], [0], [0], [0, 0, 1, 0], [], []>, transpose_lhs_hint = false} : vector<2048x128xf32>, vector<256x128xf32>, vector<2048x256xf32> -> vector<2048x256xf32>
    %add3A_26 = arith.addf %dot_general3A_22, %dot_general3A_25 : vector<2048x256xf32>
    %mul3A_27 = vector.broadcast %broadcast_in_dim3A : vector<2048x1xf32> to vector<2048x256xf32>
    %mul3A_28 = arith.mulf %add3A_26, %mul3A_27 : vector<2048x256xf32>
    %slice3A_29 = vector.extract_strided_slice %mul3A_28 {offsets = [0, 0], sizes = [2048, 128], strides = [1, 1]} : vector<2048x256xf32> to vector<2048x128xf32>
    %swap3A = arith.constant 0 : index
    %swap3A_30 = arith.constant 0 : index
    %swap3A_31 = vector.load %arg6[%swap3A, %swap3A_30] : memref<2048x128xf32, #tpu.memory_space<vmem>>, vector<2048x128xf32>
    tpu.vector_store %arg6[%swap3A, %swap3A_30], %slice3A_29 {strides = array<i32>} : memref<2048x128xf32, #tpu.memory_space<vmem>>, vector<2048x128xf32>,
    %slice3A_32 = vector.extract_strided_slice %mul3A_28 {offsets = [0, 128], sizes = [2048, 128], strides = [1, 1]} : vector<2048x256xf32> to vector<2048x128xf32>
    %swap3A_33 = arith.constant 0 : index
    %swap3A_34 = arith.constant 0 : index
    %swap3A_35 = vector.load %arg7[%swap3A_33, %swap3A_34] : memref<2048x128xf32, #tpu.memory_space<vmem>>, vector<2048x128xf32>
    tpu.vector_store %arg7[%swap3A_33, %swap3A_34], %slice3A_32 {strides = array<i32>} : memref<2048x128xf32, #tpu.memory_space<vmem>>, vector<2048x128xf32>,
    return
  }
  func.func @transform_0(%arg0: i32) -> (i32, i32) {
    %c0_i32 = arith.constant 0 : i32
    %c0_i32_0 = arith.constant 0 : i32
    return %arg0, %c0_i32 : i32, i32
  }
  func.func @transform_1(%arg0: i32) -> (i32, i32) {
    %c0_i32 = arith.constant 0 : i32
    %c0_i32_0 = arith.constant 0 : i32
    return %arg0, %c0_i32 : i32, i32
  }
  func.func @transform_2(%arg0: i32) -> i32 {
    %c0_i32 = arith.constant 0 : i32
    return %arg0 : i32
  }
  func.func @transform_3(%arg0: i32) -> (i32, i32) {
    %c0_i32 = arith.constant 0 : i32
    %c0_i32_0 = arith.constant 0 : i32
    %c0_i32_1 = arith.constant 0 : i32
    return %c0_i32, %c0_i32_0 : i32, i32
  }
  func.func @transform_4(%arg0: i32) -> (i32, i32) {
    %c0_i32 = arith.constant 0 : i32
    %c0_i32_0 = arith.constant 0 : i32
    %c0_i32_1 = arith.constant 0 : i32
    return %c0_i32, %c0_i32_0 : i32, i32
  }
  func.func @transform_5(%arg0: i32) -> (i32, i32) {
    %c0_i32 = arith.constant 0 : i32
    %c0_i32_0 = arith.constant 0 : i32
    return %arg0, %c0_i32 : i32, i32
  }
  func.func @transform_6(%arg0: i32) -> (i32, i32) {
    %c0_i32 = arith.constant 0 : i32
    %c0_i32_0 = arith.constant 0 : i32
    return %arg0, %c0_i32 : i32, i32
  }
}

module attributes {stable_mosaic.version = 14 : i64} {
  func.func @_mm_last(%arg0: i32, %arg1: memref<2048x128xf32, #tpu.memory_space<vmem>>, %arg2: memref<2048x128xf32, #tpu.memory_space<vmem>>, %arg3: memref<2048xf32, #tpu.memory_space<vmem>>, %arg4: memref<1x256xf32, #tpu.memory_space<vmem>>, %arg5: memref<1x256xf32, #tpu.memory_space<vmem>>, %arg6: memref<2048xf32, #tpu.memory_space<vmem>>) attributes {dimension_semantics = [#tpu.dimension_semantics<arbitrary>], iteration_bounds = array<i64: 5>, scalar_prefetch = 0 : i64, scratch_operands = 0 : i64, tpu.core_type = #tpu.core_type<tc>, window_params = [{transform_indices = @transform_0, window_bounds = array<i64: 2048, 128>}, {transform_indices = @transform_1, window_bounds = array<i64: 2048, 128>}, {transform_indices = @transform_2, window_bounds = array<i64: 2048>}, {pipeline_mode = #tpu.pipeline_mode<synchronous>, transform_indices = @transform_3, window_bounds = array<i64: 1, 256>}, {pipeline_mode = #tpu.pipeline_mode<synchronous>, transform_indices = @transform_4, window_bounds = array<i64: 1, 256>}, {transform_indices = @transform_5, window_bounds = array<i64: 2048>}]} {
    %get3A = arith.constant 0 : index
    %get3A_0 = vector.load %arg3[%get3A] : memref<2048xf32, #tpu.memory_space<vmem>>, vector<2048xf32>
    %broadcast_in_dim3A = vector.shape_cast %get3A_0 : vector<2048xf32> to vector<2048x1xf32>
    %get3A_1 = arith.constant 0 : index
    %get3A_2 = arith.constant 0 : index
    %get3A_3 = vector.load %arg4[%get3A_1, %get3A_2] : memref<1x256xf32, #tpu.memory_space<vmem>>, vector<1x256xf32>
    %get3A_4 = arith.constant 0 : index
    %get3A_5 = arith.constant 0 : index
    %get3A_6 = vector.load %arg1[%get3A_4, %get3A_5] : memref<2048x128xf32, #tpu.memory_space<vmem>>, vector<2048x128xf32>
    %mul3A = vector.broadcast %broadcast_in_dim3A : vector<2048x1xf32> to vector<2048x128xf32>
    %mul3A_7 = arith.mulf %mul3A, %get3A_6 : vector<2048x128xf32>
    %slice3A = vector.extract_strided_slice %get3A_3 {offsets = [0, 0], sizes = [1, 128], strides = [1, 1]} : vector<1x256xf32> to vector<1x128xf32>
    %add3A = vector.broadcast %slice3A : vector<1x128xf32> to vector<2048x128xf32>
    %add3A_8 = arith.addf %mul3A_7, %add3A : vector<2048x128xf32>
    %tanh3A = math.tanh %add3A_8 : vector<2048x128xf32>
    %get3A_9 = arith.constant 0 : index
    %get3A_10 = arith.constant 0 : index
    %get3A_11 = vector.load %arg2[%get3A_9, %get3A_10] : memref<2048x128xf32, #tpu.memory_space<vmem>>, vector<2048x128xf32>
    %mul3A_12 = vector.broadcast %broadcast_in_dim3A : vector<2048x1xf32> to vector<2048x128xf32>
    %mul3A_13 = arith.mulf %mul3A_12, %get3A_11 : vector<2048x128xf32>
    %slice3A_14 = vector.extract_strided_slice %get3A_3 {offsets = [0, 128], sizes = [1, 128], strides = [1, 1]} : vector<1x256xf32> to vector<1x128xf32>
    %add3A_15 = vector.broadcast %slice3A_14 : vector<1x128xf32> to vector<2048x128xf32>
    %add3A_16 = arith.addf %mul3A_13, %add3A_15 : vector<2048x128xf32>
    %tanh3A_17 = math.tanh %add3A_16 : vector<2048x128xf32>
    %get3A_18 = arith.constant 0 : index
    %get3A_19 = arith.constant 0 : index
    %get3A_20 = vector.load %arg5[%get3A_18, %get3A_19] : memref<1x256xf32, #tpu.memory_space<vmem>>, vector<1x256xf32>
    %slice3A_21 = vector.extract_strided_slice %get3A_20 {offsets = [0, 0], sizes = [1, 128], strides = [1, 1]} : vector<1x256xf32> to vector<1x128xf32>
    %dot_general3A = arith.constant dense<0.000000e+00> : vector<2048x1xf32>
    %dot_general3A_22 = tpu.matmul %tanh3A, %slice3A_21, %dot_general3A {dimension_numbers = #tpu.dot_dimension_numbers<[1], [1], [0], [0], [0, 0, 1, 0], [], []>, transpose_lhs_hint = false} : vector<2048x128xf32>, vector<1x128xf32>, vector<2048x1xf32> -> vector<2048x1xf32>
    %slice3A_23 = vector.extract_strided_slice %get3A_20 {offsets = [0, 128], sizes = [1, 128], strides = [1, 1]} : vector<1x256xf32> to vector<1x128xf32>
    %dot_general3A_24 = arith.constant dense<0.000000e+00> : vector<2048x1xf32>
    %dot_general3A_25 = tpu.matmul %tanh3A_17, %slice3A_23, %dot_general3A_24 {dimension_numbers = #tpu.dot_dimension_numbers<[1], [1], [0], [0], [0, 0, 1, 0], [], []>, transpose_lhs_hint = false} : vector<2048x128xf32>, vector<1x128xf32>, vector<2048x1xf32> -> vector<2048x1xf32>
    %add3A_26 = arith.addf %dot_general3A_22, %dot_general3A_25 : vector<2048x1xf32>
    %mul3A_27 = arith.mulf %add3A_26, %broadcast_in_dim3A : vector<2048x1xf32>
    %squeeze3A = vector.shape_cast %mul3A_27 : vector<2048x1xf32> to vector<2048xf32>
    %swap3A = arith.constant 0 : index
    %swap3A_28 = vector.load %arg6[%swap3A] : memref<2048xf32, #tpu.memory_space<vmem>>, vector<2048xf32>
    tpu.vector_store %arg6[%swap3A], %squeeze3A {strides = array<i32>} : memref<2048xf32, #tpu.memory_space<vmem>>, vector<2048xf32>,
    return
  }
  func.func @transform_0(%arg0: i32) -> (i32, i32) {
    %c0_i32 = arith.constant 0 : i32
    %c0_i32_0 = arith.constant 0 : i32
    return %arg0, %c0_i32 : i32, i32
  }
  func.func @transform_1(%arg0: i32) -> (i32, i32) {
    %c0_i32 = arith.constant 0 : i32
    %c0_i32_0 = arith.constant 0 : i32
    return %arg0, %c0_i32 : i32, i32
  }
  func.func @transform_2(%arg0: i32) -> i32 {
    %c0_i32 = arith.constant 0 : i32
    return %arg0 : i32
  }
  func.func @transform_3(%arg0: i32) -> (i32, i32) {
    %c0_i32 = arith.constant 0 : i32
    %c0_i32_0 = arith.constant 0 : i32
    %c0_i32_1 = arith.constant 0 : i32
    return %c0_i32, %c0_i32_0 : i32, i32
  }
  func.func @transform_4(%arg0: i32) -> (i32, i32) {
    %c0_i32 = arith.constant 0 : i32
    %c0_i32_0 = arith.constant 0 : i32
    %c0_i32_1 = arith.constant 0 : i32
    return %c0_i32, %c0_i32_0 : i32, i32
  }
  func.func @transform_5(%arg0: i32) -> i32 {
    %c0_i32 = arith.constant 0 : i32
    return %arg0 : i32
  }
}

module attributes {stable_mosaic.version = 14 : i64} {
  func.func @_mm_fin(%arg0: i32, %arg1: memref<32x2048xf32, #tpu.memory_space<vmem>>, %arg2: memref<2048xf32, #tpu.memory_space<vmem>>, %arg3: memref<2048xf32, #tpu.memory_space<vmem>>, %arg4: memref<1xf32, #tpu.memory_space<vmem>>, %arg5: memref<2048xf32, #tpu.memory_space<vmem>>) attributes {dimension_semantics = [#tpu.dimension_semantics<arbitrary>], iteration_bounds = array<i64: 5>, scalar_prefetch = 0 : i64, scratch_operands = 0 : i64, tpu.core_type = #tpu.core_type<tc>, window_params = [{transform_indices = @transform_0, window_bounds = array<i64: 32, 2048>}, {transform_indices = @transform_1, window_bounds = array<i64: 2048>}, {transform_indices = @transform_2, window_bounds = array<i64: 2048>}, {pipeline_mode = #tpu.pipeline_mode<synchronous>, transform_indices = @transform_3, window_bounds = array<i64: 1>}, {transform_indices = @transform_4, window_bounds = array<i64: 2048>}]} {
    %get3A = arith.constant 0 : index
    %get3A_0 = arith.constant 0 : index
    %get3A_1 = vector.load %arg1[%get3A, %get3A_0] : memref<32x2048xf32, #tpu.memory_space<vmem>>, vector<32x2048xf32>
    %reduce_sum3A = arith.constant dense<0.000000e+00> : vector<2048xf32>
    %reduce_sum3A_2 = vector.multi_reduction <add>, %get3A_1, %reduce_sum3A [0] : vector<32x2048xf32> to vector<2048xf32>
    %get3A_3 = arith.constant 0 : index
    %get3A_4 = vector.load %arg2[%get3A_3] : memref<2048xf32, #tpu.memory_space<vmem>>, vector<2048xf32>
    %add3A = arith.addf %reduce_sum3A_2, %get3A_4 : vector<2048xf32>
    %get3A_5 = arith.constant 0 : index
    %get3A_6 = vector.load %arg3[%get3A_5] : memref<2048xf32, #tpu.memory_space<vmem>>, vector<2048xf32>
    %mul3A = arith.mulf %get3A_6, %add3A : vector<2048xf32>
    %get3A_7 = arith.constant 0 : index
    %get3A_8 = vector.load %arg4[%get3A_7] : memref<1xf32, #tpu.memory_space<vmem>>, vector<1xf32>
    %add3A_9 = vector.broadcast %get3A_8 : vector<1xf32> to vector<2048xf32>
    %add3A_10 = arith.addf %mul3A, %add3A_9 : vector<2048xf32>
    %neg3A = arith.constant 0.000000e+00 : f32
    %neg3A_11 = vector.broadcast %neg3A : f32 to vector<2048xf32>
    %neg3A_12 = arith.subf %neg3A_11, %add3A_10 : vector<2048xf32>
    %exp3A = math.exp %neg3A_12 : vector<2048xf32>
    %add3A_13 = arith.constant 1.000000e+00 : f32
    %add3A_14 = vector.broadcast %add3A_13 : f32 to vector<2048xf32>
    %add3A_15 = arith.addf %add3A_14, %exp3A : vector<2048xf32>
    %div3A = arith.constant 1.000000e+00 : f32
    %div3A_16 = vector.broadcast %div3A : f32 to vector<2048xf32>
    %div3A_17 = arith.divf %div3A_16, %add3A_15 : vector<2048xf32>
    %swap3A = arith.constant 0 : index
    %swap3A_18 = vector.load %arg5[%swap3A] : memref<2048xf32, #tpu.memory_space<vmem>>, vector<2048xf32>
    tpu.vector_store %arg5[%swap3A], %div3A_17 {strides = array<i32>} : memref<2048xf32, #tpu.memory_space<vmem>>, vector<2048xf32>,
    return
  }
  func.func @transform_0(%arg0: i32) -> (i32, i32) {
    %c0_i32 = arith.constant 0 : i32
    %c0_i32_0 = arith.constant 0 : i32
    return %c0_i32, %arg0 : i32, i32
  }
  func.func @transform_1(%arg0: i32) -> i32 {
    %c0_i32 = arith.constant 0 : i32
    return %arg0 : i32
  }
  func.func @transform_2(%arg0: i32) -> i32 {
    %c0_i32 = arith.constant 0 : i32
    return %arg0 : i32
  }
  func.func @transform_3(%arg0: i32) -> i32 {
    %c0_i32 = arith.constant 0 : i32
    %c0_i32_0 = arith.constant 0 : i32
    return %c0_i32 : i32
  }
  func.func @transform_4(%arg0: i32) -> i32 {
    %c0_i32 = arith.constant 0 : i32
    return %arg0 : i32
  }
}

</mosaic_0001>

<sc_bundles>
// kernel: kernel.10.cloned.1.call-start
scs
__scs_entry_jumppad:
0x0: {  	(pc) =	sbr.rel $0x88, $3  }
0x1: {  	(tag) =	ssettag $0x0;
	lr =	simm.s32 $0x1  }
0x2: {  	[smem:$0x3F99] =	sst lr;
	_ =	strace $0xD0000000  }
0x3: {  	_ = 	snop  }
0x4: {  	_ = 	snop  }
0x5: {  	_ = 	snop  }
0x6: {  	_ = 	snop  }
0x7: {  	_ = 	snop  }
__scs_overlays_trampoline_lowered:
0x8: {  	[smem:$0x3FA8] =	sst s0  }
0x9: {  	[smem:$0x3FA9] =	sst s1  }
0xa: {  	[smem:$0x3FAA] =	sst s2  }
0xb: {  	[smem:$0x3FAB] =	sst s3  }
0xc: {  	[smem:$0x3FAC] =	sst s4  }
0xd: {  	[smem:$0x3FAD] =	sst s5  }
0xe: {  	[smem:$0x3FAE] =	sst s6  }
0xf: {  	[smem:$0x3FAF] =	sst s7  }
0x10: {  	[smem:$0x3FB0] =	sst s8  }
0x11: {  	[smem:$0x3FB1] =	sst s9;
	s0 =	simm.s32 @!p0 $0x0  }
0x12: {  	s1 =	sld [smem:$0x3F97];
	s0 =	simm.s32 @p0 $0x1  }
0x13: {  	[smem:$0x3FB2] =	sst s0;
	s0 =	simm.s32 @!p1 $0x0  }
0x14: {  	s2 =	sld [smem:$0x3F96];
	s0 =	simm.s32 @p1 $0x1  }
0x15: {  	[smem:$0x3FB3] =	sst s0;
	s0 =	simm.s32 @!p2 $0x0  }
0x16: {  	s3 =	sld [smem:$0x3FDB];
	s0 =	simm.s32 @p2 $0x1  }
0x17: {  	s4 =	simm.s32 $0x1BF5;
	[smem:$0x3FB5] =	sst s0  }
0x18: {  	s0 =	sld [smem:$0x3F98];
	_ =	swait.ge [sflag:s4], $0x0  }
0x19: {  	s7 =	sld [smem:$0x3F99]  }
0x1a: {  	s8 =	sadd.s32 $0xFFFFE003, lr  }
0x1b: {  	s9 =	sadd.s32 $0xFFFFFEF7, lr;
	s5 =	simm.s32 $0xFFFFFFFF;
	p2 =	slt.u32 s8, $0xFFFFF086  }
0x1c: {  	p1 =	slt.u32 s9, $0xF7A;
	s5 =	simm.s32 @!p2 $0x0  }
0x1d: {  	s5 =	simm.s32 @p1 $0x1;
	p0 =	seq.s32 s7, s2  }
0x1e: {  	s7 =	smul.u32 @!p0 $0xF7A, s2;
	p2 =	seq.s32 @!p0 s5, $0x0  }
0x1f: {  	s9 =	smul.u32 $0xF7A, s1;
	s8 =	simm.s32 @!p0 $0x1BF5;
	p2 =	por !p2, p0  }
0x20: {  	[sflag:s8] =	ssyncset.s32 @!p0 $0xFFFFF086;
	s6 =	sadd.s32 @!p0 s3, s7;
	s7 =	simm.s32 @!p0 $0x108  }
0x21: {  	s3 =	sadd.s32 s3, s9;
	s6 =	sadd.s32 @!p0 $0x88, s6;
	s7 =	simm.s32 @p2 $0x1082  }
0x22: {  	[simem:s7], [sflag:s8] =	dma.local @!p0 [hbm:s6], $0xF7A  }
0x23: {  	s9 =	sor.u32 $0xD0000000, s2;
	s6 =	simm.s32 $0x108;
	_ =	swait.ge @!p0 [sflag:s8], $0x0  }
0x24: {  	s3 =	sadd.s32 $0x88, s3;
	s6 =	simm.s32 @!p1 $0x1082;
	[sflag:s4] =	ssyncset.s32 $0xFFFFF086  }
0x25: {  	[simem:s6], [sflag:s4] =	dma.local [hbm:s3], $0xF7A  }
0x26: {  	[smem:$0x3F99] =	sst s1;
	(tag) =	ssettag s2;
	_ =	strace s9  }
0x27: {  	s1 =	sld [smem:$0x3FA9]  }
0x28: {  	s2 =	sld [smem:$0x3FAA]  }
0x29: {  	s4 =	sld [smem:$0x3FAC]  }
0x2a: {  	p0 =	seq.s32 s5, $0x0;
	s5 =	sld [smem:$0x3FAD]  }
0x2b: {  	s6 =	sld [smem:$0x3FAE]  }
0x2c: {  	s7 =	sld [smem:$0x3FAF]  }
0x2d: {  	s3 =	simm.s32 $0x108;
	s8 =	sld [smem:$0x3FB0]  }
0x2e: {  	s3 =	simm.s32 @!p0 $0x1082;
	s9 =	sld [smem:$0x3FB1]  }
0x2f: {  	lr =	sadd.s32 s0, s3;
	s0 =	sld [smem:$0x3FA8]  }
0x30: {  	s3 =	sld [smem:$0x3FAB]  }
0x31: {  	[smem:$0x3FB4] =	sst s10  }
0x32: {  	s10 =	sld [smem:$0x3FB2];
	_ =	sdelay $0x3  }
0x33: {  	p0 =	seq.s32 s10, $0x1;
	s10 =	sld [smem:$0x3FB4];
	_ =	sdelay $0x3  }
0x34: {  	[smem:$0x3FB4] =	sst s10  }
0x35: {  	s10 =	sld [smem:$0x3FB3];
	_ =	sdelay $0x3  }
0x36: {  	p1 =	seq.s32 s10, $0x1;
	s10 =	sld [smem:$0x3FB4];
	_ =	sdelay $0x3  }
0x37: {  	[smem:$0x3FB4] =	sst s10  }
0x38: {  	s10 =	sld [smem:$0x3FB5]  }
0x39: {  	_ = 	snop;
	(pc) =	sbr.ind lr, $3  }
0x3a: {  	_ = 	snop  }
0x3b: {  	_ = 	snop  }
0x3c: {  	p2 =	seq.s32 s10, $0x1;
	s10 =	sld [smem:$0x3FB4]  }
0x3d: {  	_ =	shalt  }
0x3e: {  	_ =	shalt  }
0x3f: {  	_ =	shalt  }
0x40: {  	_ =	shalt  }
0x41: {  	_ =	shalt  }
0x42: {  	_ =	shalt  }
0x43: {  	_ =	shalt  }
0x44: {  	_ =	shalt  }
0x45: {  	_ =	shalt  }
0x46: {  	_ =	shalt  }
0x47: {  	_ =	shalt  }
0x48: {  	_ =	shalt  }
0x49: {  	_ =	shalt  }
0x4a: {  	_ =	shalt  }
0x4b: {  	_ =	shalt  }
0x4c: {  	_ =	shalt  }
0x4d: {  	_ =	shalt  }
0x4e: {  	_ =	shalt  }
0x4f: {  	_ =	shalt  }
0x50: {  	_ =	shalt  }
0x51: {  	_ =	shalt  }
0x52: {  	_ =	shalt  }
0x53: {  	_ =	shalt  }
0x54: {  	_ =	shalt  }
0x55: {  	_ =	shalt  }
0x56: {  	_ =	shalt  }
0x57: {  	_ =	shalt  }
0x58: {  	_ =	shalt  }
0x59: {  	_ =	shalt  }
0x5a: {  	_ =	shalt  }
0x5b: {  	_ =	shalt  }
0x5c: {  	_ =	shalt  }
0x5d: {  	_ =	shalt  }
0x5e: {  	_ =	shalt  }
0x5f: {  	_ =	shalt  }
0x60: {  	_ =	shalt  }
0x61: {  	_ =	shalt  }
0x62: {  	_ =	shalt  }
0x63: {  	_ =	shalt  }
0x64: {  	_ =	shalt  }
0x65: {  	_ =	shalt  }
0x66: {  	_ =	shalt  }
0x67: {  	_ =	shalt  }
0x68: {  	_ =	shalt  }
0x69: {  	_ =	shalt  }
0x6a: {  	_ =	shalt  }
0x6b: {  	_ =	shalt  }
0x6c: {  	_ =	shalt  }
0x6d: {  	_ =	shalt  }
0x6e: {  	_ =	shalt  }
0x6f: {  	_ =	shalt  }
0x70: {  	_ =	shalt  }
0x71: {  	_ =	shalt  }
0x72: {  	_ =	shalt  }
0x73: {  	_ =	shalt  }
0x74: {  	_ =	shalt  }
0x75: {  	_ =	shalt  }
0x76: {  	_ =	shalt  }
0x77: {  	_ =	shalt  }
0x78: {  	_ =	shalt  }
0x79: {  	_ =	shalt  }
0x7a: {  	_ =	shalt  }
0x7b: {  	_ =	shalt  }
0x7c: {  	_ =	shalt  }
0x7d: {  	_ =	shalt  }
0x7e: {  	_ =	shalt  }
0x7f: {  	_ =	shalt  }
0x80: {  	_ =	shalt  }
0x81: {  	_ =	shalt  }
0x82: {  	_ =	shalt  }
0x83: {  	_ =	shalt  }
0x84: {  	_ =	shalt  }
0x85: {  	_ =	shalt  }
0x86: {  	_ =	shalt  }
0x87: {  	_ =	shalt  }
.Lfunc_end0:
.L_simem_size_0:
called_computation_lowered:
.L_overlay_start_0:
0x88: {  	s2 =	sld [smem:$0x3FD9]  }
0x89: {  	s3 =	sld [smem:$0x3FFE];
	_ =	sdelay $0x1  }
0x8a: {  	s1 =	srdreg.scid  }
0x8b: {  	s0 =	sand.u32 $0x1, s1  }
0x8c: {  	s16 =	sshll.u32 s0, $0xA;
	s2 =	sadd.s32 s3, s2  }
0x8d: {  	s2 =	sadd.s32 s2, s16  }
0x8e: {  	[smem:$0x3FC0] =	sst s2  }
0x8f: {  	_ = 	snop  }
0x90: {  	(tm) =	ssettm $0x1  }
0x91: {  	s17 =	sld [smem:$0x3FFB];
	_ =	sdelay $0x3  }
0x92: {  	_ =	strace s17  }
0x93: {  	s2 =	sld [smem:$0x3FFC];
	_ =	sdelay $0x3  }
0x94: {  	_ =	strace s2  }
0x95: {  	s2 =	sld [smem:$0x3FFD];
	_ =	sdelay $0x3  }
0x96: {  	_ =	strace s2  }
0x97: {  	_ =	strace $0x8FFFFFFF  }
0x98: {  	s18 =	sld [smem:$0x3FDB];
	_ =	sdelay $0x1  }
0x99: {  	s19 =	simm.s32 $_scs_section_size  }
0x9a: {  	s4 =	simm.s32 $_size__tile_overlayer_lowered;
	s5 =	simm.s32 $_tile_overlayer_lowered  }
0x9b: {  	s22 =	simm.s32 $0x1BFF;
	s21 =	sshll.u32 s5, $0x1;
	s2 =	sadd.s32 s19, s18  }
0x9c: {  	s6 =	simm.s32 $0x0;
	s20 =	sshll.u32 s4, $0x1;
	s4 =	sadd.s32 s21, s2  }
0x9d: {  	[timem:s6], [sflag:s22] =	dma.local [hbm:s4], s20  }
0x9e: {  	_ =	swait.ge [sflag:s22], s20  }
0x9f: {  	s3 =	ssub.s32 $0x0, s20;
	[sflag:s22] =	ssyncset.done $0x0  }
0xa0: {  	[sflag:s22] =	ssyncadd.s32 s3;
	_ =	sdelay $0x1  }
0xa1: {  	s23 =	simm.s32 $0x1B8B  }
0xa2: {  	_ =	swait.ge [sflag:s23], $0x1  }
0xa3: {  	[sflag:s23] =	ssyncset.done $0x0  }
0xa4: {  	s25 =	simm.s32 $0x1B8E;
	s24 =	sld [smem:$0x3FFE];
	[sflag:s23] =	ssyncadd.s32 $0xFFFFFFFF  }
0xa5: {  	s26 =	simm.s32 $execute0_lowered;
	[smem:$0x3FD2] =	sst s25  }
0xa6: {  	s4 =	sshll.u32 s26, $0x1;
	_ =	strace $0x80000046;
	[dreg:$0x1] =	wrdreg $0xFFFFFFFF  }
0xa7: {  	s28 =	simm.s32 $_size_execute0_lowered;
	s2 =	sadd.s32 s2, s4;
	[dreg:$0x0] =	wrdreg $0x0  }
0xa8: {  	s4 =	sshll.u32 s28, $0x1;
	[dreg:$0x2] =	wrdreg s2  }
0xa9: {  	[dreg:$0x3] =	wrdreg s4  }
0xaa: {  	[dreg:$0x4] =	wrdreg $0xC0  }
0xab: {  	_ =	task [dreg:s6], $0x5FFFF  }
0xac: {  	[dreg:$0x1] =	wrdreg $0xFFFFFFFF  }
0xad: {  	[dreg:$0x0] =	wrdreg $0x60  }
0xae: {  	[dreg:$0x2] =	wrdreg s24  }
0xaf: {  	[dreg:$0x3] =	wrdreg $0x9  }
0xb0: {  	_ =	task.clear_ibuf [dreg:s6], $0x4FFFF;
	_ =	strace $0x90000046  }
0xb1: {  	s29 =	simm.s32 $0x9;
	_ =	strace $0x80000048  }
0xb2: {  	_ =	swait.ge [sflag:s29], $0x1  }
0xb3: {  	[sflag:s29] =	ssyncadd.s32 $0xFFFFFFFF  }
0xb4: {  	_ =	strace $0x90000048  }
0xb5: {  	_ =	sfence  }
0xb6: {  	s30 =	sld [smem:$0x0];
	_ =	sdelay $0x2  }
0xb7: {  	s31 =	sshll.u32 s1, $0xD;
	s1 =	sshrl.u32 s1, $0x2  }
0xb8: {  	s3 =	sand.u32 $0x4000, s31;
	s1 =	sadd.s32 s1, s30  }
0xb9: {  	s0 =	sor.u32 s3, s0;
	s1 =	sshll.u32 s1, $0x11  }
0xba: {  	s0 =	sor.u32 s1, s0  }
0xbb: {  	s0 =	sadd.s32 $0x8F2B, s0  }
0xbc: {  	[sflag:s0] =	ssyncadd.remote.s32 $0x1  }
0xbd: {  	_ =	sfence.sel $0xFFFF  }
0xbe: {  	[dreg:$0x0] =	wrdreg $0xFFFFFFFF;
	(pc) =	sbr.abs _section_cstart, $3  }
0xbf: {  	[dreg:$0x1] =	wrdreg $0xFFFFFFFF  }
0xc0: {  	_ =	task.clear_ibuf [dreg:s6], $0x2FFFF;
	_ =	strace $0x9FFFFFFF  }
0xc1: {  	(tm) =	ssettm $0x7FFFFFFF  }
tec
execute0_lowered:
.L_overlay_start_1:
0x0: {  	(tag) =	ssettag $0x1  }
0x1: {  	s0 =	srdreg.scid  }
0x2: {  	s3 =	sand.u32 $0x1, s0  }
0x3: {  	s4 =	rddreg [dreg:$0x0];
	s0 =	stileid.u32;
	s1 =	sshll.u32 s3, $0x4  }
0x4: {  	s2 =	simm.s32 $0x0;
	s8 =	simm.s32 $0x0;
	s5 =	sor.u32 s0, s1  }
0x5: {  	[smem:$0x7FF] =	sst s2;
	s3 =	ssub.s32 $0x2, s3;
	s6 =	smul.u32 $0x271, s5  }
0x6: {  	s1 =	rddreg [dreg:$0x1];
	s7 =	sshrl.u32 s3, $0x1;
	s5 =	smul.u32 $0x4E2, s5  }
0x7: {  	_ =	strace $0x80000047;
	s31 =	ssub.s32 s3, s7;
	s7 =	simm.s32 $0x1  }
0x8: {  	s6 =	sadd.s32 s6, s4;
	s4 =	sadd.s32 s5, s4;
	s5 =	smax.u32 s31, $0x1  }
0x9: {  	v0 =	vimm.f32 $0.0e+00;
	v1 =	vimm.s32 $0x0;
	v2 =	vimm.f32 $1.000000000e+00;
	s3 =	sadd.s32 $0x8400, s6;
	s4 =	sadd.s32 $0xD400, s4;
	s6 =	simm.s32 $0x2780  }
.LBB2_1:
0xa: {  	s9 =	simm.s32 $0x40;
	s10 =	simm.s32 $0x0  }
.LBB2_2:
0xb: {  	p0 =	sne.s32 s9, $0x9C00;
	[tilespmem:s10+$0x0] =	vst v0;
	s10 =	smov.u32 s9;
	s9 =	sadd.s32 $0x40, s9  }
.Ltmp0:
0xc: {  	(pc) =	sbr.rel @p0 .LBB2_2-.Ltmp0, $2  }
0xd: {  	_ =	sdelay $0x2  }
0xe: {  	s10 =	sshra.s32 s10, $0x2  }
0xf: {  	[tilespmem:s10+$0x0] =	vst v0  }
0x10: {  	s9 =	simm.s32 $0x0;
	[tilespmem:$0x3B00] =	vst v1  }
0x11: {  	[tilespmem:s6], [sflag:$0x1] =	stream.linear.gather [hbm4b:s3+s9], $0x1388, $0x38;
	[tilespmem:$0x3B80] =	vst v63  }
0x12: {  	_ =	swait.ge [sflag:s7], $0x1388  }
0x13: {  	[sflag:s7] =	ssyncset.done $0x0  }
0x14: {  	s10 =	simm.s32 $0x0;
	s9 =	simm.s32 $0x40;
	[sflag:s7] =	ssyncadd.s32 $0xFFFFEC78  }
.LBB2_4:
0x15: {  	p0 =	sne.s32 s9, $0x4DC0;
	v3 =	vld [tilespmem:s10+$0x2780];
	_ =	sdelay $0x3  }
.Ltmp1:
0x16: {  	(pc) =	sbr.rel @p0 .LBB2_4-.Ltmp1, $2  }
0x17: {  	_ =	sdelay $0x2  }
0x18: {  	s10 =	sshra.s32 s9, $0x2;
	s9 =	sadd.s32 $0x40, s9;
	[tilespmem:v3+s2+$0x0] =	vst.idx.add.f32.msk $0xffff, v2  }
0x19: {  	v3 =	vld [tilespmem:s10+$0x2780];
	_ =	sdelay $0x7  }
0x1a: {  	[tilespmem:v3+s2+$0x0] =	vst.idx.add.f32.msk $0xffff, v2  }
0x1b: {  	v3 =	vld [tilespmem:$0x3B00];
	_ =	sdelay $0x5  }
0x1c: {  	s8 =	sadd.s32 $0x1, s8  }
0x1d: {  	p0 =	sne.s32 s8, s5  }
.Ltmp2:
0x1e: {  	[tilespmem:v3+s2+$0x0] =	vst.idx.add.f32.msk $0xff, v2;
	(pc) =	sbr.rel @p0 .LBB2_1-.Ltmp2, $4  }
0x1f: {  	[hbm4b:s4+s2] =	stream.linear.scatter [tilespmem:s2], [sflag:$0x1], $0x2710, $0x38;
	[tilespmem:$0x3B80] =	vst v63  }
0x20: {  	_ =	swait.ge [sflag:s7], $0x2710  }
0x21: {  	[sflag:s7] =	ssyncset.done $0x0  }
0x22: {  	[sflag:s7] =	ssyncadd.s32 $0xFFFFD8F0  }
0x23: {  	_ =	sfence.sel $0x180000  }
0x24: {  	[bflag:$0x0] =	sbarrier.arrive $0xFFFF  }
0x25: {  	p0 =	sne.s32 s0, $0x0;
	_ =	strace $0x90000047  }
0x26: {  	s0 =	sadd.s32 @!p0 $0x100000, s1;
	[bflag:$0x2] =	sbarrier.arrive $0xFFFF  }
0x27: {  	[sflag:s0] =	ssyncadd.tile.s32 @!p0 $0x1;
	_ =	shalt  }
.Lfunc_end2:
_tile_overlayer_lowered:
.L_overlay_start_2:
0x28: {  	(tag) =	ssettag $0x2  }
0x29: {  	s0 =	rddreg [dreg:$0x0];
	s2 =	stileid.u32  }
0x2a: {  	s1 =	rddreg [dreg:$0x1];
	p0 =	sne.s32 s2, $0x0  }
0x2b: {  	s3 =	rddreg [dreg:$0x2];
	[bflag:$0x3] =	sbarrier.arrive $0xFFFF;
	s2 =	simm.s32 @!p0 $0x1C01  }
0x2c: {  	[timem:s3], [sflag:s2] =	dma.local @!p0 [hbm:s0], s1  }
0x2d: {  	s0 =	simm.s32 @!p0 $0x1  }
0x2e: {  	_ =	swait.ge @!p0 [sflag:s0], s1  }
0x2f: {  	s1 =	ssub.s32 @!p0 $0x0, s1;
	[sflag:s0] =	ssyncset.done @!p0 $0x0  }
0x30: {  	[sflag:s0] =	ssyncadd.s32 @!p0 s1  }
0x31: {  	[bflag:$0x3] =	sbarrier.arrive $0xFFFF  }
0x32: {  	_ =	shalt  }

// kernel: kernel.13.cloned.1.call-start
scs
__scs_entry_jumppad:
0x0: {  	(pc) =	sbr.rel $0x88, $3  }
0x1: {  	(tag) =	ssettag $0x0;
	lr =	simm.s32 $0x1  }
0x2: {  	[smem:$0x3F99] =	sst lr;
	_ =	strace $0xD0000000  }
0x3: {  	_ = 	snop  }
0x4: {  	_ = 	snop  }
0x5: {  	_ = 	snop  }
0x6: {  	_ = 	snop  }
0x7: {  	_ = 	snop  }
__scs_overlays_trampoline_lowered:
0x8: {  	[smem:$0x3FA8] =	sst s0  }
0x9: {  	[smem:$0x3FA9] =	sst s1  }
0xa: {  	[smem:$0x3FAA] =	sst s2  }
0xb: {  	[smem:$0x3FAB] =	sst s3  }
0xc: {  	[smem:$0x3FAC] =	sst s4  }
0xd: {  	[smem:$0x3FAD] =	sst s5  }
0xe: {  	[smem:$0x3FAE] =	sst s6  }
0xf: {  	[smem:$0x3FAF] =	sst s7  }
0x10: {  	[smem:$0x3FB0] =	sst s8  }
0x11: {  	[smem:$0x3FB1] =	sst s9;
	s0 =	simm.s32 @!p0 $0x0  }
0x12: {  	s1 =	sld [smem:$0x3F97];
	s0 =	simm.s32 @p0 $0x1  }
0x13: {  	[smem:$0x3FB2] =	sst s0;
	s0 =	simm.s32 @!p1 $0x0  }
0x14: {  	s2 =	sld [smem:$0x3F96];
	s0 =	simm.s32 @p1 $0x1  }
0x15: {  	[smem:$0x3FB3] =	sst s0;
	s0 =	simm.s32 @!p2 $0x0  }
0x16: {  	s3 =	sld [smem:$0x3FDB];
	s0 =	simm.s32 @p2 $0x1  }
0x17: {  	s4 =	simm.s32 $0x1BF5;
	[smem:$0x3FB5] =	sst s0  }
0x18: {  	s0 =	sld [smem:$0x3F98];
	_ =	swait.ge [sflag:s4], $0x0  }
0x19: {  	s7 =	sld [smem:$0x3F99]  }
0x1a: {  	s8 =	sadd.s32 $0xFFFFE003, lr  }
0x1b: {  	s9 =	sadd.s32 $0xFFFFFEF7, lr;
	s5 =	simm.s32 $0xFFFFFFFF;
	p2 =	slt.u32 s8, $0xFFFFF086  }
0x1c: {  	p1 =	slt.u32 s9, $0xF7A;
	s5 =	simm.s32 @!p2 $0x0  }
0x1d: {  	s5 =	simm.s32 @p1 $0x1;
	p0 =	seq.s32 s7, s2  }
0x1e: {  	s7 =	smul.u32 @!p0 $0xF7A, s2;
	p2 =	seq.s32 @!p0 s5, $0x0  }
0x1f: {  	s9 =	smul.u32 $0xF7A, s1;
	s8 =	simm.s32 @!p0 $0x1BF5;
	p2 =	por !p2, p0  }
0x20: {  	[sflag:s8] =	ssyncset.s32 @!p0 $0xFFFFF086;
	s6 =	sadd.s32 @!p0 s3, s7;
	s7 =	simm.s32 @!p0 $0x108  }
0x21: {  	s3 =	sadd.s32 s3, s9;
	s6 =	sadd.s32 @!p0 $0x88, s6;
	s7 =	simm.s32 @p2 $0x1082  }
0x22: {  	[simem:s7], [sflag:s8] =	dma.local @!p0 [hbm:s6], $0xF7A  }
0x23: {  	s9 =	sor.u32 $0xD0000000, s2;
	s6 =	simm.s32 $0x108;
	_ =	swait.ge @!p0 [sflag:s8], $0x0  }
0x24: {  	s3 =	sadd.s32 $0x88, s3;
	s6 =	simm.s32 @!p1 $0x1082;
	[sflag:s4] =	ssyncset.s32 $0xFFFFF086  }
0x25: {  	[simem:s6], [sflag:s4] =	dma.local [hbm:s3], $0xF7A  }
0x26: {  	[smem:$0x3F99] =	sst s1;
	(tag) =	ssettag s2;
	_ =	strace s9  }
0x27: {  	s1 =	sld [smem:$0x3FA9]  }
0x28: {  	s2 =	sld [smem:$0x3FAA]  }
0x29: {  	s4 =	sld [smem:$0x3FAC]  }
0x2a: {  	p0 =	seq.s32 s5, $0x0;
	s5 =	sld [smem:$0x3FAD]  }
0x2b: {  	s6 =	sld [smem:$0x3FAE]  }
0x2c: {  	s7 =	sld [smem:$0x3FAF]  }
0x2d: {  	s3 =	simm.s32 $0x108;
	s8 =	sld [smem:$0x3FB0]  }
0x2e: {  	s3 =	simm.s32 @!p0 $0x1082;
	s9 =	sld [smem:$0x3FB1]  }
0x2f: {  	lr =	sadd.s32 s0, s3;
	s0 =	sld [smem:$0x3FA8]  }
0x30: {  	s3 =	sld [smem:$0x3FAB]  }
0x31: {  	[smem:$0x3FB4] =	sst s10  }
0x32: {  	s10 =	sld [smem:$0x3FB2];
	_ =	sdelay $0x3  }
0x33: {  	p0 =	seq.s32 s10, $0x1;
	s10 =	sld [smem:$0x3FB4];
	_ =	sdelay $0x3  }
0x34: {  	[smem:$0x3FB4] =	sst s10  }
0x35: {  	s10 =	sld [smem:$0x3FB3];
	_ =	sdelay $0x3  }
0x36: {  	p1 =	seq.s32 s10, $0x1;
	s10 =	sld [smem:$0x3FB4];
	_ =	sdelay $0x3  }
0x37: {  	[smem:$0x3FB4] =	sst s10  }
0x38: {  	s10 =	sld [smem:$0x3FB5]  }
0x39: {  	_ = 	snop;
	(pc) =	sbr.ind lr, $3  }
0x3a: {  	_ = 	snop  }
0x3b: {  	_ = 	snop  }
0x3c: {  	p2 =	seq.s32 s10, $0x1;
	s10 =	sld [smem:$0x3FB4]  }
0x3d: {  	_ =	shalt  }
0x3e: {  	_ =	shalt  }
0x3f: {  	_ =	shalt  }
0x40: {  	_ =	shalt  }
0x41: {  	_ =	shalt  }
0x42: {  	_ =	shalt  }
0x43: {  	_ =	shalt  }
0x44: {  	_ =	shalt  }
0x45: {  	_ =	shalt  }
0x46: {  	_ =	shalt  }
0x47: {  	_ =	shalt  }
0x48: {  	_ =	shalt  }
0x49: {  	_ =	shalt  }
0x4a: {  	_ =	shalt  }
0x4b: {  	_ =	shalt  }
0x4c: {  	_ =	shalt  }
0x4d: {  	_ =	shalt  }
0x4e: {  	_ =	shalt  }
0x4f: {  	_ =	shalt  }
0x50: {  	_ =	shalt  }
0x51: {  	_ =	shalt  }
0x52: {  	_ =	shalt  }
0x53: {  	_ =	shalt  }
0x54: {  	_ =	shalt  }
0x55: {  	_ =	shalt  }
0x56: {  	_ =	shalt  }
0x57: {  	_ =	shalt  }
0x58: {  	_ =	shalt  }
0x59: {  	_ =	shalt  }
0x5a: {  	_ =	shalt  }
0x5b: {  	_ =	shalt  }
0x5c: {  	_ =	shalt  }
0x5d: {  	_ =	shalt  }
0x5e: {  	_ =	shalt  }
0x5f: {  	_ =	shalt  }
0x60: {  	_ =	shalt  }
0x61: {  	_ =	shalt  }
0x62: {  	_ =	shalt  }
0x63: {  	_ =	shalt  }
0x64: {  	_ =	shalt  }
0x65: {  	_ =	shalt  }
0x66: {  	_ =	shalt  }
0x67: {  	_ =	shalt  }
0x68: {  	_ =	shalt  }
0x69: {  	_ =	shalt  }
0x6a: {  	_ =	shalt  }
0x6b: {  	_ =	shalt  }
0x6c: {  	_ =	shalt  }
0x6d: {  	_ =	shalt  }
0x6e: {  	_ =	shalt  }
0x6f: {  	_ =	shalt  }
0x70: {  	_ =	shalt  }
0x71: {  	_ =	shalt  }
0x72: {  	_ =	shalt  }
0x73: {  	_ =	shalt  }
0x74: {  	_ =	shalt  }
0x75: {  	_ =	shalt  }
0x76: {  	_ =	shalt  }
0x77: {  	_ =	shalt  }
0x78: {  	_ =	shalt  }
0x79: {  	_ =	shalt  }
0x7a: {  	_ =	shalt  }
0x7b: {  	_ =	shalt  }
0x7c: {  	_ =	shalt  }
0x7d: {  	_ =	shalt  }
0x7e: {  	_ =	shalt  }
0x7f: {  	_ =	shalt  }
0x80: {  	_ =	shalt  }
0x81: {  	_ =	shalt  }
0x82: {  	_ =	shalt  }
0x83: {  	_ =	shalt  }
0x84: {  	_ =	shalt  }
0x85: {  	_ =	shalt  }
0x86: {  	_ =	shalt  }
0x87: {  	_ =	shalt  }
.Lfunc_end0:
.L_simem_size_0:
called_computation.1_lowered:
.L_overlay_start_0:
0x88: {  	s2 =	sld [smem:$0x3FD9]  }
0x89: {  	s3 =	sld [smem:$0x3FFE];
	_ =	sdelay $0x1  }
0x8a: {  	s1 =	srdreg.scid  }
0x8b: {  	s0 =	sand.u32 $0x1, s1  }
0x8c: {  	s16 =	sshll.u32 s0, $0xA;
	s2 =	sadd.s32 s3, s2  }
0x8d: {  	s2 =	sadd.s32 s2, s16  }
0x8e: {  	[smem:$0x3FC0] =	sst s2  }
0x8f: {  	_ = 	snop  }
0x90: {  	(tm) =	ssettm $0x1  }
0x91: {  	s17 =	sld [smem:$0x3FFB];
	_ =	sdelay $0x3  }
0x92: {  	_ =	strace s17  }
0x93: {  	s2 =	sld [smem:$0x3FFC];
	_ =	sdelay $0x3  }
0x94: {  	_ =	strace s2  }
0x95: {  	s2 =	sld [smem:$0x3FFD];
	_ =	sdelay $0x3  }
0x96: {  	_ =	strace s2  }
0x97: {  	_ =	strace $0x8FFFFFFF  }
0x98: {  	s18 =	sld [smem:$0x3FDB];
	_ =	sdelay $0x1  }
0x99: {  	s19 =	simm.s32 $_scs_section_size  }
0x9a: {  	s4 =	simm.s32 $_size__tile_overlayer_lowered;
	s5 =	simm.s32 $_tile_overlayer_lowered  }
0x9b: {  	s22 =	simm.s32 $0x1BFF;
	s21 =	sshll.u32 s5, $0x1;
	s2 =	sadd.s32 s19, s18  }
0x9c: {  	s6 =	simm.s32 $0x0;
	s20 =	sshll.u32 s4, $0x1;
	s4 =	sadd.s32 s21, s2  }
0x9d: {  	[timem:s6], [sflag:s22] =	dma.local [hbm:s4], s20  }
0x9e: {  	_ =	swait.ge [sflag:s22], s20  }
0x9f: {  	s3 =	ssub.s32 $0x0, s20;
	[sflag:s22] =	ssyncset.done $0x0  }
0xa0: {  	[sflag:s22] =	ssyncadd.s32 s3;
	_ =	sdelay $0x1  }
0xa1: {  	s23 =	simm.s32 $0x1B8B  }
0xa2: {  	_ =	swait.ge [sflag:s23], $0x1  }
0xa3: {  	[sflag:s23] =	ssyncset.done $0x0  }
0xa4: {  	s25 =	simm.s32 $0x1B8E;
	s24 =	sld [smem:$0x3FFE];
	[sflag:s23] =	ssyncadd.s32 $0xFFFFFFFF  }
0xa5: {  	s26 =	simm.s32 $execute0_lowered;
	[smem:$0x3FD2] =	sst s25  }
0xa6: {  	s4 =	sshll.u32 s26, $0x1;
	_ =	strace $0x80000049;
	[dreg:$0x1] =	wrdreg $0xFFFFFFFF  }
0xa7: {  	s28 =	simm.s32 $_size_execute0_lowered;
	s2 =	sadd.s32 s2, s4;
	[dreg:$0x0] =	wrdreg $0x0  }
0xa8: {  	s4 =	sshll.u32 s28, $0x1;
	[dreg:$0x2] =	wrdreg s2  }
0xa9: {  	[dreg:$0x3] =	wrdreg s4  }
0xaa: {  	[dreg:$0x4] =	wrdreg $0xC0  }
0xab: {  	_ =	task [dreg:s6], $0x5FFFF  }
0xac: {  	[dreg:$0x1] =	wrdreg $0xFFFFFFFF  }
0xad: {  	[dreg:$0x0] =	wrdreg $0x60  }
0xae: {  	[dreg:$0x2] =	wrdreg s24  }
0xaf: {  	[dreg:$0x3] =	wrdreg $0xC3800  }
0xb0: {  	[dreg:$0x4] =	wrdreg $0x9  }
0xb1: {  	_ =	task.clear_ibuf [dreg:s6], $0x5FFFF;
	_ =	strace $0x90000049  }
0xb2: {  	s29 =	simm.s32 $0x9;
	_ =	strace $0x8000004B  }
0xb3: {  	_ =	swait.ge [sflag:s29], $0x1  }
0xb4: {  	[sflag:s29] =	ssyncadd.s32 $0xFFFFFFFF  }
0xb5: {  	_ =	strace $0x9000004B  }
0xb6: {  	_ =	sfence  }
0xb7: {  	s30 =	sld [smem:$0x0];
	_ =	sdelay $0x2  }
0xb8: {  	s31 =	sshll.u32 s1, $0xD;
	s1 =	sshrl.u32 s1, $0x2  }
0xb9: {  	s3 =	sand.u32 $0x4000, s31;
	s1 =	sadd.s32 s1, s30  }
0xba: {  	s0 =	sor.u32 s3, s0;
	s1 =	sshll.u32 s1, $0x11  }
0xbb: {  	s0 =	sor.u32 s1, s0  }
0xbc: {  	s0 =	sadd.s32 $0x8F2B, s0  }
0xbd: {  	[sflag:s0] =	ssyncadd.remote.s32 $0x1  }
0xbe: {  	_ =	sfence.sel $0xFFFF  }
0xbf: {  	[dreg:$0x0] =	wrdreg $0xFFFFFFFF;
	(pc) =	sbr.abs _section_cstart, $3  }
0xc0: {  	[dreg:$0x1] =	wrdreg $0xFFFFFFFF  }
0xc1: {  	_ =	task.clear_ibuf [dreg:s6], $0x2FFFF;
	_ =	strace $0x9FFFFFFF  }
0xc2: {  	(tm) =	ssettm $0x7FFFFFFF  }
0xc3: {  	_ =	shalt  }
tec
execute0_lowered:
.L_overlay_start_1:
0x0: {  	(tag) =	ssettag $0x1  }
0x1: {  	s0 =	rddreg [dreg:$0x0]  }
0x2: {  	s1 =	rddreg [dreg:$0x1];
	s3 =	simm.s32 $0x0;
	s2 =	srdreg.scid  }
0x3: {  	s12 =	stileid.u32;
	s28 =	simm.s32 $0x80;
	s29 =	simm.s32 $0x200  }
0x4: {  	s30 =	simm.s32 $0xC;
	s31 =	simm.s32 $0x1;
	[smem:$0x7FF] =	sst s3  }
0x5: {  	s2 =	sand.u32 $0x1, s2;
	s4 =	sadd.s32 $0xD400, s0;
	s7 =	smul.u32 $0x2710, s12  }
0x6: {  	s5 =	sadd.s32 $0x34600, s0;
	s8 =	sadd.s32 $0x3400, s0;
	s15 =	smul.u32 $0x4E000, s12  }
0x7: {  	s10 =	sadd.s32 $0x8400, s0;
	s13 =	smul.u32 $0x4E2, s12;
	p1 =	sne.s32 s12, $0xF  }
0x8: {  	p2 =	seq.s32 s12, $0xF;
	_ =	strace $0x8000004A;
	s6 =	ssub.s32 $0x2, s2  }
0x9: {  	p0 =	seq.s32 s2, $0x1;
	s9 =	sshrl.u32 s6, $0x1;
	s7 =	sshrl.u32 s7, $0x3  }
0xa: {  	s18 =	sshrl.u32 s15, $0x2;
	s15 =	smul.u32 $0x2700, s12;
	s11 =	sadd.s32 s8, s7  }
0xb: {  	s14 =	sadd.s32 $0x10, s7;
	s16 =	sadd.s32 s10, s7;
	[dreg:$0x3] =	wrdreg s11  }
0xc: {  	s12 =	simm.s32 $0x5;
	[dreg:$0x4] =	wrdreg s16;
	s17 =	sadd.s32 s8, s14  }
0xd: {  	s19 =	sadd.s32 $0x20, s7;
	s2 =	sadd.s32 s10, s14;
	[dreg:$0x5] =	wrdreg s17  }
0xe: {  	s6 =	ssub.s32 s6, s9;
	s20 =	sadd.s32 s8, s19;
	[dreg:$0x6] =	wrdreg s2  }
0xf: {  	s21 =	sadd.s32 $0x30, s7;
	s9 =	sadd.s32 s10, s19;
	[dreg:$0x7] =	wrdreg s20  }
0x10: {  	s23 =	sadd.s32 $0x4C0, s7;
	s22 =	sadd.s32 s8, s21;
	[dreg:$0x8] =	wrdreg s9  }
0x11: {  	s25 =	sadd.s32 $0x4D0, s7;
	s24 =	sadd.s32 s8, s23;
	[dreg:$0x9] =	wrdreg s22  }
0x12: {  	s7 =	sadd.s32 $0x4E0, s7;
	s26 =	sadd.s32 s8, s25;
	[dreg:$0xb] =	wrdreg s24  }
0x13: {  	s14 =	sadd.s32 s8, s7;
	s7 =	sadd.s32 s10, s7;
	[dreg:$0xd] =	wrdreg s26  }
0x14: {  	s16 =	sadd.s32 $0x5B800, s0;
	s19 =	sadd.s32 s4, s15;
	[dreg:$0xf] =	wrdreg s14  }
0x15: {  	s11 =	simm.s32 $0x8;
	s9 =	sadd.s32 s10, s21;
	[dreg:$0x10] =	wrdreg s7  }
0x16: {  	s20 =	sadd.s32 s13, s10;
	s21 =	sadd.s32 s13, s8;
	[dreg:$0x16] =	wrdreg s19  }
0x17: {  	s2 =	sadd.s32 s18, s1;
	s17 =	sadd.s32 $0x82A00, s0;
	[dreg:$0x12] =	wrdreg s16  }
0x18: {  	s18 =	sadd.s32 $0x34400, s0;
	s0 =	sadd.s32 $0x5B600, s0;
	[dreg:$0xa] =	wrdreg s9  }
0x19: {  	s22 =	sadd.s32 s16, s15;
	s26 =	sadd.s32 $0x138000, s1;
	[dreg:$0x11] =	wrdreg s2  }
0x1a: {  	s7 =	simm.s32 $0x4;
	s8 =	simm.s32 $0x2;
	[dreg:$0x14] =	wrdreg s18  }
0x1b: {  	s13 =	simm.s32 $0x3;
	s14 =	simm.s32 $0x8300;
	[dreg:$0x15] =	wrdreg s0  }
0x1c: {  	s16 =	simm.s32 $0x6;
	s9 =	sadd.s32 s10, s23;
	[dreg:$0x17] =	wrdreg s22  }
0x1d: {  	s23 =	sadd.s32 s5, s15;
	[dreg:$0x13] =	wrdreg s17;
	s24 =	sadd.s32 s17, s15  }
0x1e: {  	[dreg:$0x1b] =	wrdreg s26;
	s26 =	simm.s32 $0x180;
	s2 =	simm.s32 $0x280  }
.Ltmp0:
0x1f: {  	s15 =	simm.s32 $0x9;
	[dreg:$0xc] =	wrdreg s9;
	(pc) =	sbr.rel .LBB2_1-.Ltmp0, $4  }
0x20: {  	s22 =	simm.s32 $0x0;
	s9 =	sadd.s32 s10, s25;
	[dreg:$0x18] =	wrdreg s23  }
0x21: {  	[dreg:$0x19] =	wrdreg s24;
	s25 =	smax.u32 s6, $0x1;
	s23 =	simm.s32 $0x300  }
0x22: {  	s24 =	simm.s32 $0x100;
	s6 =	simm.s32 $0x7;
	[dreg:$0xe] =	wrdreg s9  }
0x23: {  	s10 =	simm.s32 $0xA;
	[dreg:$0x1a] =	wrdreg s25;
	s9 =	simm.s32 $0x4300  }
.LBB2_8:
0x24: {  	s25 =	rddreg [dreg:$0x1b]  }
0x25: {  	s0 =	sadd.s32 $0x27000, s17;
	s17 =	sshrl.u32 s25, $0x3  }
0x26: {  	[hbm:s0], [sflag:s18] =	dma.local [spmem:s17], $0x100  }
0x27: {  	_ =	swait.ge [sflag:s30], $0x100  }
0x28: {  	[sflag:s30] =	ssyncset.done $0x0  }
0x29: {  	[sflag:s30] =	ssyncadd.s32 $0xFFFFFF00  }
.LBB2_9:
0x2a: {  	s22 =	sadd.s32 $0x1, s22;
	s0 =	rddreg [dreg:$0x1a]  }
0x2b: {  	p3 =	sne.s32 s22, s0  }
.Ltmp1:
0x2c: {  	_ = 	snop;
	(pc) =	sbr.rel @!p3 .LBB2_10-.Ltmp1, $1  }
0x2d: {  	_ =	sdelay $0x3  }
.LBB2_1:
0x2e: {  	s0 =	rddreg [dreg:$0x3]  }
0x2f: {  	s25 =	rddreg [dreg:$0x4]  }
0x30: {  	s17 =	rddreg [dreg:$0x5]  }
0x31: {  	[tilespmem:s3], [sflag:$0x1] =	stream.linear.gather [hbm4b:s0+s3], $0x80, $0x38;
	[tilespmem:$0x1FC00] =	vst v63  }
0x32: {  	s18 =	rddreg [dreg:$0x6];
	s19 =	stileid.u32  }
0x33: {  	[tilespmem:s26], [sflag:$0x4] =	stream.linear.gather [hbm4b:s25+s3], $0x80, $0x38;
	[tilespmem:$0x1FC00] =	vst v63  }
.Ltmp2:
0x34: {  	s25 =	rddreg [dreg:$0x11];
	(pc) =	sbr.rel @!p0 .LBB2_2-.Ltmp2, $4  }
0x35: {  	[tilespmem:s28], [sflag:$0x2] =	stream.linear.gather [hbm4b:s17+s3], $0x80, $0x38;
	[tilespmem:$0x1FC00] =	vst v63  }
0x36: {  	s19 =	sshll.u32 s19, $0x6;
	s0 =	rddreg [dreg:$0x1b];
	s25 =	sshrl.u32 s25, $0x3  }
0x37: {  	[tilespmem:s29], [sflag:$0x5] =	stream.linear.gather [hbm4b:s18+s3], $0x80, $0x38;
	[tilespmem:$0x1FC00] =	vst v63  }
0x38: {  	s17 =	sor.u32 $0x1C0C, s19;
	[dreg:$0x1d] =	wrdreg s25;
	s18 =	sshrl.u32 @!p1 s0, $0x3  }
0x39: {  	s17 =	sor.u32 $0x1C0C, s19;
	s0 =	rddreg [dreg:$0x18]  }
0x3a: {  	[spmem:s25], [sflag:s17] =	dma.local [hbm:s0], $0x2700  }
0x3b: {  	_ =	swait.ge [sflag:s30], $0x2700  }
0x3c: {  	[dreg:$0x1c] =	wrdreg s17;
	[sflag:s30] =	ssyncset.done $0x0  }
0x3d: {  	s0 =	rddreg [dreg:$0x15];
	[sflag:s30] =	ssyncadd.s32 $0xFFFFD900  }
0x3e: {  	[spmem:s18], [sflag:s17] =	dma.local @!p1 [hbm:s0], $0x100  }
0x3f: {  	s17 =	simm.s32 @!p1 $0xC  }
0x40: {  	_ =	swait.ge @!p1 [sflag:s17], $0x100  }
0x41: {  	[sflag:s17] =	ssyncset.done @!p1 $0x0  }
0x42: {  	[sflag:s17] =	ssyncadd.s32 @!p1 $0xFFFFFF00  }
0x43: {  	_ =	swait.ge [sflag:s31], $0x80  }
0x44: {  	[sflag:s31] =	ssyncset.done $0x0  }
0x45: {  	s17 =	simm.s32 $0x0;
	[sflag:s31] =	ssyncadd.s32 $0xFFFFFF80  }
0x46: {  	[tilespmem:s23], [sflag:$0x7] =	stream.indirect.gather [hbm4b:s5+s28], $0x80, s17, s28, $0xb8;
	[tilespmem:$0x1FC00] =	vst v63  }
0x47: {  	[bflag:$0x0] =	sbarrier.arrive $0xFFFF  }
0x48: {  	s19 =	rddreg [dreg:$0x7]  }
0x49: {  	[tilespmem:s24], [sflag:$0x3] =	stream.linear.gather [hbm4b:s19+s17], $0x80, $0x38;
	[tilespmem:$0x1FC00] =	vst v63  }
0x4a: {  	s25 =	rddreg [dreg:$0x8]  }
0x4b: {  	[tilespmem:s2], [sflag:$0x6] =	stream.linear.gather [hbm4b:s25+s17], $0x80, $0x38;
	[tilespmem:$0x1FC00] =	vst v63  }
0x4c: {  	_ =	swait.ge [sflag:s6], $0x4000  }
0x4d: {  	[sflag:s6] =	ssyncset.done $0x0  }
0x4e: {  	[sflag:s6] =	ssyncadd.s32 $0xFFFFC000  }
0x4f: {  	_ =	swait.ge [sflag:s7], $0x80  }
0x50: {  	[sflag:s7] =	ssyncset.done $0x0  }
0x51: {  	[sflag:s7] =	ssyncadd.s32 $0xFFFFFF80  }
0x52: {  	[spmem:s1] =	stream.indirect.scatter.add.f32 [tilespmem:s23], [sflag:$0xA], $0x80, s26, s28, $0xb8;
	[tilespmem:$0x1FC00] =	vst v63  }
0x53: {  	_ =	swait.ge [sflag:s8], $0x80  }
0x54: {  	[sflag:s8] =	ssyncset.done $0x0  }
0x55: {  	[sflag:s8] =	ssyncadd.s32 $0xFFFFFF80  }
0x56: {  	[tilespmem:s9], [sflag:$0x8] =	stream.indirect.gather [hbm4b:s5+s28], $0x80, s28, s28, $0xb8;
	[tilespmem:$0x1FC00] =	vst v63  }
0x57: {  	_ =	swait.ge [sflag:s10], $0x4000  }
0x58: {  	[sflag:s10] =	ssyncset.done $0x0  }
0x59: {  	s18 =	rddreg [dreg:$0x9];
	[sflag:s10] =	ssyncadd.s32 $0xFFFFC000  }
0x5a: {  	[tilespmem:s17], [sflag:$0x1] =	stream.linear.gather [hbm4b:s18+s17], $0x80, $0x38;
	[tilespmem:$0x1FC00] =	vst v63  }
0x5b: {  	s19 =	rddreg [dreg:$0xa]  }
0x5c: {  	[tilespmem:s26], [sflag:$0x4] =	stream.linear.gather [hbm4b:s19+s17], $0x80, $0x38;
	[tilespmem:$0x1FC00] =	vst v63  }
0x5d: {  	_ =	swait.ge [sflag:s11], $0x4000  }
0x5e: {  	[sflag:s11] =	ssyncset.done $0x0  }
0x5f: {  	[sflag:s11] =	ssyncadd.s32 $0xFFFFC000  }
0x60: {  	_ =	swait.ge [sflag:s12], $0x80  }
0x61: {  	[sflag:s12] =	ssyncset.done $0x0  }
0x62: {  	[sflag:s12] =	ssyncadd.s32 $0xFFFFFF80  }
0x63: {  	[spmem:s1] =	stream.indirect.scatter.add.f32 [tilespmem:s9], [sflag:$0xA], $0x80, s29, s28, $0xb8;
	[tilespmem:$0x1FC00] =	vst v63  }
0x64: {  	_ =	swait.ge [sflag:s13], $0x80  }
0x65: {  	[sflag:s13] =	ssyncset.done $0x0  }
0x66: {  	[sflag:s13] =	ssyncadd.s32 $0xFFFFFF80  }
0x67: {  	[tilespmem:s14], [sflag:$0x9] =	stream.indirect.gather [hbm4b:s5+s28], $0x80, s24, s28, $0xb8;
	[tilespmem:$0x1FC00] =	vst v63  }
0x68: {  	_ =	swait.ge [sflag:s10], $0x4000  }
0x69: {  	s17 =	sadd.s32 $0x0, s21;
	[sflag:s10] =	ssyncset.done $0x0  }
0x6a: {  	s19 =	sadd.s32 $0x0, s20;
	s25 =	sadd.s32 $0x40, s17;
	[sflag:s10] =	ssyncadd.s32 $0xFFFFC000  }
0x6b: {  	[tilespmem:s28], [sflag:$0x2] =	stream.linear.gather [hbm4b:s25+s3], $0x80, $0x38;
	[tilespmem:$0x1FC00] =	vst v63  }
0x6c: {  	s0 =	sadd.s32 $0x40, s19  }
0x6d: {  	[tilespmem:s29], [sflag:$0x5] =	stream.linear.gather [hbm4b:s0+s3], $0x80, $0x38;
	[tilespmem:$0x1FC00] =	vst v63  }
0x6e: {  	_ =	swait.ge [sflag:s15], $0x4000  }
0x6f: {  	[sflag:s15] =	ssyncset.done $0x0  }
0x70: {  	[sflag:s15] =	ssyncadd.s32 $0xFFFFC000  }
0x71: {  	_ =	swait.ge [sflag:s16], $0x80  }
0x72: {  	[sflag:s16] =	ssyncset.done $0x0  }
0x73: {  	[sflag:s16] =	ssyncadd.s32 $0xFFFFFF80  }
0x74: {  	[spmem:s1] =	stream.indirect.scatter.add.f32 [tilespmem:s14], [sflag:$0xA], $0x80, s2, s28, $0xb8;
	[tilespmem:$0x1FC00] =	vst v63  }
0x75: {  	_ =	swait.ge [sflag:s31], $0x80  }
0x76: {  	[sflag:s31] =	ssyncset.done $0x0  }
0x77: {  	[sflag:s31] =	ssyncadd.s32 $0xFFFFFF80  }
0x78: {  	[tilespmem:s23], [sflag:$0x7] =	stream.indirect.gather [hbm4b:s5+s28], $0x80, s3, s28, $0xb8;
	[tilespmem:$0x1FC00] =	vst v63  }
0x79: {  	_ =	swait.ge [sflag:s10], $0x4000  }
0x7a: {  	[sflag:s10] =	ssyncset.done $0x0  }
0x7b: {  	s25 =	sadd.s32 $0x50, s17;
	[sflag:s10] =	ssyncadd.s32 $0xFFFFC000  }
0x7c: {  	[tilespmem:s24], [sflag:$0x3] =	stream.linear.gather [hbm4b:s25+s3], $0x80, $0x38;
	[tilespmem:$0x1FC00] =	vst v63  }
0x7d: {  	s0 =	sadd.s32 $0x50, s19  }
0x7e: {  	[tilespmem:s2], [sflag:$0x6] =	stream.linear.gather [hbm4b:s0+s3], $0x80, $0x38;
	[tilespmem:$0x1FC00] =	vst v63  }
0x7f: {  	_ =	swait.ge [sflag:s6], $0x4000  }
0x80: {  	[sflag:s6] =	ssyncset.done $0x0  }
0x81: {  	[sflag:s6] =	ssyncadd.s32 $0xFFFFC000  }
0x82: {  	_ =	swait.ge [sflag:s7], $0x80  }
0x83: {  	[sflag:s7] =	ssyncset.done $0x0  }
0x84: {  	[sflag:s7] =	ssyncadd.s32 $0xFFFFFF80  }
0x85: {  	[spmem:s1] =	stream.indirect.scatter.add.f32 [tilespmem:s23], [sflag:$0xA], $0x80, s26, s28, $0xb8;
	[tilespmem:$0x1FC00] =	vst v63  }
0x86: {  	_ =	swait.ge [sflag:s8], $0x80  }
0x87: {  	[sflag:s8] =	ssyncset.done $0x0  }
0x88: {  	[sflag:s8] =	ssyncadd.s32 $0xFFFFFF80  }
0x89: {  	[tilespmem:s9], [sflag:$0x8] =	stream.indirect.gather [hbm4b:s5+s28], $0x80, s28, s28, $0xb8;
	[tilespmem:$0x1FC00] =	vst v63  }
0x8a: {  	_ =	swait.ge [sflag:s10], $0x4000  }
0x8b: {  	[sflag:s10] =	ssyncset.done $0x0  }
0x8c: {  	s17 =	sadd.s32 $0x60, s17;
	[sflag:s10] =	ssyncadd.s32 $0xFFFFC000  }
0x8d: {  	[tilespmem:s3], [sflag:$0x1] =	stream.linear.gather [hbm4b:s17+s3], $0x80, $0x38;
	[tilespmem:$0x1FC00] =	vst v63  }
0x8e: {  	s25 =	sadd.s32 $0x60, s19  }
0x8f: {  	[tilespmem:s26], [sflag:$0x4] =	stream.linear.gather [hbm4b:s25+s3], $0x80, $0x38;
	[tilespmem:$0x1FC00] =	vst v63  }
0x90: {  	_ =	swait.ge [sflag:s11], $0x4000  }
0x91: {  	[sflag:s11] =	ssyncset.done $0x0  }
0x92: {  	[sflag:s11] =	ssyncadd.s32 $0xFFFFC000  }
0x93: {  	_ =	swait.ge [sflag:s12], $0x80  }
0x94: {  	[sflag:s12] =	ssyncset.done $0x0  }
0x95: {  	[sflag:s12] =	ssyncadd.s32 $0xFFFFFF80  }
0x96: {  	[spmem:s1] =	stream.indirect.scatter.add.f32 [tilespmem:s9], [sflag:$0xA], $0x80, s29, s28, $0xb8;
	[tilespmem:$0x1FC00] =	vst v63  }
0x97: {  	_ =	swait.ge [sflag:s13], $0x80  }
0x98: {  	[sflag:s13] =	ssyncset.done $0x0  }
0x99: {  	s18 =	simm.s32 $0x30;
	[sflag:s13] =	ssyncadd.s32 $0xFFFFFF80  }
.LBB2_6:
0x9a: {  	[tilespmem:s14], [sflag:$0x9] =	stream.indirect.gather [hbm4b:s5+s28], $0x80, s24, s28, $0xb8;
	[tilespmem:$0x1FC00] =	vst v63  }
0x9b: {  	s17 =	smov.u32 s18  }
0x9c: {  	p3 =	sne.s32 s18, $0x450;
	s18 =	sadd.s32 $0x30, s18;
	_ =	swait.ge [sflag:s10], $0x4000  }
0x9d: {  	s19 =	sadd.s32 s17, s21;
	[sflag:s10] =	ssyncset.done $0x0  }
0x9e: {  	s25 =	sadd.s32 s17, s20;
	s0 =	sadd.s32 $0x40, s19;
	[sflag:s10] =	ssyncadd.s32 $0xFFFFC000  }
0x9f: {  	[tilespmem:s28], [sflag:$0x2] =	stream.linear.gather [hbm4b:s0+s3], $0x80, $0x38;
	[tilespmem:$0x1FC00] =	vst v63  }
0xa0: {  	s0 =	sadd.s32 $0x40, s25  }
0xa1: {  	[tilespmem:s29], [sflag:$0x5] =	stream.linear.gather [hbm4b:s0+s3], $0x80, $0x38;
	[tilespmem:$0x1FC00] =	vst v63  }
0xa2: {  	_ =	swait.ge [sflag:s15], $0x4000  }
0xa3: {  	[sflag:s15] =	ssyncset.done $0x0  }
0xa4: {  	[sflag:s15] =	ssyncadd.s32 $0xFFFFC000  }
0xa5: {  	_ =	swait.ge [sflag:s16], $0x80  }
0xa6: {  	[sflag:s16] =	ssyncset.done $0x0  }
0xa7: {  	[sflag:s16] =	ssyncadd.s32 $0xFFFFFF80  }
0xa8: {  	[spmem:s1] =	stream.indirect.scatter.add.f32 [tilespmem:s14], [sflag:$0xA], $0x80, s2, s28, $0xb8;
	[tilespmem:$0x1FC00] =	vst v63  }
0xa9: {  	_ =	swait.ge [sflag:s31], $0x80  }
0xaa: {  	[sflag:s31] =	ssyncset.done $0x0  }
0xab: {  	[sflag:s31] =	ssyncadd.s32 $0xFFFFFF80  }
0xac: {  	[tilespmem:s23], [sflag:$0x7] =	stream.indirect.gather [hbm4b:s5+s28], $0x80, s3, s28, $0xb8;
	[tilespmem:$0x1FC00] =	vst v63  }
0xad: {  	_ =	swait.ge [sflag:s10], $0x4000  }
0xae: {  	[sflag:s10] =	ssyncset.done $0x0  }
0xaf: {  	s0 =	sadd.s32 $0x50, s19;
	[sflag:s10] =	ssyncadd.s32 $0xFFFFC000  }
0xb0: {  	[tilespmem:s24], [sflag:$0x3] =	stream.linear.gather [hbm4b:s0+s3], $0x80, $0x38;
	[tilespmem:$0x1FC00] =	vst v63  }
0xb1: {  	s0 =	sadd.s32 $0x50, s25  }
0xb2: {  	[tilespmem:s2], [sflag:$0x6] =	stream.linear.gather [hbm4b:s0+s3], $0x80, $0x38;
	[tilespmem:$0x1FC00] =	vst v63  }
0xb3: {  	_ =	swait.ge [sflag:s6], $0x4000  }
0xb4: {  	[sflag:s6] =	ssyncset.done $0x0  }
0xb5: {  	[sflag:s6] =	ssyncadd.s32 $0xFFFFC000  }
0xb6: {  	_ =	swait.ge [sflag:s7], $0x80  }
0xb7: {  	[sflag:s7] =	ssyncset.done $0x0  }
0xb8: {  	[sflag:s7] =	ssyncadd.s32 $0xFFFFFF80  }
0xb9: {  	[spmem:s1] =	stream.indirect.scatter.add.f32 [tilespmem:s23], [sflag:$0xA], $0x80, s26, s28, $0xb8;
	[tilespmem:$0x1FC00] =	vst v63  }
0xba: {  	_ =	swait.ge [sflag:s8], $0x80  }
0xbb: {  	[sflag:s8] =	ssyncset.done $0x0  }
0xbc: {  	[sflag:s8] =	ssyncadd.s32 $0xFFFFFF80  }
0xbd: {  	[tilespmem:s9], [sflag:$0x8] =	stream.indirect.gather [hbm4b:s5+s28], $0x80, s28, s28, $0xb8;
	[tilespmem:$0x1FC00] =	vst v63  }
0xbe: {  	_ =	swait.ge [sflag:s10], $0x4000  }
0xbf: {  	[sflag:s10] =	ssyncset.done $0x0  }
0xc0: {  	s0 =	sadd.s32 $0x60, s19;
	[sflag:s10] =	ssyncadd.s32 $0xFFFFC000  }
0xc1: {  	[tilespmem:s3], [sflag:$0x1] =	stream.linear.gather [hbm4b:s0+s3], $0x80, $0x38;
	[tilespmem:$0x1FC00] =	vst v63  }
0xc2: {  	s0 =	sadd.s32 $0x60, s25  }
0xc3: {  	[tilespmem:s26], [sflag:$0x4] =	stream.linear.gather [hbm4b:s0+s3], $0x80, $0x38;
	[tilespmem:$0x1FC00] =	vst v63  }
0xc4: {  	_ =	swait.ge [sflag:s11], $0x4000  }
0xc5: {  	[sflag:s11] =	ssyncset.done $0x0  }
0xc6: {  	[sflag:s11] =	ssyncadd.s32 $0xFFFFC000  }
0xc7: {  	_ =	swait.ge [sflag:s12], $0x80  }
0xc8: {  	[sflag:s12] =	ssyncset.done $0x0  }
.Ltmp3:
0xc9: {  	[sflag:s12] =	ssyncadd.s32 $0xFFFFFF80;
	(pc) =	sbr.rel @p3 .LBB2_6-.Ltmp3, $4  }
0xca: {  	[spmem:s1] =	stream.indirect.scatter.add.f32 [tilespmem:s9], [sflag:$0xA], $0x80, s29, s28, $0xb8;
	[tilespmem:$0x1FC00] =	vst v63  }
0xcb: {  	_ =	swait.ge [sflag:s13], $0x80  }
0xcc: {  	[sflag:s13] =	ssyncset.done $0x0  }
0xcd: {  	[sflag:s13] =	ssyncadd.s32 $0xFFFFFF80  }
0xce: {  	[tilespmem:s14], [sflag:$0x9] =	stream.indirect.gather [hbm4b:s5+s28], $0x80, s24, s28, $0xb8;
	[tilespmem:$0x1FC00] =	vst v63  }
0xcf: {  	_ =	swait.ge [sflag:s10], $0x4000  }
0xd0: {  	[sflag:s10] =	ssyncset.done $0x0  }
0xd1: {  	s0 =	rddreg [dreg:$0xb];
	[sflag:s10] =	ssyncadd.s32 $0xFFFFC000  }
0xd2: {  	[tilespmem:s28], [sflag:$0x2] =	stream.linear.gather [hbm4b:s0+s3], $0x80, $0x38;
	[tilespmem:$0x1FC00] =	vst v63  }
0xd3: {  	s19 =	rddreg [dreg:$0xc]  }
0xd4: {  	[tilespmem:s29], [sflag:$0x5] =	stream.linear.gather [hbm4b:s19+s3], $0x80, $0x38;
	[tilespmem:$0x1FC00] =	vst v63  }
0xd5: {  	_ =	swait.ge [sflag:s15], $0x4000  }
0xd6: {  	[sflag:s15] =	ssyncset.done $0x0  }
0xd7: {  	[sflag:s15] =	ssyncadd.s32 $0xFFFFC000  }
0xd8: {  	_ =	swait.ge [sflag:s16], $0x80  }
0xd9: {  	[sflag:s16] =	ssyncset.done $0x0  }
0xda: {  	[sflag:s16] =	ssyncadd.s32 $0xFFFFFF80  }
0xdb: {  	[spmem:s1] =	stream.indirect.scatter.add.f32 [tilespmem:s14], [sflag:$0xA], $0x80, s2, s28, $0xb8;
	[tilespmem:$0x1FC00] =	vst v63  }
0xdc: {  	_ =	swait.ge [sflag:s31], $0x80  }
0xdd: {  	[sflag:s31] =	ssyncset.done $0x0  }
0xde: {  	[sflag:s31] =	ssyncadd.s32 $0xFFFFFF80  }
0xdf: {  	[tilespmem:s23], [sflag:$0x7] =	stream.indirect.gather [hbm4b:s5+s28], $0x80, s3, s28, $0xb8;
	[tilespmem:$0x1FC00] =	vst v63  }
0xe0: {  	_ =	swait.ge [sflag:s10], $0x4000  }
0xe1: {  	[sflag:s10] =	ssyncset.done $0x0  }
0xe2: {  	s25 =	rddreg [dreg:$0xd];
	[sflag:s10] =	ssyncadd.s32 $0xFFFFC000  }
0xe3: {  	[tilespmem:s24], [sflag:$0x3] =	stream.linear.gather [hbm4b:s25+s3], $0x80, $0x38;
	[tilespmem:$0x1FC00] =	vst v63  }
0xe4: {  	s17 =	rddreg [dreg:$0xe]  }
0xe5: {  	[tilespmem:s2], [sflag:$0x6] =	stream.linear.gather [hbm4b:s17+s3], $0x80, $0x38;
	[tilespmem:$0x1FC00] =	vst v63  }
0xe6: {  	_ =	swait.ge [sflag:s6], $0x4000  }
0xe7: {  	[sflag:s6] =	ssyncset.done $0x0  }
0xe8: {  	[sflag:s6] =	ssyncadd.s32 $0xFFFFC000  }
0xe9: {  	_ =	swait.ge [sflag:s7], $0x80  }
0xea: {  	[sflag:s7] =	ssyncset.done $0x0  }
0xeb: {  	[sflag:s7] =	ssyncadd.s32 $0xFFFFFF80  }
0xec: {  	[spmem:s1] =	stream.indirect.scatter.add.f32 [tilespmem:s23], [sflag:$0xA], $0x80, s26, s28, $0xb8;
	[tilespmem:$0x1FC00] =	vst v63  }
0xed: {  	_ =	swait.ge [sflag:s8], $0x80  }
0xee: {  	[sflag:s8] =	ssyncset.done $0x0  }
0xef: {  	[sflag:s8] =	ssyncadd.s32 $0xFFFFFF80  }
0xf0: {  	[tilespmem:s9], [sflag:$0x8] =	stream.indirect.gather [hbm4b:s5+s28], $0x80, s28, s28, $0xb8;
	[tilespmem:$0x1FC00] =	vst v63  }
0xf1: {  	_ =	swait.ge [sflag:s10], $0x4000  }
0xf2: {  	[sflag:s10] =	ssyncset.done $0x0  }
0xf3: {  	[sflag:s10] =	ssyncadd.s32 $0xFFFFC000  }
0xf4: {  	_ =	swait.ge [sflag:s11], $0x4000  }
0xf5: {  	[sflag:s11] =	ssyncset.done $0x0  }
0xf6: {  	[sflag:s11] =	ssyncadd.s32 $0xFFFFC000  }
0xf7: {  	_ =	swait.ge [sflag:s12], $0x80  }
0xf8: {  	[sflag:s12] =	ssyncset.done $0x0  }
0xf9: {  	[sflag:s12] =	ssyncadd.s32 $0xFFFFFF80  }
0xfa: {  	[spmem:s1] =	stream.indirect.scatter.add.f32 [tilespmem:s9], [sflag:$0xA], $0x80, s29, s28, $0xb8;
	[tilespmem:$0x1FC00] =	vst v63  }
0xfb: {  	_ =	swait.ge [sflag:s13], $0x80  }
0xfc: {  	[sflag:s13] =	ssyncset.done $0x0  }
0xfd: {  	[sflag:s13] =	ssyncadd.s32 $0xFFFFFF80  }
0xfe: {  	[tilespmem:s14], [sflag:$0x9] =	stream.indirect.gather [hbm4b:s5+s28], $0x80, s24, s28, $0xb8;
	[tilespmem:$0x1FC00] =	vst v63  }
0xff: {  	_ =	swait.ge [sflag:s10], $0x4000  }
0x100: {  	[sflag:s10] =	ssyncset.done $0x0  }
0x101: {  	[sflag:s10] =	ssyncadd.s32 $0xFFFFC000  }
0x102: {  	_ =	swait.ge [sflag:s15], $0x4000  }
0x103: {  	[sflag:s15] =	ssyncset.done $0x0  }
0x104: {  	[sflag:s15] =	ssyncadd.s32 $0xFFFFC000  }
0x105: {  	_ =	swait.ge [sflag:s16], $0x80  }
0x106: {  	[sflag:s16] =	ssyncset.done $0x0  }
0x107: {  	[sflag:s16] =	ssyncadd.s32 $0xFFFFFF80  }
0x108: {  	[spmem:s1] =	stream.indirect.scatter.add.f32 [tilespmem:s14], [sflag:$0xA], $0x80, s2, s28, $0xb8;
	[tilespmem:$0x1FC00] =	vst v63  }
0x109: {  	_ =	swait.ge [sflag:s10], $0x4000  }
0x10a: {  	[sflag:s10] =	ssyncset.done $0x0  }
0x10b: {  	s18 =	rddreg [dreg:$0xf];
	[sflag:s10] =	ssyncadd.s32 $0xFFFFC000  }
0x10c: {  	[tilespmem:s3], [sflag:$0xC] =	stream.linear.gather [hbm4b:s18+s3], $0x10, $0x38;
	[tilespmem:$0x1FC00] =	vst v63  }
0x10d: {  	_ =	swait.ge [sflag:s30], $0x10  }
0x10e: {  	[sflag:s30] =	ssyncset.done $0x0  }
0x10f: {  	s17 =	simm.s32 $0xC300;
	s19 =	rddreg [dreg:$0x10];
	[sflag:s30] =	ssyncadd.s32 $0xFFFFFFF0  }
0x110: {  	[tilespmem:s17], [sflag:$0xC] =	stream.linear.gather [hbm4b:s19+s3], $0x10, $0x38;
	[tilespmem:$0x1FC00] =	vst v63  }
0x111: {  	_ =	swait.ge [sflag:s30], $0x10  }
0x112: {  	[sflag:s30] =	ssyncset.done $0x0  }
0x113: {  	s25 =	simm.s32 $0x10;
	s18 =	simm.s32 $0xB;
	[sflag:s30] =	ssyncadd.s32 $0xFFFFFFF0  }
0x114: {  	[tilespmem:s23], [sflag:$0xB] =	stream.indirect.gather [hbm4b:s5+s25], $0x80, s3, s25, $0xb8;
	[tilespmem:$0x1FC00] =	vst v63  }
0x115: {  	_ =	swait.ge [sflag:s18], $0x800  }
0x116: {  	[sflag:s18] =	ssyncset.done $0x0  }
0x117: {  	[sflag:s18] =	ssyncadd.s32 $0xFFFFF800  }
0x118: {  	[spmem:s1] =	stream.indirect.scatter.add.f32 [tilespmem:s23], [sflag:$0xC], $0x80, s17, s25, $0xb8;
	[tilespmem:$0x1FC00] =	vst v63  }
0x119: {  	_ =	swait.ge [sflag:s30], $0x800  }
0x11a: {  	[sflag:s30] =	ssyncset.done $0x0  }
0x11b: {  	[sflag:s30] =	ssyncadd.s32 $0xFFFFF800  }
0x11c: {  	[bflag:$0x0] =	sbarrier.arrive $0xFFFF  }
0x11d: {  	s19 =	rddreg [dreg:$0x19]  }
0x11e: {  	s18 =	rddreg [dreg:$0x1c]  }
0x11f: {  	s25 =	rddreg [dreg:$0x1d]  }
0x120: {  	[hbm:s19], [sflag:s18] =	dma.local [spmem:s25], $0x2700  }
.Ltmp4:
0x121: {  	_ = 	snop;
	(pc) =	sbr.rel @p1 .LBB2_9-.Ltmp4, $4  }
.Ltmp5:
0x122: {  	_ = 	snop;
	(pc) =	sbr.rel @!p1 .LBB2_8-.Ltmp5, $4  }
0x123: {  	_ =	swait.ge [sflag:s30], $0x2700  }
0x124: {  	[sflag:s30] =	ssyncset.done $0x0  }
0x125: {  	s17 =	rddreg [dreg:$0x13];
	[sflag:s30] =	ssyncadd.s32 $0xFFFFD900  }
0x126: {  	_ = 	snop  }
.LBB2_2:
0x127: {  	s0 =	rddreg [dreg:$0x16]  }
0x128: {  	[spmem:s25], [sflag:s17] =	dma.local [hbm:s0], $0x2700  }
0x129: {  	_ =	swait.ge [sflag:s30], $0x2700  }
0x12a: {  	[dreg:$0x1c] =	wrdreg s17;
	[sflag:s30] =	ssyncset.done $0x0  }
0x12b: {  	s0 =	rddreg [dreg:$0x14];
	[sflag:s30] =	ssyncadd.s32 $0xFFFFD900  }
0x12c: {  	[spmem:s18], [sflag:s17] =	dma.local @!p1 [hbm:s0], $0x100  }
0x12d: {  	s18 =	simm.s32 @!p1 $0xC  }
0x12e: {  	_ =	swait.ge @!p1 [sflag:s18], $0x100  }
0x12f: {  	[sflag:s18] =	ssyncset.done @!p1 $0x0  }
0x130: {  	[sflag:s18] =	ssyncadd.s32 @!p1 $0xFFFFFF00  }
0x131: {  	_ =	swait.ge [sflag:s31], $0x80  }
0x132: {  	[sflag:s31] =	ssyncset.done $0x0  }
0x133: {  	s18 =	simm.s32 $0x0;
	[sflag:s31] =	ssyncadd.s32 $0xFFFFFF80  }
0x134: {  	[tilespmem:s23], [sflag:$0x7] =	stream.indirect.gather [hbm4b:s4+s28], $0x80, s18, s28, $0xb8;
	[tilespmem:$0x1FC00] =	vst v63  }
0x135: {  	[bflag:$0x0] =	sbarrier.arrive $0xFFFF  }
0x136: {  	s25 =	rddreg [dreg:$0x7]  }
0x137: {  	[tilespmem:s24], [sflag:$0x3] =	stream.linear.gather [hbm4b:s25+s18], $0x80, $0x38;
	[tilespmem:$0x1FC00] =	vst v63  }
0x138: {  	s17 =	rddreg [dreg:$0x8]  }
0x139: {  	[tilespmem:s2], [sflag:$0x6] =	stream.linear.gather [hbm4b:s17+s18], $0x80, $0x38;
	[tilespmem:$0x1FC00] =	vst v63  }
0x13a: {  	_ =	swait.ge [sflag:s6], $0x4000  }
0x13b: {  	[sflag:s6] =	ssyncset.done $0x0  }
0x13c: {  	[sflag:s6] =	ssyncadd.s32 $0xFFFFC000  }
0x13d: {  	_ =	swait.ge [sflag:s7], $0x80  }
0x13e: {  	[sflag:s7] =	ssyncset.done $0x0  }
0x13f: {  	[sflag:s7] =	ssyncadd.s32 $0xFFFFFF80  }
0x140: {  	[spmem:s1] =	stream.indirect.scatter.add.f32 [tilespmem:s23], [sflag:$0xA], $0x80, s26, s28, $0xb8;
	[tilespmem:$0x1FC00] =	vst v63  }
0x141: {  	_ =	swait.ge [sflag:s8], $0x80  }
0x142: {  	[sflag:s8] =	ssyncset.done $0x0  }
0x143: {  	[sflag:s8] =	ssyncadd.s32 $0xFFFFFF80  }
0x144: {  	[tilespmem:s9], [sflag:$0x8] =	stream.indirect.gather [hbm4b:s4+s28], $0x80, s28, s28, $0xb8;
	[tilespmem:$0x1FC00] =	vst v63  }
0x145: {  	_ =	swait.ge [sflag:s10], $0x4000  }
0x146: {  	[sflag:s10] =	ssyncset.done $0x0  }
0x147: {  	s19 =	rddreg [dreg:$0x9];
	[sflag:s10] =	ssyncadd.s32 $0xFFFFC000  }
0x148: {  	[tilespmem:s18], [sflag:$0x1] =	stream.linear.gather [hbm4b:s19+s18], $0x80, $0x38;
	[tilespmem:$0x1FC00] =	vst v63  }
0x149: {  	s25 =	rddreg [dreg:$0xa]  }
0x14a: {  	[tilespmem:s26], [sflag:$0x4] =	stream.linear.gather [hbm4b:s25+s18], $0x80, $0x38;
	[tilespmem:$0x1FC00] =	vst v63  }
0x14b: {  	_ =	swait.ge [sflag:s11], $0x4000  }
0x14c: {  	[sflag:s11] =	ssyncset.done $0x0  }
0x14d: {  	[sflag:s11] =	ssyncadd.s32 $0xFFFFC000  }
0x14e: {  	_ =	swait.ge [sflag:s12], $0x80  }
0x14f: {  	[sflag:s12] =	ssyncset.done $0x0  }
0x150: {  	[sflag:s12] =	ssyncadd.s32 $0xFFFFFF80  }
0x151: {  	[spmem:s1] =	stream.indirect.scatter.add.f32 [tilespmem:s9], [sflag:$0xA], $0x80, s29, s28, $0xb8;
	[tilespmem:$0x1FC00] =	vst v63  }
0x152: {  	_ =	swait.ge [sflag:s13], $0x80  }
0x153: {  	[sflag:s13] =	ssyncset.done $0x0  }
0x154: {  	[sflag:s13] =	ssyncadd.s32 $0xFFFFFF80  }
0x155: {  	[tilespmem:s14], [sflag:$0x9] =	stream.indirect.gather [hbm4b:s4+s28], $0x80, s24, s28, $0xb8;
	[tilespmem:$0x1FC00] =	vst v63  }
0x156: {  	_ =	swait.ge [sflag:s10], $0x4000  }
0x157: {  	s18 =	sadd.s32 $0x0, s21;
	[sflag:s10] =	ssyncset.done $0x0  }
0x158: {  	s25 =	sadd.s32 $0x0, s20;
	s19 =	sadd.s32 $0x40, s18;
	[sflag:s10] =	ssyncadd.s32 $0xFFFFC000  }
0x159: {  	[tilespmem:s28], [sflag:$0x2] =	stream.linear.gather [hbm4b:s19+s3], $0x80, $0x38;
	[tilespmem:$0x1FC00] =	vst v63  }
0x15a: {  	s17 =	sadd.s32 $0x40, s25  }
0x15b: {  	[tilespmem:s29], [sflag:$0x5] =	stream.linear.gather [hbm4b:s17+s3], $0x80, $0x38;
	[tilespmem:$0x1FC00] =	vst v63  }
0x15c: {  	_ =	swait.ge [sflag:s15], $0x4000  }
0x15d: {  	[sflag:s15] =	ssyncset.done $0x0  }
0x15e: {  	[sflag:s15] =	ssyncadd.s32 $0xFFFFC000  }
0x15f: {  	_ =	swait.ge [sflag:s16], $0x80  }
0x160: {  	[sflag:s16] =	ssyncset.done $0x0  }
0x161: {  	[sflag:s16] =	ssyncadd.s32 $0xFFFFFF80  }
0x162: {  	[spmem:s1] =	stream.indirect.scatter.add.f32 [tilespmem:s14], [sflag:$0xA], $0x80, s2, s28, $0xb8;
	[tilespmem:$0x1FC00] =	vst v63  }
0x163: {  	_ =	swait.ge [sflag:s31], $0x80  }
0x164: {  	[sflag:s31] =	ssyncset.done $0x0  }
0x165: {  	[sflag:s31] =	ssyncadd.s32 $0xFFFFFF80  }
0x166: {  	[tilespmem:s23], [sflag:$0x7] =	stream.indirect.gather [hbm4b:s4+s28], $0x80, s3, s28, $0xb8;
	[tilespmem:$0x1FC00] =	vst v63  }
0x167: {  	_ =	swait.ge [sflag:s10], $0x4000  }
0x168: {  	[sflag:s10] =	ssyncset.done $0x0  }
0x169: {  	s0 =	sadd.s32 $0x50, s18;
	[sflag:s10] =	ssyncadd.s32 $0xFFFFC000  }
0x16a: {  	[tilespmem:s24], [sflag:$0x3] =	stream.linear.gather [hbm4b:s0+s3], $0x80, $0x38;
	[tilespmem:$0x1FC00] =	vst v63  }
0x16b: {  	s17 =	sadd.s32 $0x50, s25  }
0x16c: {  	[tilespmem:s2], [sflag:$0x6] =	stream.linear.gather [hbm4b:s17+s3], $0x80, $0x38;
	[tilespmem:$0x1FC00] =	vst v63  }
0x16d: {  	_ =	swait.ge [sflag:s6], $0x4000  }
0x16e: {  	[sflag:s6] =	ssyncset.done $0x0  }
0x16f: {  	[sflag:s6] =	ssyncadd.s32 $0xFFFFC000  }
0x170: {  	_ =	swait.ge [sflag:s7], $0x80  }
0x171: {  	[sflag:s7] =	ssyncset.done $0x0  }
0x172: {  	[sflag:s7] =	ssyncadd.s32 $0xFFFFFF80  }
0x173: {  	[spmem:s1] =	stream.indirect.scatter.add.f32 [tilespmem:s23], [sflag:$0xA], $0x80, s26, s28, $0xb8;
	[tilespmem:$0x1FC00] =	vst v63  }
0x174: {  	_ =	swait.ge [sflag:s8], $0x80  }
0x175: {  	[sflag:s8] =	ssyncset.done $0x0  }
0x176: {  	[sflag:s8] =	ssyncadd.s32 $0xFFFFFF80  }
0x177: {  	[tilespmem:s9], [sflag:$0x8] =	stream.indirect.gather [hbm4b:s4+s28], $0x80, s28, s28, $0xb8;
	[tilespmem:$0x1FC00] =	vst v63  }
0x178: {  	_ =	swait.ge [sflag:s10], $0x4000  }
0x179: {  	[sflag:s10] =	ssyncset.done $0x0  }
0x17a: {  	s18 =	sadd.s32 $0x60, s18;
	[sflag:s10] =	ssyncadd.s32 $0xFFFFC000  }
0x17b: {  	[tilespmem:s3], [sflag:$0x1] =	stream.linear.gather [hbm4b:s18+s3], $0x80, $0x38;
	[tilespmem:$0x1FC00] =	vst v63  }
0x17c: {  	s25 =	sadd.s32 $0x60, s25  }
0x17d: {  	[tilespmem:s26], [sflag:$0x4] =	stream.linear.gather [hbm4b:s25+s3], $0x80, $0x38;
	[tilespmem:$0x1FC00] =	vst v63  }
0x17e: {  	_ =	swait.ge [sflag:s11], $0x4000  }
0x17f: {  	[sflag:s11] =	ssyncset.done $0x0  }
0x180: {  	[sflag:s11] =	ssyncadd.s32 $0xFFFFC000  }
0x181: {  	_ =	swait.ge [sflag:s12], $0x80  }
0x182: {  	[sflag:s12] =	ssyncset.done $0x0  }
0x183: {  	[sflag:s12] =	ssyncadd.s32 $0xFFFFFF80  }
0x184: {  	[spmem:s1] =	stream.indirect.scatter.add.f32 [tilespmem:s9], [sflag:$0xA], $0x80, s29, s28, $0xb8;
	[tilespmem:$0x1FC00] =	vst v63  }
0x185: {  	_ =	swait.ge [sflag:s13], $0x80  }
0x186: {  	[sflag:s13] =	ssyncset.done $0x0  }
0x187: {  	s18 =	simm.s32 $0x30;
	[sflag:s13] =	ssyncadd.s32 $0xFFFFFF80  }
.LBB2_3:
0x188: {  	[tilespmem:s14], [sflag:$0x9] =	stream.indirect.gather [hbm4b:s4+s28], $0x80, s24, s28, $0xb8;
	[tilespmem:$0x1FC00] =	vst v63  }
0x189: {  	s19 =	smov.u32 s18  }
0x18a: {  	p3 =	sne.s32 s18, $0x450;
	s18 =	sadd.s32 $0x30, s18;
	_ =	swait.ge [sflag:s10], $0x4000  }
0x18b: {  	s25 =	sadd.s32 s19, s21;
	[sflag:s10] =	ssyncset.done $0x0  }
0x18c: {  	s19 =	sadd.s32 s19, s20;
	s17 =	sadd.s32 $0x40, s25;
	[sflag:s10] =	ssyncadd.s32 $0xFFFFC000  }
0x18d: {  	[tilespmem:s28], [sflag:$0x2] =	stream.linear.gather [hbm4b:s17+s3], $0x80, $0x38;
	[tilespmem:$0x1FC00] =	vst v63  }
0x18e: {  	s17 =	sadd.s32 $0x40, s19  }
0x18f: {  	[tilespmem:s29], [sflag:$0x5] =	stream.linear.gather [hbm4b:s17+s3], $0x80, $0x38;
	[tilespmem:$0x1FC00] =	vst v63  }
0x190: {  	_ =	swait.ge [sflag:s15], $0x4000  }
0x191: {  	[sflag:s15] =	ssyncset.done $0x0  }
0x192: {  	[sflag:s15] =	ssyncadd.s32 $0xFFFFC000  }
0x193: {  	_ =	swait.ge [sflag:s16], $0x80  }
0x194: {  	[sflag:s16] =	ssyncset.done $0x0  }
0x195: {  	[sflag:s16] =	ssyncadd.s32 $0xFFFFFF80  }
0x196: {  	[spmem:s1] =	stream.indirect.scatter.add.f32 [tilespmem:s14], [sflag:$0xA], $0x80, s2, s28, $0xb8;
	[tilespmem:$0x1FC00] =	vst v63  }
0x197: {  	_ =	swait.ge [sflag:s31], $0x80  }
0x198: {  	[sflag:s31] =	ssyncset.done $0x0  }
0x199: {  	[sflag:s31] =	ssyncadd.s32 $0xFFFFFF80  }
0x19a: {  	[tilespmem:s23], [sflag:$0x7] =	stream.indirect.gather [hbm4b:s4+s28], $0x80, s3, s28, $0xb8;
	[tilespmem:$0x1FC00] =	vst v63  }
0x19b: {  	_ =	swait.ge [sflag:s10], $0x4000  }
0x19c: {  	[sflag:s10] =	ssyncset.done $0x0  }
0x19d: {  	s17 =	sadd.s32 $0x50, s25;
	[sflag:s10] =	ssyncadd.s32 $0xFFFFC000  }
0x19e: {  	[tilespmem:s24], [sflag:$0x3] =	stream.linear.gather [hbm4b:s17+s3], $0x80, $0x38;
	[tilespmem:$0x1FC00] =	vst v63  }
0x19f: {  	s17 =	sadd.s32 $0x50, s19  }
0x1a0: {  	[tilespmem:s2], [sflag:$0x6] =	stream.linear.gather [hbm4b:s17+s3], $0x80, $0x38;
	[tilespmem:$0x1FC00] =	vst v63  }
0x1a1: {  	_ =	swait.ge [sflag:s6], $0x4000  }
0x1a2: {  	[sflag:s6] =	ssyncset.done $0x0  }
0x1a3: {  	[sflag:s6] =	ssyncadd.s32 $0xFFFFC000  }
0x1a4: {  	_ =	swait.ge [sflag:s7], $0x80  }
0x1a5: {  	[sflag:s7] =	ssyncset.done $0x0  }
0x1a6: {  	[sflag:s7] =	ssyncadd.s32 $0xFFFFFF80  }
0x1a7: {  	[spmem:s1] =	stream.indirect.scatter.add.f32 [tilespmem:s23], [sflag:$0xA], $0x80, s26, s28, $0xb8;
	[tilespmem:$0x1FC00] =	vst v63  }
0x1a8: {  	_ =	swait.ge [sflag:s8], $0x80  }
0x1a9: {  	[sflag:s8] =	ssyncset.done $0x0  }
0x1aa: {  	[sflag:s8] =	ssyncadd.s32 $0xFFFFFF80  }
0x1ab: {  	[tilespmem:s9], [sflag:$0x8] =	stream.indirect.gather [hbm4b:s4+s28], $0x80, s28, s28, $0xb8;
	[tilespmem:$0x1FC00] =	vst v63  }
0x1ac: {  	_ =	swait.ge [sflag:s10], $0x4000  }
0x1ad: {  	[sflag:s10] =	ssyncset.done $0x0  }
0x1ae: {  	s17 =	sadd.s32 $0x60, s25;
	[sflag:s10] =	ssyncadd.s32 $0xFFFFC000  }
0x1af: {  	[tilespmem:s3], [sflag:$0x1] =	stream.linear.gather [hbm4b:s17+s3], $0x80, $0x38;
	[tilespmem:$0x1FC00] =	vst v63  }
0x1b0: {  	s17 =	sadd.s32 $0x60, s19  }
0x1b1: {  	[tilespmem:s26], [sflag:$0x4] =	stream.linear.gather [hbm4b:s17+s3], $0x80, $0x38;
	[tilespmem:$0x1FC00] =	vst v63  }
0x1b2: {  	_ =	swait.ge [sflag:s11], $0x4000  }
0x1b3: {  	[sflag:s11] =	ssyncset.done $0x0  }
0x1b4: {  	[sflag:s11] =	ssyncadd.s32 $0xFFFFC000  }
0x1b5: {  	_ =	swait.ge [sflag:s12], $0x80  }
0x1b6: {  	[sflag:s12] =	ssyncset.done $0x0  }
.Ltmp6:
0x1b7: {  	[sflag:s12] =	ssyncadd.s32 $0xFFFFFF80;
	(pc) =	sbr.rel @p3 .LBB2_3-.Ltmp6, $4  }
0x1b8: {  	[spmem:s1] =	stream.indirect.scatter.add.f32 [tilespmem:s9], [sflag:$0xA], $0x80, s29, s28, $0xb8;
	[tilespmem:$0x1FC00] =	vst v63  }
0x1b9: {  	_ =	swait.ge [sflag:s13], $0x80  }
0x1ba: {  	[sflag:s13] =	ssyncset.done $0x0  }
0x1bb: {  	[sflag:s13] =	ssyncadd.s32 $0xFFFFFF80  }
0x1bc: {  	[tilespmem:s14], [sflag:$0x9] =	stream.indirect.gather [hbm4b:s4+s28], $0x80, s24, s28, $0xb8;
	[tilespmem:$0x1FC00] =	vst v63  }
0x1bd: {  	_ =	swait.ge [sflag:s10], $0x4000  }
0x1be: {  	[sflag:s10] =	ssyncset.done $0x0  }
0x1bf: {  	s0 =	rddreg [dreg:$0xb];
	[sflag:s10] =	ssyncadd.s32 $0xFFFFC000  }
0x1c0: {  	[tilespmem:s28], [sflag:$0x2] =	stream.linear.gather [hbm4b:s0+s3], $0x80, $0x38;
	[tilespmem:$0x1FC00] =	vst v63  }
0x1c1: {  	s19 =	rddreg [dreg:$0xc]  }
0x1c2: {  	[tilespmem:s29], [sflag:$0x5] =	stream.linear.gather [hbm4b:s19+s3], $0x80, $0x38;
	[tilespmem:$0x1FC00] =	vst v63  }
0x1c3: {  	_ =	swait.ge [sflag:s15], $0x4000  }
0x1c4: {  	[sflag:s15] =	ssyncset.done $0x0  }
0x1c5: {  	[sflag:s15] =	ssyncadd.s32 $0xFFFFC000  }
0x1c6: {  	_ =	swait.ge [sflag:s16], $0x80  }
0x1c7: {  	[sflag:s16] =	ssyncset.done $0x0  }
0x1c8: {  	[sflag:s16] =	ssyncadd.s32 $0xFFFFFF80  }
0x1c9: {  	[spmem:s1] =	stream.indirect.scatter.add.f32 [tilespmem:s14], [sflag:$0xA], $0x80, s2, s28, $0xb8;
	[tilespmem:$0x1FC00] =	vst v63  }
0x1ca: {  	_ =	swait.ge [sflag:s31], $0x80  }
0x1cb: {  	[sflag:s31] =	ssyncset.done $0x0  }
0x1cc: {  	[sflag:s31] =	ssyncadd.s32 $0xFFFFFF80  }
0x1cd: {  	[tilespmem:s23], [sflag:$0x7] =	stream.indirect.gather [hbm4b:s4+s28], $0x80, s3, s28, $0xb8;
	[tilespmem:$0x1FC00] =	vst v63  }
0x1ce: {  	_ =	swait.ge [sflag:s10], $0x4000  }
0x1cf: {  	[sflag:s10] =	ssyncset.done $0x0  }
0x1d0: {  	s25 =	rddreg [dreg:$0xd];
	[sflag:s10] =	ssyncadd.s32 $0xFFFFC000  }
0x1d1: {  	[tilespmem:s24], [sflag:$0x3] =	stream.linear.gather [hbm4b:s25+s3], $0x80, $0x38;
	[tilespmem:$0x1FC00] =	vst v63  }
0x1d2: {  	s17 =	rddreg [dreg:$0xe]  }
0x1d3: {  	[tilespmem:s2], [sflag:$0x6] =	stream.linear.gather [hbm4b:s17+s3], $0x80, $0x38;
	[tilespmem:$0x1FC00] =	vst v63  }
0x1d4: {  	_ =	swait.ge [sflag:s6], $0x4000  }
0x1d5: {  	[sflag:s6] =	ssyncset.done $0x0  }
0x1d6: {  	[sflag:s6] =	ssyncadd.s32 $0xFFFFC000  }
0x1d7: {  	_ =	swait.ge [sflag:s7], $0x80  }
0x1d8: {  	[sflag:s7] =	ssyncset.done $0x0  }
0x1d9: {  	[sflag:s7] =	ssyncadd.s32 $0xFFFFFF80  }
0x1da: {  	[spmem:s1] =	stream.indirect.scatter.add.f32 [tilespmem:s23], [sflag:$0xA], $0x80, s26, s28, $0xb8;
	[tilespmem:$0x1FC00] =	vst v63  }
0x1db: {  	_ =	swait.ge [sflag:s8], $0x80  }
0x1dc: {  	[sflag:s8] =	ssyncset.done $0x0  }
0x1dd: {  	[sflag:s8] =	ssyncadd.s32 $0xFFFFFF80  }
0x1de: {  	[tilespmem:s9], [sflag:$0x8] =	stream.indirect.gather [hbm4b:s4+s28], $0x80, s28, s28, $0xb8;
	[tilespmem:$0x1FC00] =	vst v63  }
0x1df: {  	_ =	swait.ge [sflag:s10], $0x4000  }
0x1e0: {  	[sflag:s10] =	ssyncset.done $0x0  }
0x1e1: {  	[sflag:s10] =	ssyncadd.s32 $0xFFFFC000  }
0x1e2: {  	_ =	swait.ge [sflag:s11], $0x4000  }
0x1e3: {  	[sflag:s11] =	ssyncset.done $0x0  }
0x1e4: {  	[sflag:s11] =	ssyncadd.s32 $0xFFFFC000  }
0x1e5: {  	_ =	swait.ge [sflag:s12], $0x80  }
0x1e6: {  	[sflag:s12] =	ssyncset.done $0x0  }
0x1e7: {  	[sflag:s12] =	ssyncadd.s32 $0xFFFFFF80  }
0x1e8: {  	[spmem:s1] =	stream.indirect.scatter.add.f32 [tilespmem:s9], [sflag:$0xA], $0x80, s29, s28, $0xb8;
	[tilespmem:$0x1FC00] =	vst v63  }
0x1e9: {  	_ =	swait.ge [sflag:s13], $0x80  }
0x1ea: {  	[sflag:s13] =	ssyncset.done $0x0  }
0x1eb: {  	[sflag:s13] =	ssyncadd.s32 $0xFFFFFF80  }
0x1ec: {  	[tilespmem:s14], [sflag:$0x9] =	stream.indirect.gather [hbm4b:s4+s28], $0x80, s24, s28, $0xb8;
	[tilespmem:$0x1FC00] =	vst v63  }
0x1ed: {  	_ =	swait.ge [sflag:s10], $0x4000  }
0x1ee: {  	[sflag:s10] =	ssyncset.done $0x0  }
0x1ef: {  	[sflag:s10] =	ssyncadd.s32 $0xFFFFC000  }
0x1f0: {  	_ =	swait.ge [sflag:s15], $0x4000  }
0x1f1: {  	[sflag:s15] =	ssyncset.done $0x0  }
0x1f2: {  	[sflag:s15] =	ssyncadd.s32 $0xFFFFC000  }
0x1f3: {  	_ =	swait.ge [sflag:s16], $0x80  }
0x1f4: {  	[sflag:s16] =	ssyncset.done $0x0  }
0x1f5: {  	[sflag:s16] =	ssyncadd.s32 $0xFFFFFF80  }
0x1f6: {  	[spmem:s1] =	stream.indirect.scatter.add.f32 [tilespmem:s14], [sflag:$0xA], $0x80, s2, s28, $0xb8;
	[tilespmem:$0x1FC00] =	vst v63  }
0x1f7: {  	_ =	swait.ge [sflag:s10], $0x4000  }
0x1f8: {  	[sflag:s10] =	ssyncset.done $0x0  }
0x1f9: {  	s18 =	rddreg [dreg:$0xf];
	[sflag:s10] =	ssyncadd.s32 $0xFFFFC000  }
0x1fa: {  	[tilespmem:s3], [sflag:$0xC] =	stream.linear.gather [hbm4b:s18+s3], $0x10, $0x38;
	[tilespmem:$0x1FC00] =	vst v63  }
0x1fb: {  	_ =	swait.ge [sflag:s30], $0x10  }
0x1fc: {  	[sflag:s30] =	ssyncset.done $0x0  }
0x1fd: {  	s17 =	simm.s32 $0xC300;
	s19 =	rddreg [dreg:$0x10];
	[sflag:s30] =	ssyncadd.s32 $0xFFFFFFF0  }
0x1fe: {  	[tilespmem:s17], [sflag:$0xC] =	stream.linear.gather [hbm4b:s19+s3], $0x10, $0x38;
	[tilespmem:$0x1FC00] =	vst v63  }
0x1ff: {  	_ =	swait.ge [sflag:s30], $0x10  }
0x200: {  	[sflag:s30] =	ssyncset.done $0x0  }
0x201: {  	s25 =	simm.s32 $0x10;
	s18 =	simm.s32 $0xB;
	[sflag:s30] =	ssyncadd.s32 $0xFFFFFFF0  }
0x202: {  	[tilespmem:s23], [sflag:$0xB] =	stream.indirect.gather [hbm4b:s4+s25], $0x80, s3, s25, $0xb8;
	[tilespmem:$0x1FC00] =	vst v63  }
0x203: {  	_ =	swait.ge [sflag:s18], $0x800  }
0x204: {  	[sflag:s18] =	ssyncset.done $0x0  }
0x205: {  	[sflag:s18] =	ssyncadd.s32 $0xFFFFF800  }
0x206: {  	[spmem:s1] =	stream.indirect.scatter.add.f32 [tilespmem:s23], [sflag:$0xC], $0x80, s17, s25, $0xb8;
	[tilespmem:$0x1FC00] =	vst v63  }
0x207: {  	_ =	swait.ge [sflag:s30], $0x800  }
0x208: {  	[sflag:s30] =	ssyncset.done $0x0  }
0x209: {  	[sflag:s30] =	ssyncadd.s32 $0xFFFFF800  }
0x20a: {  	[bflag:$0x0] =	sbarrier.arrive $0xFFFF  }
0x20b: {  	s19 =	rddreg [dreg:$0x17]  }
0x20c: {  	s18 =	rddreg [dreg:$0x1c]  }
0x20d: {  	s25 =	rddreg [dreg:$0x1d]  }
0x20e: {  	[hbm:s19], [sflag:s18] =	dma.local [spmem:s25], $0x2700  }
.Ltmp7:
0x20f: {  	_ = 	snop;
	(pc) =	sbr.rel @p2 .LBB2_8-.Ltmp7, $4  }
.Ltmp8:
0x210: {  	_ = 	snop;
	(pc) =	sbr.rel @!p2 .LBB2_9-.Ltmp8, $4  }
0x211: {  	_ =	swait.ge [sflag:s30], $0x2700  }
0x212: {  	[sflag:s30] =	ssyncset.done $0x0  }
0x213: {  	s17 =	rddreg [dreg:$0x12];
	[sflag:s30] =	ssyncadd.s32 $0xFFFFD900  }
0x214: {  	_ = 	snop  }
.LBB2_10:
0x215: {  	_ =	sfence.sel $0x180000  }
0x216: {  	[bflag:$0x0] =	sbarrier.arrive $0xFFFF  }
0x217: {  	_ =	strace $0x9000004A  }
0x218: {  	s0 =	stileid.u32;
	[bflag:$0x2] =	sbarrier.arrive $0xFFFF  }
0x219: {  	p0 =	sne.s32 s0, $0x0;
	s0 =	rddreg [dreg:$0x2]  }
0x21a: {  	s0 =	sadd.s32 @!p0 $0x100000, s0  }
0x21b: {  	[sflag:s0] =	ssyncadd.tile.s32 @!p0 $0x1;
	_ =	shalt  }
.Lfunc_end2:
_tile_overlayer_lowered:
.L_overlay_start_2:
0x21c: {  	(tag) =	ssettag $0x2  }
0x21d: {  	s0 =	rddreg [dreg:$0x0];
	s2 =	stileid.u32  }
0x21e: {  	s1 =	rddreg [dreg:$0x1];
	p0 =	sne.s32 s2, $0x0  }
0x21f: {  	s3 =	rddreg [dreg:$0x2];
	[bflag:$0x3] =	sbarrier.arrive $0xFFFF;
	s2 =	simm.s32 @!p0 $0x1C0C  }
0x220: {  	[timem:s3], [sflag:s2] =	dma.local @!p0 [hbm:s0], s1  }
0x221: {  	s0 =	simm.s32 @!p0 $0xC  }
0x222: {  	_ =	swait.ge @!p0 [sflag:s0], s1  }
0x223: {  	s1 =	ssub.s32 @!p0 $0x0, s1;
	[sflag:s0] =	ssyncset.done @!p0 $0x0  }
0x224: {  	[sflag:s0] =	ssyncadd.s32 @!p0 s1  }
0x225: {  	[bflag:$0x3] =	sbarrier.arrive $0xFFFF  }
0x226: {  	_ =	shalt  }

// kernel: kernel.16.cloned.1.call-start
scs
__scs_entry_jumppad:
0x0: {  	(pc) =	sbr.rel $0x88, $3  }
0x1: {  	(tag) =	ssettag $0x0;
	lr =	simm.s32 $0x1  }
0x2: {  	[smem:$0x3F99] =	sst lr;
	_ =	strace $0xD0000000  }
0x3: {  	_ = 	snop  }
0x4: {  	_ = 	snop  }
0x5: {  	_ = 	snop  }
0x6: {  	_ = 	snop  }
0x7: {  	_ = 	snop  }
__scs_overlays_trampoline_lowered:
0x8: {  	[smem:$0x3FA8] =	sst s0  }
0x9: {  	[smem:$0x3FA9] =	sst s1  }
0xa: {  	[smem:$0x3FAA] =	sst s2  }
0xb: {  	[smem:$0x3FAB] =	sst s3  }
0xc: {  	[smem:$0x3FAC] =	sst s4  }
0xd: {  	[smem:$0x3FAD] =	sst s5  }
0xe: {  	[smem:$0x3FAE] =	sst s6  }
0xf: {  	[smem:$0x3FAF] =	sst s7  }
0x10: {  	[smem:$0x3FB0] =	sst s8  }
0x11: {  	[smem:$0x3FB1] =	sst s9;
	s0 =	simm.s32 @!p0 $0x0  }
0x12: {  	s1 =	sld [smem:$0x3F97];
	s0 =	simm.s32 @p0 $0x1  }
0x13: {  	[smem:$0x3FB2] =	sst s0;
	s0 =	simm.s32 @!p1 $0x0  }
0x14: {  	s2 =	sld [smem:$0x3F96];
	s0 =	simm.s32 @p1 $0x1  }
0x15: {  	[smem:$0x3FB3] =	sst s0;
	s0 =	simm.s32 @!p2 $0x0  }
0x16: {  	s3 =	sld [smem:$0x3FDB];
	s0 =	simm.s32 @p2 $0x1  }
0x17: {  	s4 =	simm.s32 $0x1BF5;
	[smem:$0x3FB5] =	sst s0  }
0x18: {  	s0 =	sld [smem:$0x3F98];
	_ =	swait.ge [sflag:s4], $0x0  }
0x19: {  	s7 =	sld [smem:$0x3F99]  }
0x1a: {  	s8 =	sadd.s32 $0xFFFFE003, lr  }
0x1b: {  	s9 =	sadd.s32 $0xFFFFFEF7, lr;
	s5 =	simm.s32 $0xFFFFFFFF;
	p2 =	slt.u32 s8, $0xFFFFF086  }
0x1c: {  	p1 =	slt.u32 s9, $0xF7A;
	s5 =	simm.s32 @!p2 $0x0  }
0x1d: {  	s5 =	simm.s32 @p1 $0x1;
	p0 =	seq.s32 s7, s2  }
0x1e: {  	s7 =	smul.u32 @!p0 $0xF7A, s2;
	p2 =	seq.s32 @!p0 s5, $0x0  }
0x1f: {  	s9 =	smul.u32 $0xF7A, s1;
	s8 =	simm.s32 @!p0 $0x1BF5;
	p2 =	por !p2, p0  }
0x20: {  	[sflag:s8] =	ssyncset.s32 @!p0 $0xFFFFF086;
	s6 =	sadd.s32 @!p0 s3, s7;
	s7 =	simm.s32 @!p0 $0x108  }
0x21: {  	s3 =	sadd.s32 s3, s9;
	s6 =	sadd.s32 @!p0 $0x88, s6;
	s7 =	simm.s32 @p2 $0x1082  }
0x22: {  	[simem:s7], [sflag:s8] =	dma.local @!p0 [hbm:s6], $0xF7A  }
0x23: {  	s9 =	sor.u32 $0xD0000000, s2;
	s6 =	simm.s32 $0x108;
	_ =	swait.ge @!p0 [sflag:s8], $0x0  }
0x24: {  	s3 =	sadd.s32 $0x88, s3;
	s6 =	simm.s32 @!p1 $0x1082;
	[sflag:s4] =	ssyncset.s32 $0xFFFFF086  }
0x25: {  	[simem:s6], [sflag:s4] =	dma.local [hbm:s3], $0xF7A  }
0x26: {  	[smem:$0x3F99] =	sst s1;
	(tag) =	ssettag s2;
	_ =	strace s9  }
0x27: {  	s1 =	sld [smem:$0x3FA9]  }
0x28: {  	s2 =	sld [smem:$0x3FAA]  }
0x29: {  	s4 =	sld [smem:$0x3FAC]  }
0x2a: {  	p0 =	seq.s32 s5, $0x0;
	s5 =	sld [smem:$0x3FAD]  }
0x2b: {  	s6 =	sld [smem:$0x3FAE]  }
0x2c: {  	s7 =	sld [smem:$0x3FAF]  }
0x2d: {  	s3 =	simm.s32 $0x108;
	s8 =	sld [smem:$0x3FB0]  }
0x2e: {  	s3 =	simm.s32 @!p0 $0x1082;
	s9 =	sld [smem:$0x3FB1]  }
0x2f: {  	lr =	sadd.s32 s0, s3;
	s0 =	sld [smem:$0x3FA8]  }
0x30: {  	s3 =	sld [smem:$0x3FAB]  }
0x31: {  	[smem:$0x3FB4] =	sst s10  }
0x32: {  	s10 =	sld [smem:$0x3FB2];
	_ =	sdelay $0x3  }
0x33: {  	p0 =	seq.s32 s10, $0x1;
	s10 =	sld [smem:$0x3FB4];
	_ =	sdelay $0x3  }
0x34: {  	[smem:$0x3FB4] =	sst s10  }
0x35: {  	s10 =	sld [smem:$0x3FB3];
	_ =	sdelay $0x3  }
0x36: {  	p1 =	seq.s32 s10, $0x1;
	s10 =	sld [smem:$0x3FB4];
	_ =	sdelay $0x3  }
0x37: {  	[smem:$0x3FB4] =	sst s10  }
0x38: {  	s10 =	sld [smem:$0x3FB5]  }
0x39: {  	_ = 	snop;
	(pc) =	sbr.ind lr, $3  }
0x3a: {  	_ = 	snop  }
0x3b: {  	_ = 	snop  }
0x3c: {  	p2 =	seq.s32 s10, $0x1;
	s10 =	sld [smem:$0x3FB4]  }
0x3d: {  	_ =	shalt  }
0x3e: {  	_ =	shalt  }
0x3f: {  	_ =	shalt  }
0x40: {  	_ =	shalt  }
0x41: {  	_ =	shalt  }
0x42: {  	_ =	shalt  }
0x43: {  	_ =	shalt  }
0x44: {  	_ =	shalt  }
0x45: {  	_ =	shalt  }
0x46: {  	_ =	shalt  }
0x47: {  	_ =	shalt  }
0x48: {  	_ =	shalt  }
0x49: {  	_ =	shalt  }
0x4a: {  	_ =	shalt  }
0x4b: {  	_ =	shalt  }
0x4c: {  	_ =	shalt  }
0x4d: {  	_ =	shalt  }
0x4e: {  	_ =	shalt  }
0x4f: {  	_ =	shalt  }
0x50: {  	_ =	shalt  }
0x51: {  	_ =	shalt  }
0x52: {  	_ =	shalt  }
0x53: {  	_ =	shalt  }
0x54: {  	_ =	shalt  }
0x55: {  	_ =	shalt  }
0x56: {  	_ =	shalt  }
0x57: {  	_ =	shalt  }
0x58: {  	_ =	shalt  }
0x59: {  	_ =	shalt  }
0x5a: {  	_ =	shalt  }
0x5b: {  	_ =	shalt  }
0x5c: {  	_ =	shalt  }
0x5d: {  	_ =	shalt  }
0x5e: {  	_ =	shalt  }
0x5f: {  	_ =	shalt  }
0x60: {  	_ =	shalt  }
0x61: {  	_ =	shalt  }
0x62: {  	_ =	shalt  }
0x63: {  	_ =	shalt  }
0x64: {  	_ =	shalt  }
0x65: {  	_ =	shalt  }
0x66: {  	_ =	shalt  }
0x67: {  	_ =	shalt  }
0x68: {  	_ =	shalt  }
0x69: {  	_ =	shalt  }
0x6a: {  	_ =	shalt  }
0x6b: {  	_ =	shalt  }
0x6c: {  	_ =	shalt  }
0x6d: {  	_ =	shalt  }
0x6e: {  	_ =	shalt  }
0x6f: {  	_ =	shalt  }
0x70: {  	_ =	shalt  }
0x71: {  	_ =	shalt  }
0x72: {  	_ =	shalt  }
0x73: {  	_ =	shalt  }
0x74: {  	_ =	shalt  }
0x75: {  	_ =	shalt  }
0x76: {  	_ =	shalt  }
0x77: {  	_ =	shalt  }
0x78: {  	_ =	shalt  }
0x79: {  	_ =	shalt  }
0x7a: {  	_ =	shalt  }
0x7b: {  	_ =	shalt  }
0x7c: {  	_ =	shalt  }
0x7d: {  	_ =	shalt  }
0x7e: {  	_ =	shalt  }
0x7f: {  	_ =	shalt  }
0x80: {  	_ =	shalt  }
0x81: {  	_ =	shalt  }
0x82: {  	_ =	shalt  }
0x83: {  	_ =	shalt  }
0x84: {  	_ =	shalt  }
0x85: {  	_ =	shalt  }
0x86: {  	_ =	shalt  }
0x87: {  	_ =	shalt  }
.Lfunc_end0:
.L_simem_size_0:
called_computation.2_lowered:
.L_overlay_start_0:
0x88: {  	s2 =	sld [smem:$0x3FD9]  }
0x89: {  	s3 =	sld [smem:$0x3FFE];
	_ =	sdelay $0x1  }
0x8a: {  	s1 =	srdreg.scid  }
0x8b: {  	s0 =	sand.u32 $0x1, s1  }
0x8c: {  	s16 =	sshll.u32 s0, $0xA;
	s2 =	sadd.s32 s3, s2  }
0x8d: {  	s2 =	sadd.s32 s2, s16  }
0x8e: {  	[smem:$0x3FC0] =	sst s2  }
0x8f: {  	_ = 	snop  }
0x90: {  	(tm) =	ssettm $0x1  }
0x91: {  	s17 =	sld [smem:$0x3FFB];
	_ =	sdelay $0x3  }
0x92: {  	_ =	strace s17  }
0x93: {  	s2 =	sld [smem:$0x3FFC];
	_ =	sdelay $0x3  }
0x94: {  	_ =	strace s2  }
0x95: {  	s2 =	sld [smem:$0x3FFD];
	_ =	sdelay $0x3  }
0x96: {  	_ =	strace s2  }
0x97: {  	_ =	strace $0x8FFFFFFF  }
0x98: {  	s18 =	sld [smem:$0x3FDB];
	_ =	sdelay $0x1  }
0x99: {  	s19 =	simm.s32 $_scs_section_size  }
0x9a: {  	s4 =	simm.s32 $_size__tile_overlayer_lowered;
	s5 =	simm.s32 $_tile_overlayer_lowered  }
0x9b: {  	s22 =	simm.s32 $0x1BFF;
	s21 =	sshll.u32 s5, $0x1;
	s2 =	sadd.s32 s19, s18  }
0x9c: {  	s6 =	simm.s32 $0x0;
	s20 =	sshll.u32 s4, $0x1;
	s4 =	sadd.s32 s21, s2  }
0x9d: {  	[timem:s6], [sflag:s22] =	dma.local [hbm:s4], s20  }
0x9e: {  	_ =	swait.ge [sflag:s22], s20  }
0x9f: {  	s3 =	ssub.s32 $0x0, s20;
	[sflag:s22] =	ssyncset.done $0x0  }
0xa0: {  	[sflag:s22] =	ssyncadd.s32 s3;
	_ =	sdelay $0x1  }
0xa1: {  	s23 =	simm.s32 $0x1B8B  }
0xa2: {  	_ =	swait.ge [sflag:s23], $0x1  }
0xa3: {  	[sflag:s23] =	ssyncset.done $0x0  }
0xa4: {  	s25 =	simm.s32 $0x1B8E;
	s24 =	sld [smem:$0x3FFE];
	[sflag:s23] =	ssyncadd.s32 $0xFFFFFFFF  }
0xa5: {  	s26 =	simm.s32 $execute0_lowered;
	[smem:$0x3FD2] =	sst s25  }
0xa6: {  	s4 =	sshll.u32 s26, $0x1;
	_ =	strace $0x8000004C;
	[dreg:$0x1] =	wrdreg $0xFFFFFFFF  }
0xa7: {  	s28 =	simm.s32 $_size_execute0_lowered;
	s2 =	sadd.s32 s2, s4;
	[dreg:$0x0] =	wrdreg $0x0  }
0xa8: {  	s4 =	sshll.u32 s28, $0x1;
	[dreg:$0x2] =	wrdreg s2  }
0xa9: {  	[dreg:$0x3] =	wrdreg s4  }
0xaa: {  	[dreg:$0x4] =	wrdreg $0xC0  }
0xab: {  	_ =	task [dreg:s6], $0x5FFFF  }
0xac: {  	[dreg:$0x1] =	wrdreg $0xFFFFFFFF  }
0xad: {  	[dreg:$0x0] =	wrdreg $0x60  }
0xae: {  	[dreg:$0x2] =	wrdreg s24  }
0xaf: {  	[dreg:$0x3] =	wrdreg $0xC3800  }
0xb0: {  	[dreg:$0x4] =	wrdreg $0x9  }
0xb1: {  	_ =	task.clear_ibuf [dreg:s6], $0x5FFFF;
	_ =	strace $0x9000004C  }
0xb2: {  	s29 =	simm.s32 $0x9;
	_ =	strace $0x8000004E  }
0xb3: {  	_ =	swait.ge [sflag:s29], $0x1  }
0xb4: {  	[sflag:s29] =	ssyncadd.s32 $0xFFFFFFFF  }
0xb5: {  	_ =	strace $0x9000004E  }
0xb6: {  	_ =	sfence  }
0xb7: {  	s30 =	sld [smem:$0x0];
	_ =	sdelay $0x2  }
0xb8: {  	s31 =	sshll.u32 s1, $0xD;
	s1 =	sshrl.u32 s1, $0x2  }
0xb9: {  	s3 =	sand.u32 $0x4000, s31;
	s1 =	sadd.s32 s1, s30  }
0xba: {  	s0 =	sor.u32 s3, s0;
	s1 =	sshll.u32 s1, $0x11  }
0xbb: {  	s0 =	sor.u32 s1, s0  }
0xbc: {  	s0 =	sadd.s32 $0x8F2B, s0  }
0xbd: {  	[sflag:s0] =	ssyncadd.remote.s32 $0x1  }
0xbe: {  	_ =	sfence.sel $0xFFFF  }
0xbf: {  	[dreg:$0x0] =	wrdreg $0xFFFFFFFF;
	(pc) =	sbr.abs _section_cstart, $3  }
0xc0: {  	[dreg:$0x1] =	wrdreg $0xFFFFFFFF  }
0xc1: {  	_ =	task.clear_ibuf [dreg:s6], $0x2FFFF;
	_ =	strace $0x9FFFFFFF  }
0xc2: {  	(tm) =	ssettm $0x7FFFFFFF  }
0xc3: {  	_ =	shalt  }
tec
execute0_lowered:
.L_overlay_start_1:
0x0: {  	(tag) =	ssettag $0x1  }
0x1: {  	s0 =	rddreg [dreg:$0x0]  }
0x2: {  	s1 =	rddreg [dreg:$0x1];
	s3 =	simm.s32 $0x0;
	s2 =	srdreg.scid  }
0x3: {  	s12 =	stileid.u32;
	s28 =	simm.s32 $0x80;
	s29 =	simm.s32 $0x200  }
0x4: {  	s30 =	simm.s32 $0xC;
	s31 =	simm.s32 $0x1;
	[smem:$0x7FF] =	sst s3  }
0x5: {  	s2 =	sand.u32 $0x1, s2;
	s4 =	sadd.s32 $0xD400, s0;
	s7 =	smul.u32 $0x2710, s12  }
0x6: {  	s5 =	sadd.s32 $0x34600, s0;
	s8 =	sadd.s32 $0x3400, s0;
	s15 =	smul.u32 $0x4E000, s12  }
0x7: {  	s10 =	sadd.s32 $0x8400, s0;
	s13 =	smul.u32 $0x4E2, s12;
	p1 =	sne.s32 s12, $0xF  }
0x8: {  	p2 =	seq.s32 s12, $0xF;
	_ =	strace $0x8000004D;
	s6 =	ssub.s32 $0x2, s2  }
0x9: {  	p0 =	seq.s32 s2, $0x1;
	s9 =	sshrl.u32 s6, $0x1;
	s7 =	sshrl.u32 s7, $0x3  }
0xa: {  	s18 =	sshrl.u32 s15, $0x2;
	s15 =	smul.u32 $0x2700, s12;
	s11 =	sadd.s32 s8, s7  }
0xb: {  	s14 =	sadd.s32 $0x10, s7;
	s16 =	sadd.s32 s10, s7;
	[dreg:$0x3] =	wrdreg s11  }
0xc: {  	s12 =	simm.s32 $0x5;
	[dreg:$0x4] =	wrdreg s16;
	s17 =	sadd.s32 s8, s14  }
0xd: {  	s19 =	sadd.s32 $0x20, s7;
	s2 =	sadd.s32 s10, s14;
	[dreg:$0x5] =	wrdreg s17  }
0xe: {  	s6 =	ssub.s32 s6, s9;
	s20 =	sadd.s32 s8, s19;
	[dreg:$0x6] =	wrdreg s2  }
0xf: {  	s21 =	sadd.s32 $0x30, s7;
	s9 =	sadd.s32 s10, s19;
	[dreg:$0x7] =	wrdreg s20  }
0x10: {  	s23 =	sadd.s32 $0x4C0, s7;
	s22 =	sadd.s32 s8, s21;
	[dreg:$0x8] =	wrdreg s9  }
0x11: {  	s25 =	sadd.s32 $0x4D0, s7;
	s24 =	sadd.s32 s8, s23;
	[dreg:$0x9] =	wrdreg s22  }
0x12: {  	s7 =	sadd.s32 $0x4E0, s7;
	s26 =	sadd.s32 s8, s25;
	[dreg:$0xb] =	wrdreg s24  }
0x13: {  	s14 =	sadd.s32 s8, s7;
	s7 =	sadd.s32 s10, s7;
	[dreg:$0xd] =	wrdreg s26  }
0x14: {  	s16 =	sadd.s32 $0x5B800, s0;
	s19 =	sadd.s32 s4, s15;
	[dreg:$0xf] =	wrdreg s14  }
0x15: {  	s11 =	simm.s32 $0x8;
	s9 =	sadd.s32 s10, s21;
	[dreg:$0x10] =	wrdreg s7  }
0x16: {  	s20 =	sadd.s32 s13, s10;
	s21 =	sadd.s32 s13, s8;
	[dreg:$0x16] =	wrdreg s19  }
0x17: {  	s2 =	sadd.s32 s18, s1;
	s17 =	sadd.s32 $0x82A00, s0;
	[dreg:$0x12] =	wrdreg s16  }
0x18: {  	s18 =	sadd.s32 $0x34400, s0;
	s0 =	sadd.s32 $0x5B600, s0;
	[dreg:$0xa] =	wrdreg s9  }
0x19: {  	s22 =	sadd.s32 s16, s15;
	s26 =	sadd.s32 $0x138000, s1;
	[dreg:$0x11] =	wrdreg s2  }
0x1a: {  	s7 =	simm.s32 $0x4;
	s8 =	simm.s32 $0x2;
	[dreg:$0x14] =	wrdreg s18  }
0x1b: {  	s13 =	simm.s32 $0x3;
	s14 =	simm.s32 $0x8300;
	[dreg:$0x15] =	wrdreg s0  }
0x1c: {  	s16 =	simm.s32 $0x6;
	s9 =	sadd.s32 s10, s23;
	[dreg:$0x17] =	wrdreg s22  }
0x1d: {  	s23 =	sadd.s32 s5, s15;
	[dreg:$0x13] =	wrdreg s17;
	s24 =	sadd.s32 s17, s15  }
0x1e: {  	[dreg:$0x1b] =	wrdreg s26;
	s26 =	simm.s32 $0x180;
	s2 =	simm.s32 $0x280  }
.Ltmp0:
0x1f: {  	s15 =	simm.s32 $0x9;
	[dreg:$0xc] =	wrdreg s9;
	(pc) =	sbr.rel .LBB2_1-.Ltmp0, $4  }
0x20: {  	s22 =	simm.s32 $0x0;
	s9 =	sadd.s32 s10, s25;
	[dreg:$0x18] =	wrdreg s23  }
0x21: {  	[dreg:$0x19] =	wrdreg s24;
	s25 =	smax.u32 s6, $0x1;
	s23 =	simm.s32 $0x300  }
0x22: {  	s24 =	simm.s32 $0x100;
	s6 =	simm.s32 $0x7;
	[dreg:$0xe] =	wrdreg s9  }
0x23: {  	s10 =	simm.s32 $0xA;
	[dreg:$0x1a] =	wrdreg s25;
	s9 =	simm.s32 $0x4300  }
.LBB2_8:
0x24: {  	s25 =	rddreg [dreg:$0x1b]  }
0x25: {  	s0 =	sadd.s32 $0x27000, s17;
	s17 =	sshrl.u32 s25, $0x3  }
0x26: {  	[hbm:s0], [sflag:s18] =	dma.local [spmem:s17], $0x100  }
0x27: {  	_ =	swait.ge [sflag:s30], $0x100  }
0x28: {  	[sflag:s30] =	ssyncset.done $0x0  }
0x29: {  	[sflag:s30] =	ssyncadd.s32 $0xFFFFFF00  }
.LBB2_9:
0x2a: {  	s22 =	sadd.s32 $0x1, s22;
	s0 =	rddreg [dreg:$0x1a]  }
0x2b: {  	p3 =	sne.s32 s22, s0  }
.Ltmp1:
0x2c: {  	_ = 	snop;
	(pc) =	sbr.rel @!p3 .LBB2_10-.Ltmp1, $1  }
0x2d: {  	_ =	sdelay $0x3  }
.LBB2_1:
0x2e: {  	s0 =	rddreg [dreg:$0x3]  }
0x2f: {  	s25 =	rddreg [dreg:$0x4]  }
0x30: {  	s17 =	rddreg [dreg:$0x5]  }
0x31: {  	[tilespmem:s3], [sflag:$0x1] =	stream.linear.gather [hbm4b:s0+s3], $0x80, $0x38;
	[tilespmem:$0x1FC00] =	vst v63  }
0x32: {  	s18 =	rddreg [dreg:$0x6];
	s19 =	stileid.u32  }
0x33: {  	[tilespmem:s26], [sflag:$0x4] =	stream.linear.gather [hbm4b:s25+s3], $0x80, $0x38;
	[tilespmem:$0x1FC00] =	vst v63  }
.Ltmp2:
0x34: {  	s25 =	rddreg [dreg:$0x11];
	(pc) =	sbr.rel @!p0 .LBB2_2-.Ltmp2, $4  }
0x35: {  	[tilespmem:s28], [sflag:$0x2] =	stream.linear.gather [hbm4b:s17+s3], $0x80, $0x38;
	[tilespmem:$0x1FC00] =	vst v63  }
0x36: {  	s19 =	sshll.u32 s19, $0x6;
	s0 =	rddreg [dreg:$0x1b];
	s25 =	sshrl.u32 s25, $0x3  }
0x37: {  	[tilespmem:s29], [sflag:$0x5] =	stream.linear.gather [hbm4b:s18+s3], $0x80, $0x38;
	[tilespmem:$0x1FC00] =	vst v63  }
0x38: {  	s17 =	sor.u32 $0x1C0C, s19;
	[dreg:$0x1d] =	wrdreg s25;
	s18 =	sshrl.u32 @!p1 s0, $0x3  }
0x39: {  	s17 =	sor.u32 $0x1C0C, s19;
	s0 =	rddreg [dreg:$0x18]  }
0x3a: {  	[spmem:s25], [sflag:s17] =	dma.local [hbm:s0], $0x2700  }
0x3b: {  	_ =	swait.ge [sflag:s30], $0x2700  }
0x3c: {  	[dreg:$0x1c] =	wrdreg s17;
	[sflag:s30] =	ssyncset.done $0x0  }
0x3d: {  	s0 =	rddreg [dreg:$0x15];
	[sflag:s30] =	ssyncadd.s32 $0xFFFFD900  }
0x3e: {  	[spmem:s18], [sflag:s17] =	dma.local @!p1 [hbm:s0], $0x100  }
0x3f: {  	s17 =	simm.s32 @!p1 $0xC  }
0x40: {  	_ =	swait.ge @!p1 [sflag:s17], $0x100  }
0x41: {  	[sflag:s17] =	ssyncset.done @!p1 $0x0  }
0x42: {  	[sflag:s17] =	ssyncadd.s32 @!p1 $0xFFFFFF00  }
0x43: {  	_ =	swait.ge [sflag:s31], $0x80  }
0x44: {  	[sflag:s31] =	ssyncset.done $0x0  }
0x45: {  	s17 =	simm.s32 $0x0;
	[sflag:s31] =	ssyncadd.s32 $0xFFFFFF80  }
0x46: {  	[tilespmem:s23], [sflag:$0x7] =	stream.indirect.gather [hbm4b:s5+s28], $0x80, s17, s28, $0xb8;
	[tilespmem:$0x1FC00] =	vst v63  }
0x47: {  	[bflag:$0x0] =	sbarrier.arrive $0xFFFF  }
0x48: {  	s19 =	rddreg [dreg:$0x7]  }
0x49: {  	[tilespmem:s24], [sflag:$0x3] =	stream.linear.gather [hbm4b:s19+s17], $0x80, $0x38;
	[tilespmem:$0x1FC00] =	vst v63  }
0x4a: {  	s25 =	rddreg [dreg:$0x8]  }
0x4b: {  	[tilespmem:s2], [sflag:$0x6] =	stream.linear.gather [hbm4b:s25+s17], $0x80, $0x38;
	[tilespmem:$0x1FC00] =	vst v63  }
0x4c: {  	_ =	swait.ge [sflag:s6], $0x4000  }
0x4d: {  	[sflag:s6] =	ssyncset.done $0x0  }
0x4e: {  	[sflag:s6] =	ssyncadd.s32 $0xFFFFC000  }
0x4f: {  	_ =	swait.ge [sflag:s7], $0x80  }
0x50: {  	[sflag:s7] =	ssyncset.done $0x0  }
0x51: {  	[sflag:s7] =	ssyncadd.s32 $0xFFFFFF80  }
0x52: {  	[spmem:s1] =	stream.indirect.scatter.add.f32 [tilespmem:s23], [sflag:$0xA], $0x80, s26, s28, $0xb8;
	[tilespmem:$0x1FC00] =	vst v63  }
0x53: {  	_ =	swait.ge [sflag:s8], $0x80  }
0x54: {  	[sflag:s8] =	ssyncset.done $0x0  }
0x55: {  	[sflag:s8] =	ssyncadd.s32 $0xFFFFFF80  }
0x56: {  	[tilespmem:s9], [sflag:$0x8] =	stream.indirect.gather [hbm4b:s5+s28], $0x80, s28, s28, $0xb8;
	[tilespmem:$0x1FC00] =	vst v63  }
0x57: {  	_ =	swait.ge [sflag:s10], $0x4000  }
0x58: {  	[sflag:s10] =	ssyncset.done $0x0  }
0x59: {  	s18 =	rddreg [dreg:$0x9];
	[sflag:s10] =	ssyncadd.s32 $0xFFFFC000  }
0x5a: {  	[tilespmem:s17], [sflag:$0x1] =	stream.linear.gather [hbm4b:s18+s17], $0x80, $0x38;
	[tilespmem:$0x1FC00] =	vst v63  }
0x5b: {  	s19 =	rddreg [dreg:$0xa]  }
0x5c: {  	[tilespmem:s26], [sflag:$0x4] =	stream.linear.gather [hbm4b:s19+s17], $0x80, $0x38;
	[tilespmem:$0x1FC00] =	vst v63  }
0x5d: {  	_ =	swait.ge [sflag:s11], $0x4000  }
0x5e: {  	[sflag:s11] =	ssyncset.done $0x0  }
0x5f: {  	[sflag:s11] =	ssyncadd.s32 $0xFFFFC000  }
0x60: {  	_ =	swait.ge [sflag:s12], $0x80  }
0x61: {  	[sflag:s12] =	ssyncset.done $0x0  }
0x62: {  	[sflag:s12] =	ssyncadd.s32 $0xFFFFFF80  }
0x63: {  	[spmem:s1] =	stream.indirect.scatter.add.f32 [tilespmem:s9], [sflag:$0xA], $0x80, s29, s28, $0xb8;
	[tilespmem:$0x1FC00] =	vst v63  }
0x64: {  	_ =	swait.ge [sflag:s13], $0x80  }
0x65: {  	[sflag:s13] =	ssyncset.done $0x0  }
0x66: {  	[sflag:s13] =	ssyncadd.s32 $0xFFFFFF80  }
0x67: {  	[tilespmem:s14], [sflag:$0x9] =	stream.indirect.gather [hbm4b:s5+s28], $0x80, s24, s28, $0xb8;
	[tilespmem:$0x1FC00] =	vst v63  }
0x68: {  	_ =	swait.ge [sflag:s10], $0x4000  }
0x69: {  	s17 =	sadd.s32 $0x0, s21;
	[sflag:s10] =	ssyncset.done $0x0  }
0x6a: {  	s19 =	sadd.s32 $0x0, s20;
	s25 =	sadd.s32 $0x40, s17;
	[sflag:s10] =	ssyncadd.s32 $0xFFFFC000  }
0x6b: {  	[tilespmem:s28], [sflag:$0x2] =	stream.linear.gather [hbm4b:s25+s3], $0x80, $0x38;
	[tilespmem:$0x1FC00] =	vst v63  }
0x6c: {  	s0 =	sadd.s32 $0x40, s19  }
0x6d: {  	[tilespmem:s29], [sflag:$0x5] =	stream.linear.gather [hbm4b:s0+s3], $0x80, $0x38;
	[tilespmem:$0x1FC00] =	vst v63  }
0x6e: {  	_ =	swait.ge [sflag:s15], $0x4000  }
0x6f: {  	[sflag:s15] =	ssyncset.done $0x0  }
0x70: {  	[sflag:s15] =	ssyncadd.s32 $0xFFFFC000  }
0x71: {  	_ =	swait.ge [sflag:s16], $0x80  }
0x72: {  	[sflag:s16] =	ssyncset.done $0x0  }
0x73: {  	[sflag:s16] =	ssyncadd.s32 $0xFFFFFF80  }
0x74: {  	[spmem:s1] =	stream.indirect.scatter.add.f32 [tilespmem:s14], [sflag:$0xA], $0x80, s2, s28, $0xb8;
	[tilespmem:$0x1FC00] =	vst v63  }
0x75: {  	_ =	swait.ge [sflag:s31], $0x80  }
0x76: {  	[sflag:s31] =	ssyncset.done $0x0  }
0x77: {  	[sflag:s31] =	ssyncadd.s32 $0xFFFFFF80  }
0x78: {  	[tilespmem:s23], [sflag:$0x7] =	stream.indirect.gather [hbm4b:s5+s28], $0x80, s3, s28, $0xb8;
	[tilespmem:$0x1FC00] =	vst v63  }
0x79: {  	_ =	swait.ge [sflag:s10], $0x4000  }
0x7a: {  	[sflag:s10] =	ssyncset.done $0x0  }
0x7b: {  	s25 =	sadd.s32 $0x50, s17;
	[sflag:s10] =	ssyncadd.s32 $0xFFFFC000  }
0x7c: {  	[tilespmem:s24], [sflag:$0x3] =	stream.linear.gather [hbm4b:s25+s3], $0x80, $0x38;
	[tilespmem:$0x1FC00] =	vst v63  }
0x7d: {  	s0 =	sadd.s32 $0x50, s19  }
0x7e: {  	[tilespmem:s2], [sflag:$0x6] =	stream.linear.gather [hbm4b:s0+s3], $0x80, $0x38;
	[tilespmem:$0x1FC00] =	vst v63  }
0x7f: {  	_ =	swait.ge [sflag:s6], $0x4000  }
0x80: {  	[sflag:s6] =	ssyncset.done $0x0  }
0x81: {  	[sflag:s6] =	ssyncadd.s32 $0xFFFFC000  }
0x82: {  	_ =	swait.ge [sflag:s7], $0x80  }
0x83: {  	[sflag:s7] =	ssyncset.done $0x0  }
0x84: {  	[sflag:s7] =	ssyncadd.s32 $0xFFFFFF80  }
0x85: {  	[spmem:s1] =	stream.indirect.scatter.add.f32 [tilespmem:s23], [sflag:$0xA], $0x80, s26, s28, $0xb8;
	[tilespmem:$0x1FC00] =	vst v63  }
0x86: {  	_ =	swait.ge [sflag:s8], $0x80  }
0x87: {  	[sflag:s8] =	ssyncset.done $0x0  }
0x88: {  	[sflag:s8] =	ssyncadd.s32 $0xFFFFFF80  }
0x89: {  	[tilespmem:s9], [sflag:$0x8] =	stream.indirect.gather [hbm4b:s5+s28], $0x80, s28, s28, $0xb8;
	[tilespmem:$0x1FC00] =	vst v63  }
0x8a: {  	_ =	swait.ge [sflag:s10], $0x4000  }
0x8b: {  	[sflag:s10] =	ssyncset.done $0x0  }
0x8c: {  	s17 =	sadd.s32 $0x60, s17;
	[sflag:s10] =	ssyncadd.s32 $0xFFFFC000  }
0x8d: {  	[tilespmem:s3], [sflag:$0x1] =	stream.linear.gather [hbm4b:s17+s3], $0x80, $0x38;
	[tilespmem:$0x1FC00] =	vst v63  }
0x8e: {  	s25 =	sadd.s32 $0x60, s19  }
0x8f: {  	[tilespmem:s26], [sflag:$0x4] =	stream.linear.gather [hbm4b:s25+s3], $0x80, $0x38;
	[tilespmem:$0x1FC00] =	vst v63  }
0x90: {  	_ =	swait.ge [sflag:s11], $0x4000  }
0x91: {  	[sflag:s11] =	ssyncset.done $0x0  }
0x92: {  	[sflag:s11] =	ssyncadd.s32 $0xFFFFC000  }
0x93: {  	_ =	swait.ge [sflag:s12], $0x80  }
0x94: {  	[sflag:s12] =	ssyncset.done $0x0  }
0x95: {  	[sflag:s12] =	ssyncadd.s32 $0xFFFFFF80  }
0x96: {  	[spmem:s1] =	stream.indirect.scatter.add.f32 [tilespmem:s9], [sflag:$0xA], $0x80, s29, s28, $0xb8;
	[tilespmem:$0x1FC00] =	vst v63  }
0x97: {  	_ =	swait.ge [sflag:s13], $0x80  }
0x98: {  	[sflag:s13] =	ssyncset.done $0x0  }
0x99: {  	s18 =	simm.s32 $0x30;
	[sflag:s13] =	ssyncadd.s32 $0xFFFFFF80  }
.LBB2_6:
0x9a: {  	[tilespmem:s14], [sflag:$0x9] =	stream.indirect.gather [hbm4b:s5+s28], $0x80, s24, s28, $0xb8;
	[tilespmem:$0x1FC00] =	vst v63  }
0x9b: {  	s17 =	smov.u32 s18  }
0x9c: {  	p3 =	sne.s32 s18, $0x450;
	s18 =	sadd.s32 $0x30, s18;
	_ =	swait.ge [sflag:s10], $0x4000  }
0x9d: {  	s19 =	sadd.s32 s17, s21;
	[sflag:s10] =	ssyncset.done $0x0  }
0x9e: {  	s25 =	sadd.s32 s17, s20;
	s0 =	sadd.s32 $0x40, s19;
	[sflag:s10] =	ssyncadd.s32 $0xFFFFC000  }
0x9f: {  	[tilespmem:s28], [sflag:$0x2] =	stream.linear.gather [hbm4b:s0+s3], $0x80, $0x38;
	[tilespmem:$0x1FC00] =	vst v63  }
0xa0: {  	s0 =	sadd.s32 $0x40, s25  }
0xa1: {  	[tilespmem:s29], [sflag:$0x5] =	stream.linear.gather [hbm4b:s0+s3], $0x80, $0x38;
	[tilespmem:$0x1FC00] =	vst v63  }
0xa2: {  	_ =	swait.ge [sflag:s15], $0x4000  }
0xa3: {  	[sflag:s15] =	ssyncset.done $0x0  }
0xa4: {  	[sflag:s15] =	ssyncadd.s32 $0xFFFFC000  }
0xa5: {  	_ =	swait.ge [sflag:s16], $0x80  }
0xa6: {  	[sflag:s16] =	ssyncset.done $0x0  }
0xa7: {  	[sflag:s16] =	ssyncadd.s32 $0xFFFFFF80  }
0xa8: {  	[spmem:s1] =	stream.indirect.scatter.add.f32 [tilespmem:s14], [sflag:$0xA], $0x80, s2, s28, $0xb8;
	[tilespmem:$0x1FC00] =	vst v63  }
0xa9: {  	_ =	swait.ge [sflag:s31], $0x80  }
0xaa: {  	[sflag:s31] =	ssyncset.done $0x0  }
0xab: {  	[sflag:s31] =	ssyncadd.s32 $0xFFFFFF80  }
0xac: {  	[tilespmem:s23], [sflag:$0x7] =	stream.indirect.gather [hbm4b:s5+s28], $0x80, s3, s28, $0xb8;
	[tilespmem:$0x1FC00] =	vst v63  }
0xad: {  	_ =	swait.ge [sflag:s10], $0x4000  }
0xae: {  	[sflag:s10] =	ssyncset.done $0x0  }
0xaf: {  	s0 =	sadd.s32 $0x50, s19;
	[sflag:s10] =	ssyncadd.s32 $0xFFFFC000  }
0xb0: {  	[tilespmem:s24], [sflag:$0x3] =	stream.linear.gather [hbm4b:s0+s3], $0x80, $0x38;
	[tilespmem:$0x1FC00] =	vst v63  }
0xb1: {  	s0 =	sadd.s32 $0x50, s25  }
0xb2: {  	[tilespmem:s2], [sflag:$0x6] =	stream.linear.gather [hbm4b:s0+s3], $0x80, $0x38;
	[tilespmem:$0x1FC00] =	vst v63  }
0xb3: {  	_ =	swait.ge [sflag:s6], $0x4000  }
0xb4: {  	[sflag:s6] =	ssyncset.done $0x0  }
0xb5: {  	[sflag:s6] =	ssyncadd.s32 $0xFFFFC000  }
0xb6: {  	_ =	swait.ge [sflag:s7], $0x80  }
0xb7: {  	[sflag:s7] =	ssyncset.done $0x0  }
0xb8: {  	[sflag:s7] =	ssyncadd.s32 $0xFFFFFF80  }
0xb9: {  	[spmem:s1] =	stream.indirect.scatter.add.f32 [tilespmem:s23], [sflag:$0xA], $0x80, s26, s28, $0xb8;
	[tilespmem:$0x1FC00] =	vst v63  }
0xba: {  	_ =	swait.ge [sflag:s8], $0x80  }
0xbb: {  	[sflag:s8] =	ssyncset.done $0x0  }
0xbc: {  	[sflag:s8] =	ssyncadd.s32 $0xFFFFFF80  }
0xbd: {  	[tilespmem:s9], [sflag:$0x8] =	stream.indirect.gather [hbm4b:s5+s28], $0x80, s28, s28, $0xb8;
	[tilespmem:$0x1FC00] =	vst v63  }
0xbe: {  	_ =	swait.ge [sflag:s10], $0x4000  }
0xbf: {  	[sflag:s10] =	ssyncset.done $0x0  }
0xc0: {  	s0 =	sadd.s32 $0x60, s19;
	[sflag:s10] =	ssyncadd.s32 $0xFFFFC000  }
0xc1: {  	[tilespmem:s3], [sflag:$0x1] =	stream.linear.gather [hbm4b:s0+s3], $0x80, $0x38;
	[tilespmem:$0x1FC00] =	vst v63  }
0xc2: {  	s0 =	sadd.s32 $0x60, s25  }
0xc3: {  	[tilespmem:s26], [sflag:$0x4] =	stream.linear.gather [hbm4b:s0+s3], $0x80, $0x38;
	[tilespmem:$0x1FC00] =	vst v63  }
0xc4: {  	_ =	swait.ge [sflag:s11], $0x4000  }
0xc5: {  	[sflag:s11] =	ssyncset.done $0x0  }
0xc6: {  	[sflag:s11] =	ssyncadd.s32 $0xFFFFC000  }
0xc7: {  	_ =	swait.ge [sflag:s12], $0x80  }
0xc8: {  	[sflag:s12] =	ssyncset.done $0x0  }
.Ltmp3:
0xc9: {  	[sflag:s12] =	ssyncadd.s32 $0xFFFFFF80;
	(pc) =	sbr.rel @p3 .LBB2_6-.Ltmp3, $4  }
0xca: {  	[spmem:s1] =	stream.indirect.scatter.add.f32 [tilespmem:s9], [sflag:$0xA], $0x80, s29, s28, $0xb8;
	[tilespmem:$0x1FC00] =	vst v63  }
0xcb: {  	_ =	swait.ge [sflag:s13], $0x80  }
0xcc: {  	[sflag:s13] =	ssyncset.done $0x0  }
0xcd: {  	[sflag:s13] =	ssyncadd.s32 $0xFFFFFF80  }
0xce: {  	[tilespmem:s14], [sflag:$0x9] =	stream.indirect.gather [hbm4b:s5+s28], $0x80, s24, s28, $0xb8;
	[tilespmem:$0x1FC00] =	vst v63  }
0xcf: {  	_ =	swait.ge [sflag:s10], $0x4000  }
0xd0: {  	[sflag:s10] =	ssyncset.done $0x0  }
0xd1: {  	s0 =	rddreg [dreg:$0xb];
	[sflag:s10] =	ssyncadd.s32 $0xFFFFC000  }
0xd2: {  	[tilespmem:s28], [sflag:$0x2] =	stream.linear.gather [hbm4b:s0+s3], $0x80, $0x38;
	[tilespmem:$0x1FC00] =	vst v63  }
0xd3: {  	s19 =	rddreg [dreg:$0xc]  }
0xd4: {  	[tilespmem:s29], [sflag:$0x5] =	stream.linear.gather [hbm4b:s19+s3], $0x80, $0x38;
	[tilespmem:$0x1FC00] =	vst v63  }
0xd5: {  	_ =	swait.ge [sflag:s15], $0x4000  }
0xd6: {  	[sflag:s15] =	ssyncset.done $0x0  }
0xd7: {  	[sflag:s15] =	ssyncadd.s32 $0xFFFFC000  }
0xd8: {  	_ =	swait.ge [sflag:s16], $0x80  }
0xd9: {  	[sflag:s16] =	ssyncset.done $0x0  }
0xda: {  	[sflag:s16] =	ssyncadd.s32 $0xFFFFFF80  }
0xdb: {  	[spmem:s1] =	stream.indirect.scatter.add.f32 [tilespmem:s14], [sflag:$0xA], $0x80, s2, s28, $0xb8;
	[tilespmem:$0x1FC00] =	vst v63  }
0xdc: {  	_ =	swait.ge [sflag:s31], $0x80  }
0xdd: {  	[sflag:s31] =	ssyncset.done $0x0  }
0xde: {  	[sflag:s31] =	ssyncadd.s32 $0xFFFFFF80  }
0xdf: {  	[tilespmem:s23], [sflag:$0x7] =	stream.indirect.gather [hbm4b:s5+s28], $0x80, s3, s28, $0xb8;
	[tilespmem:$0x1FC00] =	vst v63  }
0xe0: {  	_ =	swait.ge [sflag:s10], $0x4000  }
0xe1: {  	[sflag:s10] =	ssyncset.done $0x0  }
0xe2: {  	s25 =	rddreg [dreg:$0xd];
	[sflag:s10] =	ssyncadd.s32 $0xFFFFC000  }
0xe3: {  	[tilespmem:s24], [sflag:$0x3] =	stream.linear.gather [hbm4b:s25+s3], $0x80, $0x38;
	[tilespmem:$0x1FC00] =	vst v63  }
0xe4: {  	s17 =	rddreg [dreg:$0xe]  }
0xe5: {  	[tilespmem:s2], [sflag:$0x6] =	stream.linear.gather [hbm4b:s17+s3], $0x80, $0x38;
	[tilespmem:$0x1FC00] =	vst v63  }
0xe6: {  	_ =	swait.ge [sflag:s6], $0x4000  }
0xe7: {  	[sflag:s6] =	ssyncset.done $0x0  }
0xe8: {  	[sflag:s6] =	ssyncadd.s32 $0xFFFFC000  }
0xe9: {  	_ =	swait.ge [sflag:s7], $0x80  }
0xea: {  	[sflag:s7] =	ssyncset.done $0x0  }
0xeb: {  	[sflag:s7] =	ssyncadd.s32 $0xFFFFFF80  }
0xec: {  	[spmem:s1] =	stream.indirect.scatter.add.f32 [tilespmem:s23], [sflag:$0xA], $0x80, s26, s28, $0xb8;
	[tilespmem:$0x1FC00] =	vst v63  }
0xed: {  	_ =	swait.ge [sflag:s8], $0x80  }
0xee: {  	[sflag:s8] =	ssyncset.done $0x0  }
0xef: {  	[sflag:s8] =	ssyncadd.s32 $0xFFFFFF80  }
0xf0: {  	[tilespmem:s9], [sflag:$0x8] =	stream.indirect.gather [hbm4b:s5+s28], $0x80, s28, s28, $0xb8;
	[tilespmem:$0x1FC00] =	vst v63  }
0xf1: {  	_ =	swait.ge [sflag:s10], $0x4000  }
0xf2: {  	[sflag:s10] =	ssyncset.done $0x0  }
0xf3: {  	[sflag:s10] =	ssyncadd.s32 $0xFFFFC000  }
0xf4: {  	_ =	swait.ge [sflag:s11], $0x4000  }
0xf5: {  	[sflag:s11] =	ssyncset.done $0x0  }
0xf6: {  	[sflag:s11] =	ssyncadd.s32 $0xFFFFC000  }
0xf7: {  	_ =	swait.ge [sflag:s12], $0x80  }
0xf8: {  	[sflag:s12] =	ssyncset.done $0x0  }
0xf9: {  	[sflag:s12] =	ssyncadd.s32 $0xFFFFFF80  }
0xfa: {  	[spmem:s1] =	stream.indirect.scatter.add.f32 [tilespmem:s9], [sflag:$0xA], $0x80, s29, s28, $0xb8;
	[tilespmem:$0x1FC00] =	vst v63  }
0xfb: {  	_ =	swait.ge [sflag:s13], $0x80  }
0xfc: {  	[sflag:s13] =	ssyncset.done $0x0  }
0xfd: {  	[sflag:s13] =	ssyncadd.s32 $0xFFFFFF80  }
0xfe: {  	[tilespmem:s14], [sflag:$0x9] =	stream.indirect.gather [hbm4b:s5+s28], $0x80, s24, s28, $0xb8;
	[tilespmem:$0x1FC00] =	vst v63  }
0xff: {  	_ =	swait.ge [sflag:s10], $0x4000  }
0x100: {  	[sflag:s10] =	ssyncset.done $0x0  }
0x101: {  	[sflag:s10] =	ssyncadd.s32 $0xFFFFC000  }
0x102: {  	_ =	swait.ge [sflag:s15], $0x4000  }
0x103: {  	[sflag:s15] =	ssyncset.done $0x0  }
0x104: {  	[sflag:s15] =	ssyncadd.s32 $0xFFFFC000  }
0x105: {  	_ =	swait.ge [sflag:s16], $0x80  }
0x106: {  	[sflag:s16] =	ssyncset.done $0x0  }
0x107: {  	[sflag:s16] =	ssyncadd.s32 $0xFFFFFF80  }
0x108: {  	[spmem:s1] =	stream.indirect.scatter.add.f32 [tilespmem:s14], [sflag:$0xA], $0x80, s2, s28, $0xb8;
	[tilespmem:$0x1FC00] =	vst v63  }
0x109: {  	_ =	swait.ge [sflag:s10], $0x4000  }
0x10a: {  	[sflag:s10] =	ssyncset.done $0x0  }
0x10b: {  	s18 =	rddreg [dreg:$0xf];
	[sflag:s10] =	ssyncadd.s32 $0xFFFFC000  }
0x10c: {  	[tilespmem:s3], [sflag:$0xC] =	stream.linear.gather [hbm4b:s18+s3], $0x10, $0x38;
	[tilespmem:$0x1FC00] =	vst v63  }
0x10d: {  	_ =	swait.ge [sflag:s30], $0x10  }
0x10e: {  	[sflag:s30] =	ssyncset.done $0x0  }
0x10f: {  	s17 =	simm.s32 $0xC300;
	s19 =	rddreg [dreg:$0x10];
	[sflag:s30] =	ssyncadd.s32 $0xFFFFFFF0  }
0x110: {  	[tilespmem:s17], [sflag:$0xC] =	stream.linear.gather [hbm4b:s19+s3], $0x10, $0x38;
	[tilespmem:$0x1FC00] =	vst v63  }
0x111: {  	_ =	swait.ge [sflag:s30], $0x10  }
0x112: {  	[sflag:s30] =	ssyncset.done $0x0  }
0x113: {  	s25 =	simm.s32 $0x10;
	s18 =	simm.s32 $0xB;
	[sflag:s30] =	ssyncadd.s32 $0xFFFFFFF0  }
0x114: {  	[tilespmem:s23], [sflag:$0xB] =	stream.indirect.gather [hbm4b:s5+s25], $0x80, s3, s25, $0xb8;
	[tilespmem:$0x1FC00] =	vst v63  }
0x115: {  	_ =	swait.ge [sflag:s18], $0x800  }
0x116: {  	[sflag:s18] =	ssyncset.done $0x0  }
0x117: {  	[sflag:s18] =	ssyncadd.s32 $0xFFFFF800  }
0x118: {  	[spmem:s1] =	stream.indirect.scatter.add.f32 [tilespmem:s23], [sflag:$0xC], $0x80, s17, s25, $0xb8;
	[tilespmem:$0x1FC00] =	vst v63  }
0x119: {  	_ =	swait.ge [sflag:s30], $0x800  }
0x11a: {  	[sflag:s30] =	ssyncset.done $0x0  }
0x11b: {  	[sflag:s30] =	ssyncadd.s32 $0xFFFFF800  }
0x11c: {  	[bflag:$0x0] =	sbarrier.arrive $0xFFFF  }
0x11d: {  	s19 =	rddreg [dreg:$0x19]  }
0x11e: {  	s18 =	rddreg [dreg:$0x1c]  }
0x11f: {  	s25 =	rddreg [dreg:$0x1d]  }
0x120: {  	[hbm:s19], [sflag:s18] =	dma.local [spmem:s25], $0x2700  }
.Ltmp4:
0x121: {  	_ = 	snop;
	(pc) =	sbr.rel @p1 .LBB2_9-.Ltmp4, $4  }
.Ltmp5:
0x122: {  	_ = 	snop;
	(pc) =	sbr.rel @!p1 .LBB2_8-.Ltmp5, $4  }
0x123: {  	_ =	swait.ge [sflag:s30], $0x2700  }
0x124: {  	[sflag:s30] =	ssyncset.done $0x0  }
0x125: {  	s17 =	rddreg [dreg:$0x13];
	[sflag:s30] =	ssyncadd.s32 $0xFFFFD900  }
0x126: {  	_ = 	snop  }
.LBB2_2:
0x127: {  	s0 =	rddreg [dreg:$0x16]  }
0x128: {  	[spmem:s25], [sflag:s17] =	dma.local [hbm:s0], $0x2700  }
0x129: {  	_ =	swait.ge [sflag:s30], $0x2700  }
0x12a: {  	[dreg:$0x1c] =	wrdreg s17;
	[sflag:s30] =	ssyncset.done $0x0  }
0x12b: {  	s0 =	rddreg [dreg:$0x14];
	[sflag:s30] =	ssyncadd.s32 $0xFFFFD900  }
0x12c: {  	[spmem:s18], [sflag:s17] =	dma.local @!p1 [hbm:s0], $0x100  }
0x12d: {  	s18 =	simm.s32 @!p1 $0xC  }
0x12e: {  	_ =	swait.ge @!p1 [sflag:s18], $0x100  }
0x12f: {  	[sflag:s18] =	ssyncset.done @!p1 $0x0  }
0x130: {  	[sflag:s18] =	ssyncadd.s32 @!p1 $0xFFFFFF00  }
0x131: {  	_ =	swait.ge [sflag:s31], $0x80  }
0x132: {  	[sflag:s31] =	ssyncset.done $0x0  }
0x133: {  	s18 =	simm.s32 $0x0;
	[sflag:s31] =	ssyncadd.s32 $0xFFFFFF80  }
0x134: {  	[tilespmem:s23], [sflag:$0x7] =	stream.indirect.gather [hbm4b:s4+s28], $0x80, s18, s28, $0xb8;
	[tilespmem:$0x1FC00] =	vst v63  }
0x135: {  	[bflag:$0x0] =	sbarrier.arrive $0xFFFF  }
0x136: {  	s25 =	rddreg [dreg:$0x7]  }
0x137: {  	[tilespmem:s24], [sflag:$0x3] =	stream.linear.gather [hbm4b:s25+s18], $0x80, $0x38;
	[tilespmem:$0x1FC00] =	vst v63  }
0x138: {  	s17 =	rddreg [dreg:$0x8]  }
0x139: {  	[tilespmem:s2], [sflag:$0x6] =	stream.linear.gather [hbm4b:s17+s18], $0x80, $0x38;
	[tilespmem:$0x1FC00] =	vst v63  }
0x13a: {  	_ =	swait.ge [sflag:s6], $0x4000  }
0x13b: {  	[sflag:s6] =	ssyncset.done $0x0  }
0x13c: {  	[sflag:s6] =	ssyncadd.s32 $0xFFFFC000  }
0x13d: {  	_ =	swait.ge [sflag:s7], $0x80  }
0x13e: {  	[sflag:s7] =	ssyncset.done $0x0  }
0x13f: {  	[sflag:s7] =	ssyncadd.s32 $0xFFFFFF80  }
0x140: {  	[spmem:s1] =	stream.indirect.scatter.add.f32 [tilespmem:s23], [sflag:$0xA], $0x80, s26, s28, $0xb8;
	[tilespmem:$0x1FC00] =	vst v63  }
0x141: {  	_ =	swait.ge [sflag:s8], $0x80  }
0x142: {  	[sflag:s8] =	ssyncset.done $0x0  }
0x143: {  	[sflag:s8] =	ssyncadd.s32 $0xFFFFFF80  }
0x144: {  	[tilespmem:s9], [sflag:$0x8] =	stream.indirect.gather [hbm4b:s4+s28], $0x80, s28, s28, $0xb8;
	[tilespmem:$0x1FC00] =	vst v63  }
0x145: {  	_ =	swait.ge [sflag:s10], $0x4000  }
0x146: {  	[sflag:s10] =	ssyncset.done $0x0  }
0x147: {  	s19 =	rddreg [dreg:$0x9];
	[sflag:s10] =	ssyncadd.s32 $0xFFFFC000  }
0x148: {  	[tilespmem:s18], [sflag:$0x1] =	stream.linear.gather [hbm4b:s19+s18], $0x80, $0x38;
	[tilespmem:$0x1FC00] =	vst v63  }
0x149: {  	s25 =	rddreg [dreg:$0xa]  }
0x14a: {  	[tilespmem:s26], [sflag:$0x4] =	stream.linear.gather [hbm4b:s25+s18], $0x80, $0x38;
	[tilespmem:$0x1FC00] =	vst v63  }
0x14b: {  	_ =	swait.ge [sflag:s11], $0x4000  }
0x14c: {  	[sflag:s11] =	ssyncset.done $0x0  }
0x14d: {  	[sflag:s11] =	ssyncadd.s32 $0xFFFFC000  }
0x14e: {  	_ =	swait.ge [sflag:s12], $0x80  }
0x14f: {  	[sflag:s12] =	ssyncset.done $0x0  }
0x150: {  	[sflag:s12] =	ssyncadd.s32 $0xFFFFFF80  }
0x151: {  	[spmem:s1] =	stream.indirect.scatter.add.f32 [tilespmem:s9], [sflag:$0xA], $0x80, s29, s28, $0xb8;
	[tilespmem:$0x1FC00] =	vst v63  }
0x152: {  	_ =	swait.ge [sflag:s13], $0x80  }
0x153: {  	[sflag:s13] =	ssyncset.done $0x0  }
0x154: {  	[sflag:s13] =	ssyncadd.s32 $0xFFFFFF80  }
0x155: {  	[tilespmem:s14], [sflag:$0x9] =	stream.indirect.gather [hbm4b:s4+s28], $0x80, s24, s28, $0xb8;
	[tilespmem:$0x1FC00] =	vst v63  }
0x156: {  	_ =	swait.ge [sflag:s10], $0x4000  }
0x157: {  	s18 =	sadd.s32 $0x0, s21;
	[sflag:s10] =	ssyncset.done $0x0  }
0x158: {  	s25 =	sadd.s32 $0x0, s20;
	s19 =	sadd.s32 $0x40, s18;
	[sflag:s10] =	ssyncadd.s32 $0xFFFFC000  }
0x159: {  	[tilespmem:s28], [sflag:$0x2] =	stream.linear.gather [hbm4b:s19+s3], $0x80, $0x38;
	[tilespmem:$0x1FC00] =	vst v63  }
0x15a: {  	s17 =	sadd.s32 $0x40, s25  }
0x15b: {  	[tilespmem:s29], [sflag:$0x5] =	stream.linear.gather [hbm4b:s17+s3], $0x80, $0x38;
	[tilespmem:$0x1FC00] =	vst v63  }
0x15c: {  	_ =	swait.ge [sflag:s15], $0x4000  }
0x15d: {  	[sflag:s15] =	ssyncset.done $0x0  }
0x15e: {  	[sflag:s15] =	ssyncadd.s32 $0xFFFFC000  }
0x15f: {  	_ =	swait.ge [sflag:s16], $0x80  }
0x160: {  	[sflag:s16] =	ssyncset.done $0x0  }
0x161: {  	[sflag:s16] =	ssyncadd.s32 $0xFFFFFF80  }
0x162: {  	[spmem:s1] =	stream.indirect.scatter.add.f32 [tilespmem:s14], [sflag:$0xA], $0x80, s2, s28, $0xb8;
	[tilespmem:$0x1FC00] =	vst v63  }
0x163: {  	_ =	swait.ge [sflag:s31], $0x80  }
0x164: {  	[sflag:s31] =	ssyncset.done $0x0  }
0x165: {  	[sflag:s31] =	ssyncadd.s32 $0xFFFFFF80  }
0x166: {  	[tilespmem:s23], [sflag:$0x7] =	stream.indirect.gather [hbm4b:s4+s28], $0x80, s3, s28, $0xb8;
	[tilespmem:$0x1FC00] =	vst v63  }
0x167: {  	_ =	swait.ge [sflag:s10], $0x4000  }
0x168: {  	[sflag:s10] =	ssyncset.done $0x0  }
0x169: {  	s0 =	sadd.s32 $0x50, s18;
	[sflag:s10] =	ssyncadd.s32 $0xFFFFC000  }
0x16a: {  	[tilespmem:s24], [sflag:$0x3] =	stream.linear.gather [hbm4b:s0+s3], $0x80, $0x38;
	[tilespmem:$0x1FC00] =	vst v63  }
0x16b: {  	s17 =	sadd.s32 $0x50, s25  }
0x16c: {  	[tilespmem:s2], [sflag:$0x6] =	stream.linear.gather [hbm4b:s17+s3], $0x80, $0x38;
	[tilespmem:$0x1FC00] =	vst v63  }
0x16d: {  	_ =	swait.ge [sflag:s6], $0x4000  }
0x16e: {  	[sflag:s6] =	ssyncset.done $0x0  }
0x16f: {  	[sflag:s6] =	ssyncadd.s32 $0xFFFFC000  }
0x170: {  	_ =	swait.ge [sflag:s7], $0x80  }
0x171: {  	[sflag:s7] =	ssyncset.done $0x0  }
0x172: {  	[sflag:s7] =	ssyncadd.s32 $0xFFFFFF80  }
0x173: {  	[spmem:s1] =	stream.indirect.scatter.add.f32 [tilespmem:s23], [sflag:$0xA], $0x80, s26, s28, $0xb8;
	[tilespmem:$0x1FC00] =	vst v63  }
0x174: {  	_ =	swait.ge [sflag:s8], $0x80  }
0x175: {  	[sflag:s8] =	ssyncset.done $0x0  }
0x176: {  	[sflag:s8] =	ssyncadd.s32 $0xFFFFFF80  }
0x177: {  	[tilespmem:s9], [sflag:$0x8] =	stream.indirect.gather [hbm4b:s4+s28], $0x80, s28, s28, $0xb8;
	[tilespmem:$0x1FC00] =	vst v63  }
0x178: {  	_ =	swait.ge [sflag:s10], $0x4000  }
0x179: {  	[sflag:s10] =	ssyncset.done $0x0  }
0x17a: {  	s18 =	sadd.s32 $0x60, s18;
	[sflag:s10] =	ssyncadd.s32 $0xFFFFC000  }
0x17b: {  	[tilespmem:s3], [sflag:$0x1] =	stream.linear.gather [hbm4b:s18+s3], $0x80, $0x38;
	[tilespmem:$0x1FC00] =	vst v63  }
0x17c: {  	s25 =	sadd.s32 $0x60, s25  }
0x17d: {  	[tilespmem:s26], [sflag:$0x4] =	stream.linear.gather [hbm4b:s25+s3], $0x80, $0x38;
	[tilespmem:$0x1FC00] =	vst v63  }
0x17e: {  	_ =	swait.ge [sflag:s11], $0x4000  }
0x17f: {  	[sflag:s11] =	ssyncset.done $0x0  }
0x180: {  	[sflag:s11] =	ssyncadd.s32 $0xFFFFC000  }
0x181: {  	_ =	swait.ge [sflag:s12], $0x80  }
0x182: {  	[sflag:s12] =	ssyncset.done $0x0  }
0x183: {  	[sflag:s12] =	ssyncadd.s32 $0xFFFFFF80  }
0x184: {  	[spmem:s1] =	stream.indirect.scatter.add.f32 [tilespmem:s9], [sflag:$0xA], $0x80, s29, s28, $0xb8;
	[tilespmem:$0x1FC00] =	vst v63  }
0x185: {  	_ =	swait.ge [sflag:s13], $0x80  }
0x186: {  	[sflag:s13] =	ssyncset.done $0x0  }
0x187: {  	s18 =	simm.s32 $0x30;
	[sflag:s13] =	ssyncadd.s32 $0xFFFFFF80  }
.LBB2_3:
0x188: {  	[tilespmem:s14], [sflag:$0x9] =	stream.indirect.gather [hbm4b:s4+s28], $0x80, s24, s28, $0xb8;
	[tilespmem:$0x1FC00] =	vst v63  }
0x189: {  	s19 =	smov.u32 s18  }
0x18a: {  	p3 =	sne.s32 s18, $0x450;
	s18 =	sadd.s32 $0x30, s18;
	_ =	swait.ge [sflag:s10], $0x4000  }
0x18b: {  	s25 =	sadd.s32 s19, s21;
	[sflag:s10] =	ssyncset.done $0x0  }
0x18c: {  	s19 =	sadd.s32 s19, s20;
	s17 =	sadd.s32 $0x40, s25;
	[sflag:s10] =	ssyncadd.s32 $0xFFFFC000  }
0x18d: {  	[tilespmem:s28], [sflag:$0x2] =	stream.linear.gather [hbm4b:s17+s3], $0x80, $0x38;
	[tilespmem:$0x1FC00] =	vst v63  }
0x18e: {  	s17 =	sadd.s32 $0x40, s19  }
0x18f: {  	[tilespmem:s29], [sflag:$0x5] =	stream.linear.gather [hbm4b:s17+s3], $0x80, $0x38;
	[tilespmem:$0x1FC00] =	vst v63  }
0x190: {  	_ =	swait.ge [sflag:s15], $0x4000  }
0x191: {  	[sflag:s15] =	ssyncset.done $0x0  }
0x192: {  	[sflag:s15] =	ssyncadd.s32 $0xFFFFC000  }
0x193: {  	_ =	swait.ge [sflag:s16], $0x80  }
0x194: {  	[sflag:s16] =	ssyncset.done $0x0  }
0x195: {  	[sflag:s16] =	ssyncadd.s32 $0xFFFFFF80  }
0x196: {  	[spmem:s1] =	stream.indirect.scatter.add.f32 [tilespmem:s14], [sflag:$0xA], $0x80, s2, s28, $0xb8;
	[tilespmem:$0x1FC00] =	vst v63  }
0x197: {  	_ =	swait.ge [sflag:s31], $0x80  }
0x198: {  	[sflag:s31] =	ssyncset.done $0x0  }
0x199: {  	[sflag:s31] =	ssyncadd.s32 $0xFFFFFF80  }
0x19a: {  	[tilespmem:s23], [sflag:$0x7] =	stream.indirect.gather [hbm4b:s4+s28], $0x80, s3, s28, $0xb8;
	[tilespmem:$0x1FC00] =	vst v63  }
0x19b: {  	_ =	swait.ge [sflag:s10], $0x4000  }
0x19c: {  	[sflag:s10] =	ssyncset.done $0x0  }
0x19d: {  	s17 =	sadd.s32 $0x50, s25;
	[sflag:s10] =	ssyncadd.s32 $0xFFFFC000  }
0x19e: {  	[tilespmem:s24], [sflag:$0x3] =	stream.linear.gather [hbm4b:s17+s3], $0x80, $0x38;
	[tilespmem:$0x1FC00] =	vst v63  }
0x19f: {  	s17 =	sadd.s32 $0x50, s19  }
0x1a0: {  	[tilespmem:s2], [sflag:$0x6] =	stream.linear.gather [hbm4b:s17+s3], $0x80, $0x38;
	[tilespmem:$0x1FC00] =	vst v63  }
0x1a1: {  	_ =	swait.ge [sflag:s6], $0x4000  }
0x1a2: {  	[sflag:s6] =	ssyncset.done $0x0  }
0x1a3: {  	[sflag:s6] =	ssyncadd.s32 $0xFFFFC000  }
0x1a4: {  	_ =	swait.ge [sflag:s7], $0x80  }
0x1a5: {  	[sflag:s7] =	ssyncset.done $0x0  }
0x1a6: {  	[sflag:s7] =	ssyncadd.s32 $0xFFFFFF80  }
0x1a7: {  	[spmem:s1] =	stream.indirect.scatter.add.f32 [tilespmem:s23], [sflag:$0xA], $0x80, s26, s28, $0xb8;
	[tilespmem:$0x1FC00] =	vst v63  }
0x1a8: {  	_ =	swait.ge [sflag:s8], $0x80  }
0x1a9: {  	[sflag:s8] =	ssyncset.done $0x0  }
0x1aa: {  	[sflag:s8] =	ssyncadd.s32 $0xFFFFFF80  }
0x1ab: {  	[tilespmem:s9], [sflag:$0x8] =	stream.indirect.gather [hbm4b:s4+s28], $0x80, s28, s28, $0xb8;
	[tilespmem:$0x1FC00] =	vst v63  }
0x1ac: {  	_ =	swait.ge [sflag:s10], $0x4000  }
0x1ad: {  	[sflag:s10] =	ssyncset.done $0x0  }
0x1ae: {  	s17 =	sadd.s32 $0x60, s25;
	[sflag:s10] =	ssyncadd.s32 $0xFFFFC000  }
0x1af: {  	[tilespmem:s3], [sflag:$0x1] =	stream.linear.gather [hbm4b:s17+s3], $0x80, $0x38;
	[tilespmem:$0x1FC00] =	vst v63  }
0x1b0: {  	s17 =	sadd.s32 $0x60, s19  }
0x1b1: {  	[tilespmem:s26], [sflag:$0x4] =	stream.linear.gather [hbm4b:s17+s3], $0x80, $0x38;
	[tilespmem:$0x1FC00] =	vst v63  }
0x1b2: {  	_ =	swait.ge [sflag:s11], $0x4000  }
0x1b3: {  	[sflag:s11] =	ssyncset.done $0x0  }
0x1b4: {  	[sflag:s11] =	ssyncadd.s32 $0xFFFFC000  }
0x1b5: {  	_ =	swait.ge [sflag:s12], $0x80  }
0x1b6: {  	[sflag:s12] =	ssyncset.done $0x0  }
.Ltmp6:
0x1b7: {  	[sflag:s12] =	ssyncadd.s32 $0xFFFFFF80;
	(pc) =	sbr.rel @p3 .LBB2_3-.Ltmp6, $4  }
0x1b8: {  	[spmem:s1] =	stream.indirect.scatter.add.f32 [tilespmem:s9], [sflag:$0xA], $0x80, s29, s28, $0xb8;
	[tilespmem:$0x1FC00] =	vst v63  }
0x1b9: {  	_ =	swait.ge [sflag:s13], $0x80  }
0x1ba: {  	[sflag:s13] =	ssyncset.done $0x0  }
0x1bb: {  	[sflag:s13] =	ssyncadd.s32 $0xFFFFFF80  }
0x1bc: {  	[tilespmem:s14], [sflag:$0x9] =	stream.indirect.gather [hbm4b:s4+s28], $0x80, s24, s28, $0xb8;
	[tilespmem:$0x1FC00] =	vst v63  }
0x1bd: {  	_ =	swait.ge [sflag:s10], $0x4000  }
0x1be: {  	[sflag:s10] =	ssyncset.done $0x0  }
0x1bf: {  	s0 =	rddreg [dreg:$0xb];
	[sflag:s10] =	ssyncadd.s32 $0xFFFFC000  }
0x1c0: {  	[tilespmem:s28], [sflag:$0x2] =	stream.linear.gather [hbm4b:s0+s3], $0x80, $0x38;
	[tilespmem:$0x1FC00] =	vst v63  }
0x1c1: {  	s19 =	rddreg [dreg:$0xc]  }
0x1c2: {  	[tilespmem:s29], [sflag:$0x5] =	stream.linear.gather [hbm4b:s19+s3], $0x80, $0x38;
	[tilespmem:$0x1FC00] =	vst v63  }
0x1c3: {  	_ =	swait.ge [sflag:s15], $0x4000  }
0x1c4: {  	[sflag:s15] =	ssyncset.done $0x0  }
0x1c5: {  	[sflag:s15] =	ssyncadd.s32 $0xFFFFC000  }
0x1c6: {  	_ =	swait.ge [sflag:s16], $0x80  }
0x1c7: {  	[sflag:s16] =	ssyncset.done $0x0  }
0x1c8: {  	[sflag:s16] =	ssyncadd.s32 $0xFFFFFF80  }
0x1c9: {  	[spmem:s1] =	stream.indirect.scatter.add.f32 [tilespmem:s14], [sflag:$0xA], $0x80, s2, s28, $0xb8;
	[tilespmem:$0x1FC00] =	vst v63  }
0x1ca: {  	_ =	swait.ge [sflag:s31], $0x80  }
0x1cb: {  	[sflag:s31] =	ssyncset.done $0x0  }
0x1cc: {  	[sflag:s31] =	ssyncadd.s32 $0xFFFFFF80  }
0x1cd: {  	[tilespmem:s23], [sflag:$0x7] =	stream.indirect.gather [hbm4b:s4+s28], $0x80, s3, s28, $0xb8;
	[tilespmem:$0x1FC00] =	vst v63  }
0x1ce: {  	_ =	swait.ge [sflag:s10], $0x4000  }
0x1cf: {  	[sflag:s10] =	ssyncset.done $0x0  }
0x1d0: {  	s25 =	rddreg [dreg:$0xd];
	[sflag:s10] =	ssyncadd.s32 $0xFFFFC000  }
0x1d1: {  	[tilespmem:s24], [sflag:$0x3] =	stream.linear.gather [hbm4b:s25+s3], $0x80, $0x38;
	[tilespmem:$0x1FC00] =	vst v63  }
0x1d2: {  	s17 =	rddreg [dreg:$0xe]  }
0x1d3: {  	[tilespmem:s2], [sflag:$0x6] =	stream.linear.gather [hbm4b:s17+s3], $0x80, $0x38;
	[tilespmem:$0x1FC00] =	vst v63  }
0x1d4: {  	_ =	swait.ge [sflag:s6], $0x4000  }
0x1d5: {  	[sflag:s6] =	ssyncset.done $0x0  }
0x1d6: {  	[sflag:s6] =	ssyncadd.s32 $0xFFFFC000  }
0x1d7: {  	_ =	swait.ge [sflag:s7], $0x80  }
0x1d8: {  	[sflag:s7] =	ssyncset.done $0x0  }
0x1d9: {  	[sflag:s7] =	ssyncadd.s32 $0xFFFFFF80  }
0x1da: {  	[spmem:s1] =	stream.indirect.scatter.add.f32 [tilespmem:s23], [sflag:$0xA], $0x80, s26, s28, $0xb8;
	[tilespmem:$0x1FC00] =	vst v63  }
0x1db: {  	_ =	swait.ge [sflag:s8], $0x80  }
0x1dc: {  	[sflag:s8] =	ssyncset.done $0x0  }
0x1dd: {  	[sflag:s8] =	ssyncadd.s32 $0xFFFFFF80  }
0x1de: {  	[tilespmem:s9], [sflag:$0x8] =	stream.indirect.gather [hbm4b:s4+s28], $0x80, s28, s28, $0xb8;
	[tilespmem:$0x1FC00] =	vst v63  }
0x1df: {  	_ =	swait.ge [sflag:s10], $0x4000  }
0x1e0: {  	[sflag:s10] =	ssyncset.done $0x0  }
0x1e1: {  	[sflag:s10] =	ssyncadd.s32 $0xFFFFC000  }
0x1e2: {  	_ =	swait.ge [sflag:s11], $0x4000  }
0x1e3: {  	[sflag:s11] =	ssyncset.done $0x0  }
0x1e4: {  	[sflag:s11] =	ssyncadd.s32 $0xFFFFC000  }
0x1e5: {  	_ =	swait.ge [sflag:s12], $0x80  }
0x1e6: {  	[sflag:s12] =	ssyncset.done $0x0  }
0x1e7: {  	[sflag:s12] =	ssyncadd.s32 $0xFFFFFF80  }
0x1e8: {  	[spmem:s1] =	stream.indirect.scatter.add.f32 [tilespmem:s9], [sflag:$0xA], $0x80, s29, s28, $0xb8;
	[tilespmem:$0x1FC00] =	vst v63  }
0x1e9: {  	_ =	swait.ge [sflag:s13], $0x80  }
0x1ea: {  	[sflag:s13] =	ssyncset.done $0x0  }
0x1eb: {  	[sflag:s13] =	ssyncadd.s32 $0xFFFFFF80  }
0x1ec: {  	[tilespmem:s14], [sflag:$0x9] =	stream.indirect.gather [hbm4b:s4+s28], $0x80, s24, s28, $0xb8;
	[tilespmem:$0x1FC00] =	vst v63  }
0x1ed: {  	_ =	swait.ge [sflag:s10], $0x4000  }
0x1ee: {  	[sflag:s10] =	ssyncset.done $0x0  }
0x1ef: {  	[sflag:s10] =	ssyncadd.s32 $0xFFFFC000  }
0x1f0: {  	_ =	swait.ge [sflag:s15], $0x4000  }
0x1f1: {  	[sflag:s15] =	ssyncset.done $0x0  }
0x1f2: {  	[sflag:s15] =	ssyncadd.s32 $0xFFFFC000  }
0x1f3: {  	_ =	swait.ge [sflag:s16], $0x80  }
0x1f4: {  	[sflag:s16] =	ssyncset.done $0x0  }
0x1f5: {  	[sflag:s16] =	ssyncadd.s32 $0xFFFFFF80  }
0x1f6: {  	[spmem:s1] =	stream.indirect.scatter.add.f32 [tilespmem:s14], [sflag:$0xA], $0x80, s2, s28, $0xb8;
	[tilespmem:$0x1FC00] =	vst v63  }
0x1f7: {  	_ =	swait.ge [sflag:s10], $0x4000  }
0x1f8: {  	[sflag:s10] =	ssyncset.done $0x0  }
0x1f9: {  	s18 =	rddreg [dreg:$0xf];
	[sflag:s10] =	ssyncadd.s32 $0xFFFFC000  }
0x1fa: {  	[tilespmem:s3], [sflag:$0xC] =	stream.linear.gather [hbm4b:s18+s3], $0x10, $0x38;
	[tilespmem:$0x1FC00] =	vst v63  }
0x1fb: {  	_ =	swait.ge [sflag:s30], $0x10  }
0x1fc: {  	[sflag:s30] =	ssyncset.done $0x0  }
0x1fd: {  	s17 =	simm.s32 $0xC300;
	s19 =	rddreg [dreg:$0x10];
	[sflag:s30] =	ssyncadd.s32 $0xFFFFFFF0  }
0x1fe: {  	[tilespmem:s17], [sflag:$0xC] =	stream.linear.gather [hbm4b:s19+s3], $0x10, $0x38;
	[tilespmem:$0x1FC00] =	vst v63  }
0x1ff: {  	_ =	swait.ge [sflag:s30], $0x10  }
0x200: {  	[sflag:s30] =	ssyncset.done $0x0  }
0x201: {  	s25 =	simm.s32 $0x10;
	s18 =	simm.s32 $0xB;
	[sflag:s30] =	ssyncadd.s32 $0xFFFFFFF0  }
0x202: {  	[tilespmem:s23], [sflag:$0xB] =	stream.indirect.gather [hbm4b:s4+s25], $0x80, s3, s25, $0xb8;
	[tilespmem:$0x1FC00] =	vst v63  }
0x203: {  	_ =	swait.ge [sflag:s18], $0x800  }
0x204: {  	[sflag:s18] =	ssyncset.done $0x0  }
0x205: {  	[sflag:s18] =	ssyncadd.s32 $0xFFFFF800  }
0x206: {  	[spmem:s1] =	stream.indirect.scatter.add.f32 [tilespmem:s23], [sflag:$0xC], $0x80, s17, s25, $0xb8;
	[tilespmem:$0x1FC00] =	vst v63  }
0x207: {  	_ =	swait.ge [sflag:s30], $0x800  }
0x208: {  	[sflag:s30] =	ssyncset.done $0x0  }
0x209: {  	[sflag:s30] =	ssyncadd.s32 $0xFFFFF800  }
0x20a: {  	[bflag:$0x0] =	sbarrier.arrive $0xFFFF  }
0x20b: {  	s19 =	rddreg [dreg:$0x17]  }
0x20c: {  	s18 =	rddreg [dreg:$0x1c]  }
0x20d: {  	s25 =	rddreg [dreg:$0x1d]  }
0x20e: {  	[hbm:s19], [sflag:s18] =	dma.local [spmem:s25], $0x2700  }
.Ltmp7:
0x20f: {  	_ = 	snop;
	(pc) =	sbr.rel @p2 .LBB2_8-.Ltmp7, $4  }
.Ltmp8:
0x210: {  	_ = 	snop;
	(pc) =	sbr.rel @!p2 .LBB2_9-.Ltmp8, $4  }
0x211: {  	_ =	swait.ge [sflag:s30], $0x2700  }
0x212: {  	[sflag:s30] =	ssyncset.done $0x0  }
0x213: {  	s17 =	rddreg [dreg:$0x12];
	[sflag:s30] =	ssyncadd.s32 $0xFFFFD900  }
0x214: {  	_ = 	snop  }
.LBB2_10:
0x215: {  	_ =	sfence.sel $0x180000  }
0x216: {  	[bflag:$0x0] =	sbarrier.arrive $0xFFFF  }
0x217: {  	_ =	strace $0x9000004D  }
0x218: {  	s0 =	stileid.u32;
	[bflag:$0x2] =	sbarrier.arrive $0xFFFF  }
0x219: {  	p0 =	sne.s32 s0, $0x0;
	s0 =	rddreg [dreg:$0x2]  }
0x21a: {  	s0 =	sadd.s32 @!p0 $0x100000, s0  }
0x21b: {  	[sflag:s0] =	ssyncadd.tile.s32 @!p0 $0x1;
	_ =	shalt  }
.Lfunc_end2:
_tile_overlayer_lowered:
.L_overlay_start_2:
0x21c: {  	(tag) =	ssettag $0x2  }
0x21d: {  	s0 =	rddreg [dreg:$0x0];
	s2 =	stileid.u32  }
0x21e: {  	s1 =	rddreg [dreg:$0x1];
	p0 =	sne.s32 s2, $0x0  }
0x21f: {  	s3 =	rddreg [dreg:$0x2];
	[bflag:$0x3] =	sbarrier.arrive $0xFFFF;
	s2 =	simm.s32 @!p0 $0x1C0C  }
0x220: {  	[timem:s3], [sflag:s2] =	dma.local @!p0 [hbm:s0], s1  }
0x221: {  	s0 =	simm.s32 @!p0 $0xC  }
0x222: {  	_ =	swait.ge @!p0 [sflag:s0], s1  }
0x223: {  	s1 =	ssub.s32 @!p0 $0x0, s1;
	[sflag:s0] =	ssyncset.done @!p0 $0x0  }
0x224: {  	[sflag:s0] =	ssyncadd.s32 @!p0 s1  }
0x225: {  	[bflag:$0x3] =	sbarrier.arrive $0xFFFF  }
0x226: {  	_ =	shalt  }

// kernel: kernel.19.cloned.1.call-start
scs
__scs_entry_jumppad:
0x0: {  	(pc) =	sbr.rel $0x88, $3  }
0x1: {  	(tag) =	ssettag $0x0;
	lr =	simm.s32 $0x1  }
0x2: {  	[smem:$0x3F99] =	sst lr;
	_ =	strace $0xD0000000  }
0x3: {  	_ = 	snop  }
0x4: {  	_ = 	snop  }
0x5: {  	_ = 	snop  }
0x6: {  	_ = 	snop  }
0x7: {  	_ = 	snop  }
__scs_overlays_trampoline_lowered:
0x8: {  	[smem:$0x3FA8] =	sst s0  }
0x9: {  	[smem:$0x3FA9] =	sst s1  }
0xa: {  	[smem:$0x3FAA] =	sst s2  }
0xb: {  	[smem:$0x3FAB] =	sst s3  }
0xc: {  	[smem:$0x3FAC] =	sst s4  }
0xd: {  	[smem:$0x3FAD] =	sst s5  }
0xe: {  	[smem:$0x3FAE] =	sst s6  }
0xf: {  	[smem:$0x3FAF] =	sst s7  }
0x10: {  	[smem:$0x3FB0] =	sst s8  }
0x11: {  	[smem:$0x3FB1] =	sst s9;
	s0 =	simm.s32 @!p0 $0x0  }
0x12: {  	s1 =	sld [smem:$0x3F97];
	s0 =	simm.s32 @p0 $0x1  }
0x13: {  	[smem:$0x3FB2] =	sst s0;
	s0 =	simm.s32 @!p1 $0x0  }
0x14: {  	s2 =	sld [smem:$0x3F96];
	s0 =	simm.s32 @p1 $0x1  }
0x15: {  	[smem:$0x3FB3] =	sst s0;
	s0 =	simm.s32 @!p2 $0x0  }
0x16: {  	s3 =	sld [smem:$0x3FDB];
	s0 =	simm.s32 @p2 $0x1  }
0x17: {  	s4 =	simm.s32 $0x1BF5;
	[smem:$0x3FB5] =	sst s0  }
0x18: {  	s0 =	sld [smem:$0x3F98];
	_ =	swait.ge [sflag:s4], $0x0  }
0x19: {  	s7 =	sld [smem:$0x3F99]  }
0x1a: {  	s8 =	sadd.s32 $0xFFFFE003, lr  }
0x1b: {  	s9 =	sadd.s32 $0xFFFFFEF7, lr;
	s5 =	simm.s32 $0xFFFFFFFF;
	p2 =	slt.u32 s8, $0xFFFFF086  }
0x1c: {  	p1 =	slt.u32 s9, $0xF7A;
	s5 =	simm.s32 @!p2 $0x0  }
0x1d: {  	s5 =	simm.s32 @p1 $0x1;
	p0 =	seq.s32 s7, s2  }
0x1e: {  	s7 =	smul.u32 @!p0 $0xF7A, s2;
	p2 =	seq.s32 @!p0 s5, $0x0  }
0x1f: {  	s9 =	smul.u32 $0xF7A, s1;
	s8 =	simm.s32 @!p0 $0x1BF5;
	p2 =	por !p2, p0  }
0x20: {  	[sflag:s8] =	ssyncset.s32 @!p0 $0xFFFFF086;
	s6 =	sadd.s32 @!p0 s3, s7;
	s7 =	simm.s32 @!p0 $0x108  }
0x21: {  	s3 =	sadd.s32 s3, s9;
	s6 =	sadd.s32 @!p0 $0x88, s6;
	s7 =	simm.s32 @p2 $0x1082  }
0x22: {  	[simem:s7], [sflag:s8] =	dma.local @!p0 [hbm:s6], $0xF7A  }
0x23: {  	s9 =	sor.u32 $0xD0000000, s2;
	s6 =	simm.s32 $0x108;
	_ =	swait.ge @!p0 [sflag:s8], $0x0  }
0x24: {  	s3 =	sadd.s32 $0x88, s3;
	s6 =	simm.s32 @!p1 $0x1082;
	[sflag:s4] =	ssyncset.s32 $0xFFFFF086  }
0x25: {  	[simem:s6], [sflag:s4] =	dma.local [hbm:s3], $0xF7A  }
0x26: {  	[smem:$0x3F99] =	sst s1;
	(tag) =	ssettag s2;
	_ =	strace s9  }
0x27: {  	s1 =	sld [smem:$0x3FA9]  }
0x28: {  	s2 =	sld [smem:$0x3FAA]  }
0x29: {  	s4 =	sld [smem:$0x3FAC]  }
0x2a: {  	p0 =	seq.s32 s5, $0x0;
	s5 =	sld [smem:$0x3FAD]  }
0x2b: {  	s6 =	sld [smem:$0x3FAE]  }
0x2c: {  	s7 =	sld [smem:$0x3FAF]  }
0x2d: {  	s3 =	simm.s32 $0x108;
	s8 =	sld [smem:$0x3FB0]  }
0x2e: {  	s3 =	simm.s32 @!p0 $0x1082;
	s9 =	sld [smem:$0x3FB1]  }
0x2f: {  	lr =	sadd.s32 s0, s3;
	s0 =	sld [smem:$0x3FA8]  }
0x30: {  	s3 =	sld [smem:$0x3FAB]  }
0x31: {  	[smem:$0x3FB4] =	sst s10  }
0x32: {  	s10 =	sld [smem:$0x3FB2];
	_ =	sdelay $0x3  }
0x33: {  	p0 =	seq.s32 s10, $0x1;
	s10 =	sld [smem:$0x3FB4];
	_ =	sdelay $0x3  }
0x34: {  	[smem:$0x3FB4] =	sst s10  }
0x35: {  	s10 =	sld [smem:$0x3FB3];
	_ =	sdelay $0x3  }
0x36: {  	p1 =	seq.s32 s10, $0x1;
	s10 =	sld [smem:$0x3FB4];
	_ =	sdelay $0x3  }
0x37: {  	[smem:$0x3FB4] =	sst s10  }
0x38: {  	s10 =	sld [smem:$0x3FB5]  }
0x39: {  	_ = 	snop;
	(pc) =	sbr.ind lr, $3  }
0x3a: {  	_ = 	snop  }
0x3b: {  	_ = 	snop  }
0x3c: {  	p2 =	seq.s32 s10, $0x1;
	s10 =	sld [smem:$0x3FB4]  }
0x3d: {  	_ =	shalt  }
0x3e: {  	_ =	shalt  }
0x3f: {  	_ =	shalt  }
0x40: {  	_ =	shalt  }
0x41: {  	_ =	shalt  }
0x42: {  	_ =	shalt  }
0x43: {  	_ =	shalt  }
0x44: {  	_ =	shalt  }
0x45: {  	_ =	shalt  }
0x46: {  	_ =	shalt  }
0x47: {  	_ =	shalt  }
0x48: {  	_ =	shalt  }
0x49: {  	_ =	shalt  }
0x4a: {  	_ =	shalt  }
0x4b: {  	_ =	shalt  }
0x4c: {  	_ =	shalt  }
0x4d: {  	_ =	shalt  }
0x4e: {  	_ =	shalt  }
0x4f: {  	_ =	shalt  }
0x50: {  	_ =	shalt  }
0x51: {  	_ =	shalt  }
0x52: {  	_ =	shalt  }
0x53: {  	_ =	shalt  }
0x54: {  	_ =	shalt  }
0x55: {  	_ =	shalt  }
0x56: {  	_ =	shalt  }
0x57: {  	_ =	shalt  }
0x58: {  	_ =	shalt  }
0x59: {  	_ =	shalt  }
0x5a: {  	_ =	shalt  }
0x5b: {  	_ =	shalt  }
0x5c: {  	_ =	shalt  }
0x5d: {  	_ =	shalt  }
0x5e: {  	_ =	shalt  }
0x5f: {  	_ =	shalt  }
0x60: {  	_ =	shalt  }
0x61: {  	_ =	shalt  }
0x62: {  	_ =	shalt  }
0x63: {  	_ =	shalt  }
0x64: {  	_ =	shalt  }
0x65: {  	_ =	shalt  }
0x66: {  	_ =	shalt  }
0x67: {  	_ =	shalt  }
0x68: {  	_ =	shalt  }
0x69: {  	_ =	shalt  }
0x6a: {  	_ =	shalt  }
0x6b: {  	_ =	shalt  }
0x6c: {  	_ =	shalt  }
0x6d: {  	_ =	shalt  }
0x6e: {  	_ =	shalt  }
0x6f: {  	_ =	shalt  }
0x70: {  	_ =	shalt  }
0x71: {  	_ =	shalt  }
0x72: {  	_ =	shalt  }
0x73: {  	_ =	shalt  }
0x74: {  	_ =	shalt  }
0x75: {  	_ =	shalt  }
0x76: {  	_ =	shalt  }
0x77: {  	_ =	shalt  }
0x78: {  	_ =	shalt  }
0x79: {  	_ =	shalt  }
0x7a: {  	_ =	shalt  }
0x7b: {  	_ =	shalt  }
0x7c: {  	_ =	shalt  }
0x7d: {  	_ =	shalt  }
0x7e: {  	_ =	shalt  }
0x7f: {  	_ =	shalt  }
0x80: {  	_ =	shalt  }
0x81: {  	_ =	shalt  }
0x82: {  	_ =	shalt  }
0x83: {  	_ =	shalt  }
0x84: {  	_ =	shalt  }
0x85: {  	_ =	shalt  }
0x86: {  	_ =	shalt  }
0x87: {  	_ =	shalt  }
.Lfunc_end0:
.L_simem_size_0:
called_computation.3_lowered:
.L_overlay_start_0:
0x88: {  	s2 =	sld [smem:$0x3FD9]  }
0x89: {  	s3 =	sld [smem:$0x3FFE];
	_ =	sdelay $0x1  }
0x8a: {  	s1 =	srdreg.scid  }
0x8b: {  	s0 =	sand.u32 $0x1, s1  }
0x8c: {  	s17 =	sshll.u32 s0, $0xA;
	s2 =	sadd.s32 s3, s2  }
0x8d: {  	s2 =	sadd.s32 s2, s17  }
0x8e: {  	[smem:$0x3FC0] =	sst s2  }
0x8f: {  	_ = 	snop  }
0x90: {  	s2 =	sld [smem:$0x3FD0];
	(tm) =	ssettm $0x1  }
0x91: {  	s18 =	sld [smem:$0x3FFB];
	_ =	sdelay $0x3  }
0x92: {  	_ =	strace s18  }
0x93: {  	s3 =	sld [smem:$0x3FFC];
	_ =	sdelay $0x3  }
0x94: {  	_ =	strace s3  }
0x95: {  	s3 =	sld [smem:$0x3FFD];
	_ =	sdelay $0x3  }
0x96: {  	_ =	strace s3  }
0x97: {  	_ =	strace $0x8FFFFFFF  }
0x98: {  	s19 =	sld [smem:$0x3FDB];
	_ =	sdelay $0x1  }
0x99: {  	s4 =	simm.s32 $_scs_section_size  }
0x9a: {  	s5 =	simm.s32 $_size__tile_overlayer_lowered;
	s6 =	simm.s32 $_tile_overlayer_lowered  }
0x9b: {  	s22 =	simm.s32 $0x1BFF;
	s21 =	sshll.u32 s6, $0x1;
	s3 =	sadd.s32 s4, s19  }
0x9c: {  	s7 =	simm.s32 $0x0;
	s20 =	sshll.u32 s5, $0x1;
	s5 =	sadd.s32 s21, s3  }
0x9d: {  	[timem:s7], [sflag:s22] =	dma.local [hbm:s5], s20  }
0x9e: {  	_ =	swait.ge [sflag:s22], s20  }
0x9f: {  	s4 =	ssub.s32 $0x0, s20;
	[sflag:s22] =	ssyncset.done $0x0  }
0xa0: {  	[sflag:s22] =	ssyncadd.s32 s4;
	_ =	sdelay $0x1  }
0xa1: {  	s23 =	simm.s32 $0x1B8B  }
0xa2: {  	_ =	swait.ge [sflag:s23], $0x1  }
0xa3: {  	[sflag:s23] =	ssyncset.done $0x0  }
0xa4: {  	s25 =	simm.s32 $0x1B8E;
	s24 =	sld [smem:$0x3FFE];
	[sflag:s23] =	ssyncadd.s32 $0xFFFFFFFF  }
0xa5: {  	s26 =	simm.s32 $execute0_lowered;
	[smem:$0x3FD2] =	sst s25  }
0xa6: {  	s5 =	sshll.u32 s26, $0x1;
	_ =	strace $0x8000004F;
	[dreg:$0x1] =	wrdreg $0xFFFFFFFF  }
0xa7: {  	s28 =	simm.s32 $_size_execute0_lowered;
	s3 =	sadd.s32 s3, s5;
	[dreg:$0x0] =	wrdreg $0x0  }
0xa8: {  	s5 =	sshll.u32 s28, $0x1;
	[dreg:$0x2] =	wrdreg s3  }
0xa9: {  	[dreg:$0x3] =	wrdreg s5  }
0xaa: {  	[dreg:$0x4] =	wrdreg $0xC0  }
0xab: {  	_ =	task [dreg:s7], $0x5FFFF  }
0xac: {  	[dreg:$0x1] =	wrdreg $0xFFFFFFFF  }
0xad: {  	[dreg:$0x0] =	wrdreg $0x60  }
0xae: {  	[dreg:$0x2] =	wrdreg s2  }
0xaf: {  	[dreg:$0x3] =	wrdreg s24  }
0xb0: {  	[dreg:$0x4] =	wrdreg $0x9  }
0xb1: {  	_ =	task.clear_ibuf [dreg:s7], $0x5FFFF;
	_ =	strace $0x9000004F  }
0xb2: {  	s29 =	simm.s32 $0x9;
	_ =	strace $0x80000051  }
0xb3: {  	_ =	swait.ge [sflag:s29], $0x1  }
0xb4: {  	[sflag:s29] =	ssyncadd.s32 $0xFFFFFFFF  }
0xb5: {  	_ =	strace $0x90000051  }
0xb6: {  	_ =	sfence  }
0xb7: {  	s30 =	sld [smem:$0x0];
	_ =	sdelay $0x2  }
0xb8: {  	s31 =	sshll.u32 s1, $0xD;
	s1 =	sshrl.u32 s1, $0x2  }
0xb9: {  	s3 =	sand.u32 $0x4000, s31;
	s1 =	sadd.s32 s1, s30  }
0xba: {  	s0 =	sor.u32 s3, s0;
	s1 =	sshll.u32 s1, $0x11  }
0xbb: {  	s0 =	sor.u32 s1, s0  }
0xbc: {  	s0 =	sadd.s32 $0x8F2B, s0  }
0xbd: {  	[sflag:s0] =	ssyncadd.remote.s32 $0x1  }
0xbe: {  	_ =	sfence.sel $0xFFFF  }
0xbf: {  	[dreg:$0x0] =	wrdreg $0xFFFFFFFF;
	(pc) =	sbr.abs _section_cstart, $3  }
0xc0: {  	[dreg:$0x1] =	wrdreg $0xFFFFFFFF  }
0xc1: {  	_ =	task.clear_ibuf [dreg:s7], $0x2FFFF;
	_ =	strace $0x9FFFFFFF  }
0xc2: {  	(tm) =	ssettm $0x7FFFFFFF  }
0xc3: {  	_ =	shalt  }
tec
execute0_lowered:
.L_overlay_start_1:
0x0: {  	(tag) =	ssettag $0x1  }
0x1: {  	s2 =	rddreg [dreg:$0x0]  }
0x2: {  	s0 =	srdreg.scid;
	s5 =	rddreg [dreg:$0x1]  }
0x3: {  	s3 =	simm.s32 $0x0;
	s9 =	simm.s32 $0x1;
	s4 =	sand.u32 $0x1, s0  }
0x4: {  	s10 =	simm.s32 $0x2780;
	s0 =	stileid.u32;
	s1 =	sshll.u32 s4, $0x4  }
0x5: {  	s11 =	simm.s32 $0x3B80;
	s12 =	simm.s32 $0x0;
	s6 =	sor.u32 s0, s1  }
0x6: {  	[smem:$0x7FF] =	sst s3;
	s4 =	ssub.s32 $0x2, s4;
	s7 =	smul.u32 $0x271, s6  }
0x7: {  	s1 =	rddreg [dreg:$0x2];
	s8 =	sshrl.u32 s4, $0x1;
	s6 =	smul.u32 $0x4E2, s6  }
0x8: {  	_ =	strace $0x80000050;
	s8 =	ssub.s32 s4, s8;
	s7 =	sadd.s32 s7, s5  }
0x9: {  	s6 =	sadd.s32 s6, s5;
	s4 =	sadd.s32 $0x8400, s7;
	s5 =	sadd.s32 $0x3400, s7  }
0xa: {  	v0 =	vimm.f32 $0.0e+00;
	v1 =	vimm.s32 $0x0;
	s6 =	sadd.s32 $0xD400, s6;
	s7 =	smax.u32 s8, $0x1;
	s8 =	simm.s32 $0x6300  }
.LBB2_1:
0xb: {  	s13 =	simm.s32 $0x40;
	s14 =	simm.s32 $0x0  }
.LBB2_2:
0xc: {  	p0 =	sne.s32 s13, $0x9C00;
	[tilespmem:s14+$0x3B80] =	vst v0;
	s14 =	smov.u32 s13;
	s13 =	sadd.s32 $0x40, s13  }
.Ltmp0:
0xd: {  	(pc) =	sbr.rel @p0 .LBB2_2-.Ltmp0, $2  }
0xe: {  	_ =	sdelay $0x2  }
0xf: {  	s14 =	sshra.s32 s14, $0x2  }
0x10: {  	[tilespmem:s14+$0x3B80] =	vst v0  }
0x11: {  	s13 =	simm.s32 $0x0;
	[tilespmem:$0x7680] =	vst v1  }
0x12: {  	[tilespmem:s8], [sflag:$0x1] =	stream.linear.gather [hbm4b:s4+s13], $0x1388, $0x38;
	[tilespmem:$0x7700] =	vst v63  }
0x13: {  	_ =	swait.ge [sflag:s9], $0x1388  }
0x14: {  	[sflag:s9] =	ssyncset.done $0x0  }
0x15: {  	[sflag:s9] =	ssyncadd.s32 $0xFFFFEC78  }
0x16: {  	[tilespmem:s13], [sflag:$0x1] =	stream.linear.gather [hbm4b:s2+s13], $0x2780, $0x38;
	[tilespmem:$0x7700] =	vst v63  }
0x17: {  	_ =	swait.ge [sflag:s9], $0x2780  }
0x18: {  	[sflag:s9] =	ssyncset.done $0x0  }
0x19: {  	[sflag:s9] =	ssyncadd.s32 $0xFFFFD880  }
0x1a: {  	[tilespmem:$0x3B00] =	vst v1  }
0x1b: {  	[tilespmem:s10], [sflag:$0x1] =	stream.linear.gather [hbm4b:s5+s13], $0x1388, $0x38;
	[tilespmem:$0x7700] =	vst v63  }
0x1c: {  	_ =	swait.ge [sflag:s9], $0x1388  }
0x1d: {  	[sflag:s9] =	ssyncset.done $0x0  }
0x1e: {  	s14 =	simm.s32 $0x0;
	s13 =	simm.s32 $0x40;
	[sflag:s9] =	ssyncadd.s32 $0xFFFFEC78  }
.LBB2_4:
0x1f: {  	p0 =	sne.s32 s13, $0x4DC0;
	v2 =	vld [tilespmem:s14+$0x2780];
	_ =	sdelay $0x5  }
0x20: {  	v3 =	vld [tilespmem:s14+$0x6300];
	_ =	sdelay $0x1  }
0x21: {  	v2 =	vld.idx.msk [tilespmem:v2+s3+$0x0], $0xffff;
	_ =	sdelay $0x1  }
.Ltmp1:
0x22: {  	(pc) =	sbr.rel @p0 .LBB2_4-.Ltmp1, $2  }
0x23: {  	_ =	sdelay $0x2  }
0x24: {  	s14 =	sshra.s32 s13, $0x2;
	s13 =	sadd.s32 $0x40, s13;
	[tilespmem:v3+s11+$0x0] =	vst.idx.add.f32.msk $0xffff, v2  }
0x25: {  	v2 =	vld [tilespmem:s14+$0x2780];
	_ =	sdelay $0x4  }
0x26: {  	v3 =	vld [tilespmem:s14+$0x6300];
	_ =	sdelay $0x2  }
0x27: {  	v2 =	vld.idx.msk [tilespmem:v2+s3+$0x0], $0xffff;
	_ =	sdelay $0x4  }
0x28: {  	[tilespmem:v3+s11+$0x0] =	vst.idx.add.f32.msk $0xffff, v2  }
0x29: {  	v2 =	vld [tilespmem:$0x3B00];
	_ =	sdelay $0x4  }
0x2a: {  	v3 =	vld [tilespmem:$0x7680];
	_ =	sdelay $0x2  }
0x2b: {  	v2 =	vld.idx.msk [tilespmem:v2+s3+$0x0], $0xff;
	_ =	sdelay $0x2  }
0x2c: {  	s12 =	sadd.s32 $0x1, s12  }
0x2d: {  	p0 =	sne.s32 s12, s7  }
.Ltmp2:
0x2e: {  	[tilespmem:v3+s11+$0x0] =	vst.idx.add.f32.msk $0xff, v2;
	(pc) =	sbr.rel @p0 .LBB2_1-.Ltmp2, $4  }
0x2f: {  	[hbm4b:s6+s3] =	stream.linear.scatter [tilespmem:s11], [sflag:$0x1], $0x2710, $0x38;
	[tilespmem:$0x7700] =	vst v63  }
0x30: {  	_ =	swait.ge [sflag:s9], $0x2710  }
0x31: {  	[sflag:s9] =	ssyncset.done $0x0  }
0x32: {  	[sflag:s9] =	ssyncadd.s32 $0xFFFFD8F0  }
0x33: {  	_ =	sfence.sel $0x180000  }
0x34: {  	[bflag:$0x0] =	sbarrier.arrive $0xFFFF  }
0x35: {  	p0 =	sne.s32 s0, $0x0;
	_ =	strace $0x90000050  }
0x36: {  	s0 =	sadd.s32 @!p0 $0x100000, s1;
	[bflag:$0x2] =	sbarrier.arrive $0xFFFF  }
0x37: {  	[sflag:s0] =	ssyncadd.tile.s32 @!p0 $0x1;
	_ =	shalt  }
.Lfunc_end2:
_tile_overlayer_lowered:
.L_overlay_start_2:
0x38: {  	(tag) =	ssettag $0x2  }
0x39: {  	s0 =	rddreg [dreg:$0x0];
	s2 =	stileid.u32  }
0x3a: {  	s1 =	rddreg [dreg:$0x1];
	p0 =	sne.s32 s2, $0x0  }
0x3b: {  	s3 =	rddreg [dreg:$0x2];
	[bflag:$0x3] =	sbarrier.arrive $0xFFFF;
	s2 =	simm.s32 @!p0 $0x1C01  }
0x3c: {  	[timem:s3], [sflag:s2] =	dma.local @!p0 [hbm:s0], s1  }
0x3d: {  	s0 =	simm.s32 @!p0 $0x1  }
0x3e: {  	_ =	swait.ge @!p0 [sflag:s0], s1  }
0x3f: {  	s1 =	ssub.s32 @!p0 $0x0, s1;
	[sflag:s0] =	ssyncset.done @!p0 $0x0  }
0x40: {  	[sflag:s0] =	ssyncadd.s32 @!p0 s1  }
0x41: {  	[bflag:$0x3] =	sbarrier.arrive $0xFFFF  }
0x42: {  	_ =	shalt  }

</sc_bundles>
